<compile_context>
chip_gen: v7x
topology: tpu7x:2x2x1
jax: 0.10.2.dev20260603
libtpu: 0.0.44.dev20260713+nightly
codegen_flags: <defaults>
</compile_context>

<pallas_src>
import functools

import jax
import jax.numpy as jnp
from jax import lax
from jax.experimental import pallas as pl
from jax.experimental.pallas import tpu as pltpu
from jax.experimental.pallas import tpu_sc as plsc

F32 = jnp.float32
NC, NS, LANES = 2, 16, 16
NW = NC * NS
CBG = 64
CBS = 128
BE = 512
BN = 512

@functools.cache
def _mesh():
    return plsc.VectorSubcoreMesh(core_axis_name="c", subcore_axis_name="s",
                                  num_cores=NC, num_subcores=NS)


def _ln(h, lw, lb, eps=1e-5):
    m = jnp.mean(h, axis=-1, keepdims=True)
    v = jnp.mean((h - m) ** 2, axis=-1, keepdims=True)
    return (h - m) * lax.rsqrt(v + eps) * lw + lb


def _tables_body(x_ref, wr_ref, wc_ref, wv_ref, b1_ref, c1_ref, pr_ref, k_ref):
    x = x_ref[...]
    pr_ref[...] = jnp.dot(x, wr_ref[...], preferred_element_type=F32) + b1_ref[...]
    kc = jnp.dot(x, wc_ref[...], preferred_element_type=F32)
    kq = jnp.dot(x, wv_ref[...], preferred_element_type=F32) + c1_ref[...]
    k_ref[...] = jnp.concatenate([kc, kq], axis=1)


def _tc_tables(x, wr, wc, wv, b1, c1):
    np_, dx = x.shape
    h = wr.shape[1]
    grid = (np_ // BN,)
    return pl.pallas_call(
        _tables_body,
        grid=grid,
        in_specs=[
            pl.BlockSpec((BN, dx), lambda i: (i, 0)),
            pl.BlockSpec((dx, h), lambda i: (0, 0)),
            pl.BlockSpec((dx, h), lambda i: (0, 0)),
            pl.BlockSpec((dx, h), lambda i: (0, 0)),
            pl.BlockSpec((1, h), lambda i: (0, 0)),
            pl.BlockSpec((1, h), lambda i: (0, 0)),
        ],
        out_specs=[
            pl.BlockSpec((BN, h), lambda i: (i, 0)),
            pl.BlockSpec((BN, 2 * h), lambda i: (i, 0)),
        ],
        out_shape=[
            jax.ShapeDtypeStruct((np_, h), F32),
            jax.ShapeDtypeStruct((np_, 2 * h), F32),
        ],
    )(x, wr, wc, wv, b1, c1)


def _sc_gather(pr, ktab, row2, col2):
    nchunks, cbg = row2.shape
    ep = nchunks * cbg
    h = pr.shape[1]
    nch = (ep // NW) // cbg

    @functools.partial(
        pl.kernel,
        out_type=[jax.ShapeDtypeStruct((ep, h), F32),
                  jax.ShapeDtypeStruct((ep, 2 * h), F32)],
        mesh=_mesh(),
        scratch_types=[
            pltpu.VMEM((nch, cbg), jnp.int32),
            pltpu.VMEM((nch, cbg), jnp.int32),
            pltpu.VMEM((cbg, h), F32),
            pltpu.VMEM((cbg, 2 * h), F32),
            pltpu.VMEM((cbg, h), F32),
            pltpu.VMEM((cbg, 2 * h), F32),
            pltpu.SemaphoreType.DMA,
            pltpu.SemaphoreType.DMA,
            pltpu.SemaphoreType.DMA,
            pltpu.SemaphoreType.DMA,
        ],
    )
    def k(pr_hbm, k_hbm, row_hbm, col_hbm, gr_hbm, gk_hbm,
          idxr, idxc, bufr_a, bufk_a, bufr_b, bufk_b,
          sem_ra, sem_ka, sem_rb, sem_kb):
        wid = lax.axis_index("s") * NC + lax.axis_index("c")
        cbase = wid * nch
        pltpu.sync_copy(row_hbm.at[pl.ds(cbase, nch)], idxr)
        pltpu.sync_copy(col_hbm.at[pl.ds(cbase, nch)], idxc)
        pltpu.async_copy(pr_hbm.at[idxr.at[0]], bufr_a, sem_ra)
        pltpu.async_copy(k_hbm.at[idxc.at[0]], bufk_a, sem_ka)

        def body(j, carry):
            ca = 2 * j
            pltpu.async_copy(pr_hbm.at[idxr.at[ca + 1]], bufr_b, sem_rb)
            pltpu.async_copy(k_hbm.at[idxc.at[ca + 1]], bufk_b, sem_kb)
            pltpu.make_async_copy(pr_hbm.at[pl.ds(0, cbg)], bufr_a, sem_ra).wait()
            pltpu.sync_copy(bufr_a, gr_hbm.at[pl.ds((cbase + ca) * cbg, cbg)])
            pltpu.make_async_copy(k_hbm.at[pl.ds(0, cbg)], bufk_a, sem_ka).wait()
            pltpu.sync_copy(bufk_a, gk_hbm.at[pl.ds((cbase + ca) * cbg, cbg)])

            @pl.when(ca + 2 < nch)
            def _():
                pltpu.async_copy(pr_hbm.at[idxr.at[ca + 2]], bufr_a, sem_ra)
                pltpu.async_copy(k_hbm.at[idxc.at[ca + 2]], bufk_a, sem_ka)

            pltpu.make_async_copy(pr_hbm.at[pl.ds(0, cbg)], bufr_b, sem_rb).wait()
            pltpu.sync_copy(bufr_b, gr_hbm.at[pl.ds((cbase + ca + 1) * cbg, cbg)])
            pltpu.make_async_copy(k_hbm.at[pl.ds(0, cbg)], bufk_b, sem_kb).wait()
            pltpu.sync_copy(bufk_b, gk_hbm.at[pl.ds((cbase + ca + 1) * cbg, cbg)])
            return carry

        lax.fori_loop(0, nch // 2, body, 0)

    return k(pr, ktab, row2, col2)


def _edge_body(gr_ref, gk_ref, ein_ref, we_ref, w2_ref, b2_ref, lwe_ref,
               lbe_ref, ve_ref, v2_ref, c2_ref, lwn_ref, lbn_ref,
               ea_ref, out_ref):
    h = gr_ref.shape[1]
    pre = (gr_ref[...] + gk_ref[:, :h]
           + jnp.dot(ein_ref[...], we_ref[...], preferred_element_type=F32))
    t = _ln(jnp.maximum(pre, 0.0), lwe_ref[...], lbe_ref[...])
    ea = jnp.dot(t, w2_ref[...], preferred_element_type=F32) + b2_ref[...]
    ea_ref[...] = ea
    pre2 = gk_ref[:, h:] + jnp.dot(ea, ve_ref[...], preferred_element_type=F32)
    u = _ln(jnp.maximum(pre2, 0.0), lwn_ref[...], lbn_ref[...])
    out_ref[...] = jnp.dot(u, v2_ref[...], preferred_element_type=F32) + c2_ref[...]


def _tc_edge(gr, gk, ein, we, w2, b2, lwe, lbe, ve, v2, c2, lwn, lbn):
    ep, h = gr.shape
    de = ein.shape[1]
    grid = (ep // BE,)
    wspec = lambda s: pl.BlockSpec(s, lambda i: (0, 0))
    return pl.pallas_call(
        _edge_body,
        grid=grid,
        in_specs=[
            pl.BlockSpec((BE, h), lambda i: (i, 0)),
            pl.BlockSpec((BE, 2 * h), lambda i: (i, 0)),
            pl.BlockSpec((BE, de), lambda i: (i, 0)),
            wspec((de, h)), wspec((h, h)), wspec((1, h)), wspec((1, h)),
            wspec((1, h)), wspec((h, h)), wspec((h, h)), wspec((1, h)),
            wspec((1, h)), wspec((1, h)),
        ],
        out_specs=[
            pl.BlockSpec((BE, h), lambda i: (i, 0)),
            pl.BlockSpec((BE, h), lambda i: (i, 0)),
        ],
        out_shape=[
            jax.ShapeDtypeStruct((ep, h), F32),
            jax.ShapeDtypeStruct((ep, h), F32),
        ],
    )(gr, gk, ein, we, w2, b2, lwe, lbe, ve, v2, c2, lwn, lbn)


def _sc_scatter(out_e, rows_scat, zeros_h):
    ep = rows_scat.shape[0]
    h = out_e.shape[1]
    hh = h // NC
    eps = ep // NS
    nch = eps // CBS
    np_ = zeros_h.shape[0]
    nps = np_ // NS

    @functools.partial(
        pl.kernel,
        out_type=jax.ShapeDtypeStruct((np_, h), F32),
        mesh=_mesh(),
        scratch_types=[
            pltpu.VMEM((CBS,), jnp.int32),
            pltpu.VMEM((CBS, hh), F32),
            pltpu.VMEM_SHARED((np_, hh), F32),
        ],
    )
    def k(out_hbm, row_hbm, z_hbm, sums_hbm, idxv, datv, acc):
        c = lax.axis_index("c")
        s = lax.axis_index("s")
        pltpu.sync_copy(z_hbm.at[pl.ds(s * nps, nps)],
                        acc.at[pl.ds(s * nps, nps)])
        plsc.subcore_barrier()

        def run(col0):
            def body(j, carry):
                e0 = s * eps + j * CBS
                pltpu.sync_copy(row_hbm.at[pl.ds(e0, CBS)], idxv)
                pltpu.sync_copy(out_hbm.at[pl.ds(e0, CBS), pl.ds(col0, hh)], datv)
                pltpu.sync_copy(datv, acc.at[idxv], add=True)
                return carry
            lax.fori_loop(0, nch, body, 0)

        @pl.when(c == 0)
        def _():
            run(0)

        @pl.when(c == 1)
        def _():
            run(hh)

        plsc.subcore_barrier()

        @pl.when(c == 0)
        def _():
            pltpu.sync_copy(acc.at[pl.ds(s * nps, nps)],
                            sums_hbm.at[pl.ds(s * nps, nps), pl.ds(0, hh)])

        @pl.when(c == 1)
        def _():
            pltpu.sync_copy(acc.at[pl.ds(s * nps, nps)],
                            sums_hbm.at[pl.ds(s * nps, nps), pl.ds(hh, hh)])

    return k(out_e, rows_scat, zeros_h)


def _sc_counts(rows_scat, ones_hbm, zeros_h):
    ep = rows_scat.shape[0]
    epw = ep // NW
    nch = epw // CBS
    np_, cw = zeros_h.shape
    nps = np_ // NS

    @functools.partial(
        pl.kernel,
        out_type=jax.ShapeDtypeStruct((NC * np_, cw), F32),
        mesh=_mesh(),
        scratch_types=[
            pltpu.VMEM((CBS,), jnp.int32),
            pltpu.VMEM((CBS, cw), F32),
            pltpu.VMEM_SHARED((np_, cw), F32),
        ],
    )
    def k(row_hbm, ones_ref, z_hbm, cnt_hbm, idxv, onev, acc):
        c = lax.axis_index("c")
        s = lax.axis_index("s")
        wid = s * NC + c
        pltpu.sync_copy(ones_ref, onev)
        pltpu.sync_copy(z_hbm.at[pl.ds(s * nps, nps)],
                        acc.at[pl.ds(s * nps, nps)])
        plsc.subcore_barrier()

        def body(j, carry):
            e0 = wid * epw + j * CBS
            pltpu.sync_copy(row_hbm.at[pl.ds(e0, CBS)], idxv)
            pltpu.sync_copy(onev, acc.at[idxv], add=True)
            return carry

        lax.fori_loop(0, nch, body, 0)
        plsc.subcore_barrier()

        @pl.when(c == 0)
        def _():
            pltpu.sync_copy(acc.at[pl.ds(s * nps, nps)],
                            cnt_hbm.at[pl.ds(s * nps, nps)])

        @pl.when(c == 1)
        def _():
            pltpu.sync_copy(acc.at[pl.ds(s * nps, nps)],
                            cnt_hbm.at[pl.ds(np_ + s * nps, nps)])

    return k(rows_scat, ones_hbm, zeros_h)


def _node_body(x_ref, sums_ref, c0_ref, c1_ref, ua_ref, ub_ref, d1_ref,
               lw_ref, lb_ref, u2_ref, d2_ref, xo_ref):
    cnt = c0_ref[:, 0:1] + c1_ref[:, 0:1]
    inv = 1.0 / jnp.maximum(cnt, 1.0)
    agg = sums_ref[...] * inv
    pre = (jnp.dot(x_ref[...], ua_ref[...], preferred_element_type=F32)
           + jnp.dot(agg, ub_ref[...], preferred_element_type=F32) + d1_ref[...])
    hh = _ln(jnp.maximum(pre, 0.0), lw_ref[...], lb_ref[...])
    xo_ref[...] = jnp.dot(hh, u2_ref[...], preferred_element_type=F32) + d2_ref[...]


def _tc_node(x, sums, c0, c1, ua, ub, d1, lw, lb, u2, d2):
    np_, dx = x.shape
    h = sums.shape[1]
    grid = (np_ // BN,)
    wspec = lambda s: pl.BlockSpec(s, lambda i: (0, 0))
    return pl.pallas_call(
        _node_body,
        grid=grid,
        in_specs=[
            pl.BlockSpec((BN, dx), lambda i: (i, 0)),
            pl.BlockSpec((BN, h), lambda i: (i, 0)),
            pl.BlockSpec((BN, c0.shape[1]), lambda i: (i, 0)),
            pl.BlockSpec((BN, c1.shape[1]), lambda i: (i, 0)),
            wspec((dx, h)), wspec((h, h)), wspec((1, h)), wspec((1, h)),
            wspec((1, h)), wspec((h, h)), wspec((1, h)),
        ],
        out_specs=pl.BlockSpec((BN, h), lambda i: (i, 0)),
        out_shape=jax.ShapeDtypeStruct((np_, h), F32),
    )(x, sums, c0, c1, ua, ub, d1, lw, lb, u2, d2)


def _sc_parents(x, cand16):
    h = x.shape[1]

    @functools.partial(
        pl.kernel,
        out_type=jax.ShapeDtypeStruct((LANES, h), F32),
        mesh=_mesh(),
        scratch_types=[
            pltpu.VMEM((LANES,), jnp.int32),
            pltpu.VMEM((LANES, h), F32),
            pltpu.SemaphoreType.DMA,
        ],
    )
    def k(x_hbm, cand_hbm, par_hbm, idxv, bufv, sem):
        c = lax.axis_index("c")
        s = lax.axis_index("s")

        @pl.when(jnp.logical_and(c == 0, s == 0))
        def _():
            pltpu.sync_copy(cand_hbm, idxv)
            pltpu.async_copy(x_hbm.at[idxv], bufv, sem).wait()
            pltpu.sync_copy(bufv, par_hbm)

    return k(x, cand16)


def _final_body(par_ref, w1_ref, b1_ref, w2_ref, b2_ref, lw_ref, lb_ref,
                o_ref, *, n_par):
    h = par_ref.shape[1]
    p = par_ref[...]
    acc = jnp.zeros((1, h), F32)
    for j in range(n_par):
        acc = acc + jnp.dot(p[j:j + 1, :], w1_ref[j * h:(j + 1) * h, :],
                            preferred_element_type=F32)
    hid = jnp.maximum(acc + b1_ref[...], 0.0)
    o = jnp.dot(hid, w2_ref[...], preferred_element_type=F32) + b2_ref[...]
    o = _ln(o, lw_ref[...], lb_ref[...])
    o = 1.0 / (1.0 + jnp.exp(-o))
    o_ref[...] = jnp.broadcast_to(o, o_ref.shape)


def _tc_final(parents, w1, b1, w2, b2, lw, lb, n_par):
    h = parents.shape[1]
    mo = w2.shape[1]
    return pl.pallas_call(
        functools.partial(_final_body, n_par=n_par),
        out_shape=jax.ShapeDtypeStruct((8, mo), F32),
    )(parents, w1, b1, w2, b2, lw, lb)


def _pad_rows(a, n):
    return jnp.pad(a, ((0, n - a.shape[0]),) + ((0, 0),) * (a.ndim - 1))


def kernel(x, edge_index, edge_attr, candidate, e1, n1a, n1b, e2, n2a, n2b,
           e3, n3a, n3b, mfin):
    n, df = x.shape
    e = edge_index.shape[1]
    h = e1[0].shape[1]
    s_par = candidate.shape[0] - 1

    np_ = ((n + BN - 1) // BN) * BN
    align = NW * CBS
    ep = ((e + align - 1) // align) * align

    row = edge_index[0].astype(jnp.int32)
    col = edge_index[1].astype(jnp.int32)
    rowg = jnp.pad(row, (0, ep - e))
    colg = jnp.pad(col, (0, ep - e))
    rows_scat = jnp.pad(row, (0, ep - e), constant_values=np_ - 1)
    ein = _pad_rows(edge_attr.astype(F32), ep)
    xc = _pad_rows(x.astype(F32), np_)
    zeros_h = jnp.zeros((np_, h // NC), F32)
    ones_blk = jnp.ones((CBS, h // NC), F32)
    cand16 = jnp.zeros((LANES,), jnp.int32).at[:s_par].set(
        candidate[1:1 + s_par].astype(jnp.int32))

    cnt = _sc_counts(rows_scat, ones_blk, zeros_h)
    c0, c1cnt = cnt[:np_], cnt[np_:]

    for pe, pn1, pn2 in ((e1, n1a, n1b), (e2, n2a, n2b), (e3, n3a, n3b)):
        w1, b1, lwe, lbe, w2, b2 = pe
        v1, cb1, lwn, lbn, v2, c2 = pn1
        u1, d1, lwm, lbm, u2, d2 = pn2
        dx = xc.shape[1]
        wr, wc, we = w1[:dx], w1[dx:2 * dx], w1[2 * dx:]
        vx, ve = v1[:dx], v1[dx:]
        ua, ub = u1[:dx], u1[dx:]
        r1 = b1.reshape(1, h)
        rc1 = cb1.reshape(1, h)
        pr, ktab = _tc_tables(xc, wr, wc, vx, r1, rc1)
        gr, gk = _sc_gather(pr, ktab, rowg.reshape(-1, CBG),
                            colg.reshape(-1, CBG))
        ea, out_e = _tc_edge(gr, gk, ein, we, w2, b2.reshape(1, h),
                             lwe.reshape(1, h), lbe.reshape(1, h),
                             ve, v2, c2.reshape(1, h),
                             lwn.reshape(1, h), lbn.reshape(1, h))
        sums = _sc_scatter(out_e, rows_scat, zeros_h)
        xc = _tc_node(xc, sums, c0, c1cnt, ua, ub, d1.reshape(1, h),
                      lwm.reshape(1, h), lbm.reshape(1, h), u2,
                      d2.reshape(1, h))
        ein = ea

    parents = _sc_parents(xc, cand16)
    w1f, b1f, w2f, b2f, lwf, lbf = mfin
    mo = w2f.shape[1]
    o = _tc_final(parents, w1f, b1f.reshape(1, h), w2f, b2f.reshape(1, mo),
                  lwf.reshape(1, mo), lbf.reshape(1, mo), s_par)
    return o[0]

# --- scband reference (transcript-rebuilt; emitter-appended) ---
"""Pipeline reference for scband-stream-instance-classifier-66718021976550 (READ-ONLY COPY).

The authoritative reference and input builder live on the scoring server;
editing this copy changes nothing except your own understanding.
"""

import jax, jax.numpy as jnp
import numpy as np

N = 10000
E = 160000
DF = 128
DE = 16
H = 256
MO = 64
S = 4


def _mlp_params(key, din, h, dout, scale=0.05):
    k1, k2 = jax.random.split(key)
    return (jax.random.normal(k1, (din, h), dtype=jnp.float32) * scale,
            jnp.zeros((h,), jnp.float32),
            jnp.ones((h,), jnp.float32),
            jnp.zeros((h,), jnp.float32),
            jax.random.normal(k2, (h, dout), dtype=jnp.float32) * scale,
            jnp.zeros((dout,), jnp.float32))


def setup_inputs(seed: int = 0) -> dict:
    key = jax.random.key(seed)
    ks = jax.random.split(key, 16)
    inp = {}
    inp["x"] = jax.random.normal(ks[0], (N, DF), dtype=jnp.float32)
    inp["edge_index"] = jax.random.randint(ks[1], (2, E), 0, N)
    inp["edge_attr"] = jax.random.normal(ks[2], (E, DE), dtype=jnp.float32)
    inp["candidate"] = jnp.ones((S + 1,), dtype=jnp.int32)
    # meta layer 1: node_feat=DF, edge_feat=DE, hidden=H
    inp["e1"] = _mlp_params(ks[3], 2 * DF + DE, H, H)
    inp["n1a"] = _mlp_params(ks[4], DF + H, H, H)
    inp["n1b"] = _mlp_params(ks[5], DF + H, H, H)
    # meta layers 2,3: node_feat=H, edge_feat=H, hidden=H
    inp["e2"] = _mlp_params(ks[6], 3 * H, H, H)
    inp["n2a"] = _mlp_params(ks[7], 2 * H, H, H)
    inp["n2b"] = _mlp_params(ks[8], 2 * H, H, H)
    inp["e3"] = _mlp_params(ks[9], 3 * H, H, H)
    inp["n3a"] = _mlp_params(ks[10], 2 * H, H, H)
    inp["n3b"] = _mlp_params(ks[11], 2 * H, H, H)
    # final stream MLP: Linear(S*H, H) -> ReLU -> Linear(H, MO) -> LayerNorm(MO)
    kf1, kf2 = jax.random.split(ks[12])
    inp["mfin"] = (jax.random.normal(kf1, (S * H, H), dtype=jnp.float32) * 0.05,
                   jnp.zeros((H,), jnp.float32),
                   jax.random.normal(kf2, (H, MO), dtype=jnp.float32) * 0.05,
                   jnp.zeros((MO,), jnp.float32),
                   jnp.ones((MO,), jnp.float32),
                   jnp.zeros((MO,), jnp.float32))
    return inp


def _ln(x, w, b, eps=1e-5):
    m = jnp.mean(x, axis=-1, keepdims=True)
    v = jnp.mean((x - m) ** 2, axis=-1, keepdims=True)
    return (x - m) / jnp.sqrt(v + eps) * w + b


def _mlp(x, p):
    W1, b1, lw, lb, W2, b2 = p
    h = jax.nn.relu(x @ W1 + b1)
    h = _ln(h, lw, lb)
    return h @ W2 + b2


def _meta(x, edge_index, edge_attr, pe, pn1, pn2):
    row = edge_index[0]
    col = edge_index[1]
    # EdgeModel: edge_mlp(cat([src, dst, edge_attr]))
    ea = _mlp(jnp.concatenate([x[row], x[col], edge_attr], axis=1), pe)
    # NodeModel
    out = _mlp(jnp.concatenate([x[col], ea], axis=1), pn1)
    sums = jax.ops.segment_sum(out, row, num_segments=x.shape[0])
    cnt = jax.ops.segment_sum(jnp.ones((row.shape[0],), jnp.float32), row, num_segments=x.shape[0])
    agg = sums / jnp.clip(cnt, 1.0)[:, None]  # scatter_mean
    xo = _mlp(jnp.concatenate([x, agg], axis=1), pn2)
    return xo, ea


def _forward(x, edge_attr, e1, n1a, n1b, e2, n2a, n2b, e3, n3a, n3b, mfin, edge_index, candidate):
    x, ea = _meta(x, edge_index, edge_attr, e1, n1a, n1b)
    x, ea = _meta(x, edge_index, ea, e2, n2a, n2b)
    x, ea = _meta(x, edge_index, ea, e3, n3a, n3b)
    # candidate[0] selects the stream MLP (single stream here, cand[0]==1 -> mlps[0])
    parents = x[candidate[1:]].reshape(-1)
    W1, b1, W2, b2, lw, lb = mfin
    h = jax.nn.relu(parents @ W1 + b1)
    o = h @ W2 + b2
    o = _ln(o, lw, lb)
    return jax.nn.sigmoid(o)  # eval mode


def reference(x, edge_index, edge_attr, candidate, e1, n1a, n1b, e2, n2a, n2b, e3, n3a, n3b, mfin):
    return _forward(x, edge_attr, e1, n1a, n1b, e2, n2a, n2b, e3, n3a, n3b, mfin, edge_index, candidate)

if __name__ == "__main__":
    import jax
    _d = setup_inputs()
    print(jax.jit(kernel)(*tuple(_d.values())))

</pallas_src>

<mosaic_0001>
#map = affine_map<(d0, d1) -> (0)>
#map1 = affine_map<(d0, d1) -> (0, 0)>
module attributes {stable_mosaic.version = 14 : i64} {
  func.func @k(%arg0: i32, %arg1: i32, %arg2: memref<163840xi32, #tpu.memory_space<hbm>>, %arg3: memref<128x128xf32, #tpu.memory_space<hbm>>, %arg4: memref<10240x128xf32, #tpu.memory_space<hbm>>, %arg5: memref<20480x128xf32, #tpu.memory_space<hbm>>, %arg6: memref<128xi32, #tpu.memory_space<vmem>>, %arg7: memref<128x128xf32, #tpu.memory_space<vmem>>, %arg8: memref<10240x128xf32, #tpu.memory_space<vmem_shared>>) attributes {dimension_semantics = [#tpu.dimension_semantics<core_parallel>, #tpu.dimension_semantics<subcore_parallel>], iteration_bounds = array<i64: 2, 16>, scalar_prefetch = 0 : i64, scratch_operands = 3 : i64, tpu.core_type = #tpu.core_type<sc_vector_subcore>, window_params = [{transform_indices = #map}, {transform_indices = #map1}, {transform_indices = #map1}, {transform_indices = #map1}]} {
    %mul3A = arith.constant 2 : i32
    %mul3A_0 = arith.muli %arg1, %mul3A : i32
    %add3A = arith.addi %mul3A_0, %arg0 : i32
    "tpu.region"() ({
      %run_scoped3A = tpu.sem_alloc : memref<!tpu.dma_semaphore, #tpu.memory_space<semaphore_mem>>
      tpu.enqueue_dma source(%arg3 : memref<128x128xf32, #tpu.memory_space<hbm>>) target(%arg7 : memref<128x128xf32, #tpu.memory_space<vmem>>) target_semaphore(%run_scoped3A : memref<!tpu.dma_semaphore, #tpu.memory_space<semaphore_mem>>)
      tpu.wait_dma2 semaphore(%run_scoped3A : memref<!tpu.dma_semaphore, #tpu.memory_space<semaphore_mem>>) src(%arg3 : memref<128x128xf32, #tpu.memory_space<hbm>>) dst(%arg7 : memref<128x128xf32, #tpu.memory_space<vmem>>)
      tpu.yield
    }) : () -> ()
    %mul3A_1 = arith.constant 640 : i32
    %mul3A_2 = arith.muli %arg1, %mul3A_1 : i32
    %mul3A_3 = arith.constant 640 : i32
    %mul3A_4 = arith.muli %arg1, %mul3A_3 : i32
    "tpu.region"() ({
      %run_scoped3A = tpu.sem_alloc : memref<!tpu.dma_semaphore, #tpu.memory_space<semaphore_mem>>
      %dma_start3A = arith.constant 0 : i32
      %dma_start3A_18 = tpu.memref_slice %arg8[%mul3A_4, %dma_start3A] : memref<10240x128xf32, #tpu.memory_space<vmem_shared>> -> memref<640x128xf32, #tpu.memory_space<vmem_shared>>
      %dma_start3A_19 = arith.constant 0 : i32
      %dma_start3A_20 = tpu.memref_slice %arg4[%mul3A_2, %dma_start3A_19] : memref<10240x128xf32, #tpu.memory_space<hbm>> -> memref<640x128xf32, #tpu.memory_space<hbm>>
      tpu.enqueue_dma source(%dma_start3A_20 : memref<640x128xf32, #tpu.memory_space<hbm>>) target(%dma_start3A_18 : memref<640x128xf32, #tpu.memory_space<vmem_shared>>) target_semaphore(%run_scoped3A : memref<!tpu.dma_semaphore, #tpu.memory_space<semaphore_mem>>)
      %dma_wait3A = arith.constant 0 : i32
      %dma_wait3A_21 = tpu.memref_slice %arg8[%mul3A_4, %dma_wait3A] : memref<10240x128xf32, #tpu.memory_space<vmem_shared>> -> memref<640x128xf32, #tpu.memory_space<vmem_shared>>
      %dma_wait3A_22 = arith.constant 0 : i32
      %dma_wait3A_23 = tpu.memref_slice %arg4[%mul3A_2, %dma_wait3A_22] : memref<10240x128xf32, #tpu.memory_space<hbm>> -> memref<640x128xf32, #tpu.memory_space<hbm>>
      tpu.wait_dma2 semaphore(%run_scoped3A : memref<!tpu.dma_semaphore, #tpu.memory_space<semaphore_mem>>) src(%dma_wait3A_23 : memref<640x128xf32, #tpu.memory_space<hbm>>) dst(%dma_wait3A_21 : memref<640x128xf32, #tpu.memory_space<vmem_shared>>)
      tpu.yield
    }) : () -> ()
    %barrier3A = arith.constant 0 : index
    tpu.barrier barrier_id(%barrier3A)
    %scan3A = arith.constant 0 : i32
    %scan3A_5 = arith.constant 0 : i32
    %scan3A_6 = arith.constant 40 : i32
    %scan3A_7 = arith.addi %scan3A_5, %scan3A_6 : i32
    %scan3A_8 = arith.constant 1 : i32
    scf.for %scan3A_18 = %scan3A_5 to %scan3A_7 step %scan3A_8  : i32 {
      %mul3A_19 = arith.constant 5120 : i32
      %mul3A_20 = arith.muli %add3A, %mul3A_19 : i32
      %mul3A_21 = arith.constant 128 : i32
      %mul3A_22 = arith.muli %scan3A_18, %mul3A_21 : i32
      %add3A_23 = arith.addi %mul3A_20, %mul3A_22 : i32
      "tpu.region"() ({
        %run_scoped3A = tpu.sem_alloc : memref<!tpu.dma_semaphore, #tpu.memory_space<semaphore_mem>>
        %dma_start3A = tpu.memref_slice %arg2[%add3A_23] : memref<163840xi32, #tpu.memory_space<hbm>> -> memref<128xi32, #tpu.memory_space<hbm>>
        %dma_start3A_24 = tpu.memref_slice %arg2[%add3A_23] : memref<163840xi32, #tpu.memory_space<hbm>> -> memref<128xi32, #tpu.memory_space<hbm>>
        tpu.enqueue_dma source(%dma_start3A_24 : memref<128xi32, #tpu.memory_space<hbm>>) target(%arg6 : memref<128xi32, #tpu.memory_space<vmem>>) target_semaphore(%run_scoped3A : memref<!tpu.dma_semaphore, #tpu.memory_space<semaphore_mem>>)
        %dma_wait3A = tpu.memref_slice %arg2[%add3A_23] : memref<163840xi32, #tpu.memory_space<hbm>> -> memref<128xi32, #tpu.memory_space<hbm>>
        %dma_wait3A_25 = tpu.memref_slice %arg2[%add3A_23] : memref<163840xi32, #tpu.memory_space<hbm>> -> memref<128xi32, #tpu.memory_space<hbm>>
        tpu.wait_dma2 semaphore(%run_scoped3A : memref<!tpu.dma_semaphore, #tpu.memory_space<semaphore_mem>>) src(%dma_wait3A_25 : memref<128xi32, #tpu.memory_space<hbm>>) dst(%arg6 : memref<128xi32, #tpu.memory_space<vmem>>)
        tpu.yield
      }) : () -> ()
      "tpu.region"() ({
        %run_scoped3A = tpu.sem_alloc : memref<!tpu.dma_semaphore, #tpu.memory_space<semaphore_mem>>
        %dma_start3A = arith.constant 0 : i32
        %dma_start3A_24 = arith.constant 0 : i32
        %dma_start3A_25 = tpu.memref_slice %arg8[%dma_start3A, %dma_start3A_24] : memref<10240x128xf32, #tpu.memory_space<vmem_shared>> -> memref<10240x128xf32, #tpu.memory_space<vmem_shared>>
        tpu.enqueue_indirect_dma source(%arg7 : memref<128x128xf32, #tpu.memory_space<vmem>>) target(%dma_start3A_25 : memref<10240x128xf32, #tpu.memory_space<vmem_shared>>) offsets(%arg6 : memref<128xi32, #tpu.memory_space<vmem>>) semaphore(%run_scoped3A : memref<!tpu.dma_semaphore, #tpu.memory_space<semaphore_mem>>) {add = true}
        %dma_wait3A = arith.constant 0 : i32
        %dma_wait3A_26 = arith.constant 0 : i32
        %dma_wait3A_27 = tpu.memref_slice %arg8[%dma_wait3A, %dma_wait3A_26] : memref<10240x128xf32, #tpu.memory_space<vmem_shared>> -> memref<10240x128xf32, #tpu.memory_space<vmem_shared>>
        tpu.wait_indirect_dma semaphore(%run_scoped3A : memref<!tpu.dma_semaphore, #tpu.memory_space<semaphore_mem>>) src(%arg7 : memref<128x128xf32, #tpu.memory_space<vmem>>) dst(%dma_wait3A_27 : memref<10240x128xf32, #tpu.memory_space<vmem_shared>>)
        tpu.yield
      }) : () -> ()
    }
    %scan3A_9 = arith.constant 40 : i32
    %barrier3A_10 = arith.constant 0 : index
    tpu.barrier barrier_id(%barrier3A_10)
    %eq3A = arith.constant 0 : i32
    %eq3A_11 = arith.cmpi eq, %arg0, %eq3A : i32
    %convert_element_type3A = arith.extui %eq3A_11 : i1 to i32
    %cond3A = arith.constant 0 : i32
    %cond3A_12 = arith.cmpi ne, %convert_element_type3A, %cond3A : i32
    scf.if %cond3A_12 {
      %mul3A_18 = arith.constant 640 : i32
      %mul3A_19 = arith.muli %arg1, %mul3A_18 : i32
      %mul3A_20 = arith.constant 640 : i32
      %mul3A_21 = arith.muli %arg1, %mul3A_20 : i32
      "tpu.region"() ({
        %run_scoped3A = tpu.sem_alloc : memref<!tpu.dma_semaphore, #tpu.memory_space<semaphore_mem>>
        %dma_start3A = arith.constant 0 : i32
        %dma_start3A_22 = tpu.memref_slice %arg5[%mul3A_21, %dma_start3A] : memref<20480x128xf32, #tpu.memory_space<hbm>> -> memref<640x128xf32, #tpu.memory_space<hbm>>
        %dma_start3A_23 = arith.constant 0 : i32
        %dma_start3A_24 = tpu.memref_slice %arg8[%mul3A_19, %dma_start3A_23] : memref<10240x128xf32, #tpu.memory_space<vmem_shared>> -> memref<640x128xf32, #tpu.memory_space<vmem_shared>>
        tpu.enqueue_dma source(%dma_start3A_24 : memref<640x128xf32, #tpu.memory_space<vmem_shared>>) target(%dma_start3A_22 : memref<640x128xf32, #tpu.memory_space<hbm>>) target_semaphore(%run_scoped3A : memref<!tpu.dma_semaphore, #tpu.memory_space<semaphore_mem>>)
        %dma_wait3A = arith.constant 0 : i32
        %dma_wait3A_25 = tpu.memref_slice %arg5[%mul3A_21, %dma_wait3A] : memref<20480x128xf32, #tpu.memory_space<hbm>> -> memref<640x128xf32, #tpu.memory_space<hbm>>
        %dma_wait3A_26 = arith.constant 0 : i32
        %dma_wait3A_27 = tpu.memref_slice %arg8[%mul3A_19, %dma_wait3A_26] : memref<10240x128xf32, #tpu.memory_space<vmem_shared>> -> memref<640x128xf32, #tpu.memory_space<vmem_shared>>
        tpu.wait_dma2 semaphore(%run_scoped3A : memref<!tpu.dma_semaphore, #tpu.memory_space<semaphore_mem>>) src(%dma_wait3A_27 : memref<640x128xf32, #tpu.memory_space<vmem_shared>>) dst(%dma_wait3A_25 : memref<640x128xf32, #tpu.memory_space<hbm>>)
        tpu.yield
      }) : () -> ()
    } else {
    }
    %eq3A_13 = arith.constant 1 : i32
    %eq3A_14 = arith.cmpi eq, %arg0, %eq3A_13 : i32
    %convert_element_type3A_15 = arith.extui %eq3A_14 : i1 to i32
    %cond3A_16 = arith.constant 0 : i32
    %cond3A_17 = arith.cmpi ne, %convert_element_type3A_15, %cond3A_16 : i32
    scf.if %cond3A_17 {
      %mul3A_18 = arith.constant 640 : i32
      %mul3A_19 = arith.muli %arg1, %mul3A_18 : i32
      %mul3A_20 = arith.constant 640 : i32
      %mul3A_21 = arith.muli %arg1, %mul3A_20 : i32
      %add3A_22 = arith.constant 10240 : i32
      %add3A_23 = arith.addi %add3A_22, %mul3A_21 : i32
      "tpu.region"() ({
        %run_scoped3A = tpu.sem_alloc : memref<!tpu.dma_semaphore, #tpu.memory_space<semaphore_mem>>
        %dma_start3A = arith.constant 0 : i32
        %dma_start3A_24 = tpu.memref_slice %arg5[%add3A_23, %dma_start3A] : memref<20480x128xf32, #tpu.memory_space<hbm>> -> memref<640x128xf32, #tpu.memory_space<hbm>>
        %dma_start3A_25 = arith.constant 0 : i32
        %dma_start3A_26 = tpu.memref_slice %arg8[%mul3A_19, %dma_start3A_25] : memref<10240x128xf32, #tpu.memory_space<vmem_shared>> -> memref<640x128xf32, #tpu.memory_space<vmem_shared>>
        tpu.enqueue_dma source(%dma_start3A_26 : memref<640x128xf32, #tpu.memory_space<vmem_shared>>) target(%dma_start3A_24 : memref<640x128xf32, #tpu.memory_space<hbm>>) target_semaphore(%run_scoped3A : memref<!tpu.dma_semaphore, #tpu.memory_space<semaphore_mem>>)
        %dma_wait3A = arith.constant 0 : i32
        %dma_wait3A_27 = tpu.memref_slice %arg5[%add3A_23, %dma_wait3A] : memref<20480x128xf32, #tpu.memory_space<hbm>> -> memref<640x128xf32, #tpu.memory_space<hbm>>
        %dma_wait3A_28 = arith.constant 0 : i32
        %dma_wait3A_29 = tpu.memref_slice %arg8[%mul3A_19, %dma_wait3A_28] : memref<10240x128xf32, #tpu.memory_space<vmem_shared>> -> memref<640x128xf32, #tpu.memory_space<vmem_shared>>
        tpu.wait_dma2 semaphore(%run_scoped3A : memref<!tpu.dma_semaphore, #tpu.memory_space<semaphore_mem>>) src(%dma_wait3A_29 : memref<640x128xf32, #tpu.memory_space<vmem_shared>>) dst(%dma_wait3A_27 : memref<640x128xf32, #tpu.memory_space<hbm>>)
        tpu.yield
      }) : () -> ()
    } else {
    }
    return
  }
}

#map = affine_map<(d0, d1) -> (0, 0)>
#map1 = affine_map<(d0, d1) -> (0)>
module attributes {stable_mosaic.version = 14 : i64} {
  func.func @k(%arg0: i32, %arg1: i32, %arg2: memref<163840x256xf32, #tpu.memory_space<hbm>>, %arg3: memref<163840xi32, #tpu.memory_space<hbm>>, %arg4: memref<10240x128xf32, #tpu.memory_space<hbm>>, %arg5: memref<10240x256xf32, #tpu.memory_space<hbm>>, %arg6: memref<128xi32, #tpu.memory_space<vmem>>, %arg7: memref<128x128xf32, #tpu.memory_space<vmem>>, %arg8: memref<10240x128xf32, #tpu.memory_space<vmem_shared>>) attributes {dimension_semantics = [#tpu.dimension_semantics<core_parallel>, #tpu.dimension_semantics<subcore_parallel>], iteration_bounds = array<i64: 2, 16>, scalar_prefetch = 0 : i64, scratch_operands = 3 : i64, tpu.core_type = #tpu.core_type<sc_vector_subcore>, window_params = [{transform_indices = #map}, {transform_indices = #map1}, {transform_indices = #map}, {transform_indices = #map}]} {
    %mul3A = arith.constant 640 : i32
    %mul3A_0 = arith.muli %arg1, %mul3A : i32
    %mul3A_1 = arith.constant 640 : i32
    %mul3A_2 = arith.muli %arg1, %mul3A_1 : i32
    "tpu.region"() ({
      %run_scoped3A = tpu.sem_alloc : memref<!tpu.dma_semaphore, #tpu.memory_space<semaphore_mem>>
      %dma_start3A = arith.constant 0 : i32
      %dma_start3A_21 = tpu.memref_slice %arg8[%mul3A_2, %dma_start3A] : memref<10240x128xf32, #tpu.memory_space<vmem_shared>> -> memref<640x128xf32, #tpu.memory_space<vmem_shared>>
      %dma_start3A_22 = arith.constant 0 : i32
      %dma_start3A_23 = tpu.memref_slice %arg4[%mul3A_0, %dma_start3A_22] : memref<10240x128xf32, #tpu.memory_space<hbm>> -> memref<640x128xf32, #tpu.memory_space<hbm>>
      tpu.enqueue_dma source(%dma_start3A_23 : memref<640x128xf32, #tpu.memory_space<hbm>>) target(%dma_start3A_21 : memref<640x128xf32, #tpu.memory_space<vmem_shared>>) target_semaphore(%run_scoped3A : memref<!tpu.dma_semaphore, #tpu.memory_space<semaphore_mem>>)
      %dma_wait3A = arith.constant 0 : i32
      %dma_wait3A_24 = tpu.memref_slice %arg8[%mul3A_2, %dma_wait3A] : memref<10240x128xf32, #tpu.memory_space<vmem_shared>> -> memref<640x128xf32, #tpu.memory_space<vmem_shared>>
      %dma_wait3A_25 = arith.constant 0 : i32
      %dma_wait3A_26 = tpu.memref_slice %arg4[%mul3A_0, %dma_wait3A_25] : memref<10240x128xf32, #tpu.memory_space<hbm>> -> memref<640x128xf32, #tpu.memory_space<hbm>>
      tpu.wait_dma2 semaphore(%run_scoped3A : memref<!tpu.dma_semaphore, #tpu.memory_space<semaphore_mem>>) src(%dma_wait3A_26 : memref<640x128xf32, #tpu.memory_space<hbm>>) dst(%dma_wait3A_24 : memref<640x128xf32, #tpu.memory_space<vmem_shared>>)
      tpu.yield
    }) : () -> ()
    %barrier3A = arith.constant 0 : index
    tpu.barrier barrier_id(%barrier3A)
    %eq3A = arith.constant 0 : i32
    %eq3A_3 = arith.cmpi eq, %arg0, %eq3A : i32
    %convert_element_type3A = arith.extui %eq3A_3 : i1 to i32
    %cond3A = arith.constant 0 : i32
    %cond3A_4 = arith.cmpi ne, %convert_element_type3A, %cond3A : i32
    scf.if %cond3A_4 {
      %scan3A = arith.constant 0 : i32
      %scan3A_21 = arith.constant 0 : i32
      %scan3A_22 = arith.constant 80 : i32
      %scan3A_23 = arith.addi %scan3A_21, %scan3A_22 : i32
      %scan3A_24 = arith.constant 1 : i32
      scf.for %scan3A_26 = %scan3A_21 to %scan3A_23 step %scan3A_24  : i32 {
        %mul3A_27 = arith.constant 10240 : i32
        %mul3A_28 = arith.muli %arg1, %mul3A_27 : i32
        %mul3A_29 = arith.constant 128 : i32
        %mul3A_30 = arith.muli %scan3A_26, %mul3A_29 : i32
        %add3A = arith.addi %mul3A_28, %mul3A_30 : i32
        "tpu.region"() ({
          %run_scoped3A = tpu.sem_alloc : memref<!tpu.dma_semaphore, #tpu.memory_space<semaphore_mem>>
          %dma_start3A = tpu.memref_slice %arg3[%add3A] : memref<163840xi32, #tpu.memory_space<hbm>> -> memref<128xi32, #tpu.memory_space<hbm>>
          %dma_start3A_31 = tpu.memref_slice %arg3[%add3A] : memref<163840xi32, #tpu.memory_space<hbm>> -> memref<128xi32, #tpu.memory_space<hbm>>
          tpu.enqueue_dma source(%dma_start3A_31 : memref<128xi32, #tpu.memory_space<hbm>>) target(%arg6 : memref<128xi32, #tpu.memory_space<vmem>>) target_semaphore(%run_scoped3A : memref<!tpu.dma_semaphore, #tpu.memory_space<semaphore_mem>>)
          %dma_wait3A = tpu.memref_slice %arg3[%add3A] : memref<163840xi32, #tpu.memory_space<hbm>> -> memref<128xi32, #tpu.memory_space<hbm>>
          %dma_wait3A_32 = tpu.memref_slice %arg3[%add3A] : memref<163840xi32, #tpu.memory_space<hbm>> -> memref<128xi32, #tpu.memory_space<hbm>>
          tpu.wait_dma2 semaphore(%run_scoped3A : memref<!tpu.dma_semaphore, #tpu.memory_space<semaphore_mem>>) src(%dma_wait3A_32 : memref<128xi32, #tpu.memory_space<hbm>>) dst(%arg6 : memref<128xi32, #tpu.memory_space<vmem>>)
          tpu.yield
        }) : () -> ()
        "tpu.region"() ({
          %run_scoped3A = tpu.sem_alloc : memref<!tpu.dma_semaphore, #tpu.memory_space<semaphore_mem>>
          %dma_start3A = arith.constant 0 : i32
          %dma_start3A_31 = tpu.memref_slice %arg2[%add3A, %dma_start3A] : memref<163840x256xf32, #tpu.memory_space<hbm>> -> memref<128x128xf32, #tpu.memory_space<hbm>>
          %dma_start3A_32 = arith.constant 0 : i32
          %dma_start3A_33 = tpu.memref_slice %arg2[%add3A, %dma_start3A_32] : memref<163840x256xf32, #tpu.memory_space<hbm>> -> memref<128x128xf32, #tpu.memory_space<hbm>>
          tpu.enqueue_dma source(%dma_start3A_33 : memref<128x128xf32, #tpu.memory_space<hbm>>) target(%arg7 : memref<128x128xf32, #tpu.memory_space<vmem>>) target_semaphore(%run_scoped3A : memref<!tpu.dma_semaphore, #tpu.memory_space<semaphore_mem>>)
          %dma_wait3A = arith.constant 0 : i32
          %dma_wait3A_34 = tpu.memref_slice %arg2[%add3A, %dma_wait3A] : memref<163840x256xf32, #tpu.memory_space<hbm>> -> memref<128x128xf32, #tpu.memory_space<hbm>>
          %dma_wait3A_35 = arith.constant 0 : i32
          %dma_wait3A_36 = tpu.memref_slice %arg2[%add3A, %dma_wait3A_35] : memref<163840x256xf32, #tpu.memory_space<hbm>> -> memref<128x128xf32, #tpu.memory_space<hbm>>
          tpu.wait_dma2 semaphore(%run_scoped3A : memref<!tpu.dma_semaphore, #tpu.memory_space<semaphore_mem>>) src(%dma_wait3A_36 : memref<128x128xf32, #tpu.memory_space<hbm>>) dst(%arg7 : memref<128x128xf32, #tpu.memory_space<vmem>>)
          tpu.yield
        }) : () -> ()
        "tpu.region"() ({
          %run_scoped3A = tpu.sem_alloc : memref<!tpu.dma_semaphore, #tpu.memory_space<semaphore_mem>>
          %dma_start3A = arith.constant 0 : i32
          %dma_start3A_31 = arith.constant 0 : i32
          %dma_start3A_32 = tpu.memref_slice %arg8[%dma_start3A, %dma_start3A_31] : memref<10240x128xf32, #tpu.memory_space<vmem_shared>> -> memref<10240x128xf32, #tpu.memory_space<vmem_shared>>
          tpu.enqueue_indirect_dma source(%arg7 : memref<128x128xf32, #tpu.memory_space<vmem>>) target(%dma_start3A_32 : memref<10240x128xf32, #tpu.memory_space<vmem_shared>>) offsets(%arg6 : memref<128xi32, #tpu.memory_space<vmem>>) semaphore(%run_scoped3A : memref<!tpu.dma_semaphore, #tpu.memory_space<semaphore_mem>>) {add = true}
          %dma_wait3A = arith.constant 0 : i32
          %dma_wait3A_33 = arith.constant 0 : i32
          %dma_wait3A_34 = tpu.memref_slice %arg8[%dma_wait3A, %dma_wait3A_33] : memref<10240x128xf32, #tpu.memory_space<vmem_shared>> -> memref<10240x128xf32, #tpu.memory_space<vmem_shared>>
          tpu.wait_indirect_dma semaphore(%run_scoped3A : memref<!tpu.dma_semaphore, #tpu.memory_space<semaphore_mem>>) src(%arg7 : memref<128x128xf32, #tpu.memory_space<vmem>>) dst(%dma_wait3A_34 : memref<10240x128xf32, #tpu.memory_space<vmem_shared>>)
          tpu.yield
        }) : () -> ()
      }
      %scan3A_25 = arith.constant 80 : i32
    } else {
    }
    %eq3A_5 = arith.constant 1 : i32
    %eq3A_6 = arith.cmpi eq, %arg0, %eq3A_5 : i32
    %convert_element_type3A_7 = arith.extui %eq3A_6 : i1 to i32
    %cond3A_8 = arith.constant 0 : i32
    %cond3A_9 = arith.cmpi ne, %convert_element_type3A_7, %cond3A_8 : i32
    scf.if %cond3A_9 {
      %scan3A = arith.constant 0 : i32
      %scan3A_21 = arith.constant 0 : i32
      %scan3A_22 = arith.constant 80 : i32
      %scan3A_23 = arith.addi %scan3A_21, %scan3A_22 : i32
      %scan3A_24 = arith.constant 1 : i32
      scf.for %scan3A_26 = %scan3A_21 to %scan3A_23 step %scan3A_24  : i32 {
        %mul3A_27 = arith.constant 10240 : i32
        %mul3A_28 = arith.muli %arg1, %mul3A_27 : i32
        %mul3A_29 = arith.constant 128 : i32
        %mul3A_30 = arith.muli %scan3A_26, %mul3A_29 : i32
        %add3A = arith.addi %mul3A_28, %mul3A_30 : i32
        "tpu.region"() ({
          %run_scoped3A = tpu.sem_alloc : memref<!tpu.dma_semaphore, #tpu.memory_space<semaphore_mem>>
          %dma_start3A = tpu.memref_slice %arg3[%add3A] : memref<163840xi32, #tpu.memory_space<hbm>> -> memref<128xi32, #tpu.memory_space<hbm>>
          %dma_start3A_31 = tpu.memref_slice %arg3[%add3A] : memref<163840xi32, #tpu.memory_space<hbm>> -> memref<128xi32, #tpu.memory_space<hbm>>
          tpu.enqueue_dma source(%dma_start3A_31 : memref<128xi32, #tpu.memory_space<hbm>>) target(%arg6 : memref<128xi32, #tpu.memory_space<vmem>>) target_semaphore(%run_scoped3A : memref<!tpu.dma_semaphore, #tpu.memory_space<semaphore_mem>>)
          %dma_wait3A = tpu.memref_slice %arg3[%add3A] : memref<163840xi32, #tpu.memory_space<hbm>> -> memref<128xi32, #tpu.memory_space<hbm>>
          %dma_wait3A_32 = tpu.memref_slice %arg3[%add3A] : memref<163840xi32, #tpu.memory_space<hbm>> -> memref<128xi32, #tpu.memory_space<hbm>>
          tpu.wait_dma2 semaphore(%run_scoped3A : memref<!tpu.dma_semaphore, #tpu.memory_space<semaphore_mem>>) src(%dma_wait3A_32 : memref<128xi32, #tpu.memory_space<hbm>>) dst(%arg6 : memref<128xi32, #tpu.memory_space<vmem>>)
          tpu.yield
        }) : () -> ()
        "tpu.region"() ({
          %run_scoped3A = tpu.sem_alloc : memref<!tpu.dma_semaphore, #tpu.memory_space<semaphore_mem>>
          %dma_start3A = arith.constant 128 : i32
          %dma_start3A_31 = tpu.memref_slice %arg2[%add3A, %dma_start3A] : memref<163840x256xf32, #tpu.memory_space<hbm>> -> memref<128x128xf32, #tpu.memory_space<hbm>>
          %dma_start3A_32 = arith.constant 128 : i32
          %dma_start3A_33 = tpu.memref_slice %arg2[%add3A, %dma_start3A_32] : memref<163840x256xf32, #tpu.memory_space<hbm>> -> memref<128x128xf32, #tpu.memory_space<hbm>>
          tpu.enqueue_dma source(%dma_start3A_33 : memref<128x128xf32, #tpu.memory_space<hbm>>) target(%arg7 : memref<128x128xf32, #tpu.memory_space<vmem>>) target_semaphore(%run_scoped3A : memref<!tpu.dma_semaphore, #tpu.memory_space<semaphore_mem>>)
          %dma_wait3A = arith.constant 128 : i32
          %dma_wait3A_34 = tpu.memref_slice %arg2[%add3A, %dma_wait3A] : memref<163840x256xf32, #tpu.memory_space<hbm>> -> memref<128x128xf32, #tpu.memory_space<hbm>>
          %dma_wait3A_35 = arith.constant 128 : i32
          %dma_wait3A_36 = tpu.memref_slice %arg2[%add3A, %dma_wait3A_35] : memref<163840x256xf32, #tpu.memory_space<hbm>> -> memref<128x128xf32, #tpu.memory_space<hbm>>
          tpu.wait_dma2 semaphore(%run_scoped3A : memref<!tpu.dma_semaphore, #tpu.memory_space<semaphore_mem>>) src(%dma_wait3A_36 : memref<128x128xf32, #tpu.memory_space<hbm>>) dst(%arg7 : memref<128x128xf32, #tpu.memory_space<vmem>>)
          tpu.yield
        }) : () -> ()
        "tpu.region"() ({
          %run_scoped3A = tpu.sem_alloc : memref<!tpu.dma_semaphore, #tpu.memory_space<semaphore_mem>>
          %dma_start3A = arith.constant 0 : i32
          %dma_start3A_31 = arith.constant 0 : i32
          %dma_start3A_32 = tpu.memref_slice %arg8[%dma_start3A, %dma_start3A_31] : memref<10240x128xf32, #tpu.memory_space<vmem_shared>> -> memref<10240x128xf32, #tpu.memory_space<vmem_shared>>
          tpu.enqueue_indirect_dma source(%arg7 : memref<128x128xf32, #tpu.memory_space<vmem>>) target(%dma_start3A_32 : memref<10240x128xf32, #tpu.memory_space<vmem_shared>>) offsets(%arg6 : memref<128xi32, #tpu.memory_space<vmem>>) semaphore(%run_scoped3A : memref<!tpu.dma_semaphore, #tpu.memory_space<semaphore_mem>>) {add = true}
          %dma_wait3A = arith.constant 0 : i32
          %dma_wait3A_33 = arith.constant 0 : i32
          %dma_wait3A_34 = tpu.memref_slice %arg8[%dma_wait3A, %dma_wait3A_33] : memref<10240x128xf32, #tpu.memory_space<vmem_shared>> -> memref<10240x128xf32, #tpu.memory_space<vmem_shared>>
          tpu.wait_indirect_dma semaphore(%run_scoped3A : memref<!tpu.dma_semaphore, #tpu.memory_space<semaphore_mem>>) src(%arg7 : memref<128x128xf32, #tpu.memory_space<vmem>>) dst(%dma_wait3A_34 : memref<10240x128xf32, #tpu.memory_space<vmem_shared>>)
          tpu.yield
        }) : () -> ()
      }
      %scan3A_25 = arith.constant 80 : i32
    } else {
    }
    %barrier3A_10 = arith.constant 0 : index
    tpu.barrier barrier_id(%barrier3A_10)
    %eq3A_11 = arith.constant 0 : i32
    %eq3A_12 = arith.cmpi eq, %arg0, %eq3A_11 : i32
    %convert_element_type3A_13 = arith.extui %eq3A_12 : i1 to i32
    %cond3A_14 = arith.constant 0 : i32
    %cond3A_15 = arith.cmpi ne, %convert_element_type3A_13, %cond3A_14 : i32
    scf.if %cond3A_15 {
      %mul3A_21 = arith.constant 640 : i32
      %mul3A_22 = arith.muli %arg1, %mul3A_21 : i32
      %mul3A_23 = arith.constant 640 : i32
      %mul3A_24 = arith.muli %arg1, %mul3A_23 : i32
      "tpu.region"() ({
        %run_scoped3A = tpu.sem_alloc : memref<!tpu.dma_semaphore, #tpu.memory_space<semaphore_mem>>
        %dma_start3A = arith.constant 0 : i32
        %dma_start3A_25 = tpu.memref_slice %arg5[%mul3A_24, %dma_start3A] : memref<10240x256xf32, #tpu.memory_space<hbm>> -> memref<640x128xf32, #tpu.memory_space<hbm>>
        %dma_start3A_26 = arith.constant 0 : i32
        %dma_start3A_27 = tpu.memref_slice %arg8[%mul3A_22, %dma_start3A_26] : memref<10240x128xf32, #tpu.memory_space<vmem_shared>> -> memref<640x128xf32, #tpu.memory_space<vmem_shared>>
        tpu.enqueue_dma source(%dma_start3A_27 : memref<640x128xf32, #tpu.memory_space<vmem_shared>>) target(%dma_start3A_25 : memref<640x128xf32, #tpu.memory_space<hbm>>) target_semaphore(%run_scoped3A : memref<!tpu.dma_semaphore, #tpu.memory_space<semaphore_mem>>)
        %dma_wait3A = arith.constant 0 : i32
        %dma_wait3A_28 = tpu.memref_slice %arg5[%mul3A_24, %dma_wait3A] : memref<10240x256xf32, #tpu.memory_space<hbm>> -> memref<640x128xf32, #tpu.memory_space<hbm>>
        %dma_wait3A_29 = arith.constant 0 : i32
        %dma_wait3A_30 = tpu.memref_slice %arg8[%mul3A_22, %dma_wait3A_29] : memref<10240x128xf32, #tpu.memory_space<vmem_shared>> -> memref<640x128xf32, #tpu.memory_space<vmem_shared>>
        tpu.wait_dma2 semaphore(%run_scoped3A : memref<!tpu.dma_semaphore, #tpu.memory_space<semaphore_mem>>) src(%dma_wait3A_30 : memref<640x128xf32, #tpu.memory_space<vmem_shared>>) dst(%dma_wait3A_28 : memref<640x128xf32, #tpu.memory_space<hbm>>)
        tpu.yield
      }) : () -> ()
    } else {
    }
    %eq3A_16 = arith.constant 1 : i32
    %eq3A_17 = arith.cmpi eq, %arg0, %eq3A_16 : i32
    %convert_element_type3A_18 = arith.extui %eq3A_17 : i1 to i32
    %cond3A_19 = arith.constant 0 : i32
    %cond3A_20 = arith.cmpi ne, %convert_element_type3A_18, %cond3A_19 : i32
    scf.if %cond3A_20 {
      %mul3A_21 = arith.constant 640 : i32
      %mul3A_22 = arith.muli %arg1, %mul3A_21 : i32
      %mul3A_23 = arith.constant 640 : i32
      %mul3A_24 = arith.muli %arg1, %mul3A_23 : i32
      "tpu.region"() ({
        %run_scoped3A = tpu.sem_alloc : memref<!tpu.dma_semaphore, #tpu.memory_space<semaphore_mem>>
        %dma_start3A = arith.constant 128 : i32
        %dma_start3A_25 = tpu.memref_slice %arg5[%mul3A_24, %dma_start3A] : memref<10240x256xf32, #tpu.memory_space<hbm>> -> memref<640x128xf32, #tpu.memory_space<hbm>>
        %dma_start3A_26 = arith.constant 0 : i32
        %dma_start3A_27 = tpu.memref_slice %arg8[%mul3A_22, %dma_start3A_26] : memref<10240x128xf32, #tpu.memory_space<vmem_shared>> -> memref<640x128xf32, #tpu.memory_space<vmem_shared>>
        tpu.enqueue_dma source(%dma_start3A_27 : memref<640x128xf32, #tpu.memory_space<vmem_shared>>) target(%dma_start3A_25 : memref<640x128xf32, #tpu.memory_space<hbm>>) target_semaphore(%run_scoped3A : memref<!tpu.dma_semaphore, #tpu.memory_space<semaphore_mem>>)
        %dma_wait3A = arith.constant 128 : i32
        %dma_wait3A_28 = tpu.memref_slice %arg5[%mul3A_24, %dma_wait3A] : memref<10240x256xf32, #tpu.memory_space<hbm>> -> memref<640x128xf32, #tpu.memory_space<hbm>>
        %dma_wait3A_29 = arith.constant 0 : i32
        %dma_wait3A_30 = tpu.memref_slice %arg8[%mul3A_22, %dma_wait3A_29] : memref<10240x128xf32, #tpu.memory_space<vmem_shared>> -> memref<640x128xf32, #tpu.memory_space<vmem_shared>>
        tpu.wait_dma2 semaphore(%run_scoped3A : memref<!tpu.dma_semaphore, #tpu.memory_space<semaphore_mem>>) src(%dma_wait3A_30 : memref<640x128xf32, #tpu.memory_space<vmem_shared>>) dst(%dma_wait3A_28 : memref<640x128xf32, #tpu.memory_space<hbm>>)
        tpu.yield
      }) : () -> ()
    } else {
    }
    return
  }
}

#map = affine_map<(d0, d1) -> (0, 0)>
module attributes {stable_mosaic.version = 14 : i64} {
  func.func @k(%arg0: i32, %arg1: i32, %arg2: memref<10240x256xf32, #tpu.memory_space<hbm>>, %arg3: memref<10240x512xf32, #tpu.memory_space<hbm>>, %arg4: memref<2560x64xi32, #tpu.memory_space<hbm>>, %arg5: memref<2560x64xi32, #tpu.memory_space<hbm>>, %arg6: memref<163840x256xf32, #tpu.memory_space<hbm>>, %arg7: memref<163840x512xf32, #tpu.memory_space<hbm>>, %arg8: memref<80x64xi32, #tpu.memory_space<vmem>>, %arg9: memref<80x64xi32, #tpu.memory_space<vmem>>, %arg10: memref<64x256xf32, #tpu.memory_space<vmem>>, %arg11: memref<64x512xf32, #tpu.memory_space<vmem>>, %arg12: memref<64x256xf32, #tpu.memory_space<vmem>>, %arg13: memref<64x512xf32, #tpu.memory_space<vmem>>, %arg14: memref<!tpu.dma_semaphore, #tpu.memory_space<semaphore_mem>>, %arg15: memref<!tpu.dma_semaphore, #tpu.memory_space<semaphore_mem>>, %arg16: memref<!tpu.dma_semaphore, #tpu.memory_space<semaphore_mem>>, %arg17: memref<!tpu.dma_semaphore, #tpu.memory_space<semaphore_mem>>) attributes {dimension_semantics = [#tpu.dimension_semantics<core_parallel>, #tpu.dimension_semantics<subcore_parallel>], iteration_bounds = array<i64: 2, 16>, scalar_prefetch = 0 : i64, scratch_operands = 10 : i64, tpu.core_type = #tpu.core_type<sc_vector_subcore>, window_params = [{transform_indices = #map}, {transform_indices = #map}, {transform_indices = #map}, {transform_indices = #map}, {transform_indices = #map}, {transform_indices = #map}]} {
    %mul3A = arith.constant 2 : i32
    %mul3A_0 = arith.muli %arg1, %mul3A : i32
    %add3A = arith.addi %mul3A_0, %arg0 : i32
    %mul3A_1 = arith.constant 80 : i32
    %mul3A_2 = arith.muli %add3A, %mul3A_1 : i32
    "tpu.region"() ({
      %run_scoped3A = tpu.sem_alloc : memref<!tpu.dma_semaphore, #tpu.memory_space<semaphore_mem>>
      %dma_start3A_21 = arith.constant 0 : i32
      %dma_start3A_22 = tpu.memref_slice %arg4[%mul3A_2, %dma_start3A_21] : memref<2560x64xi32, #tpu.memory_space<hbm>> -> memref<80x64xi32, #tpu.memory_space<hbm>>
      %dma_start3A_23 = arith.constant 0 : i32
      %dma_start3A_24 = tpu.memref_slice %arg4[%mul3A_2, %dma_start3A_23] : memref<2560x64xi32, #tpu.memory_space<hbm>> -> memref<80x64xi32, #tpu.memory_space<hbm>>
      tpu.enqueue_dma source(%dma_start3A_24 : memref<80x64xi32, #tpu.memory_space<hbm>>) target(%arg8 : memref<80x64xi32, #tpu.memory_space<vmem>>) target_semaphore(%run_scoped3A : memref<!tpu.dma_semaphore, #tpu.memory_space<semaphore_mem>>)
      %dma_wait3A = arith.constant 0 : i32
      %dma_wait3A_25 = tpu.memref_slice %arg4[%mul3A_2, %dma_wait3A] : memref<2560x64xi32, #tpu.memory_space<hbm>> -> memref<80x64xi32, #tpu.memory_space<hbm>>
      %dma_wait3A_26 = arith.constant 0 : i32
      %dma_wait3A_27 = tpu.memref_slice %arg4[%mul3A_2, %dma_wait3A_26] : memref<2560x64xi32, #tpu.memory_space<hbm>> -> memref<80x64xi32, #tpu.memory_space<hbm>>
      tpu.wait_dma2 semaphore(%run_scoped3A : memref<!tpu.dma_semaphore, #tpu.memory_space<semaphore_mem>>) src(%dma_wait3A_27 : memref<80x64xi32, #tpu.memory_space<hbm>>) dst(%arg8 : memref<80x64xi32, #tpu.memory_space<vmem>>)
      tpu.yield
    }) : () -> ()
    "tpu.region"() ({
      %run_scoped3A = tpu.sem_alloc : memref<!tpu.dma_semaphore, #tpu.memory_space<semaphore_mem>>
      %dma_start3A_21 = arith.constant 0 : i32
      %dma_start3A_22 = tpu.memref_slice %arg5[%mul3A_2, %dma_start3A_21] : memref<2560x64xi32, #tpu.memory_space<hbm>> -> memref<80x64xi32, #tpu.memory_space<hbm>>
      %dma_start3A_23 = arith.constant 0 : i32
      %dma_start3A_24 = tpu.memref_slice %arg5[%mul3A_2, %dma_start3A_23] : memref<2560x64xi32, #tpu.memory_space<hbm>> -> memref<80x64xi32, #tpu.memory_space<hbm>>
      tpu.enqueue_dma source(%dma_start3A_24 : memref<80x64xi32, #tpu.memory_space<hbm>>) target(%arg9 : memref<80x64xi32, #tpu.memory_space<vmem>>) target_semaphore(%run_scoped3A : memref<!tpu.dma_semaphore, #tpu.memory_space<semaphore_mem>>)
      %dma_wait3A = arith.constant 0 : i32
      %dma_wait3A_25 = tpu.memref_slice %arg5[%mul3A_2, %dma_wait3A] : memref<2560x64xi32, #tpu.memory_space<hbm>> -> memref<80x64xi32, #tpu.memory_space<hbm>>
      %dma_wait3A_26 = arith.constant 0 : i32
      %dma_wait3A_27 = tpu.memref_slice %arg5[%mul3A_2, %dma_wait3A_26] : memref<2560x64xi32, #tpu.memory_space<hbm>> -> memref<80x64xi32, #tpu.memory_space<hbm>>
      tpu.wait_dma2 semaphore(%run_scoped3A : memref<!tpu.dma_semaphore, #tpu.memory_space<semaphore_mem>>) src(%dma_wait3A_27 : memref<80x64xi32, #tpu.memory_space<hbm>>) dst(%arg9 : memref<80x64xi32, #tpu.memory_space<vmem>>)
      tpu.yield
    }) : () -> ()
    %dma_start3A = arith.constant 0 : i32
    %dma_start3A_3 = arith.constant 0 : i32
    %dma_start3A_4 = tpu.memref_slice %arg8[%dma_start3A, %dma_start3A_3] : memref<80x64xi32, #tpu.memory_space<vmem>> -> memref<1x64xi32, #tpu.memory_space<vmem>>
    %dma_start3A_5 = tpu.memref_squeeze %dma_start3A_4 : memref<1x64xi32, #tpu.memory_space<vmem>> -> memref<64xi32, #tpu.memory_space<vmem>>
    %dma_start3A_6 = arith.constant 0 : i32
    %dma_start3A_7 = arith.constant 0 : i32
    %dma_start3A_8 = tpu.memref_slice %arg2[%dma_start3A_6, %dma_start3A_7] : memref<10240x256xf32, #tpu.memory_space<hbm>> -> memref<10240x256xf32, #tpu.memory_space<hbm>>
    tpu.enqueue_indirect_dma source(%dma_start3A_8 : memref<10240x256xf32, #tpu.memory_space<hbm>>) target(%arg10 : memref<64x256xf32, #tpu.memory_space<vmem>>) offsets(%dma_start3A_5 : memref<64xi32, #tpu.memory_space<vmem>>) semaphore(%arg14 : memref<!tpu.dma_semaphore, #tpu.memory_space<semaphore_mem>>)
    %dma_start3A_9 = arith.constant 0 : i32
    %dma_start3A_10 = arith.constant 0 : i32
    %dma_start3A_11 = tpu.memref_slice %arg9[%dma_start3A_9, %dma_start3A_10] : memref<80x64xi32, #tpu.memory_space<vmem>> -> memref<1x64xi32, #tpu.memory_space<vmem>>
    %dma_start3A_12 = tpu.memref_squeeze %dma_start3A_11 : memref<1x64xi32, #tpu.memory_space<vmem>> -> memref<64xi32, #tpu.memory_space<vmem>>
    %dma_start3A_13 = arith.constant 0 : i32
    %dma_start3A_14 = arith.constant 0 : i32
    %dma_start3A_15 = tpu.memref_slice %arg3[%dma_start3A_13, %dma_start3A_14] : memref<10240x512xf32, #tpu.memory_space<hbm>> -> memref<10240x512xf32, #tpu.memory_space<hbm>>
    tpu.enqueue_indirect_dma source(%dma_start3A_15 : memref<10240x512xf32, #tpu.memory_space<hbm>>) target(%arg11 : memref<64x512xf32, #tpu.memory_space<vmem>>) offsets(%dma_start3A_12 : memref<64xi32, #tpu.memory_space<vmem>>) semaphore(%arg15 : memref<!tpu.dma_semaphore, #tpu.memory_space<semaphore_mem>>)
    %scan3A = arith.constant 0 : i32
    %scan3A_16 = arith.constant 0 : i32
    %scan3A_17 = arith.constant 40 : i32
    %scan3A_18 = arith.addi %scan3A_16, %scan3A_17 : i32
    %scan3A_19 = arith.constant 1 : i32
    scf.for %scan3A_21 = %scan3A_16 to %scan3A_18 step %scan3A_19  : i32 {
      %mul3A_22 = arith.constant 2 : i32
      %mul3A_23 = arith.muli %mul3A_22, %scan3A_21 : i32
      %add3A_24 = arith.constant 1 : i32
      %add3A_25 = arith.addi %mul3A_23, %add3A_24 : i32
      %dma_start3A_26 = arith.constant 0 : i32
      %dma_start3A_27 = tpu.memref_slice %arg8[%add3A_25, %dma_start3A_26] : memref<80x64xi32, #tpu.memory_space<vmem>> -> memref<1x64xi32, #tpu.memory_space<vmem>>
      %dma_start3A_28 = tpu.memref_squeeze %dma_start3A_27 : memref<1x64xi32, #tpu.memory_space<vmem>> -> memref<64xi32, #tpu.memory_space<vmem>>
      %dma_start3A_29 = arith.constant 0 : i32
      %dma_start3A_30 = arith.constant 0 : i32
      %dma_start3A_31 = tpu.memref_slice %arg2[%dma_start3A_29, %dma_start3A_30] : memref<10240x256xf32, #tpu.memory_space<hbm>> -> memref<10240x256xf32, #tpu.memory_space<hbm>>
      tpu.enqueue_indirect_dma source(%dma_start3A_31 : memref<10240x256xf32, #tpu.memory_space<hbm>>) target(%arg12 : memref<64x256xf32, #tpu.memory_space<vmem>>) offsets(%dma_start3A_28 : memref<64xi32, #tpu.memory_space<vmem>>) semaphore(%arg16 : memref<!tpu.dma_semaphore, #tpu.memory_space<semaphore_mem>>)
      %add3A_32 = arith.constant 1 : i32
      %add3A_33 = arith.addi %mul3A_23, %add3A_32 : i32
      %dma_start3A_34 = arith.constant 0 : i32
      %dma_start3A_35 = tpu.memref_slice %arg9[%add3A_33, %dma_start3A_34] : memref<80x64xi32, #tpu.memory_space<vmem>> -> memref<1x64xi32, #tpu.memory_space<vmem>>
      %dma_start3A_36 = tpu.memref_squeeze %dma_start3A_35 : memref<1x64xi32, #tpu.memory_space<vmem>> -> memref<64xi32, #tpu.memory_space<vmem>>
      %dma_start3A_37 = arith.constant 0 : i32
      %dma_start3A_38 = arith.constant 0 : i32
      %dma_start3A_39 = tpu.memref_slice %arg3[%dma_start3A_37, %dma_start3A_38] : memref<10240x512xf32, #tpu.memory_space<hbm>> -> memref<10240x512xf32, #tpu.memory_space<hbm>>
      tpu.enqueue_indirect_dma source(%dma_start3A_39 : memref<10240x512xf32, #tpu.memory_space<hbm>>) target(%arg13 : memref<64x512xf32, #tpu.memory_space<vmem>>) offsets(%dma_start3A_36 : memref<64xi32, #tpu.memory_space<vmem>>) semaphore(%arg17 : memref<!tpu.dma_semaphore, #tpu.memory_space<semaphore_mem>>)
      %dma_wait3A = arith.constant 0 : i32
      %dma_wait3A_40 = arith.constant 0 : i32
      %dma_wait3A_41 = tpu.memref_slice %arg2[%dma_wait3A, %dma_wait3A_40] : memref<10240x256xf32, #tpu.memory_space<hbm>> -> memref<64x256xf32, #tpu.memory_space<hbm>>
      %dma_wait3A_42 = arith.constant 0 : i32
      %dma_wait3A_43 = arith.constant 0 : i32
      %dma_wait3A_44 = tpu.memref_slice %arg2[%dma_wait3A_42, %dma_wait3A_43] : memref<10240x256xf32, #tpu.memory_space<hbm>> -> memref<64x256xf32, #tpu.memory_space<hbm>>
      tpu.wait_dma2 semaphore(%arg14 : memref<!tpu.dma_semaphore, #tpu.memory_space<semaphore_mem>>) src(%dma_wait3A_44 : memref<64x256xf32, #tpu.memory_space<hbm>>) dst(%arg10 : memref<64x256xf32, #tpu.memory_space<vmem>>)
      %add3A_45 = arith.addi %mul3A_2, %mul3A_23 : i32
      %mul3A_46 = arith.constant 64 : i32
      %mul3A_47 = arith.muli %add3A_45, %mul3A_46 : i32
      "tpu.region"() ({
        %run_scoped3A = tpu.sem_alloc : memref<!tpu.dma_semaphore, #tpu.memory_space<semaphore_mem>>
        %dma_start3A_83 = arith.constant 0 : i32
        %dma_start3A_84 = tpu.memref_slice %arg6[%mul3A_47, %dma_start3A_83] : memref<163840x256xf32, #tpu.memory_space<hbm>> -> memref<64x256xf32, #tpu.memory_space<hbm>>
        %dma_start3A_85 = arith.constant 0 : i32
        %dma_start3A_86 = tpu.memref_slice %arg6[%mul3A_47, %dma_start3A_85] : memref<163840x256xf32, #tpu.memory_space<hbm>> -> memref<64x256xf32, #tpu.memory_space<hbm>>
        tpu.enqueue_dma source(%arg10 : memref<64x256xf32, #tpu.memory_space<vmem>>) target(%dma_start3A_86 : memref<64x256xf32, #tpu.memory_space<hbm>>) target_semaphore(%run_scoped3A : memref<!tpu.dma_semaphore, #tpu.memory_space<semaphore_mem>>)
        %dma_wait3A_87 = arith.constant 0 : i32
        %dma_wait3A_88 = tpu.memref_slice %arg6[%mul3A_47, %dma_wait3A_87] : memref<163840x256xf32, #tpu.memory_space<hbm>> -> memref<64x256xf32, #tpu.memory_space<hbm>>
        %dma_wait3A_89 = arith.constant 0 : i32
        %dma_wait3A_90 = tpu.memref_slice %arg6[%mul3A_47, %dma_wait3A_89] : memref<163840x256xf32, #tpu.memory_space<hbm>> -> memref<64x256xf32, #tpu.memory_space<hbm>>
        tpu.wait_dma2 semaphore(%run_scoped3A : memref<!tpu.dma_semaphore, #tpu.memory_space<semaphore_mem>>) src(%arg10 : memref<64x256xf32, #tpu.memory_space<vmem>>) dst(%dma_wait3A_90 : memref<64x256xf32, #tpu.memory_space<hbm>>)
        tpu.yield
      }) : () -> ()
      %dma_wait3A_48 = arith.constant 0 : i32
      %dma_wait3A_49 = arith.constant 0 : i32
      %dma_wait3A_50 = tpu.memref_slice %arg3[%dma_wait3A_48, %dma_wait3A_49] : memref<10240x512xf32, #tpu.memory_space<hbm>> -> memref<64x512xf32, #tpu.memory_space<hbm>>
      %dma_wait3A_51 = arith.constant 0 : i32
      %dma_wait3A_52 = arith.constant 0 : i32
      %dma_wait3A_53 = tpu.memref_slice %arg3[%dma_wait3A_51, %dma_wait3A_52] : memref<10240x512xf32, #tpu.memory_space<hbm>> -> memref<64x512xf32, #tpu.memory_space<hbm>>
      tpu.wait_dma2 semaphore(%arg15 : memref<!tpu.dma_semaphore, #tpu.memory_space<semaphore_mem>>) src(%dma_wait3A_53 : memref<64x512xf32, #tpu.memory_space<hbm>>) dst(%arg11 : memref<64x512xf32, #tpu.memory_space<vmem>>)
      %add3A_54 = arith.addi %mul3A_2, %mul3A_23 : i32
      %mul3A_55 = arith.constant 64 : i32
      %mul3A_56 = arith.muli %add3A_54, %mul3A_55 : i32
      "tpu.region"() ({
        %run_scoped3A = tpu.sem_alloc : memref<!tpu.dma_semaphore, #tpu.memory_space<semaphore_mem>>
        %dma_start3A_83 = arith.constant 0 : i32
        %dma_start3A_84 = tpu.memref_slice %arg7[%mul3A_56, %dma_start3A_83] : memref<163840x512xf32, #tpu.memory_space<hbm>> -> memref<64x512xf32, #tpu.memory_space<hbm>>
        %dma_start3A_85 = arith.constant 0 : i32
        %dma_start3A_86 = tpu.memref_slice %arg7[%mul3A_56, %dma_start3A_85] : memref<163840x512xf32, #tpu.memory_space<hbm>> -> memref<64x512xf32, #tpu.memory_space<hbm>>
        tpu.enqueue_dma source(%arg11 : memref<64x512xf32, #tpu.memory_space<vmem>>) target(%dma_start3A_86 : memref<64x512xf32, #tpu.memory_space<hbm>>) target_semaphore(%run_scoped3A : memref<!tpu.dma_semaphore, #tpu.memory_space<semaphore_mem>>)
        %dma_wait3A_87 = arith.constant 0 : i32
        %dma_wait3A_88 = tpu.memref_slice %arg7[%mul3A_56, %dma_wait3A_87] : memref<163840x512xf32, #tpu.memory_space<hbm>> -> memref<64x512xf32, #tpu.memory_space<hbm>>
        %dma_wait3A_89 = arith.constant 0 : i32
        %dma_wait3A_90 = tpu.memref_slice %arg7[%mul3A_56, %dma_wait3A_89] : memref<163840x512xf32, #tpu.memory_space<hbm>> -> memref<64x512xf32, #tpu.memory_space<hbm>>
        tpu.wait_dma2 semaphore(%run_scoped3A : memref<!tpu.dma_semaphore, #tpu.memory_space<semaphore_mem>>) src(%arg11 : memref<64x512xf32, #tpu.memory_space<vmem>>) dst(%dma_wait3A_90 : memref<64x512xf32, #tpu.memory_space<hbm>>)
        tpu.yield
      }) : () -> ()
      %add3A_57 = arith.constant 2 : i32
      %add3A_58 = arith.addi %mul3A_23, %add3A_57 : i32
      %lt3A = arith.constant 80 : i32
      %lt3A_59 = arith.cmpi slt, %add3A_58, %lt3A : i32
      %convert_element_type3A = arith.extui %lt3A_59 : i1 to i32
      %cond3A = arith.constant 0 : i32
      %cond3A_60 = arith.cmpi ne, %convert_element_type3A, %cond3A : i32
      scf.if %cond3A_60 {
        %add3A_83 = arith.constant 2 : i32
        %add3A_84 = arith.addi %mul3A_23, %add3A_83 : i32
        %dma_start3A_85 = arith.constant 0 : i32
        %dma_start3A_86 = tpu.memref_slice %arg8[%add3A_84, %dma_start3A_85] : memref<80x64xi32, #tpu.memory_space<vmem>> -> memref<1x64xi32, #tpu.memory_space<vmem>>
        %dma_start3A_87 = tpu.memref_squeeze %dma_start3A_86 : memref<1x64xi32, #tpu.memory_space<vmem>> -> memref<64xi32, #tpu.memory_space<vmem>>
        %dma_start3A_88 = arith.constant 0 : i32
        %dma_start3A_89 = arith.constant 0 : i32
        %dma_start3A_90 = tpu.memref_slice %arg2[%dma_start3A_88, %dma_start3A_89] : memref<10240x256xf32, #tpu.memory_space<hbm>> -> memref<10240x256xf32, #tpu.memory_space<hbm>>
        tpu.enqueue_indirect_dma source(%dma_start3A_90 : memref<10240x256xf32, #tpu.memory_space<hbm>>) target(%arg10 : memref<64x256xf32, #tpu.memory_space<vmem>>) offsets(%dma_start3A_87 : memref<64xi32, #tpu.memory_space<vmem>>) semaphore(%arg14 : memref<!tpu.dma_semaphore, #tpu.memory_space<semaphore_mem>>)
        %add3A_91 = arith.constant 2 : i32
        %add3A_92 = arith.addi %mul3A_23, %add3A_91 : i32
        %dma_start3A_93 = arith.constant 0 : i32
        %dma_start3A_94 = tpu.memref_slice %arg9[%add3A_92, %dma_start3A_93] : memref<80x64xi32, #tpu.memory_space<vmem>> -> memref<1x64xi32, #tpu.memory_space<vmem>>
        %dma_start3A_95 = tpu.memref_squeeze %dma_start3A_94 : memref<1x64xi32, #tpu.memory_space<vmem>> -> memref<64xi32, #tpu.memory_space<vmem>>
        %dma_start3A_96 = arith.constant 0 : i32
        %dma_start3A_97 = arith.constant 0 : i32
        %dma_start3A_98 = tpu.memref_slice %arg3[%dma_start3A_96, %dma_start3A_97] : memref<10240x512xf32, #tpu.memory_space<hbm>> -> memref<10240x512xf32, #tpu.memory_space<hbm>>
        tpu.enqueue_indirect_dma source(%dma_start3A_98 : memref<10240x512xf32, #tpu.memory_space<hbm>>) target(%arg11 : memref<64x512xf32, #tpu.memory_space<vmem>>) offsets(%dma_start3A_95 : memref<64xi32, #tpu.memory_space<vmem>>) semaphore(%arg15 : memref<!tpu.dma_semaphore, #tpu.memory_space<semaphore_mem>>)
      } else {
      }
      %dma_wait3A_61 = arith.constant 0 : i32
      %dma_wait3A_62 = arith.constant 0 : i32
      %dma_wait3A_63 = tpu.memref_slice %arg2[%dma_wait3A_61, %dma_wait3A_62] : memref<10240x256xf32, #tpu.memory_space<hbm>> -> memref<64x256xf32, #tpu.memory_space<hbm>>
      %dma_wait3A_64 = arith.constant 0 : i32
      %dma_wait3A_65 = arith.constant 0 : i32
      %dma_wait3A_66 = tpu.memref_slice %arg2[%dma_wait3A_64, %dma_wait3A_65] : memref<10240x256xf32, #tpu.memory_space<hbm>> -> memref<64x256xf32, #tpu.memory_space<hbm>>
      tpu.wait_dma2 semaphore(%arg16 : memref<!tpu.dma_semaphore, #tpu.memory_space<semaphore_mem>>) src(%dma_wait3A_66 : memref<64x256xf32, #tpu.memory_space<hbm>>) dst(%arg12 : memref<64x256xf32, #tpu.memory_space<vmem>>)
      %add3A_67 = arith.addi %mul3A_2, %mul3A_23 : i32
      %add3A_68 = arith.constant 1 : i32
      %add3A_69 = arith.addi %add3A_67, %add3A_68 : i32
      %mul3A_70 = arith.constant 64 : i32
      %mul3A_71 = arith.muli %add3A_69, %mul3A_70 : i32
      "tpu.region"() ({
        %run_scoped3A = tpu.sem_alloc : memref<!tpu.dma_semaphore, #tpu.memory_space<semaphore_mem>>
        %dma_start3A_83 = arith.constant 0 : i32
        %dma_start3A_84 = tpu.memref_slice %arg6[%mul3A_71, %dma_start3A_83] : memref<163840x256xf32, #tpu.memory_space<hbm>> -> memref<64x256xf32, #tpu.memory_space<hbm>>
        %dma_start3A_85 = arith.constant 0 : i32
        %dma_start3A_86 = tpu.memref_slice %arg6[%mul3A_71, %dma_start3A_85] : memref<163840x256xf32, #tpu.memory_space<hbm>> -> memref<64x256xf32, #tpu.memory_space<hbm>>
        tpu.enqueue_dma source(%arg12 : memref<64x256xf32, #tpu.memory_space<vmem>>) target(%dma_start3A_86 : memref<64x256xf32, #tpu.memory_space<hbm>>) target_semaphore(%run_scoped3A : memref<!tpu.dma_semaphore, #tpu.memory_space<semaphore_mem>>)
        %dma_wait3A_87 = arith.constant 0 : i32
        %dma_wait3A_88 = tpu.memref_slice %arg6[%mul3A_71, %dma_wait3A_87] : memref<163840x256xf32, #tpu.memory_space<hbm>> -> memref<64x256xf32, #tpu.memory_space<hbm>>
        %dma_wait3A_89 = arith.constant 0 : i32
        %dma_wait3A_90 = tpu.memref_slice %arg6[%mul3A_71, %dma_wait3A_89] : memref<163840x256xf32, #tpu.memory_space<hbm>> -> memref<64x256xf32, #tpu.memory_space<hbm>>
        tpu.wait_dma2 semaphore(%run_scoped3A : memref<!tpu.dma_semaphore, #tpu.memory_space<semaphore_mem>>) src(%arg12 : memref<64x256xf32, #tpu.memory_space<vmem>>) dst(%dma_wait3A_90 : memref<64x256xf32, #tpu.memory_space<hbm>>)
        tpu.yield
      }) : () -> ()
      %dma_wait3A_72 = arith.constant 0 : i32
      %dma_wait3A_73 = arith.constant 0 : i32
      %dma_wait3A_74 = tpu.memref_slice %arg3[%dma_wait3A_72, %dma_wait3A_73] : memref<10240x512xf32, #tpu.memory_space<hbm>> -> memref<64x512xf32, #tpu.memory_space<hbm>>
      %dma_wait3A_75 = arith.constant 0 : i32
      %dma_wait3A_76 = arith.constant 0 : i32
      %dma_wait3A_77 = tpu.memref_slice %arg3[%dma_wait3A_75, %dma_wait3A_76] : memref<10240x512xf32, #tpu.memory_space<hbm>> -> memref<64x512xf32, #tpu.memory_space<hbm>>
      tpu.wait_dma2 semaphore(%arg17 : memref<!tpu.dma_semaphore, #tpu.memory_space<semaphore_mem>>) src(%dma_wait3A_77 : memref<64x512xf32, #tpu.memory_space<hbm>>) dst(%arg13 : memref<64x512xf32, #tpu.memory_space<vmem>>)
      %add3A_78 = arith.addi %mul3A_2, %mul3A_23 : i32
      %add3A_79 = arith.constant 1 : i32
      %add3A_80 = arith.addi %add3A_78, %add3A_79 : i32
      %mul3A_81 = arith.constant 64 : i32
      %mul3A_82 = arith.muli %add3A_80, %mul3A_81 : i32
      "tpu.region"() ({
        %run_scoped3A = tpu.sem_alloc : memref<!tpu.dma_semaphore, #tpu.memory_space<semaphore_mem>>
        %dma_start3A_83 = arith.constant 0 : i32
        %dma_start3A_84 = tpu.memref_slice %arg7[%mul3A_82, %dma_start3A_83] : memref<163840x512xf32, #tpu.memory_space<hbm>> -> memref<64x512xf32, #tpu.memory_space<hbm>>
        %dma_start3A_85 = arith.constant 0 : i32
        %dma_start3A_86 = tpu.memref_slice %arg7[%mul3A_82, %dma_start3A_85] : memref<163840x512xf32, #tpu.memory_space<hbm>> -> memref<64x512xf32, #tpu.memory_space<hbm>>
        tpu.enqueue_dma source(%arg13 : memref<64x512xf32, #tpu.memory_space<vmem>>) target(%dma_start3A_86 : memref<64x512xf32, #tpu.memory_space<hbm>>) target_semaphore(%run_scoped3A : memref<!tpu.dma_semaphore, #tpu.memory_space<semaphore_mem>>)
        %dma_wait3A_87 = arith.constant 0 : i32
        %dma_wait3A_88 = tpu.memref_slice %arg7[%mul3A_82, %dma_wait3A_87] : memref<163840x512xf32, #tpu.memory_space<hbm>> -> memref<64x512xf32, #tpu.memory_space<hbm>>
        %dma_wait3A_89 = arith.constant 0 : i32
        %dma_wait3A_90 = tpu.memref_slice %arg7[%mul3A_82, %dma_wait3A_89] : memref<163840x512xf32, #tpu.memory_space<hbm>> -> memref<64x512xf32, #tpu.memory_space<hbm>>
        tpu.wait_dma2 semaphore(%run_scoped3A : memref<!tpu.dma_semaphore, #tpu.memory_space<semaphore_mem>>) src(%arg13 : memref<64x512xf32, #tpu.memory_space<vmem>>) dst(%dma_wait3A_90 : memref<64x512xf32, #tpu.memory_space<hbm>>)
        tpu.yield
      }) : () -> ()
    }
    %scan3A_20 = arith.constant 40 : i32
    return
  }
}

#map = affine_map<(d0, d1) -> (0, 0)>
module attributes {stable_mosaic.version = 14 : i64} {
  func.func @k(%arg0: i32, %arg1: i32, %arg2: memref<10240x256xf32, #tpu.memory_space<hbm>>, %arg3: memref<10240x512xf32, #tpu.memory_space<hbm>>, %arg4: memref<2560x64xi32, #tpu.memory_space<hbm>>, %arg5: memref<2560x64xi32, #tpu.memory_space<hbm>>, %arg6: memref<163840x256xf32, #tpu.memory_space<hbm>>, %arg7: memref<163840x512xf32, #tpu.memory_space<hbm>>, %arg8: memref<80x64xi32, #tpu.memory_space<vmem>>, %arg9: memref<80x64xi32, #tpu.memory_space<vmem>>, %arg10: memref<64x256xf32, #tpu.memory_space<vmem>>, %arg11: memref<64x512xf32, #tpu.memory_space<vmem>>, %arg12: memref<64x256xf32, #tpu.memory_space<vmem>>, %arg13: memref<64x512xf32, #tpu.memory_space<vmem>>, %arg14: memref<!tpu.dma_semaphore, #tpu.memory_space<semaphore_mem>>, %arg15: memref<!tpu.dma_semaphore, #tpu.memory_space<semaphore_mem>>, %arg16: memref<!tpu.dma_semaphore, #tpu.memory_space<semaphore_mem>>, %arg17: memref<!tpu.dma_semaphore, #tpu.memory_space<semaphore_mem>>) attributes {dimension_semantics = [#tpu.dimension_semantics<core_parallel>, #tpu.dimension_semantics<subcore_parallel>], iteration_bounds = array<i64: 2, 16>, scalar_prefetch = 0 : i64, scratch_operands = 10 : i64, tpu.core_type = #tpu.core_type<sc_vector_subcore>, window_params = [{transform_indices = #map}, {transform_indices = #map}, {transform_indices = #map}, {transform_indices = #map}, {transform_indices = #map}, {transform_indices = #map}]} {
    %mul3A = arith.constant 2 : i32
    %mul3A_0 = arith.muli %arg1, %mul3A : i32
    %add3A = arith.addi %mul3A_0, %arg0 : i32
    %mul3A_1 = arith.constant 80 : i32
    %mul3A_2 = arith.muli %add3A, %mul3A_1 : i32
    "tpu.region"() ({
      %run_scoped3A = tpu.sem_alloc : memref<!tpu.dma_semaphore, #tpu.memory_space<semaphore_mem>>
      %dma_start3A_21 = arith.constant 0 : i32
      %dma_start3A_22 = tpu.memref_slice %arg4[%mul3A_2, %dma_start3A_21] : memref<2560x64xi32, #tpu.memory_space<hbm>> -> memref<80x64xi32, #tpu.memory_space<hbm>>
      %dma_start3A_23 = arith.constant 0 : i32
      %dma_start3A_24 = tpu.memref_slice %arg4[%mul3A_2, %dma_start3A_23] : memref<2560x64xi32, #tpu.memory_space<hbm>> -> memref<80x64xi32, #tpu.memory_space<hbm>>
      tpu.enqueue_dma source(%dma_start3A_24 : memref<80x64xi32, #tpu.memory_space<hbm>>) target(%arg8 : memref<80x64xi32, #tpu.memory_space<vmem>>) target_semaphore(%run_scoped3A : memref<!tpu.dma_semaphore, #tpu.memory_space<semaphore_mem>>)
      %dma_wait3A = arith.constant 0 : i32
      %dma_wait3A_25 = tpu.memref_slice %arg4[%mul3A_2, %dma_wait3A] : memref<2560x64xi32, #tpu.memory_space<hbm>> -> memref<80x64xi32, #tpu.memory_space<hbm>>
      %dma_wait3A_26 = arith.constant 0 : i32
      %dma_wait3A_27 = tpu.memref_slice %arg4[%mul3A_2, %dma_wait3A_26] : memref<2560x64xi32, #tpu.memory_space<hbm>> -> memref<80x64xi32, #tpu.memory_space<hbm>>
      tpu.wait_dma2 semaphore(%run_scoped3A : memref<!tpu.dma_semaphore, #tpu.memory_space<semaphore_mem>>) src(%dma_wait3A_27 : memref<80x64xi32, #tpu.memory_space<hbm>>) dst(%arg8 : memref<80x64xi32, #tpu.memory_space<vmem>>)
      tpu.yield
    }) : () -> ()
    "tpu.region"() ({
      %run_scoped3A = tpu.sem_alloc : memref<!tpu.dma_semaphore, #tpu.memory_space<semaphore_mem>>
      %dma_start3A_21 = arith.constant 0 : i32
      %dma_start3A_22 = tpu.memref_slice %arg5[%mul3A_2, %dma_start3A_21] : memref<2560x64xi32, #tpu.memory_space<hbm>> -> memref<80x64xi32, #tpu.memory_space<hbm>>
      %dma_start3A_23 = arith.constant 0 : i32
      %dma_start3A_24 = tpu.memref_slice %arg5[%mul3A_2, %dma_start3A_23] : memref<2560x64xi32, #tpu.memory_space<hbm>> -> memref<80x64xi32, #tpu.memory_space<hbm>>
      tpu.enqueue_dma source(%dma_start3A_24 : memref<80x64xi32, #tpu.memory_space<hbm>>) target(%arg9 : memref<80x64xi32, #tpu.memory_space<vmem>>) target_semaphore(%run_scoped3A : memref<!tpu.dma_semaphore, #tpu.memory_space<semaphore_mem>>)
      %dma_wait3A = arith.constant 0 : i32
      %dma_wait3A_25 = tpu.memref_slice %arg5[%mul3A_2, %dma_wait3A] : memref<2560x64xi32, #tpu.memory_space<hbm>> -> memref<80x64xi32, #tpu.memory_space<hbm>>
      %dma_wait3A_26 = arith.constant 0 : i32
      %dma_wait3A_27 = tpu.memref_slice %arg5[%mul3A_2, %dma_wait3A_26] : memref<2560x64xi32, #tpu.memory_space<hbm>> -> memref<80x64xi32, #tpu.memory_space<hbm>>
      tpu.wait_dma2 semaphore(%run_scoped3A : memref<!tpu.dma_semaphore, #tpu.memory_space<semaphore_mem>>) src(%dma_wait3A_27 : memref<80x64xi32, #tpu.memory_space<hbm>>) dst(%arg9 : memref<80x64xi32, #tpu.memory_space<vmem>>)
      tpu.yield
    }) : () -> ()
    %dma_start3A = arith.constant 0 : i32
    %dma_start3A_3 = arith.constant 0 : i32
    %dma_start3A_4 = tpu.memref_slice %arg8[%dma_start3A, %dma_start3A_3] : memref<80x64xi32, #tpu.memory_space<vmem>> -> memref<1x64xi32, #tpu.memory_space<vmem>>
    %dma_start3A_5 = tpu.memref_squeeze %dma_start3A_4 : memref<1x64xi32, #tpu.memory_space<vmem>> -> memref<64xi32, #tpu.memory_space<vmem>>
    %dma_start3A_6 = arith.constant 0 : i32
    %dma_start3A_7 = arith.constant 0 : i32
    %dma_start3A_8 = tpu.memref_slice %arg2[%dma_start3A_6, %dma_start3A_7] : memref<10240x256xf32, #tpu.memory_space<hbm>> -> memref<10240x256xf32, #tpu.memory_space<hbm>>
    tpu.enqueue_indirect_dma source(%dma_start3A_8 : memref<10240x256xf32, #tpu.memory_space<hbm>>) target(%arg10 : memref<64x256xf32, #tpu.memory_space<vmem>>) offsets(%dma_start3A_5 : memref<64xi32, #tpu.memory_space<vmem>>) semaphore(%arg14 : memref<!tpu.dma_semaphore, #tpu.memory_space<semaphore_mem>>)
    %dma_start3A_9 = arith.constant 0 : i32
    %dma_start3A_10 = arith.constant 0 : i32
    %dma_start3A_11 = tpu.memref_slice %arg9[%dma_start3A_9, %dma_start3A_10] : memref<80x64xi32, #tpu.memory_space<vmem>> -> memref<1x64xi32, #tpu.memory_space<vmem>>
    %dma_start3A_12 = tpu.memref_squeeze %dma_start3A_11 : memref<1x64xi32, #tpu.memory_space<vmem>> -> memref<64xi32, #tpu.memory_space<vmem>>
    %dma_start3A_13 = arith.constant 0 : i32
    %dma_start3A_14 = arith.constant 0 : i32
    %dma_start3A_15 = tpu.memref_slice %arg3[%dma_start3A_13, %dma_start3A_14] : memref<10240x512xf32, #tpu.memory_space<hbm>> -> memref<10240x512xf32, #tpu.memory_space<hbm>>
    tpu.enqueue_indirect_dma source(%dma_start3A_15 : memref<10240x512xf32, #tpu.memory_space<hbm>>) target(%arg11 : memref<64x512xf32, #tpu.memory_space<vmem>>) offsets(%dma_start3A_12 : memref<64xi32, #tpu.memory_space<vmem>>) semaphore(%arg15 : memref<!tpu.dma_semaphore, #tpu.memory_space<semaphore_mem>>)
    %scan3A = arith.constant 0 : i32
    %scan3A_16 = arith.constant 0 : i32
    %scan3A_17 = arith.constant 40 : i32
    %scan3A_18 = arith.addi %scan3A_16, %scan3A_17 : i32
    %scan3A_19 = arith.constant 1 : i32
    scf.for %scan3A_21 = %scan3A_16 to %scan3A_18 step %scan3A_19  : i32 {
      %mul3A_22 = arith.constant 2 : i32
      %mul3A_23 = arith.muli %mul3A_22, %scan3A_21 : i32
      %add3A_24 = arith.constant 1 : i32
      %add3A_25 = arith.addi %mul3A_23, %add3A_24 : i32
      %dma_start3A_26 = arith.constant 0 : i32
      %dma_start3A_27 = tpu.memref_slice %arg8[%add3A_25, %dma_start3A_26] : memref<80x64xi32, #tpu.memory_space<vmem>> -> memref<1x64xi32, #tpu.memory_space<vmem>>
      %dma_start3A_28 = tpu.memref_squeeze %dma_start3A_27 : memref<1x64xi32, #tpu.memory_space<vmem>> -> memref<64xi32, #tpu.memory_space<vmem>>
      %dma_start3A_29 = arith.constant 0 : i32
      %dma_start3A_30 = arith.constant 0 : i32
      %dma_start3A_31 = tpu.memref_slice %arg2[%dma_start3A_29, %dma_start3A_30] : memref<10240x256xf32, #tpu.memory_space<hbm>> -> memref<10240x256xf32, #tpu.memory_space<hbm>>
      tpu.enqueue_indirect_dma source(%dma_start3A_31 : memref<10240x256xf32, #tpu.memory_space<hbm>>) target(%arg12 : memref<64x256xf32, #tpu.memory_space<vmem>>) offsets(%dma_start3A_28 : memref<64xi32, #tpu.memory_space<vmem>>) semaphore(%arg16 : memref<!tpu.dma_semaphore, #tpu.memory_space<semaphore_mem>>)
      %add3A_32 = arith.constant 1 : i32
      %add3A_33 = arith.addi %mul3A_23, %add3A_32 : i32
      %dma_start3A_34 = arith.constant 0 : i32
      %dma_start3A_35 = tpu.memref_slice %arg9[%add3A_33, %dma_start3A_34] : memref<80x64xi32, #tpu.memory_space<vmem>> -> memref<1x64xi32, #tpu.memory_space<vmem>>
      %dma_start3A_36 = tpu.memref_squeeze %dma_start3A_35 : memref<1x64xi32, #tpu.memory_space<vmem>> -> memref<64xi32, #tpu.memory_space<vmem>>
      %dma_start3A_37 = arith.constant 0 : i32
      %dma_start3A_38 = arith.constant 0 : i32
      %dma_start3A_39 = tpu.memref_slice %arg3[%dma_start3A_37, %dma_start3A_38] : memref<10240x512xf32, #tpu.memory_space<hbm>> -> memref<10240x512xf32, #tpu.memory_space<hbm>>
      tpu.enqueue_indirect_dma source(%dma_start3A_39 : memref<10240x512xf32, #tpu.memory_space<hbm>>) target(%arg13 : memref<64x512xf32, #tpu.memory_space<vmem>>) offsets(%dma_start3A_36 : memref<64xi32, #tpu.memory_space<vmem>>) semaphore(%arg17 : memref<!tpu.dma_semaphore, #tpu.memory_space<semaphore_mem>>)
      %dma_wait3A = arith.constant 0 : i32
      %dma_wait3A_40 = arith.constant 0 : i32
      %dma_wait3A_41 = tpu.memref_slice %arg2[%dma_wait3A, %dma_wait3A_40] : memref<10240x256xf32, #tpu.memory_space<hbm>> -> memref<64x256xf32, #tpu.memory_space<hbm>>
      %dma_wait3A_42 = arith.constant 0 : i32
      %dma_wait3A_43 = arith.constant 0 : i32
      %dma_wait3A_44 = tpu.memref_slice %arg2[%dma_wait3A_42, %dma_wait3A_43] : memref<10240x256xf32, #tpu.memory_space<hbm>> -> memref<64x256xf32, #tpu.memory_space<hbm>>
      tpu.wait_dma2 semaphore(%arg14 : memref<!tpu.dma_semaphore, #tpu.memory_space<semaphore_mem>>) src(%dma_wait3A_44 : memref<64x256xf32, #tpu.memory_space<hbm>>) dst(%arg10 : memref<64x256xf32, #tpu.memory_space<vmem>>)
      %add3A_45 = arith.addi %mul3A_2, %mul3A_23 : i32
      %mul3A_46 = arith.constant 64 : i32
      %mul3A_47 = arith.muli %add3A_45, %mul3A_46 : i32
      "tpu.region"() ({
        %run_scoped3A = tpu.sem_alloc : memref<!tpu.dma_semaphore, #tpu.memory_space<semaphore_mem>>
        %dma_start3A_83 = arith.constant 0 : i32
        %dma_start3A_84 = tpu.memref_slice %arg6[%mul3A_47, %dma_start3A_83] : memref<163840x256xf32, #tpu.memory_space<hbm>> -> memref<64x256xf32, #tpu.memory_space<hbm>>
        %dma_start3A_85 = arith.constant 0 : i32
        %dma_start3A_86 = tpu.memref_slice %arg6[%mul3A_47, %dma_start3A_85] : memref<163840x256xf32, #tpu.memory_space<hbm>> -> memref<64x256xf32, #tpu.memory_space<hbm>>
        tpu.enqueue_dma source(%arg10 : memref<64x256xf32, #tpu.memory_space<vmem>>) target(%dma_start3A_86 : memref<64x256xf32, #tpu.memory_space<hbm>>) target_semaphore(%run_scoped3A : memref<!tpu.dma_semaphore, #tpu.memory_space<semaphore_mem>>)
        %dma_wait3A_87 = arith.constant 0 : i32
        %dma_wait3A_88 = tpu.memref_slice %arg6[%mul3A_47, %dma_wait3A_87] : memref<163840x256xf32, #tpu.memory_space<hbm>> -> memref<64x256xf32, #tpu.memory_space<hbm>>
        %dma_wait3A_89 = arith.constant 0 : i32
        %dma_wait3A_90 = tpu.memref_slice %arg6[%mul3A_47, %dma_wait3A_89] : memref<163840x256xf32, #tpu.memory_space<hbm>> -> memref<64x256xf32, #tpu.memory_space<hbm>>
        tpu.wait_dma2 semaphore(%run_scoped3A : memref<!tpu.dma_semaphore, #tpu.memory_space<semaphore_mem>>) src(%arg10 : memref<64x256xf32, #tpu.memory_space<vmem>>) dst(%dma_wait3A_90 : memref<64x256xf32, #tpu.memory_space<hbm>>)
        tpu.yield
      }) : () -> ()
      %dma_wait3A_48 = arith.constant 0 : i32
      %dma_wait3A_49 = arith.constant 0 : i32
      %dma_wait3A_50 = tpu.memref_slice %arg3[%dma_wait3A_48, %dma_wait3A_49] : memref<10240x512xf32, #tpu.memory_space<hbm>> -> memref<64x512xf32, #tpu.memory_space<hbm>>
      %dma_wait3A_51 = arith.constant 0 : i32
      %dma_wait3A_52 = arith.constant 0 : i32
      %dma_wait3A_53 = tpu.memref_slice %arg3[%dma_wait3A_51, %dma_wait3A_52] : memref<10240x512xf32, #tpu.memory_space<hbm>> -> memref<64x512xf32, #tpu.memory_space<hbm>>
      tpu.wait_dma2 semaphore(%arg15 : memref<!tpu.dma_semaphore, #tpu.memory_space<semaphore_mem>>) src(%dma_wait3A_53 : memref<64x512xf32, #tpu.memory_space<hbm>>) dst(%arg11 : memref<64x512xf32, #tpu.memory_space<vmem>>)
      %add3A_54 = arith.addi %mul3A_2, %mul3A_23 : i32
      %mul3A_55 = arith.constant 64 : i32
      %mul3A_56 = arith.muli %add3A_54, %mul3A_55 : i32
      "tpu.region"() ({
        %run_scoped3A = tpu.sem_alloc : memref<!tpu.dma_semaphore, #tpu.memory_space<semaphore_mem>>
        %dma_start3A_83 = arith.constant 0 : i32
        %dma_start3A_84 = tpu.memref_slice %arg7[%mul3A_56, %dma_start3A_83] : memref<163840x512xf32, #tpu.memory_space<hbm>> -> memref<64x512xf32, #tpu.memory_space<hbm>>
        %dma_start3A_85 = arith.constant 0 : i32
        %dma_start3A_86 = tpu.memref_slice %arg7[%mul3A_56, %dma_start3A_85] : memref<163840x512xf32, #tpu.memory_space<hbm>> -> memref<64x512xf32, #tpu.memory_space<hbm>>
        tpu.enqueue_dma source(%arg11 : memref<64x512xf32, #tpu.memory_space<vmem>>) target(%dma_start3A_86 : memref<64x512xf32, #tpu.memory_space<hbm>>) target_semaphore(%run_scoped3A : memref<!tpu.dma_semaphore, #tpu.memory_space<semaphore_mem>>)
        %dma_wait3A_87 = arith.constant 0 : i32
        %dma_wait3A_88 = tpu.memref_slice %arg7[%mul3A_56, %dma_wait3A_87] : memref<163840x512xf32, #tpu.memory_space<hbm>> -> memref<64x512xf32, #tpu.memory_space<hbm>>
        %dma_wait3A_89 = arith.constant 0 : i32
        %dma_wait3A_90 = tpu.memref_slice %arg7[%mul3A_56, %dma_wait3A_89] : memref<163840x512xf32, #tpu.memory_space<hbm>> -> memref<64x512xf32, #tpu.memory_space<hbm>>
        tpu.wait_dma2 semaphore(%run_scoped3A : memref<!tpu.dma_semaphore, #tpu.memory_space<semaphore_mem>>) src(%arg11 : memref<64x512xf32, #tpu.memory_space<vmem>>) dst(%dma_wait3A_90 : memref<64x512xf32, #tpu.memory_space<hbm>>)
        tpu.yield
      }) : () -> ()
      %add3A_57 = arith.constant 2 : i32
      %add3A_58 = arith.addi %mul3A_23, %add3A_57 : i32
      %lt3A = arith.constant 80 : i32
      %lt3A_59 = arith.cmpi slt, %add3A_58, %lt3A : i32
      %convert_element_type3A = arith.extui %lt3A_59 : i1 to i32
      %cond3A = arith.constant 0 : i32
      %cond3A_60 = arith.cmpi ne, %convert_element_type3A, %cond3A : i32
      scf.if %cond3A_60 {
        %add3A_83 = arith.constant 2 : i32
        %add3A_84 = arith.addi %mul3A_23, %add3A_83 : i32
        %dma_start3A_85 = arith.constant 0 : i32
        %dma_start3A_86 = tpu.memref_slice %arg8[%add3A_84, %dma_start3A_85] : memref<80x64xi32, #tpu.memory_space<vmem>> -> memref<1x64xi32, #tpu.memory_space<vmem>>
        %dma_start3A_87 = tpu.memref_squeeze %dma_start3A_86 : memref<1x64xi32, #tpu.memory_space<vmem>> -> memref<64xi32, #tpu.memory_space<vmem>>
        %dma_start3A_88 = arith.constant 0 : i32
        %dma_start3A_89 = arith.constant 0 : i32
        %dma_start3A_90 = tpu.memref_slice %arg2[%dma_start3A_88, %dma_start3A_89] : memref<10240x256xf32, #tpu.memory_space<hbm>> -> memref<10240x256xf32, #tpu.memory_space<hbm>>
        tpu.enqueue_indirect_dma source(%dma_start3A_90 : memref<10240x256xf32, #tpu.memory_space<hbm>>) target(%arg10 : memref<64x256xf32, #tpu.memory_space<vmem>>) offsets(%dma_start3A_87 : memref<64xi32, #tpu.memory_space<vmem>>) semaphore(%arg14 : memref<!tpu.dma_semaphore, #tpu.memory_space<semaphore_mem>>)
        %add3A_91 = arith.constant 2 : i32
        %add3A_92 = arith.addi %mul3A_23, %add3A_91 : i32
        %dma_start3A_93 = arith.constant 0 : i32
        %dma_start3A_94 = tpu.memref_slice %arg9[%add3A_92, %dma_start3A_93] : memref<80x64xi32, #tpu.memory_space<vmem>> -> memref<1x64xi32, #tpu.memory_space<vmem>>
        %dma_start3A_95 = tpu.memref_squeeze %dma_start3A_94 : memref<1x64xi32, #tpu.memory_space<vmem>> -> memref<64xi32, #tpu.memory_space<vmem>>
        %dma_start3A_96 = arith.constant 0 : i32
        %dma_start3A_97 = arith.constant 0 : i32
        %dma_start3A_98 = tpu.memref_slice %arg3[%dma_start3A_96, %dma_start3A_97] : memref<10240x512xf32, #tpu.memory_space<hbm>> -> memref<10240x512xf32, #tpu.memory_space<hbm>>
        tpu.enqueue_indirect_dma source(%dma_start3A_98 : memref<10240x512xf32, #tpu.memory_space<hbm>>) target(%arg11 : memref<64x512xf32, #tpu.memory_space<vmem>>) offsets(%dma_start3A_95 : memref<64xi32, #tpu.memory_space<vmem>>) semaphore(%arg15 : memref<!tpu.dma_semaphore, #tpu.memory_space<semaphore_mem>>)
      } else {
      }
      %dma_wait3A_61 = arith.constant 0 : i32
      %dma_wait3A_62 = arith.constant 0 : i32
      %dma_wait3A_63 = tpu.memref_slice %arg2[%dma_wait3A_61, %dma_wait3A_62] : memref<10240x256xf32, #tpu.memory_space<hbm>> -> memref<64x256xf32, #tpu.memory_space<hbm>>
      %dma_wait3A_64 = arith.constant 0 : i32
      %dma_wait3A_65 = arith.constant 0 : i32
      %dma_wait3A_66 = tpu.memref_slice %arg2[%dma_wait3A_64, %dma_wait3A_65] : memref<10240x256xf32, #tpu.memory_space<hbm>> -> memref<64x256xf32, #tpu.memory_space<hbm>>
      tpu.wait_dma2 semaphore(%arg16 : memref<!tpu.dma_semaphore, #tpu.memory_space<semaphore_mem>>) src(%dma_wait3A_66 : memref<64x256xf32, #tpu.memory_space<hbm>>) dst(%arg12 : memref<64x256xf32, #tpu.memory_space<vmem>>)
      %add3A_67 = arith.addi %mul3A_2, %mul3A_23 : i32
      %add3A_68 = arith.constant 1 : i32
      %add3A_69 = arith.addi %add3A_67, %add3A_68 : i32
      %mul3A_70 = arith.constant 64 : i32
      %mul3A_71 = arith.muli %add3A_69, %mul3A_70 : i32
      "tpu.region"() ({
        %run_scoped3A = tpu.sem_alloc : memref<!tpu.dma_semaphore, #tpu.memory_space<semaphore_mem>>
        %dma_start3A_83 = arith.constant 0 : i32
        %dma_start3A_84 = tpu.memref_slice %arg6[%mul3A_71, %dma_start3A_83] : memref<163840x256xf32, #tpu.memory_space<hbm>> -> memref<64x256xf32, #tpu.memory_space<hbm>>
        %dma_start3A_85 = arith.constant 0 : i32
        %dma_start3A_86 = tpu.memref_slice %arg6[%mul3A_71, %dma_start3A_85] : memref<163840x256xf32, #tpu.memory_space<hbm>> -> memref<64x256xf32, #tpu.memory_space<hbm>>
        tpu.enqueue_dma source(%arg12 : memref<64x256xf32, #tpu.memory_space<vmem>>) target(%dma_start3A_86 : memref<64x256xf32, #tpu.memory_space<hbm>>) target_semaphore(%run_scoped3A : memref<!tpu.dma_semaphore, #tpu.memory_space<semaphore_mem>>)
        %dma_wait3A_87 = arith.constant 0 : i32
        %dma_wait3A_88 = tpu.memref_slice %arg6[%mul3A_71, %dma_wait3A_87] : memref<163840x256xf32, #tpu.memory_space<hbm>> -> memref<64x256xf32, #tpu.memory_space<hbm>>
        %dma_wait3A_89 = arith.constant 0 : i32
        %dma_wait3A_90 = tpu.memref_slice %arg6[%mul3A_71, %dma_wait3A_89] : memref<163840x256xf32, #tpu.memory_space<hbm>> -> memref<64x256xf32, #tpu.memory_space<hbm>>
        tpu.wait_dma2 semaphore(%run_scoped3A : memref<!tpu.dma_semaphore, #tpu.memory_space<semaphore_mem>>) src(%arg12 : memref<64x256xf32, #tpu.memory_space<vmem>>) dst(%dma_wait3A_90 : memref<64x256xf32, #tpu.memory_space<hbm>>)
        tpu.yield
      }) : () -> ()
      %dma_wait3A_72 = arith.constant 0 : i32
      %dma_wait3A_73 = arith.constant 0 : i32
      %dma_wait3A_74 = tpu.memref_slice %arg3[%dma_wait3A_72, %dma_wait3A_73] : memref<10240x512xf32, #tpu.memory_space<hbm>> -> memref<64x512xf32, #tpu.memory_space<hbm>>
      %dma_wait3A_75 = arith.constant 0 : i32
      %dma_wait3A_76 = arith.constant 0 : i32
      %dma_wait3A_77 = tpu.memref_slice %arg3[%dma_wait3A_75, %dma_wait3A_76] : memref<10240x512xf32, #tpu.memory_space<hbm>> -> memref<64x512xf32, #tpu.memory_space<hbm>>
      tpu.wait_dma2 semaphore(%arg17 : memref<!tpu.dma_semaphore, #tpu.memory_space<semaphore_mem>>) src(%dma_wait3A_77 : memref<64x512xf32, #tpu.memory_space<hbm>>) dst(%arg13 : memref<64x512xf32, #tpu.memory_space<vmem>>)
      %add3A_78 = arith.addi %mul3A_2, %mul3A_23 : i32
      %add3A_79 = arith.constant 1 : i32
      %add3A_80 = arith.addi %add3A_78, %add3A_79 : i32
      %mul3A_81 = arith.constant 64 : i32
      %mul3A_82 = arith.muli %add3A_80, %mul3A_81 : i32
      "tpu.region"() ({
        %run_scoped3A = tpu.sem_alloc : memref<!tpu.dma_semaphore, #tpu.memory_space<semaphore_mem>>
        %dma_start3A_83 = arith.constant 0 : i32
        %dma_start3A_84 = tpu.memref_slice %arg7[%mul3A_82, %dma_start3A_83] : memref<163840x512xf32, #tpu.memory_space<hbm>> -> memref<64x512xf32, #tpu.memory_space<hbm>>
        %dma_start3A_85 = arith.constant 0 : i32
        %dma_start3A_86 = tpu.memref_slice %arg7[%mul3A_82, %dma_start3A_85] : memref<163840x512xf32, #tpu.memory_space<hbm>> -> memref<64x512xf32, #tpu.memory_space<hbm>>
        tpu.enqueue_dma source(%arg13 : memref<64x512xf32, #tpu.memory_space<vmem>>) target(%dma_start3A_86 : memref<64x512xf32, #tpu.memory_space<hbm>>) target_semaphore(%run_scoped3A : memref<!tpu.dma_semaphore, #tpu.memory_space<semaphore_mem>>)
        %dma_wait3A_87 = arith.constant 0 : i32
        %dma_wait3A_88 = tpu.memref_slice %arg7[%mul3A_82, %dma_wait3A_87] : memref<163840x512xf32, #tpu.memory_space<hbm>> -> memref<64x512xf32, #tpu.memory_space<hbm>>
        %dma_wait3A_89 = arith.constant 0 : i32
        %dma_wait3A_90 = tpu.memref_slice %arg7[%mul3A_82, %dma_wait3A_89] : memref<163840x512xf32, #tpu.memory_space<hbm>> -> memref<64x512xf32, #tpu.memory_space<hbm>>
        tpu.wait_dma2 semaphore(%run_scoped3A : memref<!tpu.dma_semaphore, #tpu.memory_space<semaphore_mem>>) src(%arg13 : memref<64x512xf32, #tpu.memory_space<vmem>>) dst(%dma_wait3A_90 : memref<64x512xf32, #tpu.memory_space<hbm>>)
        tpu.yield
      }) : () -> ()
    }
    %scan3A_20 = arith.constant 40 : i32
    return
  }
}

#map = affine_map<(d0, d1) -> (0, 0)>
#map1 = affine_map<(d0, d1) -> (0)>
module attributes {stable_mosaic.version = 14 : i64} {
  func.func @k(%arg0: i32, %arg1: i32, %arg2: memref<163840x256xf32, #tpu.memory_space<hbm>>, %arg3: memref<163840xi32, #tpu.memory_space<hbm>>, %arg4: memref<10240x128xf32, #tpu.memory_space<hbm>>, %arg5: memref<10240x256xf32, #tpu.memory_space<hbm>>, %arg6: memref<128xi32, #tpu.memory_space<vmem>>, %arg7: memref<128x128xf32, #tpu.memory_space<vmem>>, %arg8: memref<10240x128xf32, #tpu.memory_space<vmem_shared>>) attributes {dimension_semantics = [#tpu.dimension_semantics<core_parallel>, #tpu.dimension_semantics<subcore_parallel>], iteration_bounds = array<i64: 2, 16>, scalar_prefetch = 0 : i64, scratch_operands = 3 : i64, tpu.core_type = #tpu.core_type<sc_vector_subcore>, window_params = [{transform_indices = #map}, {transform_indices = #map1}, {transform_indices = #map}, {transform_indices = #map}]} {
    %mul3A = arith.constant 640 : i32
    %mul3A_0 = arith.muli %arg1, %mul3A : i32
    %mul3A_1 = arith.constant 640 : i32
    %mul3A_2 = arith.muli %arg1, %mul3A_1 : i32
    "tpu.region"() ({
      %run_scoped3A = tpu.sem_alloc : memref<!tpu.dma_semaphore, #tpu.memory_space<semaphore_mem>>
      %dma_start3A = arith.constant 0 : i32
      %dma_start3A_21 = tpu.memref_slice %arg8[%mul3A_2, %dma_start3A] : memref<10240x128xf32, #tpu.memory_space<vmem_shared>> -> memref<640x128xf32, #tpu.memory_space<vmem_shared>>
      %dma_start3A_22 = arith.constant 0 : i32
      %dma_start3A_23 = tpu.memref_slice %arg4[%mul3A_0, %dma_start3A_22] : memref<10240x128xf32, #tpu.memory_space<hbm>> -> memref<640x128xf32, #tpu.memory_space<hbm>>
      tpu.enqueue_dma source(%dma_start3A_23 : memref<640x128xf32, #tpu.memory_space<hbm>>) target(%dma_start3A_21 : memref<640x128xf32, #tpu.memory_space<vmem_shared>>) target_semaphore(%run_scoped3A : memref<!tpu.dma_semaphore, #tpu.memory_space<semaphore_mem>>)
      %dma_wait3A = arith.constant 0 : i32
      %dma_wait3A_24 = tpu.memref_slice %arg8[%mul3A_2, %dma_wait3A] : memref<10240x128xf32, #tpu.memory_space<vmem_shared>> -> memref<640x128xf32, #tpu.memory_space<vmem_shared>>
      %dma_wait3A_25 = arith.constant 0 : i32
      %dma_wait3A_26 = tpu.memref_slice %arg4[%mul3A_0, %dma_wait3A_25] : memref<10240x128xf32, #tpu.memory_space<hbm>> -> memref<640x128xf32, #tpu.memory_space<hbm>>
      tpu.wait_dma2 semaphore(%run_scoped3A : memref<!tpu.dma_semaphore, #tpu.memory_space<semaphore_mem>>) src(%dma_wait3A_26 : memref<640x128xf32, #tpu.memory_space<hbm>>) dst(%dma_wait3A_24 : memref<640x128xf32, #tpu.memory_space<vmem_shared>>)
      tpu.yield
    }) : () -> ()
    %barrier3A = arith.constant 0 : index
    tpu.barrier barrier_id(%barrier3A)
    %eq3A = arith.constant 0 : i32
    %eq3A_3 = arith.cmpi eq, %arg0, %eq3A : i32
    %convert_element_type3A = arith.extui %eq3A_3 : i1 to i32
    %cond3A = arith.constant 0 : i32
    %cond3A_4 = arith.cmpi ne, %convert_element_type3A, %cond3A : i32
    scf.if %cond3A_4 {
      %scan3A = arith.constant 0 : i32
      %scan3A_21 = arith.constant 0 : i32
      %scan3A_22 = arith.constant 80 : i32
      %scan3A_23 = arith.addi %scan3A_21, %scan3A_22 : i32
      %scan3A_24 = arith.constant 1 : i32
      scf.for %scan3A_26 = %scan3A_21 to %scan3A_23 step %scan3A_24  : i32 {
        %mul3A_27 = arith.constant 10240 : i32
        %mul3A_28 = arith.muli %arg1, %mul3A_27 : i32
        %mul3A_29 = arith.constant 128 : i32
        %mul3A_30 = arith.muli %scan3A_26, %mul3A_29 : i32
        %add3A = arith.addi %mul3A_28, %mul3A_30 : i32
        "tpu.region"() ({
          %run_scoped3A = tpu.sem_alloc : memref<!tpu.dma_semaphore, #tpu.memory_space<semaphore_mem>>
          %dma_start3A = tpu.memref_slice %arg3[%add3A] : memref<163840xi32, #tpu.memory_space<hbm>> -> memref<128xi32, #tpu.memory_space<hbm>>
          %dma_start3A_31 = tpu.memref_slice %arg3[%add3A] : memref<163840xi32, #tpu.memory_space<hbm>> -> memref<128xi32, #tpu.memory_space<hbm>>
          tpu.enqueue_dma source(%dma_start3A_31 : memref<128xi32, #tpu.memory_space<hbm>>) target(%arg6 : memref<128xi32, #tpu.memory_space<vmem>>) target_semaphore(%run_scoped3A : memref<!tpu.dma_semaphore, #tpu.memory_space<semaphore_mem>>)
          %dma_wait3A = tpu.memref_slice %arg3[%add3A] : memref<163840xi32, #tpu.memory_space<hbm>> -> memref<128xi32, #tpu.memory_space<hbm>>
          %dma_wait3A_32 = tpu.memref_slice %arg3[%add3A] : memref<163840xi32, #tpu.memory_space<hbm>> -> memref<128xi32, #tpu.memory_space<hbm>>
          tpu.wait_dma2 semaphore(%run_scoped3A : memref<!tpu.dma_semaphore, #tpu.memory_space<semaphore_mem>>) src(%dma_wait3A_32 : memref<128xi32, #tpu.memory_space<hbm>>) dst(%arg6 : memref<128xi32, #tpu.memory_space<vmem>>)
          tpu.yield
        }) : () -> ()
        "tpu.region"() ({
          %run_scoped3A = tpu.sem_alloc : memref<!tpu.dma_semaphore, #tpu.memory_space<semaphore_mem>>
          %dma_start3A = arith.constant 0 : i32
          %dma_start3A_31 = tpu.memref_slice %arg2[%add3A, %dma_start3A] : memref<163840x256xf32, #tpu.memory_space<hbm>> -> memref<128x128xf32, #tpu.memory_space<hbm>>
          %dma_start3A_32 = arith.constant 0 : i32
          %dma_start3A_33 = tpu.memref_slice %arg2[%add3A, %dma_start3A_32] : memref<163840x256xf32, #tpu.memory_space<hbm>> -> memref<128x128xf32, #tpu.memory_space<hbm>>
          tpu.enqueue_dma source(%dma_start3A_33 : memref<128x128xf32, #tpu.memory_space<hbm>>) target(%arg7 : memref<128x128xf32, #tpu.memory_space<vmem>>) target_semaphore(%run_scoped3A : memref<!tpu.dma_semaphore, #tpu.memory_space<semaphore_mem>>)
          %dma_wait3A = arith.constant 0 : i32
          %dma_wait3A_34 = tpu.memref_slice %arg2[%add3A, %dma_wait3A] : memref<163840x256xf32, #tpu.memory_space<hbm>> -> memref<128x128xf32, #tpu.memory_space<hbm>>
          %dma_wait3A_35 = arith.constant 0 : i32
          %dma_wait3A_36 = tpu.memref_slice %arg2[%add3A, %dma_wait3A_35] : memref<163840x256xf32, #tpu.memory_space<hbm>> -> memref<128x128xf32, #tpu.memory_space<hbm>>
          tpu.wait_dma2 semaphore(%run_scoped3A : memref<!tpu.dma_semaphore, #tpu.memory_space<semaphore_mem>>) src(%dma_wait3A_36 : memref<128x128xf32, #tpu.memory_space<hbm>>) dst(%arg7 : memref<128x128xf32, #tpu.memory_space<vmem>>)
          tpu.yield
        }) : () -> ()
        "tpu.region"() ({
          %run_scoped3A = tpu.sem_alloc : memref<!tpu.dma_semaphore, #tpu.memory_space<semaphore_mem>>
          %dma_start3A = arith.constant 0 : i32
          %dma_start3A_31 = arith.constant 0 : i32
          %dma_start3A_32 = tpu.memref_slice %arg8[%dma_start3A, %dma_start3A_31] : memref<10240x128xf32, #tpu.memory_space<vmem_shared>> -> memref<10240x128xf32, #tpu.memory_space<vmem_shared>>
          tpu.enqueue_indirect_dma source(%arg7 : memref<128x128xf32, #tpu.memory_space<vmem>>) target(%dma_start3A_32 : memref<10240x128xf32, #tpu.memory_space<vmem_shared>>) offsets(%arg6 : memref<128xi32, #tpu.memory_space<vmem>>) semaphore(%run_scoped3A : memref<!tpu.dma_semaphore, #tpu.memory_space<semaphore_mem>>) {add = true}
          %dma_wait3A = arith.constant 0 : i32
          %dma_wait3A_33 = arith.constant 0 : i32
          %dma_wait3A_34 = tpu.memref_slice %arg8[%dma_wait3A, %dma_wait3A_33] : memref<10240x128xf32, #tpu.memory_space<vmem_shared>> -> memref<10240x128xf32, #tpu.memory_space<vmem_shared>>
          tpu.wait_indirect_dma semaphore(%run_scoped3A : memref<!tpu.dma_semaphore, #tpu.memory_space<semaphore_mem>>) src(%arg7 : memref<128x128xf32, #tpu.memory_space<vmem>>) dst(%dma_wait3A_34 : memref<10240x128xf32, #tpu.memory_space<vmem_shared>>)
          tpu.yield
        }) : () -> ()
      }
      %scan3A_25 = arith.constant 80 : i32
    } else {
    }
    %eq3A_5 = arith.constant 1 : i32
    %eq3A_6 = arith.cmpi eq, %arg0, %eq3A_5 : i32
    %convert_element_type3A_7 = arith.extui %eq3A_6 : i1 to i32
    %cond3A_8 = arith.constant 0 : i32
    %cond3A_9 = arith.cmpi ne, %convert_element_type3A_7, %cond3A_8 : i32
    scf.if %cond3A_9 {
      %scan3A = arith.constant 0 : i32
      %scan3A_21 = arith.constant 0 : i32
      %scan3A_22 = arith.constant 80 : i32
      %scan3A_23 = arith.addi %scan3A_21, %scan3A_22 : i32
      %scan3A_24 = arith.constant 1 : i32
      scf.for %scan3A_26 = %scan3A_21 to %scan3A_23 step %scan3A_24  : i32 {
        %mul3A_27 = arith.constant 10240 : i32
        %mul3A_28 = arith.muli %arg1, %mul3A_27 : i32
        %mul3A_29 = arith.constant 128 : i32
        %mul3A_30 = arith.muli %scan3A_26, %mul3A_29 : i32
        %add3A = arith.addi %mul3A_28, %mul3A_30 : i32
        "tpu.region"() ({
          %run_scoped3A = tpu.sem_alloc : memref<!tpu.dma_semaphore, #tpu.memory_space<semaphore_mem>>
          %dma_start3A = tpu.memref_slice %arg3[%add3A] : memref<163840xi32, #tpu.memory_space<hbm>> -> memref<128xi32, #tpu.memory_space<hbm>>
          %dma_start3A_31 = tpu.memref_slice %arg3[%add3A] : memref<163840xi32, #tpu.memory_space<hbm>> -> memref<128xi32, #tpu.memory_space<hbm>>
          tpu.enqueue_dma source(%dma_start3A_31 : memref<128xi32, #tpu.memory_space<hbm>>) target(%arg6 : memref<128xi32, #tpu.memory_space<vmem>>) target_semaphore(%run_scoped3A : memref<!tpu.dma_semaphore, #tpu.memory_space<semaphore_mem>>)
          %dma_wait3A = tpu.memref_slice %arg3[%add3A] : memref<163840xi32, #tpu.memory_space<hbm>> -> memref<128xi32, #tpu.memory_space<hbm>>
          %dma_wait3A_32 = tpu.memref_slice %arg3[%add3A] : memref<163840xi32, #tpu.memory_space<hbm>> -> memref<128xi32, #tpu.memory_space<hbm>>
          tpu.wait_dma2 semaphore(%run_scoped3A : memref<!tpu.dma_semaphore, #tpu.memory_space<semaphore_mem>>) src(%dma_wait3A_32 : memref<128xi32, #tpu.memory_space<hbm>>) dst(%arg6 : memref<128xi32, #tpu.memory_space<vmem>>)
          tpu.yield
        }) : () -> ()
        "tpu.region"() ({
          %run_scoped3A = tpu.sem_alloc : memref<!tpu.dma_semaphore, #tpu.memory_space<semaphore_mem>>
          %dma_start3A = arith.constant 128 : i32
          %dma_start3A_31 = tpu.memref_slice %arg2[%add3A, %dma_start3A] : memref<163840x256xf32, #tpu.memory_space<hbm>> -> memref<128x128xf32, #tpu.memory_space<hbm>>
          %dma_start3A_32 = arith.constant 128 : i32
          %dma_start3A_33 = tpu.memref_slice %arg2[%add3A, %dma_start3A_32] : memref<163840x256xf32, #tpu.memory_space<hbm>> -> memref<128x128xf32, #tpu.memory_space<hbm>>
          tpu.enqueue_dma source(%dma_start3A_33 : memref<128x128xf32, #tpu.memory_space<hbm>>) target(%arg7 : memref<128x128xf32, #tpu.memory_space<vmem>>) target_semaphore(%run_scoped3A : memref<!tpu.dma_semaphore, #tpu.memory_space<semaphore_mem>>)
          %dma_wait3A = arith.constant 128 : i32
          %dma_wait3A_34 = tpu.memref_slice %arg2[%add3A, %dma_wait3A] : memref<163840x256xf32, #tpu.memory_space<hbm>> -> memref<128x128xf32, #tpu.memory_space<hbm>>
          %dma_wait3A_35 = arith.constant 128 : i32
          %dma_wait3A_36 = tpu.memref_slice %arg2[%add3A, %dma_wait3A_35] : memref<163840x256xf32, #tpu.memory_space<hbm>> -> memref<128x128xf32, #tpu.memory_space<hbm>>
          tpu.wait_dma2 semaphore(%run_scoped3A : memref<!tpu.dma_semaphore, #tpu.memory_space<semaphore_mem>>) src(%dma_wait3A_36 : memref<128x128xf32, #tpu.memory_space<hbm>>) dst(%arg7 : memref<128x128xf32, #tpu.memory_space<vmem>>)
          tpu.yield
        }) : () -> ()
        "tpu.region"() ({
          %run_scoped3A = tpu.sem_alloc : memref<!tpu.dma_semaphore, #tpu.memory_space<semaphore_mem>>
          %dma_start3A = arith.constant 0 : i32
          %dma_start3A_31 = arith.constant 0 : i32
          %dma_start3A_32 = tpu.memref_slice %arg8[%dma_start3A, %dma_start3A_31] : memref<10240x128xf32, #tpu.memory_space<vmem_shared>> -> memref<10240x128xf32, #tpu.memory_space<vmem_shared>>
          tpu.enqueue_indirect_dma source(%arg7 : memref<128x128xf32, #tpu.memory_space<vmem>>) target(%dma_start3A_32 : memref<10240x128xf32, #tpu.memory_space<vmem_shared>>) offsets(%arg6 : memref<128xi32, #tpu.memory_space<vmem>>) semaphore(%run_scoped3A : memref<!tpu.dma_semaphore, #tpu.memory_space<semaphore_mem>>) {add = true}
          %dma_wait3A = arith.constant 0 : i32
          %dma_wait3A_33 = arith.constant 0 : i32
          %dma_wait3A_34 = tpu.memref_slice %arg8[%dma_wait3A, %dma_wait3A_33] : memref<10240x128xf32, #tpu.memory_space<vmem_shared>> -> memref<10240x128xf32, #tpu.memory_space<vmem_shared>>
          tpu.wait_indirect_dma semaphore(%run_scoped3A : memref<!tpu.dma_semaphore, #tpu.memory_space<semaphore_mem>>) src(%arg7 : memref<128x128xf32, #tpu.memory_space<vmem>>) dst(%dma_wait3A_34 : memref<10240x128xf32, #tpu.memory_space<vmem_shared>>)
          tpu.yield
        }) : () -> ()
      }
      %scan3A_25 = arith.constant 80 : i32
    } else {
    }
    %barrier3A_10 = arith.constant 0 : index
    tpu.barrier barrier_id(%barrier3A_10)
    %eq3A_11 = arith.constant 0 : i32
    %eq3A_12 = arith.cmpi eq, %arg0, %eq3A_11 : i32
    %convert_element_type3A_13 = arith.extui %eq3A_12 : i1 to i32
    %cond3A_14 = arith.constant 0 : i32
    %cond3A_15 = arith.cmpi ne, %convert_element_type3A_13, %cond3A_14 : i32
    scf.if %cond3A_15 {
      %mul3A_21 = arith.constant 640 : i32
      %mul3A_22 = arith.muli %arg1, %mul3A_21 : i32
      %mul3A_23 = arith.constant 640 : i32
      %mul3A_24 = arith.muli %arg1, %mul3A_23 : i32
      "tpu.region"() ({
        %run_scoped3A = tpu.sem_alloc : memref<!tpu.dma_semaphore, #tpu.memory_space<semaphore_mem>>
        %dma_start3A = arith.constant 0 : i32
        %dma_start3A_25 = tpu.memref_slice %arg5[%mul3A_24, %dma_start3A] : memref<10240x256xf32, #tpu.memory_space<hbm>> -> memref<640x128xf32, #tpu.memory_space<hbm>>
        %dma_start3A_26 = arith.constant 0 : i32
        %dma_start3A_27 = tpu.memref_slice %arg8[%mul3A_22, %dma_start3A_26] : memref<10240x128xf32, #tpu.memory_space<vmem_shared>> -> memref<640x128xf32, #tpu.memory_space<vmem_shared>>
        tpu.enqueue_dma source(%dma_start3A_27 : memref<640x128xf32, #tpu.memory_space<vmem_shared>>) target(%dma_start3A_25 : memref<640x128xf32, #tpu.memory_space<hbm>>) target_semaphore(%run_scoped3A : memref<!tpu.dma_semaphore, #tpu.memory_space<semaphore_mem>>)
        %dma_wait3A = arith.constant 0 : i32
        %dma_wait3A_28 = tpu.memref_slice %arg5[%mul3A_24, %dma_wait3A] : memref<10240x256xf32, #tpu.memory_space<hbm>> -> memref<640x128xf32, #tpu.memory_space<hbm>>
        %dma_wait3A_29 = arith.constant 0 : i32
        %dma_wait3A_30 = tpu.memref_slice %arg8[%mul3A_22, %dma_wait3A_29] : memref<10240x128xf32, #tpu.memory_space<vmem_shared>> -> memref<640x128xf32, #tpu.memory_space<vmem_shared>>
        tpu.wait_dma2 semaphore(%run_scoped3A : memref<!tpu.dma_semaphore, #tpu.memory_space<semaphore_mem>>) src(%dma_wait3A_30 : memref<640x128xf32, #tpu.memory_space<vmem_shared>>) dst(%dma_wait3A_28 : memref<640x128xf32, #tpu.memory_space<hbm>>)
        tpu.yield
      }) : () -> ()
    } else {
    }
    %eq3A_16 = arith.constant 1 : i32
    %eq3A_17 = arith.cmpi eq, %arg0, %eq3A_16 : i32
    %convert_element_type3A_18 = arith.extui %eq3A_17 : i1 to i32
    %cond3A_19 = arith.constant 0 : i32
    %cond3A_20 = arith.cmpi ne, %convert_element_type3A_18, %cond3A_19 : i32
    scf.if %cond3A_20 {
      %mul3A_21 = arith.constant 640 : i32
      %mul3A_22 = arith.muli %arg1, %mul3A_21 : i32
      %mul3A_23 = arith.constant 640 : i32
      %mul3A_24 = arith.muli %arg1, %mul3A_23 : i32
      "tpu.region"() ({
        %run_scoped3A = tpu.sem_alloc : memref<!tpu.dma_semaphore, #tpu.memory_space<semaphore_mem>>
        %dma_start3A = arith.constant 128 : i32
        %dma_start3A_25 = tpu.memref_slice %arg5[%mul3A_24, %dma_start3A] : memref<10240x256xf32, #tpu.memory_space<hbm>> -> memref<640x128xf32, #tpu.memory_space<hbm>>
        %dma_start3A_26 = arith.constant 0 : i32
        %dma_start3A_27 = tpu.memref_slice %arg8[%mul3A_22, %dma_start3A_26] : memref<10240x128xf32, #tpu.memory_space<vmem_shared>> -> memref<640x128xf32, #tpu.memory_space<vmem_shared>>
        tpu.enqueue_dma source(%dma_start3A_27 : memref<640x128xf32, #tpu.memory_space<vmem_shared>>) target(%dma_start3A_25 : memref<640x128xf32, #tpu.memory_space<hbm>>) target_semaphore(%run_scoped3A : memref<!tpu.dma_semaphore, #tpu.memory_space<semaphore_mem>>)
        %dma_wait3A = arith.constant 128 : i32
        %dma_wait3A_28 = tpu.memref_slice %arg5[%mul3A_24, %dma_wait3A] : memref<10240x256xf32, #tpu.memory_space<hbm>> -> memref<640x128xf32, #tpu.memory_space<hbm>>
        %dma_wait3A_29 = arith.constant 0 : i32
        %dma_wait3A_30 = tpu.memref_slice %arg8[%mul3A_22, %dma_wait3A_29] : memref<10240x128xf32, #tpu.memory_space<vmem_shared>> -> memref<640x128xf32, #tpu.memory_space<vmem_shared>>
        tpu.wait_dma2 semaphore(%run_scoped3A : memref<!tpu.dma_semaphore, #tpu.memory_space<semaphore_mem>>) src(%dma_wait3A_30 : memref<640x128xf32, #tpu.memory_space<vmem_shared>>) dst(%dma_wait3A_28 : memref<640x128xf32, #tpu.memory_space<hbm>>)
        tpu.yield
      }) : () -> ()
    } else {
    }
    return
  }
}

#map = affine_map<(d0, d1) -> (0, 0)>
#map1 = affine_map<(d0, d1) -> (0)>
module attributes {stable_mosaic.version = 14 : i64} {
  func.func @k(%arg0: i32, %arg1: i32, %arg2: memref<163840x256xf32, #tpu.memory_space<hbm>>, %arg3: memref<163840xi32, #tpu.memory_space<hbm>>, %arg4: memref<10240x128xf32, #tpu.memory_space<hbm>>, %arg5: memref<10240x256xf32, #tpu.memory_space<hbm>>, %arg6: memref<128xi32, #tpu.memory_space<vmem>>, %arg7: memref<128x128xf32, #tpu.memory_space<vmem>>, %arg8: memref<10240x128xf32, #tpu.memory_space<vmem_shared>>) attributes {dimension_semantics = [#tpu.dimension_semantics<core_parallel>, #tpu.dimension_semantics<subcore_parallel>], iteration_bounds = array<i64: 2, 16>, scalar_prefetch = 0 : i64, scratch_operands = 3 : i64, tpu.core_type = #tpu.core_type<sc_vector_subcore>, window_params = [{transform_indices = #map}, {transform_indices = #map1}, {transform_indices = #map}, {transform_indices = #map}]} {
    %mul3A = arith.constant 640 : i32
    %mul3A_0 = arith.muli %arg1, %mul3A : i32
    %mul3A_1 = arith.constant 640 : i32
    %mul3A_2 = arith.muli %arg1, %mul3A_1 : i32
    "tpu.region"() ({
      %run_scoped3A = tpu.sem_alloc : memref<!tpu.dma_semaphore, #tpu.memory_space<semaphore_mem>>
      %dma_start3A = arith.constant 0 : i32
      %dma_start3A_21 = tpu.memref_slice %arg8[%mul3A_2, %dma_start3A] : memref<10240x128xf32, #tpu.memory_space<vmem_shared>> -> memref<640x128xf32, #tpu.memory_space<vmem_shared>>
      %dma_start3A_22 = arith.constant 0 : i32
      %dma_start3A_23 = tpu.memref_slice %arg4[%mul3A_0, %dma_start3A_22] : memref<10240x128xf32, #tpu.memory_space<hbm>> -> memref<640x128xf32, #tpu.memory_space<hbm>>
      tpu.enqueue_dma source(%dma_start3A_23 : memref<640x128xf32, #tpu.memory_space<hbm>>) target(%dma_start3A_21 : memref<640x128xf32, #tpu.memory_space<vmem_shared>>) target_semaphore(%run_scoped3A : memref<!tpu.dma_semaphore, #tpu.memory_space<semaphore_mem>>)
      %dma_wait3A = arith.constant 0 : i32
      %dma_wait3A_24 = tpu.memref_slice %arg8[%mul3A_2, %dma_wait3A] : memref<10240x128xf32, #tpu.memory_space<vmem_shared>> -> memref<640x128xf32, #tpu.memory_space<vmem_shared>>
      %dma_wait3A_25 = arith.constant 0 : i32
      %dma_wait3A_26 = tpu.memref_slice %arg4[%mul3A_0, %dma_wait3A_25] : memref<10240x128xf32, #tpu.memory_space<hbm>> -> memref<640x128xf32, #tpu.memory_space<hbm>>
      tpu.wait_dma2 semaphore(%run_scoped3A : memref<!tpu.dma_semaphore, #tpu.memory_space<semaphore_mem>>) src(%dma_wait3A_26 : memref<640x128xf32, #tpu.memory_space<hbm>>) dst(%dma_wait3A_24 : memref<640x128xf32, #tpu.memory_space<vmem_shared>>)
      tpu.yield
    }) : () -> ()
    %barrier3A = arith.constant 0 : index
    tpu.barrier barrier_id(%barrier3A)
    %eq3A = arith.constant 0 : i32
    %eq3A_3 = arith.cmpi eq, %arg0, %eq3A : i32
    %convert_element_type3A = arith.extui %eq3A_3 : i1 to i32
    %cond3A = arith.constant 0 : i32
    %cond3A_4 = arith.cmpi ne, %convert_element_type3A, %cond3A : i32
    scf.if %cond3A_4 {
      %scan3A = arith.constant 0 : i32
      %scan3A_21 = arith.constant 0 : i32
      %scan3A_22 = arith.constant 80 : i32
      %scan3A_23 = arith.addi %scan3A_21, %scan3A_22 : i32
      %scan3A_24 = arith.constant 1 : i32
      scf.for %scan3A_26 = %scan3A_21 to %scan3A_23 step %scan3A_24  : i32 {
        %mul3A_27 = arith.constant 10240 : i32
        %mul3A_28 = arith.muli %arg1, %mul3A_27 : i32
        %mul3A_29 = arith.constant 128 : i32
        %mul3A_30 = arith.muli %scan3A_26, %mul3A_29 : i32
        %add3A = arith.addi %mul3A_28, %mul3A_30 : i32
        "tpu.region"() ({
          %run_scoped3A = tpu.sem_alloc : memref<!tpu.dma_semaphore, #tpu.memory_space<semaphore_mem>>
          %dma_start3A = tpu.memref_slice %arg3[%add3A] : memref<163840xi32, #tpu.memory_space<hbm>> -> memref<128xi32, #tpu.memory_space<hbm>>
          %dma_start3A_31 = tpu.memref_slice %arg3[%add3A] : memref<163840xi32, #tpu.memory_space<hbm>> -> memref<128xi32, #tpu.memory_space<hbm>>
          tpu.enqueue_dma source(%dma_start3A_31 : memref<128xi32, #tpu.memory_space<hbm>>) target(%arg6 : memref<128xi32, #tpu.memory_space<vmem>>) target_semaphore(%run_scoped3A : memref<!tpu.dma_semaphore, #tpu.memory_space<semaphore_mem>>)
          %dma_wait3A = tpu.memref_slice %arg3[%add3A] : memref<163840xi32, #tpu.memory_space<hbm>> -> memref<128xi32, #tpu.memory_space<hbm>>
          %dma_wait3A_32 = tpu.memref_slice %arg3[%add3A] : memref<163840xi32, #tpu.memory_space<hbm>> -> memref<128xi32, #tpu.memory_space<hbm>>
          tpu.wait_dma2 semaphore(%run_scoped3A : memref<!tpu.dma_semaphore, #tpu.memory_space<semaphore_mem>>) src(%dma_wait3A_32 : memref<128xi32, #tpu.memory_space<hbm>>) dst(%arg6 : memref<128xi32, #tpu.memory_space<vmem>>)
          tpu.yield
        }) : () -> ()
        "tpu.region"() ({
          %run_scoped3A = tpu.sem_alloc : memref<!tpu.dma_semaphore, #tpu.memory_space<semaphore_mem>>
          %dma_start3A = arith.constant 0 : i32
          %dma_start3A_31 = tpu.memref_slice %arg2[%add3A, %dma_start3A] : memref<163840x256xf32, #tpu.memory_space<hbm>> -> memref<128x128xf32, #tpu.memory_space<hbm>>
          %dma_start3A_32 = arith.constant 0 : i32
          %dma_start3A_33 = tpu.memref_slice %arg2[%add3A, %dma_start3A_32] : memref<163840x256xf32, #tpu.memory_space<hbm>> -> memref<128x128xf32, #tpu.memory_space<hbm>>
          tpu.enqueue_dma source(%dma_start3A_33 : memref<128x128xf32, #tpu.memory_space<hbm>>) target(%arg7 : memref<128x128xf32, #tpu.memory_space<vmem>>) target_semaphore(%run_scoped3A : memref<!tpu.dma_semaphore, #tpu.memory_space<semaphore_mem>>)
          %dma_wait3A = arith.constant 0 : i32
          %dma_wait3A_34 = tpu.memref_slice %arg2[%add3A, %dma_wait3A] : memref<163840x256xf32, #tpu.memory_space<hbm>> -> memref<128x128xf32, #tpu.memory_space<hbm>>
          %dma_wait3A_35 = arith.constant 0 : i32
          %dma_wait3A_36 = tpu.memref_slice %arg2[%add3A, %dma_wait3A_35] : memref<163840x256xf32, #tpu.memory_space<hbm>> -> memref<128x128xf32, #tpu.memory_space<hbm>>
          tpu.wait_dma2 semaphore(%run_scoped3A : memref<!tpu.dma_semaphore, #tpu.memory_space<semaphore_mem>>) src(%dma_wait3A_36 : memref<128x128xf32, #tpu.memory_space<hbm>>) dst(%arg7 : memref<128x128xf32, #tpu.memory_space<vmem>>)
          tpu.yield
        }) : () -> ()
        "tpu.region"() ({
          %run_scoped3A = tpu.sem_alloc : memref<!tpu.dma_semaphore, #tpu.memory_space<semaphore_mem>>
          %dma_start3A = arith.constant 0 : i32
          %dma_start3A_31 = arith.constant 0 : i32
          %dma_start3A_32 = tpu.memref_slice %arg8[%dma_start3A, %dma_start3A_31] : memref<10240x128xf32, #tpu.memory_space<vmem_shared>> -> memref<10240x128xf32, #tpu.memory_space<vmem_shared>>
          tpu.enqueue_indirect_dma source(%arg7 : memref<128x128xf32, #tpu.memory_space<vmem>>) target(%dma_start3A_32 : memref<10240x128xf32, #tpu.memory_space<vmem_shared>>) offsets(%arg6 : memref<128xi32, #tpu.memory_space<vmem>>) semaphore(%run_scoped3A : memref<!tpu.dma_semaphore, #tpu.memory_space<semaphore_mem>>) {add = true}
          %dma_wait3A = arith.constant 0 : i32
          %dma_wait3A_33 = arith.constant 0 : i32
          %dma_wait3A_34 = tpu.memref_slice %arg8[%dma_wait3A, %dma_wait3A_33] : memref<10240x128xf32, #tpu.memory_space<vmem_shared>> -> memref<10240x128xf32, #tpu.memory_space<vmem_shared>>
          tpu.wait_indirect_dma semaphore(%run_scoped3A : memref<!tpu.dma_semaphore, #tpu.memory_space<semaphore_mem>>) src(%arg7 : memref<128x128xf32, #tpu.memory_space<vmem>>) dst(%dma_wait3A_34 : memref<10240x128xf32, #tpu.memory_space<vmem_shared>>)
          tpu.yield
        }) : () -> ()
      }
      %scan3A_25 = arith.constant 80 : i32
    } else {
    }
    %eq3A_5 = arith.constant 1 : i32
    %eq3A_6 = arith.cmpi eq, %arg0, %eq3A_5 : i32
    %convert_element_type3A_7 = arith.extui %eq3A_6 : i1 to i32
    %cond3A_8 = arith.constant 0 : i32
    %cond3A_9 = arith.cmpi ne, %convert_element_type3A_7, %cond3A_8 : i32
    scf.if %cond3A_9 {
      %scan3A = arith.constant 0 : i32
      %scan3A_21 = arith.constant 0 : i32
      %scan3A_22 = arith.constant 80 : i32
      %scan3A_23 = arith.addi %scan3A_21, %scan3A_22 : i32
      %scan3A_24 = arith.constant 1 : i32
      scf.for %scan3A_26 = %scan3A_21 to %scan3A_23 step %scan3A_24  : i32 {
        %mul3A_27 = arith.constant 10240 : i32
        %mul3A_28 = arith.muli %arg1, %mul3A_27 : i32
        %mul3A_29 = arith.constant 128 : i32
        %mul3A_30 = arith.muli %scan3A_26, %mul3A_29 : i32
        %add3A = arith.addi %mul3A_28, %mul3A_30 : i32
        "tpu.region"() ({
          %run_scoped3A = tpu.sem_alloc : memref<!tpu.dma_semaphore, #tpu.memory_space<semaphore_mem>>
          %dma_start3A = tpu.memref_slice %arg3[%add3A] : memref<163840xi32, #tpu.memory_space<hbm>> -> memref<128xi32, #tpu.memory_space<hbm>>
          %dma_start3A_31 = tpu.memref_slice %arg3[%add3A] : memref<163840xi32, #tpu.memory_space<hbm>> -> memref<128xi32, #tpu.memory_space<hbm>>
          tpu.enqueue_dma source(%dma_start3A_31 : memref<128xi32, #tpu.memory_space<hbm>>) target(%arg6 : memref<128xi32, #tpu.memory_space<vmem>>) target_semaphore(%run_scoped3A : memref<!tpu.dma_semaphore, #tpu.memory_space<semaphore_mem>>)
          %dma_wait3A = tpu.memref_slice %arg3[%add3A] : memref<163840xi32, #tpu.memory_space<hbm>> -> memref<128xi32, #tpu.memory_space<hbm>>
          %dma_wait3A_32 = tpu.memref_slice %arg3[%add3A] : memref<163840xi32, #tpu.memory_space<hbm>> -> memref<128xi32, #tpu.memory_space<hbm>>
          tpu.wait_dma2 semaphore(%run_scoped3A : memref<!tpu.dma_semaphore, #tpu.memory_space<semaphore_mem>>) src(%dma_wait3A_32 : memref<128xi32, #tpu.memory_space<hbm>>) dst(%arg6 : memref<128xi32, #tpu.memory_space<vmem>>)
          tpu.yield
        }) : () -> ()
        "tpu.region"() ({
          %run_scoped3A = tpu.sem_alloc : memref<!tpu.dma_semaphore, #tpu.memory_space<semaphore_mem>>
          %dma_start3A = arith.constant 128 : i32
          %dma_start3A_31 = tpu.memref_slice %arg2[%add3A, %dma_start3A] : memref<163840x256xf32, #tpu.memory_space<hbm>> -> memref<128x128xf32, #tpu.memory_space<hbm>>
          %dma_start3A_32 = arith.constant 128 : i32
          %dma_start3A_33 = tpu.memref_slice %arg2[%add3A, %dma_start3A_32] : memref<163840x256xf32, #tpu.memory_space<hbm>> -> memref<128x128xf32, #tpu.memory_space<hbm>>
          tpu.enqueue_dma source(%dma_start3A_33 : memref<128x128xf32, #tpu.memory_space<hbm>>) target(%arg7 : memref<128x128xf32, #tpu.memory_space<vmem>>) target_semaphore(%run_scoped3A : memref<!tpu.dma_semaphore, #tpu.memory_space<semaphore_mem>>)
          %dma_wait3A = arith.constant 128 : i32
          %dma_wait3A_34 = tpu.memref_slice %arg2[%add3A, %dma_wait3A] : memref<163840x256xf32, #tpu.memory_space<hbm>> -> memref<128x128xf32, #tpu.memory_space<hbm>>
          %dma_wait3A_35 = arith.constant 128 : i32
          %dma_wait3A_36 = tpu.memref_slice %arg2[%add3A, %dma_wait3A_35] : memref<163840x256xf32, #tpu.memory_space<hbm>> -> memref<128x128xf32, #tpu.memory_space<hbm>>
          tpu.wait_dma2 semaphore(%run_scoped3A : memref<!tpu.dma_semaphore, #tpu.memory_space<semaphore_mem>>) src(%dma_wait3A_36 : memref<128x128xf32, #tpu.memory_space<hbm>>) dst(%arg7 : memref<128x128xf32, #tpu.memory_space<vmem>>)
          tpu.yield
        }) : () -> ()
        "tpu.region"() ({
          %run_scoped3A = tpu.sem_alloc : memref<!tpu.dma_semaphore, #tpu.memory_space<semaphore_mem>>
          %dma_start3A = arith.constant 0 : i32
          %dma_start3A_31 = arith.constant 0 : i32
          %dma_start3A_32 = tpu.memref_slice %arg8[%dma_start3A, %dma_start3A_31] : memref<10240x128xf32, #tpu.memory_space<vmem_shared>> -> memref<10240x128xf32, #tpu.memory_space<vmem_shared>>
          tpu.enqueue_indirect_dma source(%arg7 : memref<128x128xf32, #tpu.memory_space<vmem>>) target(%dma_start3A_32 : memref<10240x128xf32, #tpu.memory_space<vmem_shared>>) offsets(%arg6 : memref<128xi32, #tpu.memory_space<vmem>>) semaphore(%run_scoped3A : memref<!tpu.dma_semaphore, #tpu.memory_space<semaphore_mem>>) {add = true}
          %dma_wait3A = arith.constant 0 : i32
          %dma_wait3A_33 = arith.constant 0 : i32
          %dma_wait3A_34 = tpu.memref_slice %arg8[%dma_wait3A, %dma_wait3A_33] : memref<10240x128xf32, #tpu.memory_space<vmem_shared>> -> memref<10240x128xf32, #tpu.memory_space<vmem_shared>>
          tpu.wait_indirect_dma semaphore(%run_scoped3A : memref<!tpu.dma_semaphore, #tpu.memory_space<semaphore_mem>>) src(%arg7 : memref<128x128xf32, #tpu.memory_space<vmem>>) dst(%dma_wait3A_34 : memref<10240x128xf32, #tpu.memory_space<vmem_shared>>)
          tpu.yield
        }) : () -> ()
      }
      %scan3A_25 = arith.constant 80 : i32
    } else {
    }
    %barrier3A_10 = arith.constant 0 : index
    tpu.barrier barrier_id(%barrier3A_10)
    %eq3A_11 = arith.constant 0 : i32
    %eq3A_12 = arith.cmpi eq, %arg0, %eq3A_11 : i32
    %convert_element_type3A_13 = arith.extui %eq3A_12 : i1 to i32
    %cond3A_14 = arith.constant 0 : i32
    %cond3A_15 = arith.cmpi ne, %convert_element_type3A_13, %cond3A_14 : i32
    scf.if %cond3A_15 {
      %mul3A_21 = arith.constant 640 : i32
      %mul3A_22 = arith.muli %arg1, %mul3A_21 : i32
      %mul3A_23 = arith.constant 640 : i32
      %mul3A_24 = arith.muli %arg1, %mul3A_23 : i32
      "tpu.region"() ({
        %run_scoped3A = tpu.sem_alloc : memref<!tpu.dma_semaphore, #tpu.memory_space<semaphore_mem>>
        %dma_start3A = arith.constant 0 : i32
        %dma_start3A_25 = tpu.memref_slice %arg5[%mul3A_24, %dma_start3A] : memref<10240x256xf32, #tpu.memory_space<hbm>> -> memref<640x128xf32, #tpu.memory_space<hbm>>
        %dma_start3A_26 = arith.constant 0 : i32
        %dma_start3A_27 = tpu.memref_slice %arg8[%mul3A_22, %dma_start3A_26] : memref<10240x128xf32, #tpu.memory_space<vmem_shared>> -> memref<640x128xf32, #tpu.memory_space<vmem_shared>>
        tpu.enqueue_dma source(%dma_start3A_27 : memref<640x128xf32, #tpu.memory_space<vmem_shared>>) target(%dma_start3A_25 : memref<640x128xf32, #tpu.memory_space<hbm>>) target_semaphore(%run_scoped3A : memref<!tpu.dma_semaphore, #tpu.memory_space<semaphore_mem>>)
        %dma_wait3A = arith.constant 0 : i32
        %dma_wait3A_28 = tpu.memref_slice %arg5[%mul3A_24, %dma_wait3A] : memref<10240x256xf32, #tpu.memory_space<hbm>> -> memref<640x128xf32, #tpu.memory_space<hbm>>
        %dma_wait3A_29 = arith.constant 0 : i32
        %dma_wait3A_30 = tpu.memref_slice %arg8[%mul3A_22, %dma_wait3A_29] : memref<10240x128xf32, #tpu.memory_space<vmem_shared>> -> memref<640x128xf32, #tpu.memory_space<vmem_shared>>
        tpu.wait_dma2 semaphore(%run_scoped3A : memref<!tpu.dma_semaphore, #tpu.memory_space<semaphore_mem>>) src(%dma_wait3A_30 : memref<640x128xf32, #tpu.memory_space<vmem_shared>>) dst(%dma_wait3A_28 : memref<640x128xf32, #tpu.memory_space<hbm>>)
        tpu.yield
      }) : () -> ()
    } else {
    }
    %eq3A_16 = arith.constant 1 : i32
    %eq3A_17 = arith.cmpi eq, %arg0, %eq3A_16 : i32
    %convert_element_type3A_18 = arith.extui %eq3A_17 : i1 to i32
    %cond3A_19 = arith.constant 0 : i32
    %cond3A_20 = arith.cmpi ne, %convert_element_type3A_18, %cond3A_19 : i32
    scf.if %cond3A_20 {
      %mul3A_21 = arith.constant 640 : i32
      %mul3A_22 = arith.muli %arg1, %mul3A_21 : i32
      %mul3A_23 = arith.constant 640 : i32
      %mul3A_24 = arith.muli %arg1, %mul3A_23 : i32
      "tpu.region"() ({
        %run_scoped3A = tpu.sem_alloc : memref<!tpu.dma_semaphore, #tpu.memory_space<semaphore_mem>>
        %dma_start3A = arith.constant 128 : i32
        %dma_start3A_25 = tpu.memref_slice %arg5[%mul3A_24, %dma_start3A] : memref<10240x256xf32, #tpu.memory_space<hbm>> -> memref<640x128xf32, #tpu.memory_space<hbm>>
        %dma_start3A_26 = arith.constant 0 : i32
        %dma_start3A_27 = tpu.memref_slice %arg8[%mul3A_22, %dma_start3A_26] : memref<10240x128xf32, #tpu.memory_space<vmem_shared>> -> memref<640x128xf32, #tpu.memory_space<vmem_shared>>
        tpu.enqueue_dma source(%dma_start3A_27 : memref<640x128xf32, #tpu.memory_space<vmem_shared>>) target(%dma_start3A_25 : memref<640x128xf32, #tpu.memory_space<hbm>>) target_semaphore(%run_scoped3A : memref<!tpu.dma_semaphore, #tpu.memory_space<semaphore_mem>>)
        %dma_wait3A = arith.constant 128 : i32
        %dma_wait3A_28 = tpu.memref_slice %arg5[%mul3A_24, %dma_wait3A] : memref<10240x256xf32, #tpu.memory_space<hbm>> -> memref<640x128xf32, #tpu.memory_space<hbm>>
        %dma_wait3A_29 = arith.constant 0 : i32
        %dma_wait3A_30 = tpu.memref_slice %arg8[%mul3A_22, %dma_wait3A_29] : memref<10240x128xf32, #tpu.memory_space<vmem_shared>> -> memref<640x128xf32, #tpu.memory_space<vmem_shared>>
        tpu.wait_dma2 semaphore(%run_scoped3A : memref<!tpu.dma_semaphore, #tpu.memory_space<semaphore_mem>>) src(%dma_wait3A_30 : memref<640x128xf32, #tpu.memory_space<vmem_shared>>) dst(%dma_wait3A_28 : memref<640x128xf32, #tpu.memory_space<hbm>>)
        tpu.yield
      }) : () -> ()
    } else {
    }
    return
  }
}

#map = affine_map<(d0, d1) -> (0, 0)>
module attributes {stable_mosaic.version = 14 : i64} {
  func.func @k(%arg0: i32, %arg1: i32, %arg2: memref<10240x256xf32, #tpu.memory_space<hbm>>, %arg3: memref<10240x512xf32, #tpu.memory_space<hbm>>, %arg4: memref<2560x64xi32, #tpu.memory_space<hbm>>, %arg5: memref<2560x64xi32, #tpu.memory_space<hbm>>, %arg6: memref<163840x256xf32, #tpu.memory_space<hbm>>, %arg7: memref<163840x512xf32, #tpu.memory_space<hbm>>, %arg8: memref<80x64xi32, #tpu.memory_space<vmem>>, %arg9: memref<80x64xi32, #tpu.memory_space<vmem>>, %arg10: memref<64x256xf32, #tpu.memory_space<vmem>>, %arg11: memref<64x512xf32, #tpu.memory_space<vmem>>, %arg12: memref<64x256xf32, #tpu.memory_space<vmem>>, %arg13: memref<64x512xf32, #tpu.memory_space<vmem>>, %arg14: memref<!tpu.dma_semaphore, #tpu.memory_space<semaphore_mem>>, %arg15: memref<!tpu.dma_semaphore, #tpu.memory_space<semaphore_mem>>, %arg16: memref<!tpu.dma_semaphore, #tpu.memory_space<semaphore_mem>>, %arg17: memref<!tpu.dma_semaphore, #tpu.memory_space<semaphore_mem>>) attributes {dimension_semantics = [#tpu.dimension_semantics<core_parallel>, #tpu.dimension_semantics<subcore_parallel>], iteration_bounds = array<i64: 2, 16>, scalar_prefetch = 0 : i64, scratch_operands = 10 : i64, tpu.core_type = #tpu.core_type<sc_vector_subcore>, window_params = [{transform_indices = #map}, {transform_indices = #map}, {transform_indices = #map}, {transform_indices = #map}, {transform_indices = #map}, {transform_indices = #map}]} {
    %mul3A = arith.constant 2 : i32
    %mul3A_0 = arith.muli %arg1, %mul3A : i32
    %add3A = arith.addi %mul3A_0, %arg0 : i32
    %mul3A_1 = arith.constant 80 : i32
    %mul3A_2 = arith.muli %add3A, %mul3A_1 : i32
    "tpu.region"() ({
      %run_scoped3A = tpu.sem_alloc : memref<!tpu.dma_semaphore, #tpu.memory_space<semaphore_mem>>
      %dma_start3A_21 = arith.constant 0 : i32
      %dma_start3A_22 = tpu.memref_slice %arg4[%mul3A_2, %dma_start3A_21] : memref<2560x64xi32, #tpu.memory_space<hbm>> -> memref<80x64xi32, #tpu.memory_space<hbm>>
      %dma_start3A_23 = arith.constant 0 : i32
      %dma_start3A_24 = tpu.memref_slice %arg4[%mul3A_2, %dma_start3A_23] : memref<2560x64xi32, #tpu.memory_space<hbm>> -> memref<80x64xi32, #tpu.memory_space<hbm>>
      tpu.enqueue_dma source(%dma_start3A_24 : memref<80x64xi32, #tpu.memory_space<hbm>>) target(%arg8 : memref<80x64xi32, #tpu.memory_space<vmem>>) target_semaphore(%run_scoped3A : memref<!tpu.dma_semaphore, #tpu.memory_space<semaphore_mem>>)
      %dma_wait3A = arith.constant 0 : i32
      %dma_wait3A_25 = tpu.memref_slice %arg4[%mul3A_2, %dma_wait3A] : memref<2560x64xi32, #tpu.memory_space<hbm>> -> memref<80x64xi32, #tpu.memory_space<hbm>>
      %dma_wait3A_26 = arith.constant 0 : i32
      %dma_wait3A_27 = tpu.memref_slice %arg4[%mul3A_2, %dma_wait3A_26] : memref<2560x64xi32, #tpu.memory_space<hbm>> -> memref<80x64xi32, #tpu.memory_space<hbm>>
      tpu.wait_dma2 semaphore(%run_scoped3A : memref<!tpu.dma_semaphore, #tpu.memory_space<semaphore_mem>>) src(%dma_wait3A_27 : memref<80x64xi32, #tpu.memory_space<hbm>>) dst(%arg8 : memref<80x64xi32, #tpu.memory_space<vmem>>)
      tpu.yield
    }) : () -> ()
    "tpu.region"() ({
      %run_scoped3A = tpu.sem_alloc : memref<!tpu.dma_semaphore, #tpu.memory_space<semaphore_mem>>
      %dma_start3A_21 = arith.constant 0 : i32
      %dma_start3A_22 = tpu.memref_slice %arg5[%mul3A_2, %dma_start3A_21] : memref<2560x64xi32, #tpu.memory_space<hbm>> -> memref<80x64xi32, #tpu.memory_space<hbm>>
      %dma_start3A_23 = arith.constant 0 : i32
      %dma_start3A_24 = tpu.memref_slice %arg5[%mul3A_2, %dma_start3A_23] : memref<2560x64xi32, #tpu.memory_space<hbm>> -> memref<80x64xi32, #tpu.memory_space<hbm>>
      tpu.enqueue_dma source(%dma_start3A_24 : memref<80x64xi32, #tpu.memory_space<hbm>>) target(%arg9 : memref<80x64xi32, #tpu.memory_space<vmem>>) target_semaphore(%run_scoped3A : memref<!tpu.dma_semaphore, #tpu.memory_space<semaphore_mem>>)
      %dma_wait3A = arith.constant 0 : i32
      %dma_wait3A_25 = tpu.memref_slice %arg5[%mul3A_2, %dma_wait3A] : memref<2560x64xi32, #tpu.memory_space<hbm>> -> memref<80x64xi32, #tpu.memory_space<hbm>>
      %dma_wait3A_26 = arith.constant 0 : i32
      %dma_wait3A_27 = tpu.memref_slice %arg5[%mul3A_2, %dma_wait3A_26] : memref<2560x64xi32, #tpu.memory_space<hbm>> -> memref<80x64xi32, #tpu.memory_space<hbm>>
      tpu.wait_dma2 semaphore(%run_scoped3A : memref<!tpu.dma_semaphore, #tpu.memory_space<semaphore_mem>>) src(%dma_wait3A_27 : memref<80x64xi32, #tpu.memory_space<hbm>>) dst(%arg9 : memref<80x64xi32, #tpu.memory_space<vmem>>)
      tpu.yield
    }) : () -> ()
    %dma_start3A = arith.constant 0 : i32
    %dma_start3A_3 = arith.constant 0 : i32
    %dma_start3A_4 = tpu.memref_slice %arg8[%dma_start3A, %dma_start3A_3] : memref<80x64xi32, #tpu.memory_space<vmem>> -> memref<1x64xi32, #tpu.memory_space<vmem>>
    %dma_start3A_5 = tpu.memref_squeeze %dma_start3A_4 : memref<1x64xi32, #tpu.memory_space<vmem>> -> memref<64xi32, #tpu.memory_space<vmem>>
    %dma_start3A_6 = arith.constant 0 : i32
    %dma_start3A_7 = arith.constant 0 : i32
    %dma_start3A_8 = tpu.memref_slice %arg2[%dma_start3A_6, %dma_start3A_7] : memref<10240x256xf32, #tpu.memory_space<hbm>> -> memref<10240x256xf32, #tpu.memory_space<hbm>>
    tpu.enqueue_indirect_dma source(%dma_start3A_8 : memref<10240x256xf32, #tpu.memory_space<hbm>>) target(%arg10 : memref<64x256xf32, #tpu.memory_space<vmem>>) offsets(%dma_start3A_5 : memref<64xi32, #tpu.memory_space<vmem>>) semaphore(%arg14 : memref<!tpu.dma_semaphore, #tpu.memory_space<semaphore_mem>>)
    %dma_start3A_9 = arith.constant 0 : i32
    %dma_start3A_10 = arith.constant 0 : i32
    %dma_start3A_11 = tpu.memref_slice %arg9[%dma_start3A_9, %dma_start3A_10] : memref<80x64xi32, #tpu.memory_space<vmem>> -> memref<1x64xi32, #tpu.memory_space<vmem>>
    %dma_start3A_12 = tpu.memref_squeeze %dma_start3A_11 : memref<1x64xi32, #tpu.memory_space<vmem>> -> memref<64xi32, #tpu.memory_space<vmem>>
    %dma_start3A_13 = arith.constant 0 : i32
    %dma_start3A_14 = arith.constant 0 : i32
    %dma_start3A_15 = tpu.memref_slice %arg3[%dma_start3A_13, %dma_start3A_14] : memref<10240x512xf32, #tpu.memory_space<hbm>> -> memref<10240x512xf32, #tpu.memory_space<hbm>>
    tpu.enqueue_indirect_dma source(%dma_start3A_15 : memref<10240x512xf32, #tpu.memory_space<hbm>>) target(%arg11 : memref<64x512xf32, #tpu.memory_space<vmem>>) offsets(%dma_start3A_12 : memref<64xi32, #tpu.memory_space<vmem>>) semaphore(%arg15 : memref<!tpu.dma_semaphore, #tpu.memory_space<semaphore_mem>>)
    %scan3A = arith.constant 0 : i32
    %scan3A_16 = arith.constant 0 : i32
    %scan3A_17 = arith.constant 40 : i32
    %scan3A_18 = arith.addi %scan3A_16, %scan3A_17 : i32
    %scan3A_19 = arith.constant 1 : i32
    scf.for %scan3A_21 = %scan3A_16 to %scan3A_18 step %scan3A_19  : i32 {
      %mul3A_22 = arith.constant 2 : i32
      %mul3A_23 = arith.muli %mul3A_22, %scan3A_21 : i32
      %add3A_24 = arith.constant 1 : i32
      %add3A_25 = arith.addi %mul3A_23, %add3A_24 : i32
      %dma_start3A_26 = arith.constant 0 : i32
      %dma_start3A_27 = tpu.memref_slice %arg8[%add3A_25, %dma_start3A_26] : memref<80x64xi32, #tpu.memory_space<vmem>> -> memref<1x64xi32, #tpu.memory_space<vmem>>
      %dma_start3A_28 = tpu.memref_squeeze %dma_start3A_27 : memref<1x64xi32, #tpu.memory_space<vmem>> -> memref<64xi32, #tpu.memory_space<vmem>>
      %dma_start3A_29 = arith.constant 0 : i32
      %dma_start3A_30 = arith.constant 0 : i32
      %dma_start3A_31 = tpu.memref_slice %arg2[%dma_start3A_29, %dma_start3A_30] : memref<10240x256xf32, #tpu.memory_space<hbm>> -> memref<10240x256xf32, #tpu.memory_space<hbm>>
      tpu.enqueue_indirect_dma source(%dma_start3A_31 : memref<10240x256xf32, #tpu.memory_space<hbm>>) target(%arg12 : memref<64x256xf32, #tpu.memory_space<vmem>>) offsets(%dma_start3A_28 : memref<64xi32, #tpu.memory_space<vmem>>) semaphore(%arg16 : memref<!tpu.dma_semaphore, #tpu.memory_space<semaphore_mem>>)
      %add3A_32 = arith.constant 1 : i32
      %add3A_33 = arith.addi %mul3A_23, %add3A_32 : i32
      %dma_start3A_34 = arith.constant 0 : i32
      %dma_start3A_35 = tpu.memref_slice %arg9[%add3A_33, %dma_start3A_34] : memref<80x64xi32, #tpu.memory_space<vmem>> -> memref<1x64xi32, #tpu.memory_space<vmem>>
      %dma_start3A_36 = tpu.memref_squeeze %dma_start3A_35 : memref<1x64xi32, #tpu.memory_space<vmem>> -> memref<64xi32, #tpu.memory_space<vmem>>
      %dma_start3A_37 = arith.constant 0 : i32
      %dma_start3A_38 = arith.constant 0 : i32
      %dma_start3A_39 = tpu.memref_slice %arg3[%dma_start3A_37, %dma_start3A_38] : memref<10240x512xf32, #tpu.memory_space<hbm>> -> memref<10240x512xf32, #tpu.memory_space<hbm>>
      tpu.enqueue_indirect_dma source(%dma_start3A_39 : memref<10240x512xf32, #tpu.memory_space<hbm>>) target(%arg13 : memref<64x512xf32, #tpu.memory_space<vmem>>) offsets(%dma_start3A_36 : memref<64xi32, #tpu.memory_space<vmem>>) semaphore(%arg17 : memref<!tpu.dma_semaphore, #tpu.memory_space<semaphore_mem>>)
      %dma_wait3A = arith.constant 0 : i32
      %dma_wait3A_40 = arith.constant 0 : i32
      %dma_wait3A_41 = tpu.memref_slice %arg2[%dma_wait3A, %dma_wait3A_40] : memref<10240x256xf32, #tpu.memory_space<hbm>> -> memref<64x256xf32, #tpu.memory_space<hbm>>
      %dma_wait3A_42 = arith.constant 0 : i32
      %dma_wait3A_43 = arith.constant 0 : i32
      %dma_wait3A_44 = tpu.memref_slice %arg2[%dma_wait3A_42, %dma_wait3A_43] : memref<10240x256xf32, #tpu.memory_space<hbm>> -> memref<64x256xf32, #tpu.memory_space<hbm>>
      tpu.wait_dma2 semaphore(%arg14 : memref<!tpu.dma_semaphore, #tpu.memory_space<semaphore_mem>>) src(%dma_wait3A_44 : memref<64x256xf32, #tpu.memory_space<hbm>>) dst(%arg10 : memref<64x256xf32, #tpu.memory_space<vmem>>)
      %add3A_45 = arith.addi %mul3A_2, %mul3A_23 : i32
      %mul3A_46 = arith.constant 64 : i32
      %mul3A_47 = arith.muli %add3A_45, %mul3A_46 : i32
      "tpu.region"() ({
        %run_scoped3A = tpu.sem_alloc : memref<!tpu.dma_semaphore, #tpu.memory_space<semaphore_mem>>
        %dma_start3A_83 = arith.constant 0 : i32
        %dma_start3A_84 = tpu.memref_slice %arg6[%mul3A_47, %dma_start3A_83] : memref<163840x256xf32, #tpu.memory_space<hbm>> -> memref<64x256xf32, #tpu.memory_space<hbm>>
        %dma_start3A_85 = arith.constant 0 : i32
        %dma_start3A_86 = tpu.memref_slice %arg6[%mul3A_47, %dma_start3A_85] : memref<163840x256xf32, #tpu.memory_space<hbm>> -> memref<64x256xf32, #tpu.memory_space<hbm>>
        tpu.enqueue_dma source(%arg10 : memref<64x256xf32, #tpu.memory_space<vmem>>) target(%dma_start3A_86 : memref<64x256xf32, #tpu.memory_space<hbm>>) target_semaphore(%run_scoped3A : memref<!tpu.dma_semaphore, #tpu.memory_space<semaphore_mem>>)
        %dma_wait3A_87 = arith.constant 0 : i32
        %dma_wait3A_88 = tpu.memref_slice %arg6[%mul3A_47, %dma_wait3A_87] : memref<163840x256xf32, #tpu.memory_space<hbm>> -> memref<64x256xf32, #tpu.memory_space<hbm>>
        %dma_wait3A_89 = arith.constant 0 : i32
        %dma_wait3A_90 = tpu.memref_slice %arg6[%mul3A_47, %dma_wait3A_89] : memref<163840x256xf32, #tpu.memory_space<hbm>> -> memref<64x256xf32, #tpu.memory_space<hbm>>
        tpu.wait_dma2 semaphore(%run_scoped3A : memref<!tpu.dma_semaphore, #tpu.memory_space<semaphore_mem>>) src(%arg10 : memref<64x256xf32, #tpu.memory_space<vmem>>) dst(%dma_wait3A_90 : memref<64x256xf32, #tpu.memory_space<hbm>>)
        tpu.yield
      }) : () -> ()
      %dma_wait3A_48 = arith.constant 0 : i32
      %dma_wait3A_49 = arith.constant 0 : i32
      %dma_wait3A_50 = tpu.memref_slice %arg3[%dma_wait3A_48, %dma_wait3A_49] : memref<10240x512xf32, #tpu.memory_space<hbm>> -> memref<64x512xf32, #tpu.memory_space<hbm>>
      %dma_wait3A_51 = arith.constant 0 : i32
      %dma_wait3A_52 = arith.constant 0 : i32
      %dma_wait3A_53 = tpu.memref_slice %arg3[%dma_wait3A_51, %dma_wait3A_52] : memref<10240x512xf32, #tpu.memory_space<hbm>> -> memref<64x512xf32, #tpu.memory_space<hbm>>
      tpu.wait_dma2 semaphore(%arg15 : memref<!tpu.dma_semaphore, #tpu.memory_space<semaphore_mem>>) src(%dma_wait3A_53 : memref<64x512xf32, #tpu.memory_space<hbm>>) dst(%arg11 : memref<64x512xf32, #tpu.memory_space<vmem>>)
      %add3A_54 = arith.addi %mul3A_2, %mul3A_23 : i32
      %mul3A_55 = arith.constant 64 : i32
      %mul3A_56 = arith.muli %add3A_54, %mul3A_55 : i32
      "tpu.region"() ({
        %run_scoped3A = tpu.sem_alloc : memref<!tpu.dma_semaphore, #tpu.memory_space<semaphore_mem>>
        %dma_start3A_83 = arith.constant 0 : i32
        %dma_start3A_84 = tpu.memref_slice %arg7[%mul3A_56, %dma_start3A_83] : memref<163840x512xf32, #tpu.memory_space<hbm>> -> memref<64x512xf32, #tpu.memory_space<hbm>>
        %dma_start3A_85 = arith.constant 0 : i32
        %dma_start3A_86 = tpu.memref_slice %arg7[%mul3A_56, %dma_start3A_85] : memref<163840x512xf32, #tpu.memory_space<hbm>> -> memref<64x512xf32, #tpu.memory_space<hbm>>
        tpu.enqueue_dma source(%arg11 : memref<64x512xf32, #tpu.memory_space<vmem>>) target(%dma_start3A_86 : memref<64x512xf32, #tpu.memory_space<hbm>>) target_semaphore(%run_scoped3A : memref<!tpu.dma_semaphore, #tpu.memory_space<semaphore_mem>>)
        %dma_wait3A_87 = arith.constant 0 : i32
        %dma_wait3A_88 = tpu.memref_slice %arg7[%mul3A_56, %dma_wait3A_87] : memref<163840x512xf32, #tpu.memory_space<hbm>> -> memref<64x512xf32, #tpu.memory_space<hbm>>
        %dma_wait3A_89 = arith.constant 0 : i32
        %dma_wait3A_90 = tpu.memref_slice %arg7[%mul3A_56, %dma_wait3A_89] : memref<163840x512xf32, #tpu.memory_space<hbm>> -> memref<64x512xf32, #tpu.memory_space<hbm>>
        tpu.wait_dma2 semaphore(%run_scoped3A : memref<!tpu.dma_semaphore, #tpu.memory_space<semaphore_mem>>) src(%arg11 : memref<64x512xf32, #tpu.memory_space<vmem>>) dst(%dma_wait3A_90 : memref<64x512xf32, #tpu.memory_space<hbm>>)
        tpu.yield
      }) : () -> ()
      %add3A_57 = arith.constant 2 : i32
      %add3A_58 = arith.addi %mul3A_23, %add3A_57 : i32
      %lt3A = arith.constant 80 : i32
      %lt3A_59 = arith.cmpi slt, %add3A_58, %lt3A : i32
      %convert_element_type3A = arith.extui %lt3A_59 : i1 to i32
      %cond3A = arith.constant 0 : i32
      %cond3A_60 = arith.cmpi ne, %convert_element_type3A, %cond3A : i32
      scf.if %cond3A_60 {
        %add3A_83 = arith.constant 2 : i32
        %add3A_84 = arith.addi %mul3A_23, %add3A_83 : i32
        %dma_start3A_85 = arith.constant 0 : i32
        %dma_start3A_86 = tpu.memref_slice %arg8[%add3A_84, %dma_start3A_85] : memref<80x64xi32, #tpu.memory_space<vmem>> -> memref<1x64xi32, #tpu.memory_space<vmem>>
        %dma_start3A_87 = tpu.memref_squeeze %dma_start3A_86 : memref<1x64xi32, #tpu.memory_space<vmem>> -> memref<64xi32, #tpu.memory_space<vmem>>
        %dma_start3A_88 = arith.constant 0 : i32
        %dma_start3A_89 = arith.constant 0 : i32
        %dma_start3A_90 = tpu.memref_slice %arg2[%dma_start3A_88, %dma_start3A_89] : memref<10240x256xf32, #tpu.memory_space<hbm>> -> memref<10240x256xf32, #tpu.memory_space<hbm>>
        tpu.enqueue_indirect_dma source(%dma_start3A_90 : memref<10240x256xf32, #tpu.memory_space<hbm>>) target(%arg10 : memref<64x256xf32, #tpu.memory_space<vmem>>) offsets(%dma_start3A_87 : memref<64xi32, #tpu.memory_space<vmem>>) semaphore(%arg14 : memref<!tpu.dma_semaphore, #tpu.memory_space<semaphore_mem>>)
        %add3A_91 = arith.constant 2 : i32
        %add3A_92 = arith.addi %mul3A_23, %add3A_91 : i32
        %dma_start3A_93 = arith.constant 0 : i32
        %dma_start3A_94 = tpu.memref_slice %arg9[%add3A_92, %dma_start3A_93] : memref<80x64xi32, #tpu.memory_space<vmem>> -> memref<1x64xi32, #tpu.memory_space<vmem>>
        %dma_start3A_95 = tpu.memref_squeeze %dma_start3A_94 : memref<1x64xi32, #tpu.memory_space<vmem>> -> memref<64xi32, #tpu.memory_space<vmem>>
        %dma_start3A_96 = arith.constant 0 : i32
        %dma_start3A_97 = arith.constant 0 : i32
        %dma_start3A_98 = tpu.memref_slice %arg3[%dma_start3A_96, %dma_start3A_97] : memref<10240x512xf32, #tpu.memory_space<hbm>> -> memref<10240x512xf32, #tpu.memory_space<hbm>>
        tpu.enqueue_indirect_dma source(%dma_start3A_98 : memref<10240x512xf32, #tpu.memory_space<hbm>>) target(%arg11 : memref<64x512xf32, #tpu.memory_space<vmem>>) offsets(%dma_start3A_95 : memref<64xi32, #tpu.memory_space<vmem>>) semaphore(%arg15 : memref<!tpu.dma_semaphore, #tpu.memory_space<semaphore_mem>>)
      } else {
      }
      %dma_wait3A_61 = arith.constant 0 : i32
      %dma_wait3A_62 = arith.constant 0 : i32
      %dma_wait3A_63 = tpu.memref_slice %arg2[%dma_wait3A_61, %dma_wait3A_62] : memref<10240x256xf32, #tpu.memory_space<hbm>> -> memref<64x256xf32, #tpu.memory_space<hbm>>
      %dma_wait3A_64 = arith.constant 0 : i32
      %dma_wait3A_65 = arith.constant 0 : i32
      %dma_wait3A_66 = tpu.memref_slice %arg2[%dma_wait3A_64, %dma_wait3A_65] : memref<10240x256xf32, #tpu.memory_space<hbm>> -> memref<64x256xf32, #tpu.memory_space<hbm>>
      tpu.wait_dma2 semaphore(%arg16 : memref<!tpu.dma_semaphore, #tpu.memory_space<semaphore_mem>>) src(%dma_wait3A_66 : memref<64x256xf32, #tpu.memory_space<hbm>>) dst(%arg12 : memref<64x256xf32, #tpu.memory_space<vmem>>)
      %add3A_67 = arith.addi %mul3A_2, %mul3A_23 : i32
      %add3A_68 = arith.constant 1 : i32
      %add3A_69 = arith.addi %add3A_67, %add3A_68 : i32
      %mul3A_70 = arith.constant 64 : i32
      %mul3A_71 = arith.muli %add3A_69, %mul3A_70 : i32
      "tpu.region"() ({
        %run_scoped3A = tpu.sem_alloc : memref<!tpu.dma_semaphore, #tpu.memory_space<semaphore_mem>>
        %dma_start3A_83 = arith.constant 0 : i32
        %dma_start3A_84 = tpu.memref_slice %arg6[%mul3A_71, %dma_start3A_83] : memref<163840x256xf32, #tpu.memory_space<hbm>> -> memref<64x256xf32, #tpu.memory_space<hbm>>
        %dma_start3A_85 = arith.constant 0 : i32
        %dma_start3A_86 = tpu.memref_slice %arg6[%mul3A_71, %dma_start3A_85] : memref<163840x256xf32, #tpu.memory_space<hbm>> -> memref<64x256xf32, #tpu.memory_space<hbm>>
        tpu.enqueue_dma source(%arg12 : memref<64x256xf32, #tpu.memory_space<vmem>>) target(%dma_start3A_86 : memref<64x256xf32, #tpu.memory_space<hbm>>) target_semaphore(%run_scoped3A : memref<!tpu.dma_semaphore, #tpu.memory_space<semaphore_mem>>)
        %dma_wait3A_87 = arith.constant 0 : i32
        %dma_wait3A_88 = tpu.memref_slice %arg6[%mul3A_71, %dma_wait3A_87] : memref<163840x256xf32, #tpu.memory_space<hbm>> -> memref<64x256xf32, #tpu.memory_space<hbm>>
        %dma_wait3A_89 = arith.constant 0 : i32
        %dma_wait3A_90 = tpu.memref_slice %arg6[%mul3A_71, %dma_wait3A_89] : memref<163840x256xf32, #tpu.memory_space<hbm>> -> memref<64x256xf32, #tpu.memory_space<hbm>>
        tpu.wait_dma2 semaphore(%run_scoped3A : memref<!tpu.dma_semaphore, #tpu.memory_space<semaphore_mem>>) src(%arg12 : memref<64x256xf32, #tpu.memory_space<vmem>>) dst(%dma_wait3A_90 : memref<64x256xf32, #tpu.memory_space<hbm>>)
        tpu.yield
      }) : () -> ()
      %dma_wait3A_72 = arith.constant 0 : i32
      %dma_wait3A_73 = arith.constant 0 : i32
      %dma_wait3A_74 = tpu.memref_slice %arg3[%dma_wait3A_72, %dma_wait3A_73] : memref<10240x512xf32, #tpu.memory_space<hbm>> -> memref<64x512xf32, #tpu.memory_space<hbm>>
      %dma_wait3A_75 = arith.constant 0 : i32
      %dma_wait3A_76 = arith.constant 0 : i32
      %dma_wait3A_77 = tpu.memref_slice %arg3[%dma_wait3A_75, %dma_wait3A_76] : memref<10240x512xf32, #tpu.memory_space<hbm>> -> memref<64x512xf32, #tpu.memory_space<hbm>>
      tpu.wait_dma2 semaphore(%arg17 : memref<!tpu.dma_semaphore, #tpu.memory_space<semaphore_mem>>) src(%dma_wait3A_77 : memref<64x512xf32, #tpu.memory_space<hbm>>) dst(%arg13 : memref<64x512xf32, #tpu.memory_space<vmem>>)
      %add3A_78 = arith.addi %mul3A_2, %mul3A_23 : i32
      %add3A_79 = arith.constant 1 : i32
      %add3A_80 = arith.addi %add3A_78, %add3A_79 : i32
      %mul3A_81 = arith.constant 64 : i32
      %mul3A_82 = arith.muli %add3A_80, %mul3A_81 : i32
      "tpu.region"() ({
        %run_scoped3A = tpu.sem_alloc : memref<!tpu.dma_semaphore, #tpu.memory_space<semaphore_mem>>
        %dma_start3A_83 = arith.constant 0 : i32
        %dma_start3A_84 = tpu.memref_slice %arg7[%mul3A_82, %dma_start3A_83] : memref<163840x512xf32, #tpu.memory_space<hbm>> -> memref<64x512xf32, #tpu.memory_space<hbm>>
        %dma_start3A_85 = arith.constant 0 : i32
        %dma_start3A_86 = tpu.memref_slice %arg7[%mul3A_82, %dma_start3A_85] : memref<163840x512xf32, #tpu.memory_space<hbm>> -> memref<64x512xf32, #tpu.memory_space<hbm>>
        tpu.enqueue_dma source(%arg13 : memref<64x512xf32, #tpu.memory_space<vmem>>) target(%dma_start3A_86 : memref<64x512xf32, #tpu.memory_space<hbm>>) target_semaphore(%run_scoped3A : memref<!tpu.dma_semaphore, #tpu.memory_space<semaphore_mem>>)
        %dma_wait3A_87 = arith.constant 0 : i32
        %dma_wait3A_88 = tpu.memref_slice %arg7[%mul3A_82, %dma_wait3A_87] : memref<163840x512xf32, #tpu.memory_space<hbm>> -> memref<64x512xf32, #tpu.memory_space<hbm>>
        %dma_wait3A_89 = arith.constant 0 : i32
        %dma_wait3A_90 = tpu.memref_slice %arg7[%mul3A_82, %dma_wait3A_89] : memref<163840x512xf32, #tpu.memory_space<hbm>> -> memref<64x512xf32, #tpu.memory_space<hbm>>
        tpu.wait_dma2 semaphore(%run_scoped3A : memref<!tpu.dma_semaphore, #tpu.memory_space<semaphore_mem>>) src(%arg13 : memref<64x512xf32, #tpu.memory_space<vmem>>) dst(%dma_wait3A_90 : memref<64x512xf32, #tpu.memory_space<hbm>>)
        tpu.yield
      }) : () -> ()
    }
    %scan3A_20 = arith.constant 40 : i32
    return
  }
}

#map = affine_map<(d0, d1) -> (0, 0)>
#map1 = affine_map<(d0, d1) -> (0)>
module attributes {stable_mosaic.version = 14 : i64} {
  func.func @k(%arg0: i32, %arg1: i32, %arg2: memref<10240x256xf32, #tpu.memory_space<hbm>>, %arg3: memref<16xi32, #tpu.memory_space<hbm>>, %arg4: memref<16x256xf32, #tpu.memory_space<hbm>>, %arg5: memref<16xi32, #tpu.memory_space<vmem>>, %arg6: memref<16x256xf32, #tpu.memory_space<vmem>>, %arg7: memref<!tpu.dma_semaphore, #tpu.memory_space<semaphore_mem>>) attributes {dimension_semantics = [#tpu.dimension_semantics<core_parallel>, #tpu.dimension_semantics<subcore_parallel>], iteration_bounds = array<i64: 2, 16>, scalar_prefetch = 0 : i64, scratch_operands = 3 : i64, tpu.core_type = #tpu.core_type<sc_vector_subcore>, window_params = [{transform_indices = #map}, {transform_indices = #map1}, {transform_indices = #map}]} {
    %eq3A = arith.constant 0 : i32
    %eq3A_0 = arith.cmpi eq, %arg0, %eq3A : i32
    %eq3A_1 = arith.constant 0 : i32
    %eq3A_2 = arith.cmpi eq, %arg1, %eq3A_1 : i32
    %and3A = arith.andi %eq3A_0, %eq3A_2 : i1
    %convert_element_type3A = arith.extui %and3A : i1 to i32
    %cond3A = arith.constant 0 : i32
    %cond3A_3 = arith.cmpi ne, %convert_element_type3A, %cond3A : i32
    scf.if %cond3A_3 {
      "tpu.region"() ({
        %run_scoped3A = tpu.sem_alloc : memref<!tpu.dma_semaphore, #tpu.memory_space<semaphore_mem>>
        tpu.enqueue_dma source(%arg3 : memref<16xi32, #tpu.memory_space<hbm>>) target(%arg5 : memref<16xi32, #tpu.memory_space<vmem>>) target_semaphore(%run_scoped3A : memref<!tpu.dma_semaphore, #tpu.memory_space<semaphore_mem>>)
        tpu.wait_dma2 semaphore(%run_scoped3A : memref<!tpu.dma_semaphore, #tpu.memory_space<semaphore_mem>>) src(%arg3 : memref<16xi32, #tpu.memory_space<hbm>>) dst(%arg5 : memref<16xi32, #tpu.memory_space<vmem>>)
        tpu.yield
      }) : () -> ()
      %dma_start3A = arith.constant 0 : i32
      %dma_start3A_4 = arith.constant 0 : i32
      %dma_start3A_5 = tpu.memref_slice %arg2[%dma_start3A, %dma_start3A_4] : memref<10240x256xf32, #tpu.memory_space<hbm>> -> memref<10240x256xf32, #tpu.memory_space<hbm>>
      tpu.enqueue_indirect_dma source(%dma_start3A_5 : memref<10240x256xf32, #tpu.memory_space<hbm>>) target(%arg6 : memref<16x256xf32, #tpu.memory_space<vmem>>) offsets(%arg5 : memref<16xi32, #tpu.memory_space<vmem>>) semaphore(%arg7 : memref<!tpu.dma_semaphore, #tpu.memory_space<semaphore_mem>>)
      %dma_wait3A = arith.constant 0 : i32
      %dma_wait3A_6 = arith.constant 0 : i32
      %dma_wait3A_7 = tpu.memref_slice %arg2[%dma_wait3A, %dma_wait3A_6] : memref<10240x256xf32, #tpu.memory_space<hbm>> -> memref<10240x256xf32, #tpu.memory_space<hbm>>
      tpu.wait_indirect_dma semaphore(%arg7 : memref<!tpu.dma_semaphore, #tpu.memory_space<semaphore_mem>>) src(%dma_wait3A_7 : memref<10240x256xf32, #tpu.memory_space<hbm>>) dst(%arg6 : memref<16x256xf32, #tpu.memory_space<vmem>>)
      "tpu.region"() ({
        %run_scoped3A = tpu.sem_alloc : memref<!tpu.dma_semaphore, #tpu.memory_space<semaphore_mem>>
        tpu.enqueue_dma source(%arg6 : memref<16x256xf32, #tpu.memory_space<vmem>>) target(%arg4 : memref<16x256xf32, #tpu.memory_space<hbm>>) target_semaphore(%run_scoped3A : memref<!tpu.dma_semaphore, #tpu.memory_space<semaphore_mem>>)
        tpu.wait_dma2 semaphore(%run_scoped3A : memref<!tpu.dma_semaphore, #tpu.memory_space<semaphore_mem>>) src(%arg6 : memref<16x256xf32, #tpu.memory_space<vmem>>) dst(%arg4 : memref<16x256xf32, #tpu.memory_space<hbm>>)
        tpu.yield
      }) : () -> ()
    } else {
    }
    return
  }
}

module attributes {stable_mosaic.version = 14 : i64} {
  func.func @_tables_body(%arg0: i32, %arg1: memref<512x128xf32, #tpu.memory_space<vmem>>, %arg2: memref<128x256xf32, #tpu.memory_space<vmem>>, %arg3: memref<128x256xf32, #tpu.memory_space<vmem>>, %arg4: memref<128x256xf32, #tpu.memory_space<vmem>>, %arg5: memref<1x256xf32, #tpu.memory_space<vmem>>, %arg6: memref<1x256xf32, #tpu.memory_space<vmem>>, %arg7: memref<512x256xf32, #tpu.memory_space<vmem>>, %arg8: memref<512x512xf32, #tpu.memory_space<vmem>>) attributes {dimension_semantics = [#tpu.dimension_semantics<arbitrary>], iteration_bounds = array<i64: 20>, scalar_prefetch = 0 : i64, scratch_operands = 0 : i64, tpu.core_type = #tpu.core_type<tc>, window_params = [{transform_indices = @transform_0, window_bounds = array<i64: 512, 128>}, {pipeline_mode = #tpu.pipeline_mode<synchronous>, transform_indices = @transform_1, window_bounds = array<i64: 128, 256>}, {pipeline_mode = #tpu.pipeline_mode<synchronous>, transform_indices = @transform_2, window_bounds = array<i64: 128, 256>}, {pipeline_mode = #tpu.pipeline_mode<synchronous>, transform_indices = @transform_3, window_bounds = array<i64: 128, 256>}, {pipeline_mode = #tpu.pipeline_mode<synchronous>, transform_indices = @transform_4, window_bounds = array<i64: 1, 256>}, {pipeline_mode = #tpu.pipeline_mode<synchronous>, transform_indices = @transform_5, window_bounds = array<i64: 1, 256>}, {transform_indices = @transform_6, window_bounds = array<i64: 512, 256>}, {transform_indices = @transform_7, window_bounds = array<i64: 512, 512>}]} {
    %get3A = arith.constant 0 : index
    %get3A_0 = arith.constant 0 : index
    %get3A_1 = vector.load %arg1[%get3A, %get3A_0] : memref<512x128xf32, #tpu.memory_space<vmem>>, vector<512x128xf32>
    %get3A_2 = arith.constant 0 : index
    %get3A_3 = arith.constant 0 : index
    %get3A_4 = vector.load %arg2[%get3A_2, %get3A_3] : memref<128x256xf32, #tpu.memory_space<vmem>>, vector<128x256xf32>
    %dot_general3A = arith.constant dense<0.000000e+00> : vector<512x256xf32>
    %dot_general3A_5 = tpu.matmul %get3A_1, %get3A_4, %dot_general3A {dimension_numbers = #tpu.dot_dimension_numbers<[1], [0], [0], [1], [0, 0, 1, 1], [], []>, transpose_lhs_hint = false} : vector<512x128xf32>, vector<128x256xf32>, vector<512x256xf32> -> vector<512x256xf32>
    %get3A_6 = arith.constant 0 : index
    %get3A_7 = arith.constant 0 : index
    %get3A_8 = vector.load %arg5[%get3A_6, %get3A_7] : memref<1x256xf32, #tpu.memory_space<vmem>>, vector<1x256xf32>
    %add3A = vector.broadcast %get3A_8 : vector<1x256xf32> to vector<512x256xf32>
    %add3A_9 = arith.addf %dot_general3A_5, %add3A : vector<512x256xf32>
    %swap3A = arith.constant 0 : index
    %swap3A_10 = arith.constant 0 : index
    %swap3A_11 = vector.load %arg7[%swap3A, %swap3A_10] : memref<512x256xf32, #tpu.memory_space<vmem>>, vector<512x256xf32>
    tpu.vector_store %arg7[%swap3A, %swap3A_10], %add3A_9 {strides = array<i32>} : memref<512x256xf32, #tpu.memory_space<vmem>>, vector<512x256xf32>,
    %get3A_12 = arith.constant 0 : index
    %get3A_13 = arith.constant 0 : index
    %get3A_14 = vector.load %arg3[%get3A_12, %get3A_13] : memref<128x256xf32, #tpu.memory_space<vmem>>, vector<128x256xf32>
    %dot_general3A_15 = arith.constant dense<0.000000e+00> : vector<512x256xf32>
    %dot_general3A_16 = tpu.matmul %get3A_1, %get3A_14, %dot_general3A_15 {dimension_numbers = #tpu.dot_dimension_numbers<[1], [0], [0], [1], [0, 0, 1, 1], [], []>, transpose_lhs_hint = false} : vector<512x128xf32>, vector<128x256xf32>, vector<512x256xf32> -> vector<512x256xf32>
    %get3A_17 = arith.constant 0 : index
    %get3A_18 = arith.constant 0 : index
    %get3A_19 = vector.load %arg4[%get3A_17, %get3A_18] : memref<128x256xf32, #tpu.memory_space<vmem>>, vector<128x256xf32>
    %dot_general3A_20 = arith.constant dense<0.000000e+00> : vector<512x256xf32>
    %dot_general3A_21 = tpu.matmul %get3A_1, %get3A_19, %dot_general3A_20 {dimension_numbers = #tpu.dot_dimension_numbers<[1], [0], [0], [1], [0, 0, 1, 1], [], []>, transpose_lhs_hint = false} : vector<512x128xf32>, vector<128x256xf32>, vector<512x256xf32> -> vector<512x256xf32>
    %get3A_22 = arith.constant 0 : index
    %get3A_23 = arith.constant 0 : index
    %get3A_24 = vector.load %arg6[%get3A_22, %get3A_23] : memref<1x256xf32, #tpu.memory_space<vmem>>, vector<1x256xf32>
    %add3A_25 = vector.broadcast %get3A_24 : vector<1x256xf32> to vector<512x256xf32>
    %add3A_26 = arith.addf %dot_general3A_21, %add3A_25 : vector<512x256xf32>
    %concatenate3A = tpu.concatenate %dot_general3A_16, %add3A_26 in 1 : vector<512x256xf32>, vector<512x256xf32> -> vector<512x512xf32>
    %swap3A_27 = arith.constant 0 : index
    %swap3A_28 = arith.constant 0 : index
    %swap3A_29 = vector.load %arg8[%swap3A_27, %swap3A_28] : memref<512x512xf32, #tpu.memory_space<vmem>>, vector<512x512xf32>
    tpu.vector_store %arg8[%swap3A_27, %swap3A_28], %concatenate3A {strides = array<i32>} : memref<512x512xf32, #tpu.memory_space<vmem>>, vector<512x512xf32>,
    return
  }
  func.func @transform_0(%arg0: i32) -> (i32, i32) {
    %c0_i32 = arith.constant 0 : i32
    %c0_i32_0 = arith.constant 0 : i32
    return %arg0, %c0_i32 : i32, i32
  }
  func.func @transform_1(%arg0: i32) -> (i32, i32) {
    %c0_i32 = arith.constant 0 : i32
    %c0_i32_0 = arith.constant 0 : i32
    %c0_i32_1 = arith.constant 0 : i32
    return %c0_i32, %c0_i32_0 : i32, i32
  }
  func.func @transform_2(%arg0: i32) -> (i32, i32) {
    %c0_i32 = arith.constant 0 : i32
    %c0_i32_0 = arith.constant 0 : i32
    %c0_i32_1 = arith.constant 0 : i32
    return %c0_i32, %c0_i32_0 : i32, i32
  }
  func.func @transform_3(%arg0: i32) -> (i32, i32) {
    %c0_i32 = arith.constant 0 : i32
    %c0_i32_0 = arith.constant 0 : i32
    %c0_i32_1 = arith.constant 0 : i32
    return %c0_i32, %c0_i32_0 : i32, i32
  }
  func.func @transform_4(%arg0: i32) -> (i32, i32) {
    %c0_i32 = arith.constant 0 : i32
    %c0_i32_0 = arith.constant 0 : i32
    %c0_i32_1 = arith.constant 0 : i32
    return %c0_i32, %c0_i32_0 : i32, i32
  }
  func.func @transform_5(%arg0: i32) -> (i32, i32) {
    %c0_i32 = arith.constant 0 : i32
    %c0_i32_0 = arith.constant 0 : i32
    %c0_i32_1 = arith.constant 0 : i32
    return %c0_i32, %c0_i32_0 : i32, i32
  }
  func.func @transform_6(%arg0: i32) -> (i32, i32) {
    %c0_i32 = arith.constant 0 : i32
    %c0_i32_0 = arith.constant 0 : i32
    return %arg0, %c0_i32 : i32, i32
  }
  func.func @transform_7(%arg0: i32) -> (i32, i32) {
    %c0_i32 = arith.constant 0 : i32
    %c0_i32_0 = arith.constant 0 : i32
    return %arg0, %c0_i32 : i32, i32
  }
}

module attributes {stable_mosaic.version = 14 : i64} {
  func.func @_edge_body(%arg0: i32, %arg1: memref<512x256xf32, #tpu.memory_space<vmem>>, %arg2: memref<512x512xf32, #tpu.memory_space<vmem>>, %arg3: memref<512x16xf32, #tpu.memory_space<vmem>>, %arg4: memref<16x256xf32, #tpu.memory_space<vmem>>, %arg5: memref<256x256xf32, #tpu.memory_space<vmem>>, %arg6: memref<1x256xf32, #tpu.memory_space<vmem>>, %arg7: memref<1x256xf32, #tpu.memory_space<vmem>>, %arg8: memref<1x256xf32, #tpu.memory_space<vmem>>, %arg9: memref<256x256xf32, #tpu.memory_space<vmem>>, %arg10: memref<256x256xf32, #tpu.memory_space<vmem>>, %arg11: memref<1x256xf32, #tpu.memory_space<vmem>>, %arg12: memref<1x256xf32, #tpu.memory_space<vmem>>, %arg13: memref<1x256xf32, #tpu.memory_space<vmem>>, %arg14: memref<512x256xf32, #tpu.memory_space<vmem>>, %arg15: memref<512x256xf32, #tpu.memory_space<vmem>>) attributes {dimension_semantics = [#tpu.dimension_semantics<arbitrary>], iteration_bounds = array<i64: 320>, scalar_prefetch = 0 : i64, scratch_operands = 0 : i64, tpu.core_type = #tpu.core_type<tc>, window_params = [{transform_indices = @transform_0, window_bounds = array<i64: 512, 256>}, {transform_indices = @transform_1, window_bounds = array<i64: 512, 512>}, {transform_indices = @transform_2, window_bounds = array<i64: 512, 16>}, {pipeline_mode = #tpu.pipeline_mode<synchronous>, transform_indices = @transform_3, window_bounds = array<i64: 16, 256>}, {pipeline_mode = #tpu.pipeline_mode<synchronous>, transform_indices = @transform_4, window_bounds = array<i64: 256, 256>}, {pipeline_mode = #tpu.pipeline_mode<synchronous>, transform_indices = @transform_5, window_bounds = array<i64: 1, 256>}, {pipeline_mode = #tpu.pipeline_mode<synchronous>, transform_indices = @transform_6, window_bounds = array<i64: 1, 256>}, {pipeline_mode = #tpu.pipeline_mode<synchronous>, transform_indices = @transform_7, window_bounds = array<i64: 1, 256>}, {pipeline_mode = #tpu.pipeline_mode<synchronous>, transform_indices = @transform_8, window_bounds = array<i64: 256, 256>}, {pipeline_mode = #tpu.pipeline_mode<synchronous>, transform_indices = @transform_9, window_bounds = array<i64: 256, 256>}, {pipeline_mode = #tpu.pipeline_mode<synchronous>, transform_indices = @transform_10, window_bounds = array<i64: 1, 256>}, {pipeline_mode = #tpu.pipeline_mode<synchronous>, transform_indices = @transform_11, window_bounds = array<i64: 1, 256>}, {pipeline_mode = #tpu.pipeline_mode<synchronous>, transform_indices = @transform_12, window_bounds = array<i64: 1, 256>}, {transform_indices = @transform_13, window_bounds = array<i64: 512, 256>}, {transform_indices = @transform_14, window_bounds = array<i64: 512, 256>}]} {
    %get3A = arith.constant 0 : index
    %get3A_0 = arith.constant 0 : index
    %get3A_1 = vector.load %arg1[%get3A, %get3A_0] : memref<512x256xf32, #tpu.memory_space<vmem>>, vector<512x256xf32>
    %get3A_2 = arith.constant 0 : index
    %get3A_3 = arith.constant 0 : index
    %get3A_4 = vector.load %arg2[%get3A_2, %get3A_3] : memref<512x512xf32, #tpu.memory_space<vmem>>, vector<512x256xf32>
    %add3A = arith.addf %get3A_1, %get3A_4 : vector<512x256xf32>
    %get3A_5 = arith.constant 0 : index
    %get3A_6 = arith.constant 0 : index
    %get3A_7 = vector.load %arg3[%get3A_5, %get3A_6] : memref<512x16xf32, #tpu.memory_space<vmem>>, vector<512x16xf32>
    %get3A_8 = arith.constant 0 : index
    %get3A_9 = arith.constant 0 : index
    %get3A_10 = vector.load %arg4[%get3A_8, %get3A_9] : memref<16x256xf32, #tpu.memory_space<vmem>>, vector<16x256xf32>
    %dot_general3A = arith.constant dense<0.000000e+00> : vector<512x256xf32>
    %dot_general3A_11 = tpu.matmul %get3A_7, %get3A_10, %dot_general3A {dimension_numbers = #tpu.dot_dimension_numbers<[1], [0], [0], [1], [0, 0, 1, 1], [], []>, transpose_lhs_hint = false} : vector<512x16xf32>, vector<16x256xf32>, vector<512x256xf32> -> vector<512x256xf32>
    %add3A_12 = arith.addf %add3A, %dot_general3A_11 : vector<512x256xf32>
    %max3A = arith.constant 0.000000e+00 : f32
    %max3A_13 = vector.broadcast %max3A : f32 to vector<512x256xf32>
    %max3A_14 = arith.maximumf %add3A_12, %max3A_13 : vector<512x256xf32>
    %get3A_15 = arith.constant 0 : index
    %get3A_16 = arith.constant 0 : index
    %get3A_17 = vector.load %arg7[%get3A_15, %get3A_16] : memref<1x256xf32, #tpu.memory_space<vmem>>, vector<1x256xf32>
    %get3A_18 = arith.constant 0 : index
    %get3A_19 = arith.constant 0 : index
    %get3A_20 = vector.load %arg8[%get3A_18, %get3A_19] : memref<1x256xf32, #tpu.memory_space<vmem>>, vector<1x256xf32>
    %reduce_sum3A = arith.constant dense<0.000000e+00> : vector<512xf32>
    %reduce_sum3A_21 = vector.multi_reduction <add>, %max3A_14, %reduce_sum3A [1] : vector<512x256xf32> to vector<512xf32>
    %broadcast_in_dim3A = vector.shape_cast %reduce_sum3A_21 : vector<512xf32> to vector<512x1xf32>
    %div3A = arith.constant 2.560000e+02 : f32
    %div3A_22 = vector.broadcast %div3A : f32 to vector<512x1xf32>
    %div3A_23 = arith.divf %broadcast_in_dim3A, %div3A_22 : vector<512x1xf32>
    %sub3A = vector.broadcast %div3A_23 : vector<512x1xf32> to vector<512x256xf32>
    %sub3A_24 = arith.subf %max3A_14, %sub3A : vector<512x256xf32>
    %integer_pow3A = arith.mulf %sub3A_24, %sub3A_24 : vector<512x256xf32>
    %reduce_sum3A_25 = arith.constant dense<0.000000e+00> : vector<512xf32>
    %reduce_sum3A_26 = vector.multi_reduction <add>, %integer_pow3A, %reduce_sum3A_25 [1] : vector<512x256xf32> to vector<512xf32>
    %broadcast_in_dim3A_27 = vector.shape_cast %reduce_sum3A_26 : vector<512xf32> to vector<512x1xf32>
    %div3A_28 = arith.constant 2.560000e+02 : f32
    %div3A_29 = vector.broadcast %div3A_28 : f32 to vector<512x1xf32>
    %div3A_30 = arith.divf %broadcast_in_dim3A_27, %div3A_29 : vector<512x1xf32>
    %sub3A_31 = vector.broadcast %div3A_23 : vector<512x1xf32> to vector<512x256xf32>
    %sub3A_32 = arith.subf %max3A_14, %sub3A_31 : vector<512x256xf32>
    %add3A_33 = arith.constant 9.99999974E-6 : f32
    %add3A_34 = vector.broadcast %add3A_33 : f32 to vector<512x1xf32>
    %add3A_35 = arith.addf %div3A_30, %add3A_34 : vector<512x1xf32>
    %sqrt3A = math.sqrt %add3A_35 : vector<512x1xf32>
    %div3A_36 = vector.broadcast %sqrt3A : vector<512x1xf32> to vector<512x256xf32>
    %div3A_37 = arith.divf %sub3A_32, %div3A_36 : vector<512x256xf32>
    %mul3A = vector.broadcast %get3A_17 : vector<1x256xf32> to vector<512x256xf32>
    %mul3A_38 = arith.mulf %div3A_37, %mul3A : vector<512x256xf32>
    %add3A_39 = vector.broadcast %get3A_20 : vector<1x256xf32> to vector<512x256xf32>
    %add3A_40 = arith.addf %mul3A_38, %add3A_39 : vector<512x256xf32>
    %get3A_41 = arith.constant 0 : index
    %get3A_42 = arith.constant 0 : index
    %get3A_43 = vector.load %arg5[%get3A_41, %get3A_42] : memref<256x256xf32, #tpu.memory_space<vmem>>, vector<256x256xf32>
    %dot_general3A_44 = arith.constant dense<0.000000e+00> : vector<512x256xf32>
    %dot_general3A_45 = tpu.matmul %add3A_40, %get3A_43, %dot_general3A_44 {dimension_numbers = #tpu.dot_dimension_numbers<[1], [0], [0], [1], [0, 0, 1, 1], [], []>, transpose_lhs_hint = false} : vector<512x256xf32>, vector<256x256xf32>, vector<512x256xf32> -> vector<512x256xf32>
    %get3A_46 = arith.constant 0 : index
    %get3A_47 = arith.constant 0 : index
    %get3A_48 = vector.load %arg6[%get3A_46, %get3A_47] : memref<1x256xf32, #tpu.memory_space<vmem>>, vector<1x256xf32>
    %add3A_49 = vector.broadcast %get3A_48 : vector<1x256xf32> to vector<512x256xf32>
    %add3A_50 = arith.addf %dot_general3A_45, %add3A_49 : vector<512x256xf32>
    %swap3A = arith.constant 0 : index
    %swap3A_51 = arith.constant 0 : index
    %swap3A_52 = vector.load %arg14[%swap3A, %swap3A_51] : memref<512x256xf32, #tpu.memory_space<vmem>>, vector<512x256xf32>
    tpu.vector_store %arg14[%swap3A, %swap3A_51], %add3A_50 {strides = array<i32>} : memref<512x256xf32, #tpu.memory_space<vmem>>, vector<512x256xf32>,
    %get3A_53 = arith.constant 0 : index
    %get3A_54 = arith.constant 256 : index
    %get3A_55 = vector.load %arg2[%get3A_53, %get3A_54] : memref<512x512xf32, #tpu.memory_space<vmem>>, vector<512x256xf32>
    %get3A_56 = arith.constant 0 : index
    %get3A_57 = arith.constant 0 : index
    %get3A_58 = vector.load %arg9[%get3A_56, %get3A_57] : memref<256x256xf32, #tpu.memory_space<vmem>>, vector<256x256xf32>
    %dot_general3A_59 = arith.constant dense<0.000000e+00> : vector<512x256xf32>
    %dot_general3A_60 = tpu.matmul %add3A_50, %get3A_58, %dot_general3A_59 {dimension_numbers = #tpu.dot_dimension_numbers<[1], [0], [0], [1], [0, 0, 1, 1], [], []>, transpose_lhs_hint = false} : vector<512x256xf32>, vector<256x256xf32>, vector<512x256xf32> -> vector<512x256xf32>
    %add3A_61 = arith.addf %get3A_55, %dot_general3A_60 : vector<512x256xf32>
    %max3A_62 = arith.constant 0.000000e+00 : f32
    %max3A_63 = vector.broadcast %max3A_62 : f32 to vector<512x256xf32>
    %max3A_64 = arith.maximumf %add3A_61, %max3A_63 : vector<512x256xf32>
    %get3A_65 = arith.constant 0 : index
    %get3A_66 = arith.constant 0 : index
    %get3A_67 = vector.load %arg12[%get3A_65, %get3A_66] : memref<1x256xf32, #tpu.memory_space<vmem>>, vector<1x256xf32>
    %get3A_68 = arith.constant 0 : index
    %get3A_69 = arith.constant 0 : index
    %get3A_70 = vector.load %arg13[%get3A_68, %get3A_69] : memref<1x256xf32, #tpu.memory_space<vmem>>, vector<1x256xf32>
    %reduce_sum3A_71 = arith.constant dense<0.000000e+00> : vector<512xf32>
    %reduce_sum3A_72 = vector.multi_reduction <add>, %max3A_64, %reduce_sum3A_71 [1] : vector<512x256xf32> to vector<512xf32>
    %broadcast_in_dim3A_73 = vector.shape_cast %reduce_sum3A_72 : vector<512xf32> to vector<512x1xf32>
    %div3A_74 = arith.constant 2.560000e+02 : f32
    %div3A_75 = vector.broadcast %div3A_74 : f32 to vector<512x1xf32>
    %div3A_76 = arith.divf %broadcast_in_dim3A_73, %div3A_75 : vector<512x1xf32>
    %sub3A_77 = vector.broadcast %div3A_76 : vector<512x1xf32> to vector<512x256xf32>
    %sub3A_78 = arith.subf %max3A_64, %sub3A_77 : vector<512x256xf32>
    %integer_pow3A_79 = arith.mulf %sub3A_78, %sub3A_78 : vector<512x256xf32>
    %reduce_sum3A_80 = arith.constant dense<0.000000e+00> : vector<512xf32>
    %reduce_sum3A_81 = vector.multi_reduction <add>, %integer_pow3A_79, %reduce_sum3A_80 [1] : vector<512x256xf32> to vector<512xf32>
    %broadcast_in_dim3A_82 = vector.shape_cast %reduce_sum3A_81 : vector<512xf32> to vector<512x1xf32>
    %div3A_83 = arith.constant 2.560000e+02 : f32
    %div3A_84 = vector.broadcast %div3A_83 : f32 to vector<512x1xf32>
    %div3A_85 = arith.divf %broadcast_in_dim3A_82, %div3A_84 : vector<512x1xf32>
    %sub3A_86 = vector.broadcast %div3A_76 : vector<512x1xf32> to vector<512x256xf32>
    %sub3A_87 = arith.subf %max3A_64, %sub3A_86 : vector<512x256xf32>
    %add3A_88 = arith.constant 9.99999974E-6 : f32
    %add3A_89 = vector.broadcast %add3A_88 : f32 to vector<512x1xf32>
    %add3A_90 = arith.addf %div3A_85, %add3A_89 : vector<512x1xf32>
    %sqrt3A_91 = math.sqrt %add3A_90 : vector<512x1xf32>
    %div3A_92 = vector.broadcast %sqrt3A_91 : vector<512x1xf32> to vector<512x256xf32>
    %div3A_93 = arith.divf %sub3A_87, %div3A_92 : vector<512x256xf32>
    %mul3A_94 = vector.broadcast %get3A_67 : vector<1x256xf32> to vector<512x256xf32>
    %mul3A_95 = arith.mulf %div3A_93, %mul3A_94 : vector<512x256xf32>
    %add3A_96 = vector.broadcast %get3A_70 : vector<1x256xf32> to vector<512x256xf32>
    %add3A_97 = arith.addf %mul3A_95, %add3A_96 : vector<512x256xf32>
    %get3A_98 = arith.constant 0 : index
    %get3A_99 = arith.constant 0 : index
    %get3A_100 = vector.load %arg10[%get3A_98, %get3A_99] : memref<256x256xf32, #tpu.memory_space<vmem>>, vector<256x256xf32>
    %dot_general3A_101 = arith.constant dense<0.000000e+00> : vector<512x256xf32>
    %dot_general3A_102 = tpu.matmul %add3A_97, %get3A_100, %dot_general3A_101 {dimension_numbers = #tpu.dot_dimension_numbers<[1], [0], [0], [1], [0, 0, 1, 1], [], []>, transpose_lhs_hint = false} : vector<512x256xf32>, vector<256x256xf32>, vector<512x256xf32> -> vector<512x256xf32>
    %get3A_103 = arith.constant 0 : index
    %get3A_104 = arith.constant 0 : index
    %get3A_105 = vector.load %arg11[%get3A_103, %get3A_104] : memref<1x256xf32, #tpu.memory_space<vmem>>, vector<1x256xf32>
    %add3A_106 = vector.broadcast %get3A_105 : vector<1x256xf32> to vector<512x256xf32>
    %add3A_107 = arith.addf %dot_general3A_102, %add3A_106 : vector<512x256xf32>
    %swap3A_108 = arith.constant 0 : index
    %swap3A_109 = arith.constant 0 : index
    %swap3A_110 = vector.load %arg15[%swap3A_108, %swap3A_109] : memref<512x256xf32, #tpu.memory_space<vmem>>, vector<512x256xf32>
    tpu.vector_store %arg15[%swap3A_108, %swap3A_109], %add3A_107 {strides = array<i32>} : memref<512x256xf32, #tpu.memory_space<vmem>>, vector<512x256xf32>,
    return
  }
  func.func @transform_0(%arg0: i32) -> (i32, i32) {
    %c0_i32 = arith.constant 0 : i32
    %c0_i32_0 = arith.constant 0 : i32
    return %arg0, %c0_i32 : i32, i32
  }
  func.func @transform_1(%arg0: i32) -> (i32, i32) {
    %c0_i32 = arith.constant 0 : i32
    %c0_i32_0 = arith.constant 0 : i32
    return %arg0, %c0_i32 : i32, i32
  }
  func.func @transform_2(%arg0: i32) -> (i32, i32) {
    %c0_i32 = arith.constant 0 : i32
    %c0_i32_0 = arith.constant 0 : i32
    return %arg0, %c0_i32 : i32, i32
  }
  func.func @transform_3(%arg0: i32) -> (i32, i32) {
    %c0_i32 = arith.constant 0 : i32
    %c0_i32_0 = arith.constant 0 : i32
    %c0_i32_1 = arith.constant 0 : i32
    return %c0_i32, %c0_i32_0 : i32, i32
  }
  func.func @transform_4(%arg0: i32) -> (i32, i32) {
    %c0_i32 = arith.constant 0 : i32
    %c0_i32_0 = arith.constant 0 : i32
    %c0_i32_1 = arith.constant 0 : i32
    return %c0_i32, %c0_i32_0 : i32, i32
  }
  func.func @transform_5(%arg0: i32) -> (i32, i32) {
    %c0_i32 = arith.constant 0 : i32
    %c0_i32_0 = arith.constant 0 : i32
    %c0_i32_1 = arith.constant 0 : i32
    return %c0_i32, %c0_i32_0 : i32, i32
  }
  func.func @transform_6(%arg0: i32) -> (i32, i32) {
    %c0_i32 = arith.constant 0 : i32
    %c0_i32_0 = arith.constant 0 : i32
    %c0_i32_1 = arith.constant 0 : i32
    return %c0_i32, %c0_i32_0 : i32, i32
  }
  func.func @transform_7(%arg0: i32) -> (i32, i32) {
    %c0_i32 = arith.constant 0 : i32
    %c0_i32_0 = arith.constant 0 : i32
    %c0_i32_1 = arith.constant 0 : i32
    return %c0_i32, %c0_i32_0 : i32, i32
  }
  func.func @transform_8(%arg0: i32) -> (i32, i32) {
    %c0_i32 = arith.constant 0 : i32
    %c0_i32_0 = arith.constant 0 : i32
    %c0_i32_1 = arith.constant 0 : i32
    return %c0_i32, %c0_i32_0 : i32, i32
  }
  func.func @transform_9(%arg0: i32) -> (i32, i32) {
    %c0_i32 = arith.constant 0 : i32
    %c0_i32_0 = arith.constant 0 : i32
    %c0_i32_1 = arith.constant 0 : i32
    return %c0_i32, %c0_i32_0 : i32, i32
  }
  func.func @transform_10(%arg0: i32) -> (i32, i32) {
    %c0_i32 = arith.constant 0 : i32
    %c0_i32_0 = arith.constant 0 : i32
    %c0_i32_1 = arith.constant 0 : i32
    return %c0_i32, %c0_i32_0 : i32, i32
  }
  func.func @transform_11(%arg0: i32) -> (i32, i32) {
    %c0_i32 = arith.constant 0 : i32
    %c0_i32_0 = arith.constant 0 : i32
    %c0_i32_1 = arith.constant 0 : i32
    return %c0_i32, %c0_i32_0 : i32, i32
  }
  func.func @transform_12(%arg0: i32) -> (i32, i32) {
    %c0_i32 = arith.constant 0 : i32
    %c0_i32_0 = arith.constant 0 : i32
    %c0_i32_1 = arith.constant 0 : i32
    return %c0_i32, %c0_i32_0 : i32, i32
  }
  func.func @transform_13(%arg0: i32) -> (i32, i32) {
    %c0_i32 = arith.constant 0 : i32
    %c0_i32_0 = arith.constant 0 : i32
    return %arg0, %c0_i32 : i32, i32
  }
  func.func @transform_14(%arg0: i32) -> (i32, i32) {
    %c0_i32 = arith.constant 0 : i32
    %c0_i32_0 = arith.constant 0 : i32
    return %arg0, %c0_i32 : i32, i32
  }
}

module attributes {stable_mosaic.version = 14 : i64} {
  func.func @_node_body(%arg0: i32, %arg1: memref<512x128xf32, #tpu.memory_space<vmem>>, %arg2: memref<512x256xf32, #tpu.memory_space<vmem>>, %arg3: memref<512x128xf32, #tpu.memory_space<vmem>>, %arg4: memref<512x128xf32, #tpu.memory_space<vmem>>, %arg5: memref<128x256xf32, #tpu.memory_space<vmem>>, %arg6: memref<256x256xf32, #tpu.memory_space<vmem>>, %arg7: memref<1x256xf32, #tpu.memory_space<vmem>>, %arg8: memref<1x256xf32, #tpu.memory_space<vmem>>, %arg9: memref<1x256xf32, #tpu.memory_space<vmem>>, %arg10: memref<256x256xf32, #tpu.memory_space<vmem>>, %arg11: memref<1x256xf32, #tpu.memory_space<vmem>>, %arg12: memref<512x256xf32, #tpu.memory_space<vmem>>) attributes {dimension_semantics = [#tpu.dimension_semantics<arbitrary>], iteration_bounds = array<i64: 20>, scalar_prefetch = 0 : i64, scratch_operands = 0 : i64, tpu.core_type = #tpu.core_type<tc>, window_params = [{transform_indices = @transform_0, window_bounds = array<i64: 512, 128>}, {transform_indices = @transform_1, window_bounds = array<i64: 512, 256>}, {transform_indices = @transform_2, window_bounds = array<i64: 512, 128>}, {transform_indices = @transform_3, window_bounds = array<i64: 512, 128>}, {pipeline_mode = #tpu.pipeline_mode<synchronous>, transform_indices = @transform_4, window_bounds = array<i64: 128, 256>}, {pipeline_mode = #tpu.pipeline_mode<synchronous>, transform_indices = @transform_5, window_bounds = array<i64: 256, 256>}, {pipeline_mode = #tpu.pipeline_mode<synchronous>, transform_indices = @transform_6, window_bounds = array<i64: 1, 256>}, {pipeline_mode = #tpu.pipeline_mode<synchronous>, transform_indices = @transform_7, window_bounds = array<i64: 1, 256>}, {pipeline_mode = #tpu.pipeline_mode<synchronous>, transform_indices = @transform_8, window_bounds = array<i64: 1, 256>}, {pipeline_mode = #tpu.pipeline_mode<synchronous>, transform_indices = @transform_9, window_bounds = array<i64: 256, 256>}, {pipeline_mode = #tpu.pipeline_mode<synchronous>, transform_indices = @transform_10, window_bounds = array<i64: 1, 256>}, {transform_indices = @transform_11, window_bounds = array<i64: 512, 256>}]} {
    %get3A = arith.constant 0 : index
    %get3A_0 = arith.constant 0 : index
    %get3A_1 = vector.load %arg3[%get3A, %get3A_0] : memref<512x128xf32, #tpu.memory_space<vmem>>, vector<512x1xf32>
    %get3A_2 = arith.constant 0 : index
    %get3A_3 = arith.constant 0 : index
    %get3A_4 = vector.load %arg4[%get3A_2, %get3A_3] : memref<512x128xf32, #tpu.memory_space<vmem>>, vector<512x1xf32>
    %add3A = arith.addf %get3A_1, %get3A_4 : vector<512x1xf32>
    %max3A = arith.constant 1.000000e+00 : f32
    %max3A_5 = vector.broadcast %max3A : f32 to vector<512x1xf32>
    %max3A_6 = arith.maximumf %add3A, %max3A_5 : vector<512x1xf32>
    %div3A = arith.constant 1.000000e+00 : f32
    %div3A_7 = vector.broadcast %div3A : f32 to vector<512x1xf32>
    %div3A_8 = arith.divf %div3A_7, %max3A_6 : vector<512x1xf32>
    %get3A_9 = arith.constant 0 : index
    %get3A_10 = arith.constant 0 : index
    %get3A_11 = vector.load %arg2[%get3A_9, %get3A_10] : memref<512x256xf32, #tpu.memory_space<vmem>>, vector<512x256xf32>
    %mul3A = vector.broadcast %div3A_8 : vector<512x1xf32> to vector<512x256xf32>
    %mul3A_12 = arith.mulf %get3A_11, %mul3A : vector<512x256xf32>
    %get3A_13 = arith.constant 0 : index
    %get3A_14 = arith.constant 0 : index
    %get3A_15 = vector.load %arg1[%get3A_13, %get3A_14] : memref<512x128xf32, #tpu.memory_space<vmem>>, vector<512x128xf32>
    %get3A_16 = arith.constant 0 : index
    %get3A_17 = arith.constant 0 : index
    %get3A_18 = vector.load %arg5[%get3A_16, %get3A_17] : memref<128x256xf32, #tpu.memory_space<vmem>>, vector<128x256xf32>
    %dot_general3A = arith.constant dense<0.000000e+00> : vector<512x256xf32>
    %dot_general3A_19 = tpu.matmul %get3A_15, %get3A_18, %dot_general3A {dimension_numbers = #tpu.dot_dimension_numbers<[1], [0], [0], [1], [0, 0, 1, 1], [], []>, transpose_lhs_hint = false} : vector<512x128xf32>, vector<128x256xf32>, vector<512x256xf32> -> vector<512x256xf32>
    %get3A_20 = arith.constant 0 : index
    %get3A_21 = arith.constant 0 : index
    %get3A_22 = vector.load %arg6[%get3A_20, %get3A_21] : memref<256x256xf32, #tpu.memory_space<vmem>>, vector<256x256xf32>
    %dot_general3A_23 = arith.constant dense<0.000000e+00> : vector<512x256xf32>
    %dot_general3A_24 = tpu.matmul %mul3A_12, %get3A_22, %dot_general3A_23 {dimension_numbers = #tpu.dot_dimension_numbers<[1], [0], [0], [1], [0, 0, 1, 1], [], []>, transpose_lhs_hint = false} : vector<512x256xf32>, vector<256x256xf32>, vector<512x256xf32> -> vector<512x256xf32>
    %add3A_25 = arith.addf %dot_general3A_19, %dot_general3A_24 : vector<512x256xf32>
    %get3A_26 = arith.constant 0 : index
    %get3A_27 = arith.constant 0 : index
    %get3A_28 = vector.load %arg7[%get3A_26, %get3A_27] : memref<1x256xf32, #tpu.memory_space<vmem>>, vector<1x256xf32>
    %add3A_29 = vector.broadcast %get3A_28 : vector<1x256xf32> to vector<512x256xf32>
    %add3A_30 = arith.addf %add3A_25, %add3A_29 : vector<512x256xf32>
    %max3A_31 = arith.constant 0.000000e+00 : f32
    %max3A_32 = vector.broadcast %max3A_31 : f32 to vector<512x256xf32>
    %max3A_33 = arith.maximumf %add3A_30, %max3A_32 : vector<512x256xf32>
    %get3A_34 = arith.constant 0 : index
    %get3A_35 = arith.constant 0 : index
    %get3A_36 = vector.load %arg8[%get3A_34, %get3A_35] : memref<1x256xf32, #tpu.memory_space<vmem>>, vector<1x256xf32>
    %get3A_37 = arith.constant 0 : index
    %get3A_38 = arith.constant 0 : index
    %get3A_39 = vector.load %arg9[%get3A_37, %get3A_38] : memref<1x256xf32, #tpu.memory_space<vmem>>, vector<1x256xf32>
    %reduce_sum3A = arith.constant dense<0.000000e+00> : vector<512xf32>
    %reduce_sum3A_40 = vector.multi_reduction <add>, %max3A_33, %reduce_sum3A [1] : vector<512x256xf32> to vector<512xf32>
    %broadcast_in_dim3A = vector.shape_cast %reduce_sum3A_40 : vector<512xf32> to vector<512x1xf32>
    %div3A_41 = arith.constant 2.560000e+02 : f32
    %div3A_42 = vector.broadcast %div3A_41 : f32 to vector<512x1xf32>
    %div3A_43 = arith.divf %broadcast_in_dim3A, %div3A_42 : vector<512x1xf32>
    %sub3A = vector.broadcast %div3A_43 : vector<512x1xf32> to vector<512x256xf32>
    %sub3A_44 = arith.subf %max3A_33, %sub3A : vector<512x256xf32>
    %integer_pow3A = arith.mulf %sub3A_44, %sub3A_44 : vector<512x256xf32>
    %reduce_sum3A_45 = arith.constant dense<0.000000e+00> : vector<512xf32>
    %reduce_sum3A_46 = vector.multi_reduction <add>, %integer_pow3A, %reduce_sum3A_45 [1] : vector<512x256xf32> to vector<512xf32>
    %broadcast_in_dim3A_47 = vector.shape_cast %reduce_sum3A_46 : vector<512xf32> to vector<512x1xf32>
    %div3A_48 = arith.constant 2.560000e+02 : f32
    %div3A_49 = vector.broadcast %div3A_48 : f32 to vector<512x1xf32>
    %div3A_50 = arith.divf %broadcast_in_dim3A_47, %div3A_49 : vector<512x1xf32>
    %sub3A_51 = vector.broadcast %div3A_43 : vector<512x1xf32> to vector<512x256xf32>
    %sub3A_52 = arith.subf %max3A_33, %sub3A_51 : vector<512x256xf32>
    %add3A_53 = arith.constant 9.99999974E-6 : f32
    %add3A_54 = vector.broadcast %add3A_53 : f32 to vector<512x1xf32>
    %add3A_55 = arith.addf %div3A_50, %add3A_54 : vector<512x1xf32>
    %sqrt3A = math.sqrt %add3A_55 : vector<512x1xf32>
    %div3A_56 = vector.broadcast %sqrt3A : vector<512x1xf32> to vector<512x256xf32>
    %div3A_57 = arith.divf %sub3A_52, %div3A_56 : vector<512x256xf32>
    %mul3A_58 = vector.broadcast %get3A_36 : vector<1x256xf32> to vector<512x256xf32>
    %mul3A_59 = arith.mulf %div3A_57, %mul3A_58 : vector<512x256xf32>
    %add3A_60 = vector.broadcast %get3A_39 : vector<1x256xf32> to vector<512x256xf32>
    %add3A_61 = arith.addf %mul3A_59, %add3A_60 : vector<512x256xf32>
    %get3A_62 = arith.constant 0 : index
    %get3A_63 = arith.constant 0 : index
    %get3A_64 = vector.load %arg10[%get3A_62, %get3A_63] : memref<256x256xf32, #tpu.memory_space<vmem>>, vector<256x256xf32>
    %dot_general3A_65 = arith.constant dense<0.000000e+00> : vector<512x256xf32>
    %dot_general3A_66 = tpu.matmul %add3A_61, %get3A_64, %dot_general3A_65 {dimension_numbers = #tpu.dot_dimension_numbers<[1], [0], [0], [1], [0, 0, 1, 1], [], []>, transpose_lhs_hint = false} : vector<512x256xf32>, vector<256x256xf32>, vector<512x256xf32> -> vector<512x256xf32>
    %get3A_67 = arith.constant 0 : index
    %get3A_68 = arith.constant 0 : index
    %get3A_69 = vector.load %arg11[%get3A_67, %get3A_68] : memref<1x256xf32, #tpu.memory_space<vmem>>, vector<1x256xf32>
    %add3A_70 = vector.broadcast %get3A_69 : vector<1x256xf32> to vector<512x256xf32>
    %add3A_71 = arith.addf %dot_general3A_66, %add3A_70 : vector<512x256xf32>
    %swap3A = arith.constant 0 : index
    %swap3A_72 = arith.constant 0 : index
    %swap3A_73 = vector.load %arg12[%swap3A, %swap3A_72] : memref<512x256xf32, #tpu.memory_space<vmem>>, vector<512x256xf32>
    tpu.vector_store %arg12[%swap3A, %swap3A_72], %add3A_71 {strides = array<i32>} : memref<512x256xf32, #tpu.memory_space<vmem>>, vector<512x256xf32>,
    return
  }
  func.func @transform_0(%arg0: i32) -> (i32, i32) {
    %c0_i32 = arith.constant 0 : i32
    %c0_i32_0 = arith.constant 0 : i32
    return %arg0, %c0_i32 : i32, i32
  }
  func.func @transform_1(%arg0: i32) -> (i32, i32) {
    %c0_i32 = arith.constant 0 : i32
    %c0_i32_0 = arith.constant 0 : i32
    return %arg0, %c0_i32 : i32, i32
  }
  func.func @transform_2(%arg0: i32) -> (i32, i32) {
    %c0_i32 = arith.constant 0 : i32
    %c0_i32_0 = arith.constant 0 : i32
    return %arg0, %c0_i32 : i32, i32
  }
  func.func @transform_3(%arg0: i32) -> (i32, i32) {
    %c0_i32 = arith.constant 0 : i32
    %c0_i32_0 = arith.constant 0 : i32
    return %arg0, %c0_i32 : i32, i32
  }
  func.func @transform_4(%arg0: i32) -> (i32, i32) {
    %c0_i32 = arith.constant 0 : i32
    %c0_i32_0 = arith.constant 0 : i32
    %c0_i32_1 = arith.constant 0 : i32
    return %c0_i32, %c0_i32_0 : i32, i32
  }
  func.func @transform_5(%arg0: i32) -> (i32, i32) {
    %c0_i32 = arith.constant 0 : i32
    %c0_i32_0 = arith.constant 0 : i32
    %c0_i32_1 = arith.constant 0 : i32
    return %c0_i32, %c0_i32_0 : i32, i32
  }
  func.func @transform_6(%arg0: i32) -> (i32, i32) {
    %c0_i32 = arith.constant 0 : i32
    %c0_i32_0 = arith.constant 0 : i32
    %c0_i32_1 = arith.constant 0 : i32
    return %c0_i32, %c0_i32_0 : i32, i32
  }
  func.func @transform_7(%arg0: i32) -> (i32, i32) {
    %c0_i32 = arith.constant 0 : i32
    %c0_i32_0 = arith.constant 0 : i32
    %c0_i32_1 = arith.constant 0 : i32
    return %c0_i32, %c0_i32_0 : i32, i32
  }
  func.func @transform_8(%arg0: i32) -> (i32, i32) {
    %c0_i32 = arith.constant 0 : i32
    %c0_i32_0 = arith.constant 0 : i32
    %c0_i32_1 = arith.constant 0 : i32
    return %c0_i32, %c0_i32_0 : i32, i32
  }
  func.func @transform_9(%arg0: i32) -> (i32, i32) {
    %c0_i32 = arith.constant 0 : i32
    %c0_i32_0 = arith.constant 0 : i32
    %c0_i32_1 = arith.constant 0 : i32
    return %c0_i32, %c0_i32_0 : i32, i32
  }
  func.func @transform_10(%arg0: i32) -> (i32, i32) {
    %c0_i32 = arith.constant 0 : i32
    %c0_i32_0 = arith.constant 0 : i32
    %c0_i32_1 = arith.constant 0 : i32
    return %c0_i32, %c0_i32_0 : i32, i32
  }
  func.func @transform_11(%arg0: i32) -> (i32, i32) {
    %c0_i32 = arith.constant 0 : i32
    %c0_i32_0 = arith.constant 0 : i32
    return %arg0, %c0_i32 : i32, i32
  }
}

module attributes {stable_mosaic.version = 14 : i64} {
  func.func @_tables_body(%arg0: i32, %arg1: memref<512x256xf32, #tpu.memory_space<vmem>>, %arg2: memref<256x256xf32, #tpu.memory_space<vmem>>, %arg3: memref<256x256xf32, #tpu.memory_space<vmem>>, %arg4: memref<256x256xf32, #tpu.memory_space<vmem>>, %arg5: memref<1x256xf32, #tpu.memory_space<vmem>>, %arg6: memref<1x256xf32, #tpu.memory_space<vmem>>, %arg7: memref<512x256xf32, #tpu.memory_space<vmem>>, %arg8: memref<512x512xf32, #tpu.memory_space<vmem>>) attributes {dimension_semantics = [#tpu.dimension_semantics<arbitrary>], iteration_bounds = array<i64: 20>, scalar_prefetch = 0 : i64, scratch_operands = 0 : i64, tpu.core_type = #tpu.core_type<tc>, window_params = [{transform_indices = @transform_0, window_bounds = array<i64: 512, 256>}, {pipeline_mode = #tpu.pipeline_mode<synchronous>, transform_indices = @transform_1, window_bounds = array<i64: 256, 256>}, {pipeline_mode = #tpu.pipeline_mode<synchronous>, transform_indices = @transform_2, window_bounds = array<i64: 256, 256>}, {pipeline_mode = #tpu.pipeline_mode<synchronous>, transform_indices = @transform_3, window_bounds = array<i64: 256, 256>}, {pipeline_mode = #tpu.pipeline_mode<synchronous>, transform_indices = @transform_4, window_bounds = array<i64: 1, 256>}, {pipeline_mode = #tpu.pipeline_mode<synchronous>, transform_indices = @transform_5, window_bounds = array<i64: 1, 256>}, {transform_indices = @transform_6, window_bounds = array<i64: 512, 256>}, {transform_indices = @transform_7, window_bounds = array<i64: 512, 512>}]} {
    %get3A = arith.constant 0 : index
    %get3A_0 = arith.constant 0 : index
    %get3A_1 = vector.load %arg1[%get3A, %get3A_0] : memref<512x256xf32, #tpu.memory_space<vmem>>, vector<512x256xf32>
    %get3A_2 = arith.constant 0 : index
    %get3A_3 = arith.constant 0 : index
    %get3A_4 = vector.load %arg2[%get3A_2, %get3A_3] : memref<256x256xf32, #tpu.memory_space<vmem>>, vector<256x256xf32>
    %dot_general3A = arith.constant dense<0.000000e+00> : vector<512x256xf32>
    %dot_general3A_5 = tpu.matmul %get3A_1, %get3A_4, %dot_general3A {dimension_numbers = #tpu.dot_dimension_numbers<[1], [0], [0], [1], [0, 0, 1, 1], [], []>, transpose_lhs_hint = false} : vector<512x256xf32>, vector<256x256xf32>, vector<512x256xf32> -> vector<512x256xf32>
    %get3A_6 = arith.constant 0 : index
    %get3A_7 = arith.constant 0 : index
    %get3A_8 = vector.load %arg5[%get3A_6, %get3A_7] : memref<1x256xf32, #tpu.memory_space<vmem>>, vector<1x256xf32>
    %add3A = vector.broadcast %get3A_8 : vector<1x256xf32> to vector<512x256xf32>
    %add3A_9 = arith.addf %dot_general3A_5, %add3A : vector<512x256xf32>
    %swap3A = arith.constant 0 : index
    %swap3A_10 = arith.constant 0 : index
    %swap3A_11 = vector.load %arg7[%swap3A, %swap3A_10] : memref<512x256xf32, #tpu.memory_space<vmem>>, vector<512x256xf32>
    tpu.vector_store %arg7[%swap3A, %swap3A_10], %add3A_9 {strides = array<i32>} : memref<512x256xf32, #tpu.memory_space<vmem>>, vector<512x256xf32>,
    %get3A_12 = arith.constant 0 : index
    %get3A_13 = arith.constant 0 : index
    %get3A_14 = vector.load %arg3[%get3A_12, %get3A_13] : memref<256x256xf32, #tpu.memory_space<vmem>>, vector<256x256xf32>
    %dot_general3A_15 = arith.constant dense<0.000000e+00> : vector<512x256xf32>
    %dot_general3A_16 = tpu.matmul %get3A_1, %get3A_14, %dot_general3A_15 {dimension_numbers = #tpu.dot_dimension_numbers<[1], [0], [0], [1], [0, 0, 1, 1], [], []>, transpose_lhs_hint = false} : vector<512x256xf32>, vector<256x256xf32>, vector<512x256xf32> -> vector<512x256xf32>
    %get3A_17 = arith.constant 0 : index
    %get3A_18 = arith.constant 0 : index
    %get3A_19 = vector.load %arg4[%get3A_17, %get3A_18] : memref<256x256xf32, #tpu.memory_space<vmem>>, vector<256x256xf32>
    %dot_general3A_20 = arith.constant dense<0.000000e+00> : vector<512x256xf32>
    %dot_general3A_21 = tpu.matmul %get3A_1, %get3A_19, %dot_general3A_20 {dimension_numbers = #tpu.dot_dimension_numbers<[1], [0], [0], [1], [0, 0, 1, 1], [], []>, transpose_lhs_hint = false} : vector<512x256xf32>, vector<256x256xf32>, vector<512x256xf32> -> vector<512x256xf32>
    %get3A_22 = arith.constant 0 : index
    %get3A_23 = arith.constant 0 : index
    %get3A_24 = vector.load %arg6[%get3A_22, %get3A_23] : memref<1x256xf32, #tpu.memory_space<vmem>>, vector<1x256xf32>
    %add3A_25 = vector.broadcast %get3A_24 : vector<1x256xf32> to vector<512x256xf32>
    %add3A_26 = arith.addf %dot_general3A_21, %add3A_25 : vector<512x256xf32>
    %concatenate3A = tpu.concatenate %dot_general3A_16, %add3A_26 in 1 : vector<512x256xf32>, vector<512x256xf32> -> vector<512x512xf32>
    %swap3A_27 = arith.constant 0 : index
    %swap3A_28 = arith.constant 0 : index
    %swap3A_29 = vector.load %arg8[%swap3A_27, %swap3A_28] : memref<512x512xf32, #tpu.memory_space<vmem>>, vector<512x512xf32>
    tpu.vector_store %arg8[%swap3A_27, %swap3A_28], %concatenate3A {strides = array<i32>} : memref<512x512xf32, #tpu.memory_space<vmem>>, vector<512x512xf32>,
    return
  }
  func.func @transform_0(%arg0: i32) -> (i32, i32) {
    %c0_i32 = arith.constant 0 : i32
    %c0_i32_0 = arith.constant 0 : i32
    return %arg0, %c0_i32 : i32, i32
  }
  func.func @transform_1(%arg0: i32) -> (i32, i32) {
    %c0_i32 = arith.constant 0 : i32
    %c0_i32_0 = arith.constant 0 : i32
    %c0_i32_1 = arith.constant 0 : i32
    return %c0_i32, %c0_i32_0 : i32, i32
  }
  func.func @transform_2(%arg0: i32) -> (i32, i32) {
    %c0_i32 = arith.constant 0 : i32
    %c0_i32_0 = arith.constant 0 : i32
    %c0_i32_1 = arith.constant 0 : i32
    return %c0_i32, %c0_i32_0 : i32, i32
  }
  func.func @transform_3(%arg0: i32) -> (i32, i32) {
    %c0_i32 = arith.constant 0 : i32
    %c0_i32_0 = arith.constant 0 : i32
    %c0_i32_1 = arith.constant 0 : i32
    return %c0_i32, %c0_i32_0 : i32, i32
  }
  func.func @transform_4(%arg0: i32) -> (i32, i32) {
    %c0_i32 = arith.constant 0 : i32
    %c0_i32_0 = arith.constant 0 : i32
    %c0_i32_1 = arith.constant 0 : i32
    return %c0_i32, %c0_i32_0 : i32, i32
  }
  func.func @transform_5(%arg0: i32) -> (i32, i32) {
    %c0_i32 = arith.constant 0 : i32
    %c0_i32_0 = arith.constant 0 : i32
    %c0_i32_1 = arith.constant 0 : i32
    return %c0_i32, %c0_i32_0 : i32, i32
  }
  func.func @transform_6(%arg0: i32) -> (i32, i32) {
    %c0_i32 = arith.constant 0 : i32
    %c0_i32_0 = arith.constant 0 : i32
    return %arg0, %c0_i32 : i32, i32
  }
  func.func @transform_7(%arg0: i32) -> (i32, i32) {
    %c0_i32 = arith.constant 0 : i32
    %c0_i32_0 = arith.constant 0 : i32
    return %arg0, %c0_i32 : i32, i32
  }
}

module attributes {stable_mosaic.version = 14 : i64} {
  func.func @_edge_body(%arg0: i32, %arg1: memref<512x256xf32, #tpu.memory_space<vmem>>, %arg2: memref<512x512xf32, #tpu.memory_space<vmem>>, %arg3: memref<512x256xf32, #tpu.memory_space<vmem>>, %arg4: memref<256x256xf32, #tpu.memory_space<vmem>>, %arg5: memref<256x256xf32, #tpu.memory_space<vmem>>, %arg6: memref<1x256xf32, #tpu.memory_space<vmem>>, %arg7: memref<1x256xf32, #tpu.memory_space<vmem>>, %arg8: memref<1x256xf32, #tpu.memory_space<vmem>>, %arg9: memref<256x256xf32, #tpu.memory_space<vmem>>, %arg10: memref<256x256xf32, #tpu.memory_space<vmem>>, %arg11: memref<1x256xf32, #tpu.memory_space<vmem>>, %arg12: memref<1x256xf32, #tpu.memory_space<vmem>>, %arg13: memref<1x256xf32, #tpu.memory_space<vmem>>, %arg14: memref<512x256xf32, #tpu.memory_space<vmem>>, %arg15: memref<512x256xf32, #tpu.memory_space<vmem>>) attributes {dimension_semantics = [#tpu.dimension_semantics<arbitrary>], iteration_bounds = array<i64: 320>, scalar_prefetch = 0 : i64, scratch_operands = 0 : i64, tpu.core_type = #tpu.core_type<tc>, window_params = [{transform_indices = @transform_0, window_bounds = array<i64: 512, 256>}, {transform_indices = @transform_1, window_bounds = array<i64: 512, 512>}, {transform_indices = @transform_2, window_bounds = array<i64: 512, 256>}, {pipeline_mode = #tpu.pipeline_mode<synchronous>, transform_indices = @transform_3, window_bounds = array<i64: 256, 256>}, {pipeline_mode = #tpu.pipeline_mode<synchronous>, transform_indices = @transform_4, window_bounds = array<i64: 256, 256>}, {pipeline_mode = #tpu.pipeline_mode<synchronous>, transform_indices = @transform_5, window_bounds = array<i64: 1, 256>}, {pipeline_mode = #tpu.pipeline_mode<synchronous>, transform_indices = @transform_6, window_bounds = array<i64: 1, 256>}, {pipeline_mode = #tpu.pipeline_mode<synchronous>, transform_indices = @transform_7, window_bounds = array<i64: 1, 256>}, {pipeline_mode = #tpu.pipeline_mode<synchronous>, transform_indices = @transform_8, window_bounds = array<i64: 256, 256>}, {pipeline_mode = #tpu.pipeline_mode<synchronous>, transform_indices = @transform_9, window_bounds = array<i64: 256, 256>}, {pipeline_mode = #tpu.pipeline_mode<synchronous>, transform_indices = @transform_10, window_bounds = array<i64: 1, 256>}, {pipeline_mode = #tpu.pipeline_mode<synchronous>, transform_indices = @transform_11, window_bounds = array<i64: 1, 256>}, {pipeline_mode = #tpu.pipeline_mode<synchronous>, transform_indices = @transform_12, window_bounds = array<i64: 1, 256>}, {transform_indices = @transform_13, window_bounds = array<i64: 512, 256>}, {transform_indices = @transform_14, window_bounds = array<i64: 512, 256>}]} {
    %get3A = arith.constant 0 : index
    %get3A_0 = arith.constant 0 : index
    %get3A_1 = vector.load %arg1[%get3A, %get3A_0] : memref<512x256xf32, #tpu.memory_space<vmem>>, vector<512x256xf32>
    %get3A_2 = arith.constant 0 : index
    %get3A_3 = arith.constant 0 : index
    %get3A_4 = vector.load %arg2[%get3A_2, %get3A_3] : memref<512x512xf32, #tpu.memory_space<vmem>>, vector<512x256xf32>
    %add3A = arith.addf %get3A_1, %get3A_4 : vector<512x256xf32>
    %get3A_5 = arith.constant 0 : index
    %get3A_6 = arith.constant 0 : index
    %get3A_7 = vector.load %arg3[%get3A_5, %get3A_6] : memref<512x256xf32, #tpu.memory_space<vmem>>, vector<512x256xf32>
    %get3A_8 = arith.constant 0 : index
    %get3A_9 = arith.constant 0 : index
    %get3A_10 = vector.load %arg4[%get3A_8, %get3A_9] : memref<256x256xf32, #tpu.memory_space<vmem>>, vector<256x256xf32>
    %dot_general3A = arith.constant dense<0.000000e+00> : vector<512x256xf32>
    %dot_general3A_11 = tpu.matmul %get3A_7, %get3A_10, %dot_general3A {dimension_numbers = #tpu.dot_dimension_numbers<[1], [0], [0], [1], [0, 0, 1, 1], [], []>, transpose_lhs_hint = false} : vector<512x256xf32>, vector<256x256xf32>, vector<512x256xf32> -> vector<512x256xf32>
    %add3A_12 = arith.addf %add3A, %dot_general3A_11 : vector<512x256xf32>
    %max3A = arith.constant 0.000000e+00 : f32
    %max3A_13 = vector.broadcast %max3A : f32 to vector<512x256xf32>
    %max3A_14 = arith.maximumf %add3A_12, %max3A_13 : vector<512x256xf32>
    %get3A_15 = arith.constant 0 : index
    %get3A_16 = arith.constant 0 : index
    %get3A_17 = vector.load %arg7[%get3A_15, %get3A_16] : memref<1x256xf32, #tpu.memory_space<vmem>>, vector<1x256xf32>
    %get3A_18 = arith.constant 0 : index
    %get3A_19 = arith.constant 0 : index
    %get3A_20 = vector.load %arg8[%get3A_18, %get3A_19] : memref<1x256xf32, #tpu.memory_space<vmem>>, vector<1x256xf32>
    %reduce_sum3A = arith.constant dense<0.000000e+00> : vector<512xf32>
    %reduce_sum3A_21 = vector.multi_reduction <add>, %max3A_14, %reduce_sum3A [1] : vector<512x256xf32> to vector<512xf32>
    %broadcast_in_dim3A = vector.shape_cast %reduce_sum3A_21 : vector<512xf32> to vector<512x1xf32>
    %div3A = arith.constant 2.560000e+02 : f32
    %div3A_22 = vector.broadcast %div3A : f32 to vector<512x1xf32>
    %div3A_23 = arith.divf %broadcast_in_dim3A, %div3A_22 : vector<512x1xf32>
    %sub3A = vector.broadcast %div3A_23 : vector<512x1xf32> to vector<512x256xf32>
    %sub3A_24 = arith.subf %max3A_14, %sub3A : vector<512x256xf32>
    %integer_pow3A = arith.mulf %sub3A_24, %sub3A_24 : vector<512x256xf32>
    %reduce_sum3A_25 = arith.constant dense<0.000000e+00> : vector<512xf32>
    %reduce_sum3A_26 = vector.multi_reduction <add>, %integer_pow3A, %reduce_sum3A_25 [1] : vector<512x256xf32> to vector<512xf32>
    %broadcast_in_dim3A_27 = vector.shape_cast %reduce_sum3A_26 : vector<512xf32> to vector<512x1xf32>
    %div3A_28 = arith.constant 2.560000e+02 : f32
    %div3A_29 = vector.broadcast %div3A_28 : f32 to vector<512x1xf32>
    %div3A_30 = arith.divf %broadcast_in_dim3A_27, %div3A_29 : vector<512x1xf32>
    %sub3A_31 = vector.broadcast %div3A_23 : vector<512x1xf32> to vector<512x256xf32>
    %sub3A_32 = arith.subf %max3A_14, %sub3A_31 : vector<512x256xf32>
    %add3A_33 = arith.constant 9.99999974E-6 : f32
    %add3A_34 = vector.broadcast %add3A_33 : f32 to vector<512x1xf32>
    %add3A_35 = arith.addf %div3A_30, %add3A_34 : vector<512x1xf32>
    %sqrt3A = math.sqrt %add3A_35 : vector<512x1xf32>
    %div3A_36 = vector.broadcast %sqrt3A : vector<512x1xf32> to vector<512x256xf32>
    %div3A_37 = arith.divf %sub3A_32, %div3A_36 : vector<512x256xf32>
    %mul3A = vector.broadcast %get3A_17 : vector<1x256xf32> to vector<512x256xf32>
    %mul3A_38 = arith.mulf %div3A_37, %mul3A : vector<512x256xf32>
    %add3A_39 = vector.broadcast %get3A_20 : vector<1x256xf32> to vector<512x256xf32>
    %add3A_40 = arith.addf %mul3A_38, %add3A_39 : vector<512x256xf32>
    %get3A_41 = arith.constant 0 : index
    %get3A_42 = arith.constant 0 : index
    %get3A_43 = vector.load %arg5[%get3A_41, %get3A_42] : memref<256x256xf32, #tpu.memory_space<vmem>>, vector<256x256xf32>
    %dot_general3A_44 = arith.constant dense<0.000000e+00> : vector<512x256xf32>
    %dot_general3A_45 = tpu.matmul %add3A_40, %get3A_43, %dot_general3A_44 {dimension_numbers = #tpu.dot_dimension_numbers<[1], [0], [0], [1], [0, 0, 1, 1], [], []>, transpose_lhs_hint = false} : vector<512x256xf32>, vector<256x256xf32>, vector<512x256xf32> -> vector<512x256xf32>
    %get3A_46 = arith.constant 0 : index
    %get3A_47 = arith.constant 0 : index
    %get3A_48 = vector.load %arg6[%get3A_46, %get3A_47] : memref<1x256xf32, #tpu.memory_space<vmem>>, vector<1x256xf32>
    %add3A_49 = vector.broadcast %get3A_48 : vector<1x256xf32> to vector<512x256xf32>
    %add3A_50 = arith.addf %dot_general3A_45, %add3A_49 : vector<512x256xf32>
    %swap3A = arith.constant 0 : index
    %swap3A_51 = arith.constant 0 : index
    %swap3A_52 = vector.load %arg14[%swap3A, %swap3A_51] : memref<512x256xf32, #tpu.memory_space<vmem>>, vector<512x256xf32>
    tpu.vector_store %arg14[%swap3A, %swap3A_51], %add3A_50 {strides = array<i32>} : memref<512x256xf32, #tpu.memory_space<vmem>>, vector<512x256xf32>,
    %get3A_53 = arith.constant 0 : index
    %get3A_54 = arith.constant 256 : index
    %get3A_55 = vector.load %arg2[%get3A_53, %get3A_54] : memref<512x512xf32, #tpu.memory_space<vmem>>, vector<512x256xf32>
    %get3A_56 = arith.constant 0 : index
    %get3A_57 = arith.constant 0 : index
    %get3A_58 = vector.load %arg9[%get3A_56, %get3A_57] : memref<256x256xf32, #tpu.memory_space<vmem>>, vector<256x256xf32>
    %dot_general3A_59 = arith.constant dense<0.000000e+00> : vector<512x256xf32>
    %dot_general3A_60 = tpu.matmul %add3A_50, %get3A_58, %dot_general3A_59 {dimension_numbers = #tpu.dot_dimension_numbers<[1], [0], [0], [1], [0, 0, 1, 1], [], []>, transpose_lhs_hint = false} : vector<512x256xf32>, vector<256x256xf32>, vector<512x256xf32> -> vector<512x256xf32>
    %add3A_61 = arith.addf %get3A_55, %dot_general3A_60 : vector<512x256xf32>
    %max3A_62 = arith.constant 0.000000e+00 : f32
    %max3A_63 = vector.broadcast %max3A_62 : f32 to vector<512x256xf32>
    %max3A_64 = arith.maximumf %add3A_61, %max3A_63 : vector<512x256xf32>
    %get3A_65 = arith.constant 0 : index
    %get3A_66 = arith.constant 0 : index
    %get3A_67 = vector.load %arg12[%get3A_65, %get3A_66] : memref<1x256xf32, #tpu.memory_space<vmem>>, vector<1x256xf32>
    %get3A_68 = arith.constant 0 : index
    %get3A_69 = arith.constant 0 : index
    %get3A_70 = vector.load %arg13[%get3A_68, %get3A_69] : memref<1x256xf32, #tpu.memory_space<vmem>>, vector<1x256xf32>
    %reduce_sum3A_71 = arith.constant dense<0.000000e+00> : vector<512xf32>
    %reduce_sum3A_72 = vector.multi_reduction <add>, %max3A_64, %reduce_sum3A_71 [1] : vector<512x256xf32> to vector<512xf32>
    %broadcast_in_dim3A_73 = vector.shape_cast %reduce_sum3A_72 : vector<512xf32> to vector<512x1xf32>
    %div3A_74 = arith.constant 2.560000e+02 : f32
    %div3A_75 = vector.broadcast %div3A_74 : f32 to vector<512x1xf32>
    %div3A_76 = arith.divf %broadcast_in_dim3A_73, %div3A_75 : vector<512x1xf32>
    %sub3A_77 = vector.broadcast %div3A_76 : vector<512x1xf32> to vector<512x256xf32>
    %sub3A_78 = arith.subf %max3A_64, %sub3A_77 : vector<512x256xf32>
    %integer_pow3A_79 = arith.mulf %sub3A_78, %sub3A_78 : vector<512x256xf32>
    %reduce_sum3A_80 = arith.constant dense<0.000000e+00> : vector<512xf32>
    %reduce_sum3A_81 = vector.multi_reduction <add>, %integer_pow3A_79, %reduce_sum3A_80 [1] : vector<512x256xf32> to vector<512xf32>
    %broadcast_in_dim3A_82 = vector.shape_cast %reduce_sum3A_81 : vector<512xf32> to vector<512x1xf32>
    %div3A_83 = arith.constant 2.560000e+02 : f32
    %div3A_84 = vector.broadcast %div3A_83 : f32 to vector<512x1xf32>
    %div3A_85 = arith.divf %broadcast_in_dim3A_82, %div3A_84 : vector<512x1xf32>
    %sub3A_86 = vector.broadcast %div3A_76 : vector<512x1xf32> to vector<512x256xf32>
    %sub3A_87 = arith.subf %max3A_64, %sub3A_86 : vector<512x256xf32>
    %add3A_88 = arith.constant 9.99999974E-6 : f32
    %add3A_89 = vector.broadcast %add3A_88 : f32 to vector<512x1xf32>
    %add3A_90 = arith.addf %div3A_85, %add3A_89 : vector<512x1xf32>
    %sqrt3A_91 = math.sqrt %add3A_90 : vector<512x1xf32>
    %div3A_92 = vector.broadcast %sqrt3A_91 : vector<512x1xf32> to vector<512x256xf32>
    %div3A_93 = arith.divf %sub3A_87, %div3A_92 : vector<512x256xf32>
    %mul3A_94 = vector.broadcast %get3A_67 : vector<1x256xf32> to vector<512x256xf32>
    %mul3A_95 = arith.mulf %div3A_93, %mul3A_94 : vector<512x256xf32>
    %add3A_96 = vector.broadcast %get3A_70 : vector<1x256xf32> to vector<512x256xf32>
    %add3A_97 = arith.addf %mul3A_95, %add3A_96 : vector<512x256xf32>
    %get3A_98 = arith.constant 0 : index
    %get3A_99 = arith.constant 0 : index
    %get3A_100 = vector.load %arg10[%get3A_98, %get3A_99] : memref<256x256xf32, #tpu.memory_space<vmem>>, vector<256x256xf32>
    %dot_general3A_101 = arith.constant dense<0.000000e+00> : vector<512x256xf32>
    %dot_general3A_102 = tpu.matmul %add3A_97, %get3A_100, %dot_general3A_101 {dimension_numbers = #tpu.dot_dimension_numbers<[1], [0], [0], [1], [0, 0, 1, 1], [], []>, transpose_lhs_hint = false} : vector<512x256xf32>, vector<256x256xf32>, vector<512x256xf32> -> vector<512x256xf32>
    %get3A_103 = arith.constant 0 : index
    %get3A_104 = arith.constant 0 : index
    %get3A_105 = vector.load %arg11[%get3A_103, %get3A_104] : memref<1x256xf32, #tpu.memory_space<vmem>>, vector<1x256xf32>
    %add3A_106 = vector.broadcast %get3A_105 : vector<1x256xf32> to vector<512x256xf32>
    %add3A_107 = arith.addf %dot_general3A_102, %add3A_106 : vector<512x256xf32>
    %swap3A_108 = arith.constant 0 : index
    %swap3A_109 = arith.constant 0 : index
    %swap3A_110 = vector.load %arg15[%swap3A_108, %swap3A_109] : memref<512x256xf32, #tpu.memory_space<vmem>>, vector<512x256xf32>
    tpu.vector_store %arg15[%swap3A_108, %swap3A_109], %add3A_107 {strides = array<i32>} : memref<512x256xf32, #tpu.memory_space<vmem>>, vector<512x256xf32>,
    return
  }
  func.func @transform_0(%arg0: i32) -> (i32, i32) {
    %c0_i32 = arith.constant 0 : i32
    %c0_i32_0 = arith.constant 0 : i32
    return %arg0, %c0_i32 : i32, i32
  }
  func.func @transform_1(%arg0: i32) -> (i32, i32) {
    %c0_i32 = arith.constant 0 : i32
    %c0_i32_0 = arith.constant 0 : i32
    return %arg0, %c0_i32 : i32, i32
  }
  func.func @transform_2(%arg0: i32) -> (i32, i32) {
    %c0_i32 = arith.constant 0 : i32
    %c0_i32_0 = arith.constant 0 : i32
    return %arg0, %c0_i32 : i32, i32
  }
  func.func @transform_3(%arg0: i32) -> (i32, i32) {
    %c0_i32 = arith.constant 0 : i32
    %c0_i32_0 = arith.constant 0 : i32
    %c0_i32_1 = arith.constant 0 : i32
    return %c0_i32, %c0_i32_0 : i32, i32
  }
  func.func @transform_4(%arg0: i32) -> (i32, i32) {
    %c0_i32 = arith.constant 0 : i32
    %c0_i32_0 = arith.constant 0 : i32
    %c0_i32_1 = arith.constant 0 : i32
    return %c0_i32, %c0_i32_0 : i32, i32
  }
  func.func @transform_5(%arg0: i32) -> (i32, i32) {
    %c0_i32 = arith.constant 0 : i32
    %c0_i32_0 = arith.constant 0 : i32
    %c0_i32_1 = arith.constant 0 : i32
    return %c0_i32, %c0_i32_0 : i32, i32
  }
  func.func @transform_6(%arg0: i32) -> (i32, i32) {
    %c0_i32 = arith.constant 0 : i32
    %c0_i32_0 = arith.constant 0 : i32
    %c0_i32_1 = arith.constant 0 : i32
    return %c0_i32, %c0_i32_0 : i32, i32
  }
  func.func @transform_7(%arg0: i32) -> (i32, i32) {
    %c0_i32 = arith.constant 0 : i32
    %c0_i32_0 = arith.constant 0 : i32
    %c0_i32_1 = arith.constant 0 : i32
    return %c0_i32, %c0_i32_0 : i32, i32
  }
  func.func @transform_8(%arg0: i32) -> (i32, i32) {
    %c0_i32 = arith.constant 0 : i32
    %c0_i32_0 = arith.constant 0 : i32
    %c0_i32_1 = arith.constant 0 : i32
    return %c0_i32, %c0_i32_0 : i32, i32
  }
  func.func @transform_9(%arg0: i32) -> (i32, i32) {
    %c0_i32 = arith.constant 0 : i32
    %c0_i32_0 = arith.constant 0 : i32
    %c0_i32_1 = arith.constant 0 : i32
    return %c0_i32, %c0_i32_0 : i32, i32
  }
  func.func @transform_10(%arg0: i32) -> (i32, i32) {
    %c0_i32 = arith.constant 0 : i32
    %c0_i32_0 = arith.constant 0 : i32
    %c0_i32_1 = arith.constant 0 : i32
    return %c0_i32, %c0_i32_0 : i32, i32
  }
  func.func @transform_11(%arg0: i32) -> (i32, i32) {
    %c0_i32 = arith.constant 0 : i32
    %c0_i32_0 = arith.constant 0 : i32
    %c0_i32_1 = arith.constant 0 : i32
    return %c0_i32, %c0_i32_0 : i32, i32
  }
  func.func @transform_12(%arg0: i32) -> (i32, i32) {
    %c0_i32 = arith.constant 0 : i32
    %c0_i32_0 = arith.constant 0 : i32
    %c0_i32_1 = arith.constant 0 : i32
    return %c0_i32, %c0_i32_0 : i32, i32
  }
  func.func @transform_13(%arg0: i32) -> (i32, i32) {
    %c0_i32 = arith.constant 0 : i32
    %c0_i32_0 = arith.constant 0 : i32
    return %arg0, %c0_i32 : i32, i32
  }
  func.func @transform_14(%arg0: i32) -> (i32, i32) {
    %c0_i32 = arith.constant 0 : i32
    %c0_i32_0 = arith.constant 0 : i32
    return %arg0, %c0_i32 : i32, i32
  }
}

module attributes {stable_mosaic.version = 14 : i64} {
  func.func @_node_body(%arg0: i32, %arg1: memref<512x256xf32, #tpu.memory_space<vmem>>, %arg2: memref<512x256xf32, #tpu.memory_space<vmem>>, %arg3: memref<512x128xf32, #tpu.memory_space<vmem>>, %arg4: memref<512x128xf32, #tpu.memory_space<vmem>>, %arg5: memref<256x256xf32, #tpu.memory_space<vmem>>, %arg6: memref<256x256xf32, #tpu.memory_space<vmem>>, %arg7: memref<1x256xf32, #tpu.memory_space<vmem>>, %arg8: memref<1x256xf32, #tpu.memory_space<vmem>>, %arg9: memref<1x256xf32, #tpu.memory_space<vmem>>, %arg10: memref<256x256xf32, #tpu.memory_space<vmem>>, %arg11: memref<1x256xf32, #tpu.memory_space<vmem>>, %arg12: memref<512x256xf32, #tpu.memory_space<vmem>>) attributes {dimension_semantics = [#tpu.dimension_semantics<arbitrary>], iteration_bounds = array<i64: 20>, scalar_prefetch = 0 : i64, scratch_operands = 0 : i64, tpu.core_type = #tpu.core_type<tc>, window_params = [{transform_indices = @transform_0, window_bounds = array<i64: 512, 256>}, {transform_indices = @transform_1, window_bounds = array<i64: 512, 256>}, {transform_indices = @transform_2, window_bounds = array<i64: 512, 128>}, {transform_indices = @transform_3, window_bounds = array<i64: 512, 128>}, {pipeline_mode = #tpu.pipeline_mode<synchronous>, transform_indices = @transform_4, window_bounds = array<i64: 256, 256>}, {pipeline_mode = #tpu.pipeline_mode<synchronous>, transform_indices = @transform_5, window_bounds = array<i64: 256, 256>}, {pipeline_mode = #tpu.pipeline_mode<synchronous>, transform_indices = @transform_6, window_bounds = array<i64: 1, 256>}, {pipeline_mode = #tpu.pipeline_mode<synchronous>, transform_indices = @transform_7, window_bounds = array<i64: 1, 256>}, {pipeline_mode = #tpu.pipeline_mode<synchronous>, transform_indices = @transform_8, window_bounds = array<i64: 1, 256>}, {pipeline_mode = #tpu.pipeline_mode<synchronous>, transform_indices = @transform_9, window_bounds = array<i64: 256, 256>}, {pipeline_mode = #tpu.pipeline_mode<synchronous>, transform_indices = @transform_10, window_bounds = array<i64: 1, 256>}, {transform_indices = @transform_11, window_bounds = array<i64: 512, 256>}]} {
    %get3A = arith.constant 0 : index
    %get3A_0 = arith.constant 0 : index
    %get3A_1 = vector.load %arg3[%get3A, %get3A_0] : memref<512x128xf32, #tpu.memory_space<vmem>>, vector<512x1xf32>
    %get3A_2 = arith.constant 0 : index
    %get3A_3 = arith.constant 0 : index
    %get3A_4 = vector.load %arg4[%get3A_2, %get3A_3] : memref<512x128xf32, #tpu.memory_space<vmem>>, vector<512x1xf32>
    %add3A = arith.addf %get3A_1, %get3A_4 : vector<512x1xf32>
    %max3A = arith.constant 1.000000e+00 : f32
    %max3A_5 = vector.broadcast %max3A : f32 to vector<512x1xf32>
    %max3A_6 = arith.maximumf %add3A, %max3A_5 : vector<512x1xf32>
    %div3A = arith.constant 1.000000e+00 : f32
    %div3A_7 = vector.broadcast %div3A : f32 to vector<512x1xf32>
    %div3A_8 = arith.divf %div3A_7, %max3A_6 : vector<512x1xf32>
    %get3A_9 = arith.constant 0 : index
    %get3A_10 = arith.constant 0 : index
    %get3A_11 = vector.load %arg2[%get3A_9, %get3A_10] : memref<512x256xf32, #tpu.memory_space<vmem>>, vector<512x256xf32>
    %mul3A = vector.broadcast %div3A_8 : vector<512x1xf32> to vector<512x256xf32>
    %mul3A_12 = arith.mulf %get3A_11, %mul3A : vector<512x256xf32>
    %get3A_13 = arith.constant 0 : index
    %get3A_14 = arith.constant 0 : index
    %get3A_15 = vector.load %arg1[%get3A_13, %get3A_14] : memref<512x256xf32, #tpu.memory_space<vmem>>, vector<512x256xf32>
    %get3A_16 = arith.constant 0 : index
    %get3A_17 = arith.constant 0 : index
    %get3A_18 = vector.load %arg5[%get3A_16, %get3A_17] : memref<256x256xf32, #tpu.memory_space<vmem>>, vector<256x256xf32>
    %dot_general3A = arith.constant dense<0.000000e+00> : vector<512x256xf32>
    %dot_general3A_19 = tpu.matmul %get3A_15, %get3A_18, %dot_general3A {dimension_numbers = #tpu.dot_dimension_numbers<[1], [0], [0], [1], [0, 0, 1, 1], [], []>, transpose_lhs_hint = false} : vector<512x256xf32>, vector<256x256xf32>, vector<512x256xf32> -> vector<512x256xf32>
    %get3A_20 = arith.constant 0 : index
    %get3A_21 = arith.constant 0 : index
    %get3A_22 = vector.load %arg6[%get3A_20, %get3A_21] : memref<256x256xf32, #tpu.memory_space<vmem>>, vector<256x256xf32>
    %dot_general3A_23 = arith.constant dense<0.000000e+00> : vector<512x256xf32>
    %dot_general3A_24 = tpu.matmul %mul3A_12, %get3A_22, %dot_general3A_23 {dimension_numbers = #tpu.dot_dimension_numbers<[1], [0], [0], [1], [0, 0, 1, 1], [], []>, transpose_lhs_hint = false} : vector<512x256xf32>, vector<256x256xf32>, vector<512x256xf32> -> vector<512x256xf32>
    %add3A_25 = arith.addf %dot_general3A_19, %dot_general3A_24 : vector<512x256xf32>
    %get3A_26 = arith.constant 0 : index
    %get3A_27 = arith.constant 0 : index
    %get3A_28 = vector.load %arg7[%get3A_26, %get3A_27] : memref<1x256xf32, #tpu.memory_space<vmem>>, vector<1x256xf32>
    %add3A_29 = vector.broadcast %get3A_28 : vector<1x256xf32> to vector<512x256xf32>
    %add3A_30 = arith.addf %add3A_25, %add3A_29 : vector<512x256xf32>
    %max3A_31 = arith.constant 0.000000e+00 : f32
    %max3A_32 = vector.broadcast %max3A_31 : f32 to vector<512x256xf32>
    %max3A_33 = arith.maximumf %add3A_30, %max3A_32 : vector<512x256xf32>
    %get3A_34 = arith.constant 0 : index
    %get3A_35 = arith.constant 0 : index
    %get3A_36 = vector.load %arg8[%get3A_34, %get3A_35] : memref<1x256xf32, #tpu.memory_space<vmem>>, vector<1x256xf32>
    %get3A_37 = arith.constant 0 : index
    %get3A_38 = arith.constant 0 : index
    %get3A_39 = vector.load %arg9[%get3A_37, %get3A_38] : memref<1x256xf32, #tpu.memory_space<vmem>>, vector<1x256xf32>
    %reduce_sum3A = arith.constant dense<0.000000e+00> : vector<512xf32>
    %reduce_sum3A_40 = vector.multi_reduction <add>, %max3A_33, %reduce_sum3A [1] : vector<512x256xf32> to vector<512xf32>
    %broadcast_in_dim3A = vector.shape_cast %reduce_sum3A_40 : vector<512xf32> to vector<512x1xf32>
    %div3A_41 = arith.constant 2.560000e+02 : f32
    %div3A_42 = vector.broadcast %div3A_41 : f32 to vector<512x1xf32>
    %div3A_43 = arith.divf %broadcast_in_dim3A, %div3A_42 : vector<512x1xf32>
    %sub3A = vector.broadcast %div3A_43 : vector<512x1xf32> to vector<512x256xf32>
    %sub3A_44 = arith.subf %max3A_33, %sub3A : vector<512x256xf32>
    %integer_pow3A = arith.mulf %sub3A_44, %sub3A_44 : vector<512x256xf32>
    %reduce_sum3A_45 = arith.constant dense<0.000000e+00> : vector<512xf32>
    %reduce_sum3A_46 = vector.multi_reduction <add>, %integer_pow3A, %reduce_sum3A_45 [1] : vector<512x256xf32> to vector<512xf32>
    %broadcast_in_dim3A_47 = vector.shape_cast %reduce_sum3A_46 : vector<512xf32> to vector<512x1xf32>
    %div3A_48 = arith.constant 2.560000e+02 : f32
    %div3A_49 = vector.broadcast %div3A_48 : f32 to vector<512x1xf32>
    %div3A_50 = arith.divf %broadcast_in_dim3A_47, %div3A_49 : vector<512x1xf32>
    %sub3A_51 = vector.broadcast %div3A_43 : vector<512x1xf32> to vector<512x256xf32>
    %sub3A_52 = arith.subf %max3A_33, %sub3A_51 : vector<512x256xf32>
    %add3A_53 = arith.constant 9.99999974E-6 : f32
    %add3A_54 = vector.broadcast %add3A_53 : f32 to vector<512x1xf32>
    %add3A_55 = arith.addf %div3A_50, %add3A_54 : vector<512x1xf32>
    %sqrt3A = math.sqrt %add3A_55 : vector<512x1xf32>
    %div3A_56 = vector.broadcast %sqrt3A : vector<512x1xf32> to vector<512x256xf32>
    %div3A_57 = arith.divf %sub3A_52, %div3A_56 : vector<512x256xf32>
    %mul3A_58 = vector.broadcast %get3A_36 : vector<1x256xf32> to vector<512x256xf32>
    %mul3A_59 = arith.mulf %div3A_57, %mul3A_58 : vector<512x256xf32>
    %add3A_60 = vector.broadcast %get3A_39 : vector<1x256xf32> to vector<512x256xf32>
    %add3A_61 = arith.addf %mul3A_59, %add3A_60 : vector<512x256xf32>
    %get3A_62 = arith.constant 0 : index
    %get3A_63 = arith.constant 0 : index
    %get3A_64 = vector.load %arg10[%get3A_62, %get3A_63] : memref<256x256xf32, #tpu.memory_space<vmem>>, vector<256x256xf32>
    %dot_general3A_65 = arith.constant dense<0.000000e+00> : vector<512x256xf32>
    %dot_general3A_66 = tpu.matmul %add3A_61, %get3A_64, %dot_general3A_65 {dimension_numbers = #tpu.dot_dimension_numbers<[1], [0], [0], [1], [0, 0, 1, 1], [], []>, transpose_lhs_hint = false} : vector<512x256xf32>, vector<256x256xf32>, vector<512x256xf32> -> vector<512x256xf32>
    %get3A_67 = arith.constant 0 : index
    %get3A_68 = arith.constant 0 : index
    %get3A_69 = vector.load %arg11[%get3A_67, %get3A_68] : memref<1x256xf32, #tpu.memory_space<vmem>>, vector<1x256xf32>
    %add3A_70 = vector.broadcast %get3A_69 : vector<1x256xf32> to vector<512x256xf32>
    %add3A_71 = arith.addf %dot_general3A_66, %add3A_70 : vector<512x256xf32>
    %swap3A = arith.constant 0 : index
    %swap3A_72 = arith.constant 0 : index
    %swap3A_73 = vector.load %arg12[%swap3A, %swap3A_72] : memref<512x256xf32, #tpu.memory_space<vmem>>, vector<512x256xf32>
    tpu.vector_store %arg12[%swap3A, %swap3A_72], %add3A_71 {strides = array<i32>} : memref<512x256xf32, #tpu.memory_space<vmem>>, vector<512x256xf32>,
    return
  }
  func.func @transform_0(%arg0: i32) -> (i32, i32) {
    %c0_i32 = arith.constant 0 : i32
    %c0_i32_0 = arith.constant 0 : i32
    return %arg0, %c0_i32 : i32, i32
  }
  func.func @transform_1(%arg0: i32) -> (i32, i32) {
    %c0_i32 = arith.constant 0 : i32
    %c0_i32_0 = arith.constant 0 : i32
    return %arg0, %c0_i32 : i32, i32
  }
  func.func @transform_2(%arg0: i32) -> (i32, i32) {
    %c0_i32 = arith.constant 0 : i32
    %c0_i32_0 = arith.constant 0 : i32
    return %arg0, %c0_i32 : i32, i32
  }
  func.func @transform_3(%arg0: i32) -> (i32, i32) {
    %c0_i32 = arith.constant 0 : i32
    %c0_i32_0 = arith.constant 0 : i32
    return %arg0, %c0_i32 : i32, i32
  }
  func.func @transform_4(%arg0: i32) -> (i32, i32) {
    %c0_i32 = arith.constant 0 : i32
    %c0_i32_0 = arith.constant 0 : i32
    %c0_i32_1 = arith.constant 0 : i32
    return %c0_i32, %c0_i32_0 : i32, i32
  }
  func.func @transform_5(%arg0: i32) -> (i32, i32) {
    %c0_i32 = arith.constant 0 : i32
    %c0_i32_0 = arith.constant 0 : i32
    %c0_i32_1 = arith.constant 0 : i32
    return %c0_i32, %c0_i32_0 : i32, i32
  }
  func.func @transform_6(%arg0: i32) -> (i32, i32) {
    %c0_i32 = arith.constant 0 : i32
    %c0_i32_0 = arith.constant 0 : i32
    %c0_i32_1 = arith.constant 0 : i32
    return %c0_i32, %c0_i32_0 : i32, i32
  }
  func.func @transform_7(%arg0: i32) -> (i32, i32) {
    %c0_i32 = arith.constant 0 : i32
    %c0_i32_0 = arith.constant 0 : i32
    %c0_i32_1 = arith.constant 0 : i32
    return %c0_i32, %c0_i32_0 : i32, i32
  }
  func.func @transform_8(%arg0: i32) -> (i32, i32) {
    %c0_i32 = arith.constant 0 : i32
    %c0_i32_0 = arith.constant 0 : i32
    %c0_i32_1 = arith.constant 0 : i32
    return %c0_i32, %c0_i32_0 : i32, i32
  }
  func.func @transform_9(%arg0: i32) -> (i32, i32) {
    %c0_i32 = arith.constant 0 : i32
    %c0_i32_0 = arith.constant 0 : i32
    %c0_i32_1 = arith.constant 0 : i32
    return %c0_i32, %c0_i32_0 : i32, i32
  }
  func.func @transform_10(%arg0: i32) -> (i32, i32) {
    %c0_i32 = arith.constant 0 : i32
    %c0_i32_0 = arith.constant 0 : i32
    %c0_i32_1 = arith.constant 0 : i32
    return %c0_i32, %c0_i32_0 : i32, i32
  }
  func.func @transform_11(%arg0: i32) -> (i32, i32) {
    %c0_i32 = arith.constant 0 : i32
    %c0_i32_0 = arith.constant 0 : i32
    return %arg0, %c0_i32 : i32, i32
  }
}

module attributes {stable_mosaic.version = 14 : i64} {
  func.func @_final_body(%arg0: memref<16x256xf32, #tpu.memory_space<vmem>>, %arg1: memref<1024x256xf32, #tpu.memory_space<vmem>>, %arg2: memref<1x256xf32, #tpu.memory_space<vmem>>, %arg3: memref<256x64xf32, #tpu.memory_space<vmem>>, %arg4: memref<1x64xf32, #tpu.memory_space<vmem>>, %arg5: memref<1x64xf32, #tpu.memory_space<vmem>>, %arg6: memref<1x64xf32, #tpu.memory_space<vmem>>, %arg7: memref<8x64xf32, #tpu.memory_space<vmem>>) attributes {dimension_semantics = [], scalar_prefetch = 0 : i64, scratch_operands = 0 : i64, tpu.core_type = #tpu.core_type<tc>} {
    %get3A = arith.constant 0 : index
    %get3A_0 = arith.constant 0 : index
    %get3A_1 = vector.load %arg0[%get3A, %get3A_0] : memref<16x256xf32, #tpu.memory_space<vmem>>, vector<16x256xf32>
    %broadcast_in_dim3A = arith.constant 0.000000e+00 : f32
    %broadcast_in_dim3A_2 = vector.broadcast %broadcast_in_dim3A : f32 to vector<1x256xf32>
    %slice3A = vector.extract_strided_slice %get3A_1 {offsets = [0, 0], sizes = [1, 256], strides = [1, 1]} : vector<16x256xf32> to vector<1x256xf32>
    %get3A_3 = arith.constant 0 : index
    %get3A_4 = arith.constant 0 : index
    %get3A_5 = vector.load %arg1[%get3A_3, %get3A_4] : memref<1024x256xf32, #tpu.memory_space<vmem>>, vector<256x256xf32>
    %dot_general3A = arith.constant dense<0.000000e+00> : vector<1x256xf32>
    %dot_general3A_6 = tpu.matmul %slice3A, %get3A_5, %dot_general3A {dimension_numbers = #tpu.dot_dimension_numbers<[1], [0], [0], [1], [0, 0, 1, 1], [], []>, transpose_lhs_hint = false} : vector<1x256xf32>, vector<256x256xf32>, vector<1x256xf32> -> vector<1x256xf32>
    %add3A = arith.addf %broadcast_in_dim3A_2, %dot_general3A_6 : vector<1x256xf32>
    %slice3A_7 = vector.extract_strided_slice %get3A_1 {offsets = [1, 0], sizes = [1, 256], strides = [1, 1]} : vector<16x256xf32> to vector<1x256xf32>
    %get3A_8 = arith.constant 256 : index
    %get3A_9 = arith.constant 0 : index
    %get3A_10 = vector.load %arg1[%get3A_8, %get3A_9] : memref<1024x256xf32, #tpu.memory_space<vmem>>, vector<256x256xf32>
    %dot_general3A_11 = arith.constant dense<0.000000e+00> : vector<1x256xf32>
    %dot_general3A_12 = tpu.matmul %slice3A_7, %get3A_10, %dot_general3A_11 {dimension_numbers = #tpu.dot_dimension_numbers<[1], [0], [0], [1], [0, 0, 1, 1], [], []>, transpose_lhs_hint = false} : vector<1x256xf32>, vector<256x256xf32>, vector<1x256xf32> -> vector<1x256xf32>
    %add3A_13 = arith.addf %add3A, %dot_general3A_12 : vector<1x256xf32>
    %slice3A_14 = vector.extract_strided_slice %get3A_1 {offsets = [2, 0], sizes = [1, 256], strides = [1, 1]} : vector<16x256xf32> to vector<1x256xf32>
    %get3A_15 = arith.constant 512 : index
    %get3A_16 = arith.constant 0 : index
    %get3A_17 = vector.load %arg1[%get3A_15, %get3A_16] : memref<1024x256xf32, #tpu.memory_space<vmem>>, vector<256x256xf32>
    %dot_general3A_18 = arith.constant dense<0.000000e+00> : vector<1x256xf32>
    %dot_general3A_19 = tpu.matmul %slice3A_14, %get3A_17, %dot_general3A_18 {dimension_numbers = #tpu.dot_dimension_numbers<[1], [0], [0], [1], [0, 0, 1, 1], [], []>, transpose_lhs_hint = false} : vector<1x256xf32>, vector<256x256xf32>, vector<1x256xf32> -> vector<1x256xf32>
    %add3A_20 = arith.addf %add3A_13, %dot_general3A_19 : vector<1x256xf32>
    %slice3A_21 = vector.extract_strided_slice %get3A_1 {offsets = [3, 0], sizes = [1, 256], strides = [1, 1]} : vector<16x256xf32> to vector<1x256xf32>
    %get3A_22 = arith.constant 768 : index
    %get3A_23 = arith.constant 0 : index
    %get3A_24 = vector.load %arg1[%get3A_22, %get3A_23] : memref<1024x256xf32, #tpu.memory_space<vmem>>, vector<256x256xf32>
    %dot_general3A_25 = arith.constant dense<0.000000e+00> : vector<1x256xf32>
    %dot_general3A_26 = tpu.matmul %slice3A_21, %get3A_24, %dot_general3A_25 {dimension_numbers = #tpu.dot_dimension_numbers<[1], [0], [0], [1], [0, 0, 1, 1], [], []>, transpose_lhs_hint = false} : vector<1x256xf32>, vector<256x256xf32>, vector<1x256xf32> -> vector<1x256xf32>
    %add3A_27 = arith.addf %add3A_20, %dot_general3A_26 : vector<1x256xf32>
    %get3A_28 = arith.constant 0 : index
    %get3A_29 = arith.constant 0 : index
    %get3A_30 = vector.load %arg2[%get3A_28, %get3A_29] : memref<1x256xf32, #tpu.memory_space<vmem>>, vector<1x256xf32>
    %add3A_31 = arith.addf %add3A_27, %get3A_30 : vector<1x256xf32>
    %max3A = arith.constant 0.000000e+00 : f32
    %max3A_32 = vector.broadcast %max3A : f32 to vector<1x256xf32>
    %max3A_33 = arith.maximumf %add3A_31, %max3A_32 : vector<1x256xf32>
    %get3A_34 = arith.constant 0 : index
    %get3A_35 = arith.constant 0 : index
    %get3A_36 = vector.load %arg3[%get3A_34, %get3A_35] : memref<256x64xf32, #tpu.memory_space<vmem>>, vector<256x64xf32>
    %dot_general3A_37 = arith.constant dense<0.000000e+00> : vector<1x64xf32>
    %dot_general3A_38 = tpu.matmul %max3A_33, %get3A_36, %dot_general3A_37 {dimension_numbers = #tpu.dot_dimension_numbers<[1], [0], [0], [1], [0, 0, 1, 1], [], []>, transpose_lhs_hint = false} : vector<1x256xf32>, vector<256x64xf32>, vector<1x64xf32> -> vector<1x64xf32>
    %get3A_39 = arith.constant 0 : index
    %get3A_40 = arith.constant 0 : index
    %get3A_41 = vector.load %arg4[%get3A_39, %get3A_40] : memref<1x64xf32, #tpu.memory_space<vmem>>, vector<1x64xf32>
    %add3A_42 = arith.addf %dot_general3A_38, %get3A_41 : vector<1x64xf32>
    %get3A_43 = arith.constant 0 : index
    %get3A_44 = arith.constant 0 : index
    %get3A_45 = vector.load %arg5[%get3A_43, %get3A_44] : memref<1x64xf32, #tpu.memory_space<vmem>>, vector<1x64xf32>
    %get3A_46 = arith.constant 0 : index
    %get3A_47 = arith.constant 0 : index
    %get3A_48 = vector.load %arg6[%get3A_46, %get3A_47] : memref<1x64xf32, #tpu.memory_space<vmem>>, vector<1x64xf32>
    %reduce_sum3A = arith.constant dense<0.000000e+00> : vector<1xf32>
    %reduce_sum3A_49 = vector.multi_reduction <add>, %add3A_42, %reduce_sum3A [1] : vector<1x64xf32> to vector<1xf32>
    %broadcast_in_dim3A_50 = vector.shape_cast %reduce_sum3A_49 : vector<1xf32> to vector<1x1xf32>
    %div3A = arith.constant 6.400000e+01 : f32
    %div3A_51 = vector.broadcast %div3A : f32 to vector<1x1xf32>
    %div3A_52 = arith.divf %broadcast_in_dim3A_50, %div3A_51 : vector<1x1xf32>
    %sub3A = vector.broadcast %div3A_52 : vector<1x1xf32> to vector<1x64xf32>
    %sub3A_53 = arith.subf %add3A_42, %sub3A : vector<1x64xf32>
    %integer_pow3A = arith.mulf %sub3A_53, %sub3A_53 : vector<1x64xf32>
    %reduce_sum3A_54 = arith.constant dense<0.000000e+00> : vector<1xf32>
    %reduce_sum3A_55 = vector.multi_reduction <add>, %integer_pow3A, %reduce_sum3A_54 [1] : vector<1x64xf32> to vector<1xf32>
    %broadcast_in_dim3A_56 = vector.shape_cast %reduce_sum3A_55 : vector<1xf32> to vector<1x1xf32>
    %div3A_57 = arith.constant 6.400000e+01 : f32
    %div3A_58 = vector.broadcast %div3A_57 : f32 to vector<1x1xf32>
    %div3A_59 = arith.divf %broadcast_in_dim3A_56, %div3A_58 : vector<1x1xf32>
    %sub3A_60 = vector.broadcast %div3A_52 : vector<1x1xf32> to vector<1x64xf32>
    %sub3A_61 = arith.subf %add3A_42, %sub3A_60 : vector<1x64xf32>
    %add3A_62 = arith.constant 9.99999974E-6 : f32
    %add3A_63 = vector.broadcast %add3A_62 : f32 to vector<1x1xf32>
    %add3A_64 = arith.addf %div3A_59, %add3A_63 : vector<1x1xf32>
    %sqrt3A = math.sqrt %add3A_64 : vector<1x1xf32>
    %div3A_65 = vector.broadcast %sqrt3A : vector<1x1xf32> to vector<1x64xf32>
    %div3A_66 = arith.divf %sub3A_61, %div3A_65 : vector<1x64xf32>
    %mul3A = arith.mulf %div3A_66, %get3A_45 : vector<1x64xf32>
    %add3A_67 = arith.addf %mul3A, %get3A_48 : vector<1x64xf32>
    %neg3A = arith.constant 0.000000e+00 : f32
    %neg3A_68 = vector.broadcast %neg3A : f32 to vector<1x64xf32>
    %neg3A_69 = arith.subf %neg3A_68, %add3A_67 : vector<1x64xf32>
    %exp3A = math.exp %neg3A_69 : vector<1x64xf32>
    %add3A_70 = arith.constant 1.000000e+00 : f32
    %add3A_71 = vector.broadcast %add3A_70 : f32 to vector<1x64xf32>
    %add3A_72 = arith.addf %add3A_71, %exp3A : vector<1x64xf32>
    %div3A_73 = arith.constant 1.000000e+00 : f32
    %div3A_74 = vector.broadcast %div3A_73 : f32 to vector<1x64xf32>
    %div3A_75 = arith.divf %div3A_74, %add3A_72 : vector<1x64xf32>
    %broadcast_in_dim3A_76 = vector.shape_cast %div3A_75 : vector<1x64xf32> to vector<1x64xf32>
    %broadcast_in_dim3A_77 = vector.broadcast %broadcast_in_dim3A_76 : vector<1x64xf32> to vector<8x64xf32>
    %swap3A = arith.constant 0 : index
    %swap3A_78 = arith.constant 0 : index
    %swap3A_79 = vector.load %arg7[%swap3A, %swap3A_78] : memref<8x64xf32, #tpu.memory_space<vmem>>, vector<8x64xf32>
    tpu.vector_store %arg7[%swap3A, %swap3A_78], %broadcast_in_dim3A_77 {strides = array<i32>} : memref<8x64xf32, #tpu.memory_space<vmem>>, vector<8x64xf32>,
    return
  }
}

</mosaic_0001>

<sc_bundles>
// kernel: kernel.20.cloned.1.call-start
scs
__scs_entry_jumppad:
0x0: {  	(pc) =	sbr.rel $0x88, $3  }
0x1: {  	(tag) =	ssettag $0x0;
	lr =	simm.s32 $0x1  }
0x2: {  	[smem:$0x3F61] =	sst lr;
	_ =	strace $0xD0000000  }
0x3: {  	_ = 	snop  }
0x4: {  	_ = 	snop  }
0x5: {  	_ = 	snop  }
0x6: {  	_ = 	snop  }
0x7: {  	_ = 	snop  }
__scs_overlays_trampoline_lowered:
0x8: {  	[smem:$0x3F70] =	sst s0  }
0x9: {  	[smem:$0x3F71] =	sst s1  }
0xa: {  	[smem:$0x3F72] =	sst s2  }
0xb: {  	[smem:$0x3F73] =	sst s3  }
0xc: {  	[smem:$0x3F74] =	sst s4  }
0xd: {  	[smem:$0x3F75] =	sst s5  }
0xe: {  	[smem:$0x3F76] =	sst s6  }
0xf: {  	[smem:$0x3F77] =	sst s7  }
0x10: {  	[smem:$0x3F78] =	sst s8  }
0x11: {  	[smem:$0x3F79] =	sst s9;
	s0 =	simm.s32 @!p0 $0x0  }
0x12: {  	s1 =	sld [smem:$0x3F5F];
	s0 =	simm.s32 @p0 $0x1  }
0x13: {  	[smem:$0x3F7A] =	sst s0;
	s0 =	simm.s32 @!p1 $0x0  }
0x14: {  	s2 =	sld [smem:$0x3F5E];
	s0 =	simm.s32 @p1 $0x1  }
0x15: {  	[smem:$0x3F7B] =	sst s0;
	s0 =	simm.s32 @!p2 $0x0  }
0x16: {  	s3 =	sld [smem:$0x3FDB];
	s0 =	simm.s32 @p2 $0x1  }
0x17: {  	s4 =	simm.s32 $0x1BF5;
	[smem:$0x3F7D] =	sst s0  }
0x18: {  	s0 =	sld [smem:$0x3F60];
	_ =	swait.ge [sflag:s4], $0x0  }
0x19: {  	s7 =	sld [smem:$0x3F61]  }
0x1a: {  	s8 =	sadd.s32 $0xFFFFE003, lr  }
0x1b: {  	s9 =	sadd.s32 $0xFFFFFEF7, lr;
	s5 =	simm.s32 $0xFFFFFFFF;
	p2 =	slt.u32 s8, $0xFFFFF086  }
0x1c: {  	p1 =	slt.u32 s9, $0xF7A;
	s5 =	simm.s32 @!p2 $0x0  }
0x1d: {  	s5 =	simm.s32 @p1 $0x1;
	p0 =	seq.s32 s7, s2  }
0x1e: {  	s7 =	smul.u32 @!p0 $0xF7A, s2;
	p2 =	seq.s32 @!p0 s5, $0x0  }
0x1f: {  	s9 =	smul.u32 $0xF7A, s1;
	s8 =	simm.s32 @!p0 $0x1BF5;
	p2 =	por !p2, p0  }
0x20: {  	[sflag:s8] =	ssyncset.s32 @!p0 $0xFFFFF086;
	s6 =	sadd.s32 @!p0 s3, s7;
	s7 =	simm.s32 @!p0 $0x108  }
0x21: {  	s3 =	sadd.s32 s3, s9;
	s6 =	sadd.s32 @!p0 $0x88, s6;
	s7 =	simm.s32 @p2 $0x1082  }
0x22: {  	[simem:s7], [sflag:s8] =	dma.local @!p0 [hbm:s6], $0xF7A  }
0x23: {  	s9 =	sor.u32 $0xD0000000, s2;
	s6 =	simm.s32 $0x108;
	_ =	swait.ge @!p0 [sflag:s8], $0x0  }
0x24: {  	s3 =	sadd.s32 $0x88, s3;
	s6 =	simm.s32 @!p1 $0x1082;
	[sflag:s4] =	ssyncset.s32 $0xFFFFF086  }
0x25: {  	[simem:s6], [sflag:s4] =	dma.local [hbm:s3], $0xF7A  }
0x26: {  	[smem:$0x3F61] =	sst s1;
	(tag) =	ssettag s2;
	_ =	strace s9  }
0x27: {  	s1 =	sld [smem:$0x3F71]  }
0x28: {  	s2 =	sld [smem:$0x3F72]  }
0x29: {  	s4 =	sld [smem:$0x3F74]  }
0x2a: {  	p0 =	seq.s32 s5, $0x0;
	s5 =	sld [smem:$0x3F75]  }
0x2b: {  	s6 =	sld [smem:$0x3F76]  }
0x2c: {  	s7 =	sld [smem:$0x3F77]  }
0x2d: {  	s3 =	simm.s32 $0x108;
	s8 =	sld [smem:$0x3F78]  }
0x2e: {  	s3 =	simm.s32 @!p0 $0x1082;
	s9 =	sld [smem:$0x3F79]  }
0x2f: {  	lr =	sadd.s32 s0, s3;
	s0 =	sld [smem:$0x3F70]  }
0x30: {  	s3 =	sld [smem:$0x3F73]  }
0x31: {  	[smem:$0x3F7C] =	sst s10  }
0x32: {  	s10 =	sld [smem:$0x3F7A];
	_ =	sdelay $0x3  }
0x33: {  	p0 =	seq.s32 s10, $0x1;
	s10 =	sld [smem:$0x3F7C];
	_ =	sdelay $0x3  }
0x34: {  	[smem:$0x3F7C] =	sst s10  }
0x35: {  	s10 =	sld [smem:$0x3F7B];
	_ =	sdelay $0x3  }
0x36: {  	p1 =	seq.s32 s10, $0x1;
	s10 =	sld [smem:$0x3F7C];
	_ =	sdelay $0x3  }
0x37: {  	[smem:$0x3F7C] =	sst s10  }
0x38: {  	s10 =	sld [smem:$0x3F7D]  }
0x39: {  	_ = 	snop;
	(pc) =	sbr.ind lr, $3  }
0x3a: {  	_ = 	snop  }
0x3b: {  	_ = 	snop  }
0x3c: {  	p2 =	seq.s32 s10, $0x1;
	s10 =	sld [smem:$0x3F7C]  }
0x3d: {  	_ =	shalt  }
0x3e: {  	_ =	shalt  }
0x3f: {  	_ =	shalt  }
0x40: {  	_ =	shalt  }
0x41: {  	_ =	shalt  }
0x42: {  	_ =	shalt  }
0x43: {  	_ =	shalt  }
0x44: {  	_ =	shalt  }
0x45: {  	_ =	shalt  }
0x46: {  	_ =	shalt  }
0x47: {  	_ =	shalt  }
0x48: {  	_ =	shalt  }
0x49: {  	_ =	shalt  }
0x4a: {  	_ =	shalt  }
0x4b: {  	_ =	shalt  }
0x4c: {  	_ =	shalt  }
0x4d: {  	_ =	shalt  }
0x4e: {  	_ =	shalt  }
0x4f: {  	_ =	shalt  }
0x50: {  	_ =	shalt  }
0x51: {  	_ =	shalt  }
0x52: {  	_ =	shalt  }
0x53: {  	_ =	shalt  }
0x54: {  	_ =	shalt  }
0x55: {  	_ =	shalt  }
0x56: {  	_ =	shalt  }
0x57: {  	_ =	shalt  }
0x58: {  	_ =	shalt  }
0x59: {  	_ =	shalt  }
0x5a: {  	_ =	shalt  }
0x5b: {  	_ =	shalt  }
0x5c: {  	_ =	shalt  }
0x5d: {  	_ =	shalt  }
0x5e: {  	_ =	shalt  }
0x5f: {  	_ =	shalt  }
0x60: {  	_ =	shalt  }
0x61: {  	_ =	shalt  }
0x62: {  	_ =	shalt  }
0x63: {  	_ =	shalt  }
0x64: {  	_ =	shalt  }
0x65: {  	_ =	shalt  }
0x66: {  	_ =	shalt  }
0x67: {  	_ =	shalt  }
0x68: {  	_ =	shalt  }
0x69: {  	_ =	shalt  }
0x6a: {  	_ =	shalt  }
0x6b: {  	_ =	shalt  }
0x6c: {  	_ =	shalt  }
0x6d: {  	_ =	shalt  }
0x6e: {  	_ =	shalt  }
0x6f: {  	_ =	shalt  }
0x70: {  	_ =	shalt  }
0x71: {  	_ =	shalt  }
0x72: {  	_ =	shalt  }
0x73: {  	_ =	shalt  }
0x74: {  	_ =	shalt  }
0x75: {  	_ =	shalt  }
0x76: {  	_ =	shalt  }
0x77: {  	_ =	shalt  }
0x78: {  	_ =	shalt  }
0x79: {  	_ =	shalt  }
0x7a: {  	_ =	shalt  }
0x7b: {  	_ =	shalt  }
0x7c: {  	_ =	shalt  }
0x7d: {  	_ =	shalt  }
0x7e: {  	_ =	shalt  }
0x7f: {  	_ =	shalt  }
0x80: {  	_ =	shalt  }
0x81: {  	_ =	shalt  }
0x82: {  	_ =	shalt  }
0x83: {  	_ =	shalt  }
0x84: {  	_ =	shalt  }
0x85: {  	_ =	shalt  }
0x86: {  	_ =	shalt  }
0x87: {  	_ =	shalt  }
.Lfunc_end0:
.L_simem_size_0:
called_computation_lowered:
.L_overlay_start_0:
0x88: {  	s2 =	sld [smem:$0x3FD9]  }
0x89: {  	s3 =	sld [smem:$0x3FFE];
	_ =	sdelay $0x1  }
0x8a: {  	s1 =	srdreg.scid  }
0x8b: {  	s0 =	sand.u32 $0x1, s1  }
0x8c: {  	s17 =	sshll.u32 s0, $0xA;
	s2 =	sadd.s32 s3, s2  }
0x8d: {  	s2 =	sadd.s32 s2, s17  }
0x8e: {  	[smem:$0x3F88] =	sst s2  }
0x8f: {  	_ = 	snop  }
0x90: {  	(tm) =	ssettm $0x1  }
0x91: {  	s18 =	sld [smem:$0x3FFB];
	_ =	sdelay $0x3  }
0x92: {  	_ =	strace s18  }
0x93: {  	s2 =	sld [smem:$0x3FFC];
	_ =	sdelay $0x3  }
0x94: {  	_ =	strace s2  }
0x95: {  	s2 =	sld [smem:$0x3FFD];
	_ =	sdelay $0x3  }
0x96: {  	_ =	strace s2  }
0x97: {  	_ =	strace $0x8FFFFFFF  }
0x98: {  	s19 =	sld [smem:$0x3FDB];
	_ =	sdelay $0x1  }
0x99: {  	s20 =	simm.s32 $_scs_section_size  }
0x9a: {  	s4 =	simm.s32 $_size__tile_overlayer_lowered;
	s5 =	simm.s32 $_tile_overlayer_lowered  }
0x9b: {  	s6 =	simm.s32 $0x1BFF;
	s21 =	sshll.u32 s5, $0x1;
	s3 =	sadd.s32 s20, s19  }
0x9c: {  	s22 =	simm.s32 $0x0;
	s4 =	sshll.u32 s4, $0x1;
	s5 =	sadd.s32 s21, s3  }
0x9d: {  	[timem:s22], [sflag:s6] =	dma.local [hbm:s5], s4  }
0x9e: {  	_ =	swait.ge [sflag:s6], s4  }
0x9f: {  	s4 =	ssub.s32 $0x0, s4;
	[sflag:s6] =	ssyncset.done $0x0  }
0xa0: {  	[sflag:s6] =	ssyncadd.s32 s4;
	_ =	sdelay $0x1  }
0xa1: {  	s23 =	simm.s32 $0x1B8B  }
0xa2: {  	_ =	swait.ge [sflag:s23], $0x1  }
0xa3: {  	[sflag:s23] =	ssyncset.done $0x0  }
0xa4: {  	[sflag:s23] =	ssyncadd.s32 $0xFFFFFFFF  }
0xa5: {  	s4 =	sld [smem:$0x0]  }
0xa6: {  	s5 =	sand.u32 $0xFFFFFFFE, s1  }
0xa7: {  	p0 =	sne.s32 s1, s5  }
0xa8: {  	s5 =	sshll.u32 @p0 s5, $0xE  }
0xa9: {  	s5 =	sadd.s32 @p0 $0x11B8D, s5;
	s6 =	sshll.u32 @p0 s4, $0x11  }
0xaa: {  	s5 =	sor.u32 @p0 s6, s5  }
0xab: {  	[sflag:s5] =	ssyncadd.remote.s32 @p0 $0x1;
	_ =	sdelay $0x1  }
0xac: {  	s5 =	simm.s32 @p0 $0x1B8D  }
0xad: {  	_ =	swait.eq @p0 [sflag:s5], $0x1  }
0xae: {  	[sflag:s5] =	ssyncadd.s32 @p0 $0xFFFFFFFF  }
0xaf: {  	s6 =	sshll.u32 @!p0 s1, $0xE  }
0xb0: {  	s6 =	sor.u32 @!p0 $0x4000, s6;
	s5 =	simm.s32 @!p0 $0x1B8D  }
0xb1: {  	s4 =	sshll.u32 @!p0 s4, $0x11;
	s6 =	sadd.s32 @!p0 $0x11B8D, s6;
	_ =	swait.eq @!p0 [sflag:s5], $0x1  }
0xb2: {  	s4 =	sor.u32 @!p0 s4, s6;
	[sflag:s5] =	ssyncadd.s32 @!p0 $0xFFFFFFFF  }
0xb3: {  	s25 =	simm.s32 $0x1B8E;
	s24 =	sld [smem:$0x3FFE];
	[sflag:s4] =	ssyncadd.remote.s32 @!p0 $0x1  }
0xb4: {  	s26 =	simm.s32 $execute0_lowered;
	[smem:$0x3FD2] =	sst s25  }
0xb5: {  	s5 =	sshll.u32 s26, $0x1;
	_ =	strace $0x80000049;
	[dreg:$0x1] =	wrdreg $0xFFFFFFFF  }
0xb6: {  	s28 =	simm.s32 $_size_execute0_lowered;
	s3 =	sadd.s32 s3, s5;
	[dreg:$0x0] =	wrdreg $0x0  }
0xb7: {  	s5 =	sshll.u32 s28, $0x1;
	[dreg:$0x2] =	wrdreg s3  }
0xb8: {  	[dreg:$0x3] =	wrdreg s5  }
0xb9: {  	[dreg:$0x4] =	wrdreg $0xC0  }
0xba: {  	_ =	task [dreg:s22], $0x5FFFF  }
0xbb: {  	[dreg:$0x1] =	wrdreg $0xFFFFFFFF  }
0xbc: {  	[dreg:$0x0] =	wrdreg $0x60  }
0xbd: {  	[dreg:$0x2] =	wrdreg s24  }
0xbe: {  	[dreg:$0x3] =	wrdreg $0x40800  }
0xbf: {  	[dreg:$0x4] =	wrdreg $0x9  }
0xc0: {  	_ =	task.clear_ibuf [dreg:s22], $0x5FFFF;
	_ =	strace $0x90000049  }
0xc1: {  	s29 =	simm.s32 $0x9;
	_ =	strace $0x8000004B  }
0xc2: {  	_ =	swait.ge [sflag:s29], $0x1  }
0xc3: {  	[sflag:s29] =	ssyncadd.s32 $0xFFFFFFFF  }
0xc4: {  	_ =	strace $0x9000004B  }
0xc5: {  	_ =	sfence  }
0xc6: {  	s30 =	sld [smem:$0x0];
	_ =	sdelay $0x2  }
0xc7: {  	s31 =	sshll.u32 s1, $0xD;
	s1 =	sshrl.u32 s1, $0x2  }
0xc8: {  	s4 =	sand.u32 $0x4000, s31;
	s1 =	sadd.s32 s1, s30  }
0xc9: {  	s0 =	sor.u32 s4, s0;
	s1 =	sshll.u32 s1, $0x11  }
0xca: {  	s0 =	sor.u32 s1, s0  }
0xcb: {  	s0 =	sadd.s32 $0x8F2B, s0  }
0xcc: {  	[sflag:s0] =	ssyncadd.remote.s32 $0x1  }
0xcd: {  	_ =	sfence.sel $0xFFFF  }
0xce: {  	[dreg:$0x0] =	wrdreg $0xFFFFFFFF;
	(pc) =	sbr.abs _section_cstart, $3  }
0xcf: {  	[dreg:$0x1] =	wrdreg $0xFFFFFFFF  }
0xd0: {  	_ =	task.clear_ibuf [dreg:s22], $0x2FFFF;
	_ =	strace $0x9FFFFFFF  }
0xd1: {  	(tm) =	ssettm $0x7FFFFFFF  }
tec
execute0_lowered:
.L_overlay_start_1:
0x0: {  	(tag) =	ssettag $0x1  }
0x1: {  	s5 =	rddreg [dreg:$0x0]  }
0x2: {  	s2 =	rddreg [dreg:$0x1];
	s1 =	stileid.u32  }
0x3: {  	s0 =	rddreg [dreg:$0x2];
	s4 =	smul.u32 $0x500, s1  }
0x4: {  	s3 =	simm.s32 $0x0;
	s7 =	srdreg.scid;
	s6 =	smul.u32 $0x2800, s1  }
0x5: {  	[smem:$0x7FF] =	sst s3;
	s8 =	smul.u32 $0x14000, s1;
	s7 =	sand.u32 $0x1, s7  }
0x6: {  	s12 =	smul.u32 $0x50000, s1;
	s31 =	sshll.u32 s1, $0x6;
	_ =	strace $0x8000004A  }
0x7: {  	p0 =	seq.s32 s7, $0x1;
	s11 =	ssub.s32 $0x2, s7;
	s7 =	smul.u32 $0x280, s7  }
0x8: {  	s9 =	sadd.s32 s4, s5;
	s4 =	sadd.s32 $0x1067800, s5;
	s10 =	sadd.s32 s6, s5  }
0x9: {  	s8 =	sshrl.u32 s8, $0x3;
	s26 =	sshrl.u32 s11, $0x1;
	s29 =	sshrl.u32 s12, $0x2  }
0xa: {  	s8 =	sadd.s32 $0x28000, s8;
	s28 =	ssub.s32 s11, s26;
	s12 =	sadd.s32 s29, s2  }
0xb: {  	s30 =	sadd.s32 s7, s9;
	s9 =	simm.s32 $0x80;
	s11 =	sor.u32 $0x1C01, s31  }
0xc: {  	s6 =	smov.u32 @p0 s8;
	s8 =	sadd.s32 $0xE800, s30;
	s12 =	sshrl.u32 s12, $0x3  }
0xd: {  	s13 =	sadd.s32 s6, s5;
	s5 =	sadd.s32 $0x103F800, s10;
	s6 =	smax.u32 s28, $0x1  }
0xe: {  	s10 =	simm.s32 $0x1;
	s7 =	sadd.s32 $0x1068000, s13;
	s13 =	simm.s32 $0x0  }
.LBB2_1:
0xf: {  	[tilespmem:s9], [sflag:$0x1] =	stream.linear.gather [hbm4b:s4+s3], $0x4000, $0x38;
	[tilespmem:$0x18080] =	vst v63  }
0x10: {  	_ =	swait.ge [sflag:s10], $0x4000  }
0x11: {  	[sflag:s10] =	ssyncset.done $0x0  }
0x12: {  	[sflag:s10] =	ssyncadd.s32 $0xFFFFC000  }
0x13: {  	[spmem:s12], [sflag:s11] =	dma.local [hbm:s5], $0x2800  }
0x14: {  	_ =	swait.ge [sflag:s10], $0x2800  }
0x15: {  	[sflag:s10] =	ssyncset.done $0x0  }
0x16: {  	[sflag:s10] =	ssyncadd.s32 $0xFFFFD800  }
0x17: {  	s14 =	sadd.s32 $0x0, s8;
	[bflag:$0x0] =	sbarrier.arrive $0xFFFF  }
0x18: {  	[tilespmem:s3], [sflag:$0x1] =	stream.linear.gather [hbm4b:s14+s3], $0x80, $0x38;
	[tilespmem:$0x18080] =	vst v63  }
0x19: {  	_ =	swait.ge [sflag:s10], $0x80  }
0x1a: {  	[sflag:s10] =	ssyncset.done $0x0  }
0x1b: {  	[sflag:s10] =	ssyncadd.s32 $0xFFFFFF80  }
0x1c: {  	[spmem:s2] =	stream.indirect.scatter.add.f32 [tilespmem:s9], [sflag:$0x1], $0x80, s3, s9, $0xb8;
	[tilespmem:$0x18080] =	vst v63  }
0x1d: {  	_ =	swait.ge [sflag:s10], $0x4000  }
0x1e: {  	s15 =	simm.s32 $0x20;
	s14 =	simm.s32 $0x10;
	[sflag:s10] =	ssyncset.done $0x0  }
.LBB2_2:
0x1f: {  	s16 =	sadd.s32 s14, s8  }
0x20: {  	[sflag:s10] =	ssyncadd.s32 $0xFFFFC000;
	s14 =	smov.u32 s15;
	s17 =	sadd.s32 $0x10, s15  }
0x21: {  	[tilespmem:s3], [sflag:$0x1] =	stream.linear.gather [hbm4b:s16+s3], $0x80, $0x38;
	[tilespmem:$0x18080] =	vst v63  }
0x22: {  	p0 =	sne.s32 s15, $0x270;
	_ =	swait.ge [sflag:s10], $0x80  }
.Ltmp0:
0x23: {  	[sflag:s10] =	ssyncset.done $0x0;
	(pc) =	sbr.rel @p0 .LBB2_2-.Ltmp0, $4  }
0x24: {  	[sflag:s10] =	ssyncadd.s32 $0xFFFFFF80  }
0x25: {  	[spmem:s2] =	stream.indirect.scatter.add.f32 [tilespmem:s9], [sflag:$0x1], $0x80, s3, s9, $0xb8;
	[tilespmem:$0x18080] =	vst v63  }
0x26: {  	_ =	swait.ge [sflag:s10], $0x4000  }
0x27: {  	s15 =	smov.u32 s17;
	[sflag:s10] =	ssyncset.done $0x0  }
0x28: {  	s14 =	sadd.s32 s14, s8;
	[sflag:s10] =	ssyncadd.s32 $0xFFFFC000  }
0x29: {  	[tilespmem:s3], [sflag:$0x1] =	stream.linear.gather [hbm4b:s14+s3], $0x80, $0x38;
	[tilespmem:$0x18080] =	vst v63  }
0x2a: {  	_ =	swait.ge [sflag:s10], $0x80  }
0x2b: {  	[sflag:s10] =	ssyncset.done $0x0  }
0x2c: {  	[sflag:s10] =	ssyncadd.s32 $0xFFFFFF80  }
0x2d: {  	[spmem:s2] =	stream.indirect.scatter.add.f32 [tilespmem:s9], [sflag:$0x1], $0x80, s3, s9, $0xb8;
	[tilespmem:$0x18080] =	vst v63  }
0x2e: {  	_ =	swait.ge [sflag:s10], $0x4000  }
0x2f: {  	s13 =	sadd.s32 $0x1, s13;
	[sflag:s10] =	ssyncset.done $0x0  }
0x30: {  	p0 =	sne.s32 s13, s6;
	[sflag:s10] =	ssyncadd.s32 $0xFFFFC000  }
.Ltmp1:
0x31: {  	[bflag:$0x0] =	sbarrier.arrive $0xFFFF;
	(pc) =	sbr.rel @p0 .LBB2_1-.Ltmp1, $4  }
0x32: {  	[hbm:s7], [sflag:s11] =	dma.local [spmem:s12], $0x2800  }
0x33: {  	_ =	swait.ge [sflag:s10], $0x2800  }
0x34: {  	[sflag:s10] =	ssyncset.done $0x0  }
0x35: {  	[sflag:s10] =	ssyncadd.s32 $0xFFFFD800  }
0x36: {  	_ =	sfence.sel $0x180000  }
0x37: {  	[bflag:$0x0] =	sbarrier.arrive $0xFFFF  }
0x38: {  	p0 =	sne.s32 s1, $0x0;
	_ =	strace $0x9000004A  }
0x39: {  	s0 =	sadd.s32 @!p0 $0x100000, s0;
	[bflag:$0x2] =	sbarrier.arrive $0xFFFF  }
0x3a: {  	[sflag:s0] =	ssyncadd.tile.s32 @!p0 $0x1;
	_ =	shalt  }
.Lfunc_end2:
_tile_overlayer_lowered:
.L_overlay_start_2:
0x3b: {  	(tag) =	ssettag $0x2  }
0x3c: {  	s0 =	rddreg [dreg:$0x0];
	s2 =	stileid.u32  }
0x3d: {  	s1 =	rddreg [dreg:$0x1];
	p0 =	sne.s32 s2, $0x0  }
0x3e: {  	s3 =	rddreg [dreg:$0x2];
	[bflag:$0x3] =	sbarrier.arrive $0xFFFF;
	s2 =	simm.s32 @!p0 $0x1C01  }
0x3f: {  	[timem:s3], [sflag:s2] =	dma.local @!p0 [hbm:s0], s1  }
0x40: {  	s0 =	simm.s32 @!p0 $0x1  }
0x41: {  	_ =	swait.ge @!p0 [sflag:s0], s1  }
0x42: {  	s1 =	ssub.s32 @!p0 $0x0, s1;
	[sflag:s0] =	ssyncset.done @!p0 $0x0  }
0x43: {  	[sflag:s0] =	ssyncadd.s32 @!p0 s1  }
0x44: {  	[bflag:$0x3] =	sbarrier.arrive $0xFFFF  }
0x45: {  	_ =	shalt  }

// kernel: kernel.23.cloned.1.call-start
scs
__scs_entry_jumppad:
0x0: {  	(pc) =	sbr.rel $0x88, $3  }
0x1: {  	(tag) =	ssettag $0x0;
	lr =	simm.s32 $0x1  }
0x2: {  	[smem:$0x3F61] =	sst lr;
	_ =	strace $0xD0000000  }
0x3: {  	_ = 	snop  }
0x4: {  	_ = 	snop  }
0x5: {  	_ = 	snop  }
0x6: {  	_ = 	snop  }
0x7: {  	_ = 	snop  }
__scs_overlays_trampoline_lowered:
0x8: {  	[smem:$0x3F70] =	sst s0  }
0x9: {  	[smem:$0x3F71] =	sst s1  }
0xa: {  	[smem:$0x3F72] =	sst s2  }
0xb: {  	[smem:$0x3F73] =	sst s3  }
0xc: {  	[smem:$0x3F74] =	sst s4  }
0xd: {  	[smem:$0x3F75] =	sst s5  }
0xe: {  	[smem:$0x3F76] =	sst s6  }
0xf: {  	[smem:$0x3F77] =	sst s7  }
0x10: {  	[smem:$0x3F78] =	sst s8  }
0x11: {  	[smem:$0x3F79] =	sst s9;
	s0 =	simm.s32 @!p0 $0x0  }
0x12: {  	s1 =	sld [smem:$0x3F5F];
	s0 =	simm.s32 @p0 $0x1  }
0x13: {  	[smem:$0x3F7A] =	sst s0;
	s0 =	simm.s32 @!p1 $0x0  }
0x14: {  	s2 =	sld [smem:$0x3F5E];
	s0 =	simm.s32 @p1 $0x1  }
0x15: {  	[smem:$0x3F7B] =	sst s0;
	s0 =	simm.s32 @!p2 $0x0  }
0x16: {  	s3 =	sld [smem:$0x3FDB];
	s0 =	simm.s32 @p2 $0x1  }
0x17: {  	s4 =	simm.s32 $0x1BF5;
	[smem:$0x3F7D] =	sst s0  }
0x18: {  	s0 =	sld [smem:$0x3F60];
	_ =	swait.ge [sflag:s4], $0x0  }
0x19: {  	s7 =	sld [smem:$0x3F61]  }
0x1a: {  	s8 =	sadd.s32 $0xFFFFE003, lr  }
0x1b: {  	s9 =	sadd.s32 $0xFFFFFEF7, lr;
	s5 =	simm.s32 $0xFFFFFFFF;
	p2 =	slt.u32 s8, $0xFFFFF086  }
0x1c: {  	p1 =	slt.u32 s9, $0xF7A;
	s5 =	simm.s32 @!p2 $0x0  }
0x1d: {  	s5 =	simm.s32 @p1 $0x1;
	p0 =	seq.s32 s7, s2  }
0x1e: {  	s7 =	smul.u32 @!p0 $0xF7A, s2;
	p2 =	seq.s32 @!p0 s5, $0x0  }
0x1f: {  	s9 =	smul.u32 $0xF7A, s1;
	s8 =	simm.s32 @!p0 $0x1BF5;
	p2 =	por !p2, p0  }
0x20: {  	[sflag:s8] =	ssyncset.s32 @!p0 $0xFFFFF086;
	s6 =	sadd.s32 @!p0 s3, s7;
	s7 =	simm.s32 @!p0 $0x108  }
0x21: {  	s3 =	sadd.s32 s3, s9;
	s6 =	sadd.s32 @!p0 $0x88, s6;
	s7 =	simm.s32 @p2 $0x1082  }
0x22: {  	[simem:s7], [sflag:s8] =	dma.local @!p0 [hbm:s6], $0xF7A  }
0x23: {  	s9 =	sor.u32 $0xD0000000, s2;
	s6 =	simm.s32 $0x108;
	_ =	swait.ge @!p0 [sflag:s8], $0x0  }
0x24: {  	s3 =	sadd.s32 $0x88, s3;
	s6 =	simm.s32 @!p1 $0x1082;
	[sflag:s4] =	ssyncset.s32 $0xFFFFF086  }
0x25: {  	[simem:s6], [sflag:s4] =	dma.local [hbm:s3], $0xF7A  }
0x26: {  	[smem:$0x3F61] =	sst s1;
	(tag) =	ssettag s2;
	_ =	strace s9  }
0x27: {  	s1 =	sld [smem:$0x3F71]  }
0x28: {  	s2 =	sld [smem:$0x3F72]  }
0x29: {  	s4 =	sld [smem:$0x3F74]  }
0x2a: {  	p0 =	seq.s32 s5, $0x0;
	s5 =	sld [smem:$0x3F75]  }
0x2b: {  	s6 =	sld [smem:$0x3F76]  }
0x2c: {  	s7 =	sld [smem:$0x3F77]  }
0x2d: {  	s3 =	simm.s32 $0x108;
	s8 =	sld [smem:$0x3F78]  }
0x2e: {  	s3 =	simm.s32 @!p0 $0x1082;
	s9 =	sld [smem:$0x3F79]  }
0x2f: {  	lr =	sadd.s32 s0, s3;
	s0 =	sld [smem:$0x3F70]  }
0x30: {  	s3 =	sld [smem:$0x3F73]  }
0x31: {  	[smem:$0x3F7C] =	sst s10  }
0x32: {  	s10 =	sld [smem:$0x3F7A];
	_ =	sdelay $0x3  }
0x33: {  	p0 =	seq.s32 s10, $0x1;
	s10 =	sld [smem:$0x3F7C];
	_ =	sdelay $0x3  }
0x34: {  	[smem:$0x3F7C] =	sst s10  }
0x35: {  	s10 =	sld [smem:$0x3F7B];
	_ =	sdelay $0x3  }
0x36: {  	p1 =	seq.s32 s10, $0x1;
	s10 =	sld [smem:$0x3F7C];
	_ =	sdelay $0x3  }
0x37: {  	[smem:$0x3F7C] =	sst s10  }
0x38: {  	s10 =	sld [smem:$0x3F7D]  }
0x39: {  	_ = 	snop;
	(pc) =	sbr.ind lr, $3  }
0x3a: {  	_ = 	snop  }
0x3b: {  	_ = 	snop  }
0x3c: {  	p2 =	seq.s32 s10, $0x1;
	s10 =	sld [smem:$0x3F7C]  }
0x3d: {  	_ =	shalt  }
0x3e: {  	_ =	shalt  }
0x3f: {  	_ =	shalt  }
0x40: {  	_ =	shalt  }
0x41: {  	_ =	shalt  }
0x42: {  	_ =	shalt  }
0x43: {  	_ =	shalt  }
0x44: {  	_ =	shalt  }
0x45: {  	_ =	shalt  }
0x46: {  	_ =	shalt  }
0x47: {  	_ =	shalt  }
0x48: {  	_ =	shalt  }
0x49: {  	_ =	shalt  }
0x4a: {  	_ =	shalt  }
0x4b: {  	_ =	shalt  }
0x4c: {  	_ =	shalt  }
0x4d: {  	_ =	shalt  }
0x4e: {  	_ =	shalt  }
0x4f: {  	_ =	shalt  }
0x50: {  	_ =	shalt  }
0x51: {  	_ =	shalt  }
0x52: {  	_ =	shalt  }
0x53: {  	_ =	shalt  }
0x54: {  	_ =	shalt  }
0x55: {  	_ =	shalt  }
0x56: {  	_ =	shalt  }
0x57: {  	_ =	shalt  }
0x58: {  	_ =	shalt  }
0x59: {  	_ =	shalt  }
0x5a: {  	_ =	shalt  }
0x5b: {  	_ =	shalt  }
0x5c: {  	_ =	shalt  }
0x5d: {  	_ =	shalt  }
0x5e: {  	_ =	shalt  }
0x5f: {  	_ =	shalt  }
0x60: {  	_ =	shalt  }
0x61: {  	_ =	shalt  }
0x62: {  	_ =	shalt  }
0x63: {  	_ =	shalt  }
0x64: {  	_ =	shalt  }
0x65: {  	_ =	shalt  }
0x66: {  	_ =	shalt  }
0x67: {  	_ =	shalt  }
0x68: {  	_ =	shalt  }
0x69: {  	_ =	shalt  }
0x6a: {  	_ =	shalt  }
0x6b: {  	_ =	shalt  }
0x6c: {  	_ =	shalt  }
0x6d: {  	_ =	shalt  }
0x6e: {  	_ =	shalt  }
0x6f: {  	_ =	shalt  }
0x70: {  	_ =	shalt  }
0x71: {  	_ =	shalt  }
0x72: {  	_ =	shalt  }
0x73: {  	_ =	shalt  }
0x74: {  	_ =	shalt  }
0x75: {  	_ =	shalt  }
0x76: {  	_ =	shalt  }
0x77: {  	_ =	shalt  }
0x78: {  	_ =	shalt  }
0x79: {  	_ =	shalt  }
0x7a: {  	_ =	shalt  }
0x7b: {  	_ =	shalt  }
0x7c: {  	_ =	shalt  }
0x7d: {  	_ =	shalt  }
0x7e: {  	_ =	shalt  }
0x7f: {  	_ =	shalt  }
0x80: {  	_ =	shalt  }
0x81: {  	_ =	shalt  }
0x82: {  	_ =	shalt  }
0x83: {  	_ =	shalt  }
0x84: {  	_ =	shalt  }
0x85: {  	_ =	shalt  }
0x86: {  	_ =	shalt  }
0x87: {  	_ =	shalt  }
.Lfunc_end0:
.L_simem_size_0:
called_computation.1_lowered:
.L_overlay_start_0:
0x88: {  	s2 =	sld [smem:$0x3FD9]  }
0x89: {  	s3 =	sld [smem:$0x3FFE];
	_ =	sdelay $0x1  }
0x8a: {  	s1 =	srdreg.scid  }
0x8b: {  	s0 =	sand.u32 $0x1, s1  }
0x8c: {  	s16 =	sshll.u32 s0, $0xA;
	s2 =	sadd.s32 s3, s2  }
0x8d: {  	s2 =	sadd.s32 s2, s16  }
0x8e: {  	[smem:$0x3F88] =	sst s2  }
0x8f: {  	_ = 	snop  }
0x90: {  	(tm) =	ssettm $0x1  }
0x91: {  	s17 =	sld [smem:$0x3FFB];
	_ =	sdelay $0x3  }
0x92: {  	_ =	strace s17  }
0x93: {  	s2 =	sld [smem:$0x3FFC];
	_ =	sdelay $0x3  }
0x94: {  	_ =	strace s2  }
0x95: {  	s2 =	sld [smem:$0x3FFD];
	_ =	sdelay $0x3  }
0x96: {  	_ =	strace s2  }
0x97: {  	_ =	strace $0x8FFFFFFF  }
0x98: {  	s18 =	sld [smem:$0x3FDB];
	_ =	sdelay $0x1  }
0x99: {  	s19 =	simm.s32 $_scs_section_size  }
0x9a: {  	s4 =	simm.s32 $_size__tile_overlayer_lowered;
	s5 =	simm.s32 $_tile_overlayer_lowered  }
0x9b: {  	s22 =	simm.s32 $0x1BFF;
	s21 =	sshll.u32 s5, $0x1;
	s2 =	sadd.s32 s19, s18  }
0x9c: {  	s6 =	simm.s32 $0x0;
	s20 =	sshll.u32 s4, $0x1;
	s4 =	sadd.s32 s21, s2  }
0x9d: {  	[timem:s6], [sflag:s22] =	dma.local [hbm:s4], s20  }
0x9e: {  	_ =	swait.ge [sflag:s22], s20  }
0x9f: {  	s3 =	ssub.s32 $0x0, s20;
	[sflag:s22] =	ssyncset.done $0x0  }
0xa0: {  	[sflag:s22] =	ssyncadd.s32 s3;
	_ =	sdelay $0x1  }
0xa1: {  	s23 =	simm.s32 $0x1B8B  }
0xa2: {  	_ =	swait.ge [sflag:s23], $0x1  }
0xa3: {  	[sflag:s23] =	ssyncset.done $0x0  }
0xa4: {  	s25 =	simm.s32 $0x1B8E;
	s24 =	sld [smem:$0x3FFE];
	[sflag:s23] =	ssyncadd.s32 $0xFFFFFFFF  }
0xa5: {  	s26 =	simm.s32 $execute0_lowered;
	[smem:$0x3FD2] =	sst s25  }
0xa6: {  	s4 =	sshll.u32 s26, $0x1;
	_ =	strace $0x80000046;
	[dreg:$0x1] =	wrdreg $0xFFFFFFFF  }
0xa7: {  	s28 =	simm.s32 $_size_execute0_lowered;
	s2 =	sadd.s32 s2, s4;
	[dreg:$0x0] =	wrdreg $0x0  }
0xa8: {  	s4 =	sshll.u32 s28, $0x1;
	[dreg:$0x2] =	wrdreg s2  }
0xa9: {  	[dreg:$0x3] =	wrdreg s4  }
0xaa: {  	[dreg:$0x4] =	wrdreg $0xC0  }
0xab: {  	_ =	task [dreg:s6], $0x5FFFF  }
0xac: {  	[dreg:$0x1] =	wrdreg $0xFFFFFFFF  }
0xad: {  	[dreg:$0x0] =	wrdreg $0x60  }
0xae: {  	[dreg:$0x2] =	wrdreg s24  }
0xaf: {  	[dreg:$0x3] =	wrdreg $0xA  }
0xb0: {  	_ =	task.clear_ibuf [dreg:s6], $0x4FFFF;
	_ =	strace $0x90000046  }
0xb1: {  	s29 =	simm.s32 $0xA;
	_ =	strace $0x80000048  }
0xb2: {  	_ =	swait.ge [sflag:s29], $0x1  }
0xb3: {  	[sflag:s29] =	ssyncadd.s32 $0xFFFFFFFF  }
0xb4: {  	_ =	strace $0x90000048  }
0xb5: {  	_ =	sfence  }
0xb6: {  	s30 =	sld [smem:$0x0];
	_ =	sdelay $0x2  }
0xb7: {  	s31 =	sshll.u32 s1, $0xD;
	s1 =	sshrl.u32 s1, $0x2  }
0xb8: {  	s3 =	sand.u32 $0x4000, s31;
	s1 =	sadd.s32 s1, s30  }
0xb9: {  	s0 =	sor.u32 s3, s0;
	s1 =	sshll.u32 s1, $0x11  }
0xba: {  	s0 =	sor.u32 s1, s0  }
0xbb: {  	s0 =	sadd.s32 $0x8F2B, s0  }
0xbc: {  	[sflag:s0] =	ssyncadd.remote.s32 $0x1  }
0xbd: {  	_ =	sfence.sel $0xFFFF  }
0xbe: {  	[dreg:$0x0] =	wrdreg $0xFFFFFFFF;
	(pc) =	sbr.abs _section_cstart, $3  }
0xbf: {  	[dreg:$0x1] =	wrdreg $0xFFFFFFFF  }
0xc0: {  	_ =	task.clear_ibuf [dreg:s6], $0x2FFFF;
	_ =	strace $0x9FFFFFFF  }
0xc1: {  	(tm) =	ssettm $0x7FFFFFFF  }
tec
execute0_lowered:
.L_overlay_start_1:
0x0: {  	(tag) =	ssettag $0x1  }
0x1: {  	s0 =	srdreg.scid;
	s13 =	stileid.u32  }
0x2: {  	s1 =	rddreg [dreg:$0x0];
	s2 =	simm.s32 $0x0;
	s15 =	simm.s32 $0x5000  }
0x3: {  	s28 =	simm.s32 $0x11800;
	s30 =	simm.s32 $0x18000;
	s31 =	simm.s32 $0x18800  }
0x4: {  	s14 =	simm.s32 $0x1A000;
	s16 =	simm.s32 $0x2;
	s8 =	smul.u32 $0x50000, s13  }
0x5: {  	s17 =	simm.s32 $0x3;
	s0 =	sand.u32 $0x1, s0;
	s11 =	smul.u32 $0x500, s13  }
0x6: {  	s3 =	sshll.u32 s13, $0x1;
	[smem:$0x7FF] =	sst s2;
	s21 =	smul.u32 $0xA0000, s13  }
0x7: {  	s4 =	sadd.s32 $0x4F800, s1;
	s6 =	sadd.s32 $0x13F800, s1;
	s12 =	smul.u32 $0x280, s0  }
0x8: {  	s9 =	sadd.s32 $0x63F800, s1;
	s13 =	simm.s32 $0x5;
	s19 =	smul.u32 $0x28000, s0  }
0x9: {  	s3 =	sor.u32 s0, s3;
	s7 =	ssub.s32 $0x2, s0;
	s0 =	smul.u32 $0x50000, s0  }
0xa: {  	_ =	strace $0x80000047;
	s5 =	smul.u32 $0x500, s3;
	s3 =	sadd.s32 $0xEF800, s1  }
0xb: {  	s10 =	sshrl.u32 s7, $0x1;
	s8 =	sadd.s32 s8, s6;
	s23 =	sadd.s32 s21, s9  }
0xc: {  	s10 =	ssub.s32 s7, s10;
	s7 =	sadd.s32 $0x4F900, s1;
	s22 =	sadd.s32 s12, s11  }
0xd: {  	s0 =	sadd.s32 s0, s23;
	s23 =	simm.s32 $0x9000;
	s11 =	simm.s32 $0x11000  }
0xe: {  	s12 =	simm.s32 $0x1;
	s5 =	sadd.s32 s5, s1;
	s20 =	smax.u32 s10, $0x1  }
0xf: {  	s10 =	sor.u32 $0x8, s22;
	s1 =	sadd.s32 s19, s8;
	[dreg:$0x6] =	wrdreg s0  }
0x10: {  	s22 =	simm.s32 $0x15000;
	s8 =	simm.s32 $0x1B800;
	[dreg:$0x4] =	wrdreg s20  }
0x11: {  	s18 =	sadd.s32 $0x13800, s5;
	s5 =	sadd.s32 $0x1D800, s5;
	[dreg:$0x5] =	wrdreg s1  }
0x12: {  	s24 =	sshrl.u32 s10, $0x3;
	s1 =	simm.s32 $0x19000;
	s10 =	simm.s32 $0x1C800  }
.Ltmp0:
0x13: {  	s20 =	simm.s32 $0x0;
	[dreg:$0x2] =	wrdreg s18;
	(pc) =	sbr.rel .LBB2_1-.Ltmp0, $4  }
0x14: {  	[dreg:$0x3] =	wrdreg s5;
	s25 =	sshll.u32 s24, $0xB;
	s26 =	sshll.u32 s24, $0xC  }
0x15: {  	v2 =	vlaneseq.u32;
	s5 =	simm.s32 $0x1A800;
	s18 =	simm.s32 $0x4;
	s0 =	sadd.s32 s25, s6  }
0x16: {  	vm0 =	vmmov $0xffff;
	v1 =	vshrl.u32 v2, $0x3;
	s29 =	sadd.s32 s26, s9;
	s6 =	simm.s32 $0x1B000;
	[dreg:$0x7] =	wrdreg s0  }
0x17: {  	v0 =	vand.u32 $0x7, v2;
	v2 =	vor.u32 $0x8, v2;
	v1 =	vmul.u32 $0x8, v1;
	s9 =	simm.s32 $0x1C000;
	[dreg:$0x8] =	wrdreg s29;
	s0 =	simm.s32 $0x19800  }
.LBB2_5:
0x18: {  	s20 =	rddreg [dreg:$0x9]  }
0x19: {  	s19 =	rddreg [dreg:$0x4];
	s20 =	sadd.s32 $0x1, s20  }
0x1a: {  	p0 =	sne.s32 s20, s19  }
.Ltmp1:
0x1b: {  	_ = 	snop;
	(pc) =	sbr.rel @!p0 .LBB2_6-.Ltmp1, $1  }
0x1c: {  	_ =	sdelay $0x3  }
.LBB2_1:
0x1d: {  	[dreg:$0x9] =	wrdreg s20  }
0x1e: {  	s19 =	rddreg [dreg:$0x2]  }
0x1f: {  	[tilespmem:s2], [sflag:$0x5] =	stream.linear.gather [hbm4b:s19+s2], $0x2800, $0x38;
	[tilespmem:$0x1D000] =	vst v63  }
0x20: {  	_ =	swait.ge [sflag:s13], $0x2800  }
0x21: {  	[sflag:s13] =	ssyncset.done $0x0  }
0x22: {  	s21 =	simm.s32 $0x2800;
	s20 =	rddreg [dreg:$0x3];
	[sflag:s13] =	ssyncadd.s32 $0xFFFFD800  }
0x23: {  	[tilespmem:s21], [sflag:$0x5] =	stream.linear.gather [hbm4b:s20+s2], $0x2800, $0x38;
	[tilespmem:$0x1D000] =	vst v63  }
0x24: {  	_ =	swait.ge [sflag:s13], $0x2800  }
0x25: {  	[sflag:s13] =	ssyncset.done $0x0  }
0x26: {  	[sflag:s13] =	ssyncadd.s32 $0xFFFFD800  }
0x27: {  	v3 =	vld [tilespmem:$0x0];
	_ =	sdelay $0x4  }
0x28: {  	v4 =	vshll.u32 v3, $0x1  }
0x29: {  	v3 =	vand.u32 $0x7, v3;
	v4 =	vand.u32 $0xFFFFFFF0, v4  }
0x2a: {  	v3 =	vor.u32 v3, v4  }
0x2b: {  	v4 =	vperm.xlane v3, v0;
	_ =	sdelay $0x1  }
0x2c: {  	v3 =	vperm.xlane v3, v2;
	v4 =	vadd.s32 v1, v4;
	_ =	sdelay $0x1  }
0x2d: {  	v3 =	vadd.s32 v1, v3;
	_ =	sdelay $0x2  }
0x2e: {  	[tilespmem:s15], [sflag:$0x1] =	stream.indirect_vreg.gather [hbm4b:s3+s2], $0x80, v4, vm0, $0xb8;
	[tilespmem:$0x1D000] =	vst v63  }
0x2f: {  	s24 =	simm.s32 $0x5800  }
0x30: {  	[tilespmem:s24], [sflag:$0x1] =	stream.indirect_vreg.gather [hbm4b:s3+s2], $0x80, v3, vm0, $0xb8;
	[tilespmem:$0x1D000] =	vst v63  }
0x31: {  	v3 =	vld [tilespmem:$0x10];
	_ =	sdelay $0x4  }
0x32: {  	v57 =	vshll.u32 v3, $0x1  }
0x33: {  	v3 =	vand.u32 $0x7, v3;
	v4 =	vand.u32 $0xFFFFFFF0, v57  }
0x34: {  	v3 =	vor.u32 v3, v4  }
0x35: {  	v4 =	vperm.xlane v3, v0;
	_ =	sdelay $0x1  }
0x36: {  	v3 =	vperm.xlane v3, v2;
	v4 =	vadd.s32 v1, v4;
	_ =	sdelay $0x1  }
0x37: {  	v3 =	vadd.s32 v1, v3;
	_ =	sdelay $0x1  }
0x38: {  	s25 =	simm.s32 $0x6000  }
0x39: {  	[tilespmem:s25], [sflag:$0x1] =	stream.indirect_vreg.gather [hbm4b:s3+s2], $0x80, v4, vm0, $0xb8;
	[tilespmem:$0x1D000] =	vst v63  }
0x3a: {  	s26 =	simm.s32 $0x6800  }
0x3b: {  	[tilespmem:s26], [sflag:$0x1] =	stream.indirect_vreg.gather [hbm4b:s3+s2], $0x80, v3, vm0, $0xb8;
	[tilespmem:$0x1D000] =	vst v63  }
0x3c: {  	v3 =	vld [tilespmem:$0x20];
	_ =	sdelay $0x4  }
0x3d: {  	v58 =	vshll.u32 v3, $0x1  }
0x3e: {  	v3 =	vand.u32 $0x7, v3;
	v4 =	vand.u32 $0xFFFFFFF0, v58  }
0x3f: {  	v3 =	vor.u32 v3, v4  }
0x40: {  	v4 =	vperm.xlane v3, v0;
	_ =	sdelay $0x1  }
0x41: {  	v3 =	vperm.xlane v3, v2;
	v4 =	vadd.s32 v1, v4;
	_ =	sdelay $0x1  }
0x42: {  	v3 =	vadd.s32 v1, v3;
	_ =	sdelay $0x1  }
0x43: {  	s29 =	simm.s32 $0x7000  }
0x44: {  	[tilespmem:s29], [sflag:$0x1] =	stream.indirect_vreg.gather [hbm4b:s3+s2], $0x80, v4, vm0, $0xb8;
	[tilespmem:$0x1D000] =	vst v63  }
0x45: {  	s20 =	simm.s32 $0x7800  }
0x46: {  	[tilespmem:s20], [sflag:$0x1] =	stream.indirect_vreg.gather [hbm4b:s3+s2], $0x80, v3, vm0, $0xb8;
	[tilespmem:$0x1D000] =	vst v63  }
0x47: {  	v3 =	vld [tilespmem:$0x30];
	_ =	sdelay $0x4  }
0x48: {  	v59 =	vshll.u32 v3, $0x1  }
0x49: {  	v3 =	vand.u32 $0x7, v3;
	v4 =	vand.u32 $0xFFFFFFF0, v59  }
0x4a: {  	v3 =	vor.u32 v3, v4  }
0x4b: {  	v4 =	vperm.xlane v3, v0;
	_ =	sdelay $0x1  }
0x4c: {  	v3 =	vperm.xlane v3, v2;
	v4 =	vadd.s32 v1, v4;
	_ =	sdelay $0x1  }
0x4d: {  	v3 =	vadd.s32 v1, v3;
	_ =	sdelay $0x1  }
0x4e: {  	s21 =	simm.s32 $0x8000  }
0x4f: {  	[tilespmem:s21], [sflag:$0x1] =	stream.indirect_vreg.gather [hbm4b:s3+s2], $0x80, v4, vm0, $0xb8;
	[tilespmem:$0x1D000] =	vst v63  }
0x50: {  	s24 =	simm.s32 $0x8800  }
0x51: {  	[tilespmem:s24], [sflag:$0x1] =	stream.indirect_vreg.gather [hbm4b:s3+s2], $0x80, v3, vm0, $0xb8;
	[tilespmem:$0x1D000] =	vst v63  }
0x52: {  	v3 =	vld [tilespmem:$0x2800];
	_ =	sdelay $0x4  }
0x53: {  	v60 =	vshll.u32 v3, $0x2  }
0x54: {  	v3 =	vand.u32 $0x7, v3;
	v4 =	vand.u32 $0xFFFFFFE0, v60  }
0x55: {  	v3 =	vor.u32 v3, v4  }
0x56: {  	v4 =	vperm.xlane v3, v0;
	_ =	sdelay $0x1  }
0x57: {  	v4 =	vadd.s32 v1, v4;
	_ =	sdelay $0x1  }
0x58: {  	v3 =	vperm.xlane v3, v2;
	_ =	sdelay $0x1  }
0x59: {  	v3 =	vadd.s32 v1, v3  }
0x5a: {  	[tilespmem:s23], [sflag:$0x2] =	stream.indirect_vreg.gather [hbm4b:s4+s2], $0x80, v4, vm0, $0xb8;
	[tilespmem:$0x1D000] =	vst v63  }
0x5b: {  	s25 =	simm.s32 $0x9800  }
0x5c: {  	[tilespmem:s25], [sflag:$0x2] =	stream.indirect_vreg.gather [hbm4b:s7+s2], $0x80, v4, vm0, $0xb8;
	[tilespmem:$0x1D000] =	vst v63  }
0x5d: {  	s26 =	simm.s32 $0xA000  }
0x5e: {  	[tilespmem:s26], [sflag:$0x2] =	stream.indirect_vreg.gather [hbm4b:s4+s2], $0x80, v3, vm0, $0xb8;
	[tilespmem:$0x1D000] =	vst v63  }
0x5f: {  	s29 =	simm.s32 $0xA800  }
0x60: {  	[tilespmem:s29], [sflag:$0x2] =	stream.indirect_vreg.gather [hbm4b:s7+s2], $0x80, v3, vm0, $0xb8;
	[tilespmem:$0x1D000] =	vst v63  }
0x61: {  	v3 =	vld [tilespmem:$0x2810];
	_ =	sdelay $0x4  }
0x62: {  	v61 =	vshll.u32 v3, $0x2  }
0x63: {  	v3 =	vand.u32 $0x7, v3;
	v4 =	vand.u32 $0xFFFFFFE0, v61  }
0x64: {  	v3 =	vor.u32 v3, v4  }
0x65: {  	v4 =	vperm.xlane v3, v0;
	_ =	sdelay $0x1  }
0x66: {  	v4 =	vadd.s32 v1, v4;
	_ =	sdelay $0x1  }
0x67: {  	v3 =	vperm.xlane v3, v2;
	_ =	sdelay $0x1  }
0x68: {  	s20 =	simm.s32 $0xB000;
	v3 =	vadd.s32 v1, v3  }
0x69: {  	[tilespmem:s20], [sflag:$0x2] =	stream.indirect_vreg.gather [hbm4b:s4+s2], $0x80, v4, vm0, $0xb8;
	[tilespmem:$0x1D000] =	vst v63  }
0x6a: {  	s21 =	simm.s32 $0xB800  }
0x6b: {  	[tilespmem:s21], [sflag:$0x2] =	stream.indirect_vreg.gather [hbm4b:s7+s2], $0x80, v4, vm0, $0xb8;
	[tilespmem:$0x1D000] =	vst v63  }
0x6c: {  	s24 =	simm.s32 $0xC000  }
0x6d: {  	[tilespmem:s24], [sflag:$0x2] =	stream.indirect_vreg.gather [hbm4b:s4+s2], $0x80, v3, vm0, $0xb8;
	[tilespmem:$0x1D000] =	vst v63  }
0x6e: {  	s25 =	simm.s32 $0xC800  }
0x6f: {  	[tilespmem:s25], [sflag:$0x2] =	stream.indirect_vreg.gather [hbm4b:s7+s2], $0x80, v3, vm0, $0xb8;
	[tilespmem:$0x1D000] =	vst v63  }
0x70: {  	v3 =	vld [tilespmem:$0x2820];
	_ =	sdelay $0x4  }
0x71: {  	v62 =	vshll.u32 v3, $0x2  }
0x72: {  	v3 =	vand.u32 $0x7, v3;
	v4 =	vand.u32 $0xFFFFFFE0, v62  }
0x73: {  	v3 =	vor.u32 v3, v4  }
0x74: {  	v4 =	vperm.xlane v3, v0;
	_ =	sdelay $0x1  }
0x75: {  	v4 =	vadd.s32 v1, v4;
	_ =	sdelay $0x1  }
0x76: {  	v3 =	vperm.xlane v3, v2;
	_ =	sdelay $0x1  }
0x77: {  	s26 =	simm.s32 $0xD000;
	v3 =	vadd.s32 v1, v3  }
0x78: {  	[tilespmem:s26], [sflag:$0x2] =	stream.indirect_vreg.gather [hbm4b:s4+s2], $0x80, v4, vm0, $0xb8;
	[tilespmem:$0x1D000] =	vst v63  }
0x79: {  	s29 =	simm.s32 $0xD800  }
0x7a: {  	[tilespmem:s29], [sflag:$0x2] =	stream.indirect_vreg.gather [hbm4b:s7+s2], $0x80, v4, vm0, $0xb8;
	[tilespmem:$0x1D000] =	vst v63  }
0x7b: {  	s20 =	simm.s32 $0xE000  }
0x7c: {  	[tilespmem:s20], [sflag:$0x2] =	stream.indirect_vreg.gather [hbm4b:s4+s2], $0x80, v3, vm0, $0xb8;
	[tilespmem:$0x1D000] =	vst v63  }
0x7d: {  	s21 =	simm.s32 $0xE800  }
0x7e: {  	[tilespmem:s21], [sflag:$0x2] =	stream.indirect_vreg.gather [hbm4b:s7+s2], $0x80, v3, vm0, $0xb8;
	[tilespmem:$0x1D000] =	vst v63  }
0x7f: {  	v3 =	vld [tilespmem:$0x2830];
	_ =	sdelay $0x4  }
0x80: {  	v63 =	vshll.u32 v3, $0x2  }
0x81: {  	v3 =	vand.u32 $0x7, v3;
	v4 =	vand.u32 $0xFFFFFFE0, v63  }
0x82: {  	v3 =	vor.u32 v3, v4  }
0x83: {  	v4 =	vperm.xlane v3, v0;
	_ =	sdelay $0x1  }
0x84: {  	v4 =	vadd.s32 v1, v4;
	_ =	sdelay $0x2  }
0x85: {  	v3 =	vperm.xlane v3, v2  }
0x86: {  	s24 =	simm.s32 $0xF000  }
0x87: {  	v3 =	vadd.s32 v1, v3;
	[tilespmem:s24], [sflag:$0x2] =	stream.indirect_vreg.gather [hbm4b:s4+s2], $0x80, v4, vm0, $0xb8;
	[tilespmem:$0x1D000] =	vst v63  }
0x88: {  	s19 =	rddreg [dreg:$0x8];
	s25 =	simm.s32 $0xF800  }
0x89: {  	[tilespmem:s25], [sflag:$0x2] =	stream.indirect_vreg.gather [hbm4b:s7+s2], $0x80, v4, vm0, $0xb8;
	[tilespmem:$0x1D000] =	vst v63  }
.Ltmp2:
0x8a: {  	s20 =	rddreg [dreg:$0x7];
	(pc) =	sbr.rel .LBB2_2-.Ltmp2, $4  }
0x8b: {  	s26 =	simm.s32 $0x10000;
	s21 =	rddreg [dreg:$0x6]  }
0x8c: {  	[tilespmem:s26], [sflag:$0x2] =	stream.indirect_vreg.gather [hbm4b:s4+s2], $0x80, v3, vm0, $0xb8;
	[tilespmem:$0x1D000] =	vst v63  }
0x8d: {  	s29 =	simm.s32 $0x10800;
	s24 =	rddreg [dreg:$0x5];
	s25 =	simm.s32 $0x0  }
0x8e: {  	[tilespmem:s29], [sflag:$0x2] =	stream.indirect_vreg.gather [hbm4b:s7+s2], $0x80, v3, vm0, $0xb8;
	[tilespmem:$0x1D000] =	vst v63  }
.LBB2_4:
0x8f: {  	_ =	swait.ge [sflag:s17], $0x4000  }
0x90: {  	[sflag:s17] =	ssyncset.done $0x0  }
0x91: {  	[sflag:s17] =	ssyncadd.s32 $0xFFFFC000  }
0x92: {  	[hbm4b:s20+s2] =	stream.linear.scatter [tilespmem:s11], [sflag:$0x5], $0x4000, $0x38;
	[tilespmem:$0x1D000] =	vst v63  }
0x93: {  	_ =	swait.ge [sflag:s13], $0x4000  }
0x94: {  	[sflag:s13] =	ssyncset.done $0x0  }
0x95: {  	[sflag:s13] =	ssyncadd.s32 $0xFFFFC000  }
0x96: {  	s25 =	sadd.s32 $0x400, s25;
	_ =	swait.ge [sflag:s18], $0x8000  }
0x97: {  	p0 =	sne.s32 s25, $0xA000;
	[sflag:s18] =	ssyncset.done $0x0  }
.Ltmp3:
0x98: {  	[sflag:s18] =	ssyncadd.s32 $0xFFFF8000;
	(pc) =	sbr.rel @!p0 .LBB2_5-.Ltmp3, $4  }
0x99: {  	[hbm4b:s19+s2] =	stream.linear.scatter [tilespmem:s22], [sflag:$0x5], $0x8000, $0x38;
	[tilespmem:$0x1D000] =	vst v63  }
0x9a: {  	_ =	swait.ge [sflag:s13], $0x8000  }
0x9b: {  	s24 =	sadd.s32 $0x1000, s24;
	s21 =	sadd.s32 $0x2000, s21;
	[sflag:s13] =	ssyncset.done $0x0  }
0x9c: {  	s20 =	sadd.s32 $0x1000, s20;
	s19 =	sadd.s32 $0x2000, s19;
	[sflag:s13] =	ssyncadd.s32 $0xFFFF8000  }
.LBB2_2:
0x9d: {  	s26 =	sshra.s32 s25, $0x2  }
0x9e: {  	v3 =	vld [tilespmem:s26+$0x80];
	_ =	sdelay $0x4  }
0x9f: {  	v4 =	vshll.u32 v3, $0x1  }
0xa0: {  	v3 =	vand.u32 $0x7, v3;
	v4 =	vand.u32 $0xFFFFFFF0, v4  }
0xa1: {  	v3 =	vor.u32 v3, v4  }
0xa2: {  	v4 =	vperm.xlane v3, v0;
	_ =	sdelay $0x1  }
0xa3: {  	v3 =	vperm.xlane v3, v2;
	v4 =	vadd.s32 v1, v4;
	_ =	sdelay $0x1  }
0xa4: {  	v3 =	vadd.s32 v1, v3;
	_ =	sdelay $0x2  }
0xa5: {  	[tilespmem:s11], [sflag:$0x3] =	stream.indirect_vreg.gather [hbm4b:s3+s2], $0x80, v4, vm0, $0xb8;
	[tilespmem:$0x1D000] =	vst v63  }
0xa6: {  	_ = 	snop  }
0xa7: {  	[tilespmem:s28], [sflag:$0x3] =	stream.indirect_vreg.gather [hbm4b:s3+s2], $0x80, v3, vm0, $0xb8;
	[tilespmem:$0x1D000] =	vst v63  }
0xa8: {  	v3 =	vld [tilespmem:s26+$0x90];
	_ =	sdelay $0x4  }
0xa9: {  	v57 =	vshll.u32 v3, $0x1  }
0xaa: {  	v3 =	vand.u32 $0x7, v3;
	v4 =	vand.u32 $0xFFFFFFF0, v57  }
0xab: {  	v3 =	vor.u32 v3, v4  }
0xac: {  	v4 =	vperm.xlane v3, v0;
	_ =	sdelay $0x1  }
0xad: {  	v3 =	vperm.xlane v3, v2;
	v4 =	vadd.s32 v1, v4;
	_ =	sdelay $0x1  }
0xae: {  	v3 =	vadd.s32 v1, v3;
	_ =	sdelay $0x1  }
0xaf: {  	s29 =	simm.s32 $0x12000  }
0xb0: {  	[tilespmem:s29], [sflag:$0x3] =	stream.indirect_vreg.gather [hbm4b:s3+s2], $0x80, v4, vm0, $0xb8;
	[tilespmem:$0x1D000] =	vst v63  }
0xb1: {  	s29 =	simm.s32 $0x12800  }
0xb2: {  	[tilespmem:s29], [sflag:$0x3] =	stream.indirect_vreg.gather [hbm4b:s3+s2], $0x80, v3, vm0, $0xb8;
	[tilespmem:$0x1D000] =	vst v63  }
0xb3: {  	v3 =	vld [tilespmem:s26+$0xA0];
	_ =	sdelay $0x4  }
0xb4: {  	v58 =	vshll.u32 v3, $0x1  }
0xb5: {  	v3 =	vand.u32 $0x7, v3;
	v4 =	vand.u32 $0xFFFFFFF0, v58  }
0xb6: {  	v3 =	vor.u32 v3, v4  }
0xb7: {  	v4 =	vperm.xlane v3, v0;
	_ =	sdelay $0x1  }
0xb8: {  	v3 =	vperm.xlane v3, v2;
	v4 =	vadd.s32 v1, v4;
	_ =	sdelay $0x1  }
0xb9: {  	v3 =	vadd.s32 v1, v3;
	_ =	sdelay $0x1  }
0xba: {  	s29 =	simm.s32 $0x13000  }
0xbb: {  	[tilespmem:s29], [sflag:$0x3] =	stream.indirect_vreg.gather [hbm4b:s3+s2], $0x80, v4, vm0, $0xb8;
	[tilespmem:$0x1D000] =	vst v63  }
0xbc: {  	s29 =	simm.s32 $0x13800  }
0xbd: {  	[tilespmem:s29], [sflag:$0x3] =	stream.indirect_vreg.gather [hbm4b:s3+s2], $0x80, v3, vm0, $0xb8;
	[tilespmem:$0x1D000] =	vst v63  }
0xbe: {  	v3 =	vld [tilespmem:s26+$0xB0];
	_ =	sdelay $0x4  }
0xbf: {  	v59 =	vshll.u32 v3, $0x1  }
0xc0: {  	v3 =	vand.u32 $0x7, v3;
	v4 =	vand.u32 $0xFFFFFFF0, v59  }
0xc1: {  	v3 =	vor.u32 v3, v4  }
0xc2: {  	v4 =	vperm.xlane v3, v0;
	_ =	sdelay $0x1  }
0xc3: {  	v3 =	vperm.xlane v3, v2;
	v4 =	vadd.s32 v1, v4;
	_ =	sdelay $0x1  }
0xc4: {  	v3 =	vadd.s32 v1, v3;
	_ =	sdelay $0x1  }
0xc5: {  	s29 =	simm.s32 $0x14000  }
0xc6: {  	[tilespmem:s29], [sflag:$0x3] =	stream.indirect_vreg.gather [hbm4b:s3+s2], $0x80, v4, vm0, $0xb8;
	[tilespmem:$0x1D000] =	vst v63  }
0xc7: {  	s29 =	simm.s32 $0x14800  }
0xc8: {  	[tilespmem:s29], [sflag:$0x3] =	stream.indirect_vreg.gather [hbm4b:s3+s2], $0x80, v3, vm0, $0xb8;
	[tilespmem:$0x1D000] =	vst v63  }
0xc9: {  	v3 =	vld [tilespmem:s26+$0x2880];
	_ =	sdelay $0x4  }
0xca: {  	v60 =	vshll.u32 v3, $0x2  }
0xcb: {  	v3 =	vand.u32 $0x7, v3;
	v4 =	vand.u32 $0xFFFFFFE0, v60  }
0xcc: {  	v3 =	vor.u32 v3, v4  }
0xcd: {  	v4 =	vperm.xlane v3, v0;
	_ =	sdelay $0x1  }
0xce: {  	v4 =	vadd.s32 v1, v4;
	_ =	sdelay $0x1  }
0xcf: {  	v3 =	vperm.xlane v3, v2;
	_ =	sdelay $0x1  }
0xd0: {  	v3 =	vadd.s32 v1, v3  }
0xd1: {  	[tilespmem:s22], [sflag:$0x4] =	stream.indirect_vreg.gather [hbm4b:s4+s2], $0x80, v4, vm0, $0xb8;
	[tilespmem:$0x1D000] =	vst v63  }
0xd2: {  	s29 =	simm.s32 $0x15800  }
0xd3: {  	[tilespmem:s29], [sflag:$0x4] =	stream.indirect_vreg.gather [hbm4b:s7+s2], $0x80, v4, vm0, $0xb8;
	[tilespmem:$0x1D000] =	vst v63  }
0xd4: {  	s29 =	simm.s32 $0x16000  }
0xd5: {  	[tilespmem:s29], [sflag:$0x4] =	stream.indirect_vreg.gather [hbm4b:s4+s2], $0x80, v3, vm0, $0xb8;
	[tilespmem:$0x1D000] =	vst v63  }
0xd6: {  	s29 =	simm.s32 $0x16800  }
0xd7: {  	[tilespmem:s29], [sflag:$0x4] =	stream.indirect_vreg.gather [hbm4b:s7+s2], $0x80, v3, vm0, $0xb8;
	[tilespmem:$0x1D000] =	vst v63  }
0xd8: {  	v3 =	vld [tilespmem:s26+$0x2890];
	_ =	sdelay $0x4  }
0xd9: {  	v61 =	vshll.u32 v3, $0x2  }
0xda: {  	v3 =	vand.u32 $0x7, v3;
	v4 =	vand.u32 $0xFFFFFFE0, v61  }
0xdb: {  	v3 =	vor.u32 v3, v4  }
0xdc: {  	v4 =	vperm.xlane v3, v0;
	_ =	sdelay $0x1  }
0xdd: {  	v4 =	vadd.s32 v1, v4;
	_ =	sdelay $0x1  }
0xde: {  	v3 =	vperm.xlane v3, v2;
	_ =	sdelay $0x1  }
0xdf: {  	s29 =	simm.s32 $0x17000;
	v3 =	vadd.s32 v1, v3  }
0xe0: {  	[tilespmem:s29], [sflag:$0x4] =	stream.indirect_vreg.gather [hbm4b:s4+s2], $0x80, v4, vm0, $0xb8;
	[tilespmem:$0x1D000] =	vst v63  }
0xe1: {  	s29 =	simm.s32 $0x17800  }
0xe2: {  	[tilespmem:s29], [sflag:$0x4] =	stream.indirect_vreg.gather [hbm4b:s7+s2], $0x80, v4, vm0, $0xb8;
	[tilespmem:$0x1D000] =	vst v63  }
0xe3: {  	_ = 	snop  }
0xe4: {  	[tilespmem:s30], [sflag:$0x4] =	stream.indirect_vreg.gather [hbm4b:s4+s2], $0x80, v3, vm0, $0xb8;
	[tilespmem:$0x1D000] =	vst v63  }
0xe5: {  	_ = 	snop  }
0xe6: {  	[tilespmem:s31], [sflag:$0x4] =	stream.indirect_vreg.gather [hbm4b:s7+s2], $0x80, v3, vm0, $0xb8;
	[tilespmem:$0x1D000] =	vst v63  }
0xe7: {  	v3 =	vld [tilespmem:s26+$0x28A0];
	_ =	sdelay $0x4  }
0xe8: {  	v62 =	vshll.u32 v3, $0x2  }
0xe9: {  	v3 =	vand.u32 $0x7, v3;
	v4 =	vand.u32 $0xFFFFFFE0, v62  }
0xea: {  	v3 =	vor.u32 v3, v4  }
0xeb: {  	v4 =	vperm.xlane v3, v0;
	_ =	sdelay $0x1  }
0xec: {  	v4 =	vadd.s32 v1, v4;
	_ =	sdelay $0x1  }
0xed: {  	v3 =	vperm.xlane v3, v2;
	_ =	sdelay $0x1  }
0xee: {  	v3 =	vadd.s32 v1, v3  }
0xef: {  	[tilespmem:s1], [sflag:$0x4] =	stream.indirect_vreg.gather [hbm4b:s4+s2], $0x80, v4, vm0, $0xb8;
	[tilespmem:$0x1D000] =	vst v63  }
0xf0: {  	_ = 	snop  }
0xf1: {  	[tilespmem:s0], [sflag:$0x4] =	stream.indirect_vreg.gather [hbm4b:s7+s2], $0x80, v4, vm0, $0xb8;
	[tilespmem:$0x1D000] =	vst v63  }
0xf2: {  	_ = 	snop  }
0xf3: {  	[tilespmem:s14], [sflag:$0x4] =	stream.indirect_vreg.gather [hbm4b:s4+s2], $0x80, v3, vm0, $0xb8;
	[tilespmem:$0x1D000] =	vst v63  }
0xf4: {  	_ = 	snop  }
0xf5: {  	[tilespmem:s5], [sflag:$0x4] =	stream.indirect_vreg.gather [hbm4b:s7+s2], $0x80, v3, vm0, $0xb8;
	[tilespmem:$0x1D000] =	vst v63  }
0xf6: {  	v3 =	vld [tilespmem:s26+$0x28B0];
	_ =	sdelay $0x4  }
0xf7: {  	v63 =	vshll.u32 v3, $0x2  }
0xf8: {  	v3 =	vand.u32 $0x7, v3;
	v4 =	vand.u32 $0xFFFFFFE0, v63  }
0xf9: {  	v3 =	vor.u32 v3, v4  }
0xfa: {  	v4 =	vperm.xlane v3, v0;
	_ =	sdelay $0x1  }
0xfb: {  	v4 =	vadd.s32 v1, v4;
	_ =	sdelay $0x1  }
0xfc: {  	v3 =	vperm.xlane v3, v2;
	_ =	sdelay $0x1  }
0xfd: {  	v3 =	vadd.s32 v1, v3  }
0xfe: {  	[tilespmem:s6], [sflag:$0x4] =	stream.indirect_vreg.gather [hbm4b:s4+s2], $0x80, v4, vm0, $0xb8;
	[tilespmem:$0x1D000] =	vst v63  }
0xff: {  	_ = 	snop  }
0x100: {  	[tilespmem:s8], [sflag:$0x4] =	stream.indirect_vreg.gather [hbm4b:s7+s2], $0x80, v4, vm0, $0xb8;
	[tilespmem:$0x1D000] =	vst v63  }
0x101: {  	_ = 	snop  }
0x102: {  	[tilespmem:s9], [sflag:$0x4] =	stream.indirect_vreg.gather [hbm4b:s4+s2], $0x80, v3, vm0, $0xb8;
	[tilespmem:$0x1D000] =	vst v63  }
0x103: {  	_ = 	snop  }
0x104: {  	[tilespmem:s10], [sflag:$0x4] =	stream.indirect_vreg.gather [hbm4b:s7+s2], $0x80, v3, vm0, $0xb8;
	[tilespmem:$0x1D000] =	vst v63  }
0x105: {  	_ =	swait.ge [sflag:s12], $0x4000  }
0x106: {  	[sflag:s12] =	ssyncset.done $0x0  }
0x107: {  	[sflag:s12] =	ssyncadd.s32 $0xFFFFC000  }
0x108: {  	[hbm4b:s24+s2] =	stream.linear.scatter [tilespmem:s15], [sflag:$0x5], $0x4000, $0x38;
	[tilespmem:$0x1D000] =	vst v63  }
0x109: {  	_ =	swait.ge [sflag:s13], $0x4000  }
0x10a: {  	[sflag:s13] =	ssyncset.done $0x0  }
0x10b: {  	[sflag:s13] =	ssyncadd.s32 $0xFFFFC000  }
0x10c: {  	_ =	swait.ge [sflag:s16], $0x8000  }
0x10d: {  	p0 =	seq.s32 s25, $0x9C00;
	[sflag:s16] =	ssyncset.done $0x0  }
.Ltmp4:
0x10e: {  	[sflag:s16] =	ssyncadd.s32 $0xFFFF8000;
	(pc) =	sbr.rel @p0 .LBB2_4-.Ltmp4, $4  }
0x10f: {  	[hbm4b:s21+s2] =	stream.linear.scatter [tilespmem:s23], [sflag:$0x5], $0x8000, $0x38;
	[tilespmem:$0x1D000] =	vst v63  }
0x110: {  	_ =	swait.ge [sflag:s13], $0x8000  }
0x111: {  	[sflag:s13] =	ssyncset.done $0x0  }
0x112: {  	[sflag:s13] =	ssyncadd.s32 $0xFFFF8000  }
0x113: {  	v3 =	vld [tilespmem:s26+$0x100];
	_ =	sdelay $0x4  }
0x114: {  	v4 =	vshll.u32 v3, $0x1  }
0x115: {  	v3 =	vand.u32 $0x7, v3;
	v4 =	vand.u32 $0xFFFFFFF0, v4  }
0x116: {  	v3 =	vor.u32 v3, v4  }
0x117: {  	v4 =	vperm.xlane v3, v0;
	_ =	sdelay $0x1  }
0x118: {  	v3 =	vperm.xlane v3, v2;
	v4 =	vadd.s32 v1, v4;
	_ =	sdelay $0x1  }
0x119: {  	v3 =	vadd.s32 v1, v3;
	_ =	sdelay $0x2  }
0x11a: {  	[tilespmem:s15], [sflag:$0x1] =	stream.indirect_vreg.gather [hbm4b:s3+s2], $0x80, v4, vm0, $0xb8;
	[tilespmem:$0x1D000] =	vst v63  }
0x11b: {  	s28 =	simm.s32 $0x5800  }
0x11c: {  	[tilespmem:s28], [sflag:$0x1] =	stream.indirect_vreg.gather [hbm4b:s3+s2], $0x80, v3, vm0, $0xb8;
	[tilespmem:$0x1D000] =	vst v63  }
0x11d: {  	v3 =	vld [tilespmem:s26+$0x110];
	_ =	sdelay $0x4  }
0x11e: {  	v57 =	vshll.u32 v3, $0x1  }
0x11f: {  	v3 =	vand.u32 $0x7, v3;
	v4 =	vand.u32 $0xFFFFFFF0, v57  }
0x120: {  	v3 =	vor.u32 v3, v4  }
0x121: {  	v4 =	vperm.xlane v3, v0;
	_ =	sdelay $0x1  }
0x122: {  	v3 =	vperm.xlane v3, v2;
	v4 =	vadd.s32 v1, v4;
	_ =	sdelay $0x1  }
0x123: {  	v3 =	vadd.s32 v1, v3;
	_ =	sdelay $0x1  }
0x124: {  	s28 =	simm.s32 $0x6000  }
0x125: {  	[tilespmem:s28], [sflag:$0x1] =	stream.indirect_vreg.gather [hbm4b:s3+s2], $0x80, v4, vm0, $0xb8;
	[tilespmem:$0x1D000] =	vst v63  }
0x126: {  	s28 =	simm.s32 $0x6800  }
0x127: {  	[tilespmem:s28], [sflag:$0x1] =	stream.indirect_vreg.gather [hbm4b:s3+s2], $0x80, v3, vm0, $0xb8;
	[tilespmem:$0x1D000] =	vst v63  }
0x128: {  	v3 =	vld [tilespmem:s26+$0x120];
	_ =	sdelay $0x4  }
0x129: {  	v58 =	vshll.u32 v3, $0x1  }
0x12a: {  	v3 =	vand.u32 $0x7, v3;
	v4 =	vand.u32 $0xFFFFFFF0, v58  }
0x12b: {  	v3 =	vor.u32 v3, v4  }
0x12c: {  	v4 =	vperm.xlane v3, v0;
	_ =	sdelay $0x1  }
0x12d: {  	v3 =	vperm.xlane v3, v2;
	v4 =	vadd.s32 v1, v4;
	_ =	sdelay $0x1  }
0x12e: {  	v3 =	vadd.s32 v1, v3;
	_ =	sdelay $0x1  }
0x12f: {  	s28 =	simm.s32 $0x7000  }
0x130: {  	[tilespmem:s28], [sflag:$0x1] =	stream.indirect_vreg.gather [hbm4b:s3+s2], $0x80, v4, vm0, $0xb8;
	[tilespmem:$0x1D000] =	vst v63  }
0x131: {  	s28 =	simm.s32 $0x7800  }
0x132: {  	[tilespmem:s28], [sflag:$0x1] =	stream.indirect_vreg.gather [hbm4b:s3+s2], $0x80, v3, vm0, $0xb8;
	[tilespmem:$0x1D000] =	vst v63  }
0x133: {  	v3 =	vld [tilespmem:s26+$0x130];
	_ =	sdelay $0x4  }
0x134: {  	v59 =	vshll.u32 v3, $0x1  }
0x135: {  	v3 =	vand.u32 $0x7, v3;
	v4 =	vand.u32 $0xFFFFFFF0, v59  }
0x136: {  	v3 =	vor.u32 v3, v4  }
0x137: {  	v4 =	vperm.xlane v3, v0;
	_ =	sdelay $0x1  }
0x138: {  	v3 =	vperm.xlane v3, v2;
	v4 =	vadd.s32 v1, v4;
	_ =	sdelay $0x1  }
0x139: {  	v3 =	vadd.s32 v1, v3;
	_ =	sdelay $0x1  }
0x13a: {  	s28 =	simm.s32 $0x8000  }
0x13b: {  	[tilespmem:s28], [sflag:$0x1] =	stream.indirect_vreg.gather [hbm4b:s3+s2], $0x80, v4, vm0, $0xb8;
	[tilespmem:$0x1D000] =	vst v63  }
0x13c: {  	s28 =	simm.s32 $0x8800  }
0x13d: {  	[tilespmem:s28], [sflag:$0x1] =	stream.indirect_vreg.gather [hbm4b:s3+s2], $0x80, v3, vm0, $0xb8;
	[tilespmem:$0x1D000] =	vst v63  }
0x13e: {  	v3 =	vld [tilespmem:s26+$0x2900];
	_ =	sdelay $0x4  }
0x13f: {  	v60 =	vshll.u32 v3, $0x2  }
0x140: {  	v3 =	vand.u32 $0x7, v3;
	v4 =	vand.u32 $0xFFFFFFE0, v60  }
0x141: {  	v3 =	vor.u32 v3, v4  }
0x142: {  	v4 =	vperm.xlane v3, v0;
	_ =	sdelay $0x1  }
0x143: {  	v4 =	vadd.s32 v1, v4;
	_ =	sdelay $0x1  }
0x144: {  	v3 =	vperm.xlane v3, v2;
	_ =	sdelay $0x1  }
0x145: {  	v3 =	vadd.s32 v1, v3  }
0x146: {  	[tilespmem:s23], [sflag:$0x2] =	stream.indirect_vreg.gather [hbm4b:s4+s2], $0x80, v4, vm0, $0xb8;
	[tilespmem:$0x1D000] =	vst v63  }
0x147: {  	s28 =	simm.s32 $0x9800  }
0x148: {  	[tilespmem:s28], [sflag:$0x2] =	stream.indirect_vreg.gather [hbm4b:s7+s2], $0x80, v4, vm0, $0xb8;
	[tilespmem:$0x1D000] =	vst v63  }
0x149: {  	s28 =	simm.s32 $0xA000  }
0x14a: {  	[tilespmem:s28], [sflag:$0x2] =	stream.indirect_vreg.gather [hbm4b:s4+s2], $0x80, v3, vm0, $0xb8;
	[tilespmem:$0x1D000] =	vst v63  }
0x14b: {  	s28 =	simm.s32 $0xA800  }
0x14c: {  	[tilespmem:s28], [sflag:$0x2] =	stream.indirect_vreg.gather [hbm4b:s7+s2], $0x80, v3, vm0, $0xb8;
	[tilespmem:$0x1D000] =	vst v63  }
0x14d: {  	v3 =	vld [tilespmem:s26+$0x2910];
	_ =	sdelay $0x4  }
0x14e: {  	v61 =	vshll.u32 v3, $0x2  }
0x14f: {  	v3 =	vand.u32 $0x7, v3;
	v4 =	vand.u32 $0xFFFFFFE0, v61  }
0x150: {  	v3 =	vor.u32 v3, v4  }
0x151: {  	v4 =	vperm.xlane v3, v0;
	_ =	sdelay $0x1  }
0x152: {  	v4 =	vadd.s32 v1, v4;
	_ =	sdelay $0x1  }
0x153: {  	v3 =	vperm.xlane v3, v2;
	_ =	sdelay $0x1  }
0x154: {  	s28 =	simm.s32 $0xB000;
	v3 =	vadd.s32 v1, v3  }
0x155: {  	[tilespmem:s28], [sflag:$0x2] =	stream.indirect_vreg.gather [hbm4b:s4+s2], $0x80, v4, vm0, $0xb8;
	[tilespmem:$0x1D000] =	vst v63  }
0x156: {  	s28 =	simm.s32 $0xB800  }
0x157: {  	[tilespmem:s28], [sflag:$0x2] =	stream.indirect_vreg.gather [hbm4b:s7+s2], $0x80, v4, vm0, $0xb8;
	[tilespmem:$0x1D000] =	vst v63  }
0x158: {  	s28 =	simm.s32 $0xC000  }
0x159: {  	[tilespmem:s28], [sflag:$0x2] =	stream.indirect_vreg.gather [hbm4b:s4+s2], $0x80, v3, vm0, $0xb8;
	[tilespmem:$0x1D000] =	vst v63  }
0x15a: {  	s28 =	simm.s32 $0xC800  }
0x15b: {  	[tilespmem:s28], [sflag:$0x2] =	stream.indirect_vreg.gather [hbm4b:s7+s2], $0x80, v3, vm0, $0xb8;
	[tilespmem:$0x1D000] =	vst v63  }
0x15c: {  	v3 =	vld [tilespmem:s26+$0x2920];
	_ =	sdelay $0x4  }
0x15d: {  	v62 =	vshll.u32 v3, $0x2  }
0x15e: {  	v3 =	vand.u32 $0x7, v3;
	v4 =	vand.u32 $0xFFFFFFE0, v62  }
0x15f: {  	v3 =	vor.u32 v3, v4  }
0x160: {  	v4 =	vperm.xlane v3, v0;
	_ =	sdelay $0x1  }
0x161: {  	v4 =	vadd.s32 v1, v4;
	_ =	sdelay $0x1  }
0x162: {  	v3 =	vperm.xlane v3, v2;
	_ =	sdelay $0x1  }
0x163: {  	s28 =	simm.s32 $0xD000;
	v3 =	vadd.s32 v1, v3  }
0x164: {  	[tilespmem:s28], [sflag:$0x2] =	stream.indirect_vreg.gather [hbm4b:s4+s2], $0x80, v4, vm0, $0xb8;
	[tilespmem:$0x1D000] =	vst v63  }
0x165: {  	s28 =	simm.s32 $0xD800  }
0x166: {  	[tilespmem:s28], [sflag:$0x2] =	stream.indirect_vreg.gather [hbm4b:s7+s2], $0x80, v4, vm0, $0xb8;
	[tilespmem:$0x1D000] =	vst v63  }
0x167: {  	s28 =	simm.s32 $0xE000  }
0x168: {  	[tilespmem:s28], [sflag:$0x2] =	stream.indirect_vreg.gather [hbm4b:s4+s2], $0x80, v3, vm0, $0xb8;
	[tilespmem:$0x1D000] =	vst v63  }
0x169: {  	s28 =	simm.s32 $0xE800  }
0x16a: {  	[tilespmem:s28], [sflag:$0x2] =	stream.indirect_vreg.gather [hbm4b:s7+s2], $0x80, v3, vm0, $0xb8;
	[tilespmem:$0x1D000] =	vst v63  }
0x16b: {  	v3 =	vld [tilespmem:s26+$0x2930];
	_ =	sdelay $0x4  }
0x16c: {  	v63 =	vshll.u32 v3, $0x2  }
0x16d: {  	v3 =	vand.u32 $0x7, v3;
	v4 =	vand.u32 $0xFFFFFFE0, v63  }
0x16e: {  	v3 =	vor.u32 v3, v4  }
0x16f: {  	v4 =	vperm.xlane v3, v0;
	_ =	sdelay $0x1  }
0x170: {  	v4 =	vadd.s32 v1, v4;
	_ =	sdelay $0x2  }
0x171: {  	v3 =	vperm.xlane v3, v2  }
0x172: {  	s29 =	simm.s32 $0xF000  }
0x173: {  	v3 =	vadd.s32 v1, v3;
	[tilespmem:s29], [sflag:$0x2] =	stream.indirect_vreg.gather [hbm4b:s4+s2], $0x80, v4, vm0, $0xb8;
	[tilespmem:$0x1D000] =	vst v63  }
0x174: {  	s29 =	simm.s32 $0xF800  }
0x175: {  	[tilespmem:s29], [sflag:$0x2] =	stream.indirect_vreg.gather [hbm4b:s7+s2], $0x80, v4, vm0, $0xb8;
	[tilespmem:$0x1D000] =	vst v63  }
.Ltmp5:
0x176: {  	_ = 	snop;
	(pc) =	sbr.rel .LBB2_4-.Ltmp5, $4  }
0x177: {  	s29 =	simm.s32 $0x10000  }
0x178: {  	[tilespmem:s29], [sflag:$0x2] =	stream.indirect_vreg.gather [hbm4b:s4+s2], $0x80, v3, vm0, $0xb8;
	[tilespmem:$0x1D000] =	vst v63  }
0x179: {  	s28 =	simm.s32 $0x11800;
	s29 =	simm.s32 $0x10800  }
0x17a: {  	[tilespmem:s29], [sflag:$0x2] =	stream.indirect_vreg.gather [hbm4b:s7+s2], $0x80, v3, vm0, $0xb8;
	[tilespmem:$0x1D000] =	vst v63  }
.LBB2_6:
0x17b: {  	_ =	sfence.sel $0x180000  }
0x17c: {  	[bflag:$0x0] =	sbarrier.arrive $0xFFFF  }
0x17d: {  	_ =	strace $0x90000047  }
0x17e: {  	s0 =	stileid.u32;
	[bflag:$0x2] =	sbarrier.arrive $0xFFFF  }
0x17f: {  	p0 =	sne.s32 s0, $0x0;
	s0 =	rddreg [dreg:$0x1]  }
0x180: {  	s0 =	sadd.s32 @!p0 $0x100000, s0  }
0x181: {  	[sflag:s0] =	ssyncadd.tile.s32 @!p0 $0x1;
	_ =	shalt  }
.Lfunc_end2:
_tile_overlayer_lowered:
.L_overlay_start_2:
0x182: {  	(tag) =	ssettag $0x2  }
0x183: {  	s0 =	rddreg [dreg:$0x0];
	s2 =	stileid.u32  }
0x184: {  	s1 =	rddreg [dreg:$0x1];
	p0 =	sne.s32 s2, $0x0  }
0x185: {  	s3 =	rddreg [dreg:$0x2];
	[bflag:$0x3] =	sbarrier.arrive $0xFFFF;
	s2 =	simm.s32 @!p0 $0x1C05  }
0x186: {  	[timem:s3], [sflag:s2] =	dma.local @!p0 [hbm:s0], s1  }
0x187: {  	s0 =	simm.s32 @!p0 $0x5  }
0x188: {  	_ =	swait.ge @!p0 [sflag:s0], s1  }
0x189: {  	s1 =	ssub.s32 @!p0 $0x0, s1;
	[sflag:s0] =	ssyncset.done @!p0 $0x0  }
0x18a: {  	[sflag:s0] =	ssyncadd.s32 @!p0 s1  }
0x18b: {  	[bflag:$0x3] =	sbarrier.arrive $0xFFFF  }
0x18c: {  	_ =	shalt  }

// kernel: kernel.26.cloned.1.call-start
scs
__scs_entry_jumppad:
0x0: {  	(pc) =	sbr.rel $0x88, $3  }
0x1: {  	(tag) =	ssettag $0x0;
	lr =	simm.s32 $0x1  }
0x2: {  	[smem:$0x3F61] =	sst lr;
	_ =	strace $0xD0000000  }
0x3: {  	_ = 	snop  }
0x4: {  	_ = 	snop  }
0x5: {  	_ = 	snop  }
0x6: {  	_ = 	snop  }
0x7: {  	_ = 	snop  }
__scs_overlays_trampoline_lowered:
0x8: {  	[smem:$0x3F70] =	sst s0  }
0x9: {  	[smem:$0x3F71] =	sst s1  }
0xa: {  	[smem:$0x3F72] =	sst s2  }
0xb: {  	[smem:$0x3F73] =	sst s3  }
0xc: {  	[smem:$0x3F74] =	sst s4  }
0xd: {  	[smem:$0x3F75] =	sst s5  }
0xe: {  	[smem:$0x3F76] =	sst s6  }
0xf: {  	[smem:$0x3F77] =	sst s7  }
0x10: {  	[smem:$0x3F78] =	sst s8  }
0x11: {  	[smem:$0x3F79] =	sst s9;
	s0 =	simm.s32 @!p0 $0x0  }
0x12: {  	s1 =	sld [smem:$0x3F5F];
	s0 =	simm.s32 @p0 $0x1  }
0x13: {  	[smem:$0x3F7A] =	sst s0;
	s0 =	simm.s32 @!p1 $0x0  }
0x14: {  	s2 =	sld [smem:$0x3F5E];
	s0 =	simm.s32 @p1 $0x1  }
0x15: {  	[smem:$0x3F7B] =	sst s0;
	s0 =	simm.s32 @!p2 $0x0  }
0x16: {  	s3 =	sld [smem:$0x3FDB];
	s0 =	simm.s32 @p2 $0x1  }
0x17: {  	s4 =	simm.s32 $0x1BF5;
	[smem:$0x3F7D] =	sst s0  }
0x18: {  	s0 =	sld [smem:$0x3F60];
	_ =	swait.ge [sflag:s4], $0x0  }
0x19: {  	s7 =	sld [smem:$0x3F61]  }
0x1a: {  	s8 =	sadd.s32 $0xFFFFE003, lr  }
0x1b: {  	s9 =	sadd.s32 $0xFFFFFEF7, lr;
	s5 =	simm.s32 $0xFFFFFFFF;
	p2 =	slt.u32 s8, $0xFFFFF086  }
0x1c: {  	p1 =	slt.u32 s9, $0xF7A;
	s5 =	simm.s32 @!p2 $0x0  }
0x1d: {  	s5 =	simm.s32 @p1 $0x1;
	p0 =	seq.s32 s7, s2  }
0x1e: {  	s7 =	smul.u32 @!p0 $0xF7A, s2;
	p2 =	seq.s32 @!p0 s5, $0x0  }
0x1f: {  	s9 =	smul.u32 $0xF7A, s1;
	s8 =	simm.s32 @!p0 $0x1BF5;
	p2 =	por !p2, p0  }
0x20: {  	[sflag:s8] =	ssyncset.s32 @!p0 $0xFFFFF086;
	s6 =	sadd.s32 @!p0 s3, s7;
	s7 =	simm.s32 @!p0 $0x108  }
0x21: {  	s3 =	sadd.s32 s3, s9;
	s6 =	sadd.s32 @!p0 $0x88, s6;
	s7 =	simm.s32 @p2 $0x1082  }
0x22: {  	[simem:s7], [sflag:s8] =	dma.local @!p0 [hbm:s6], $0xF7A  }
0x23: {  	s9 =	sor.u32 $0xD0000000, s2;
	s6 =	simm.s32 $0x108;
	_ =	swait.ge @!p0 [sflag:s8], $0x0  }
0x24: {  	s3 =	sadd.s32 $0x88, s3;
	s6 =	simm.s32 @!p1 $0x1082;
	[sflag:s4] =	ssyncset.s32 $0xFFFFF086  }
0x25: {  	[simem:s6], [sflag:s4] =	dma.local [hbm:s3], $0xF7A  }
0x26: {  	[smem:$0x3F61] =	sst s1;
	(tag) =	ssettag s2;
	_ =	strace s9  }
0x27: {  	s1 =	sld [smem:$0x3F71]  }
0x28: {  	s2 =	sld [smem:$0x3F72]  }
0x29: {  	s4 =	sld [smem:$0x3F74]  }
0x2a: {  	p0 =	seq.s32 s5, $0x0;
	s5 =	sld [smem:$0x3F75]  }
0x2b: {  	s6 =	sld [smem:$0x3F76]  }
0x2c: {  	s7 =	sld [smem:$0x3F77]  }
0x2d: {  	s3 =	simm.s32 $0x108;
	s8 =	sld [smem:$0x3F78]  }
0x2e: {  	s3 =	simm.s32 @!p0 $0x1082;
	s9 =	sld [smem:$0x3F79]  }
0x2f: {  	lr =	sadd.s32 s0, s3;
	s0 =	sld [smem:$0x3F70]  }
0x30: {  	s3 =	sld [smem:$0x3F73]  }
0x31: {  	[smem:$0x3F7C] =	sst s10  }
0x32: {  	s10 =	sld [smem:$0x3F7A];
	_ =	sdelay $0x3  }
0x33: {  	p0 =	seq.s32 s10, $0x1;
	s10 =	sld [smem:$0x3F7C];
	_ =	sdelay $0x3  }
0x34: {  	[smem:$0x3F7C] =	sst s10  }
0x35: {  	s10 =	sld [smem:$0x3F7B];
	_ =	sdelay $0x3  }
0x36: {  	p1 =	seq.s32 s10, $0x1;
	s10 =	sld [smem:$0x3F7C];
	_ =	sdelay $0x3  }
0x37: {  	[smem:$0x3F7C] =	sst s10  }
0x38: {  	s10 =	sld [smem:$0x3F7D]  }
0x39: {  	_ = 	snop;
	(pc) =	sbr.ind lr, $3  }
0x3a: {  	_ = 	snop  }
0x3b: {  	_ = 	snop  }
0x3c: {  	p2 =	seq.s32 s10, $0x1;
	s10 =	sld [smem:$0x3F7C]  }
0x3d: {  	_ =	shalt  }
0x3e: {  	_ =	shalt  }
0x3f: {  	_ =	shalt  }
0x40: {  	_ =	shalt  }
0x41: {  	_ =	shalt  }
0x42: {  	_ =	shalt  }
0x43: {  	_ =	shalt  }
0x44: {  	_ =	shalt  }
0x45: {  	_ =	shalt  }
0x46: {  	_ =	shalt  }
0x47: {  	_ =	shalt  }
0x48: {  	_ =	shalt  }
0x49: {  	_ =	shalt  }
0x4a: {  	_ =	shalt  }
0x4b: {  	_ =	shalt  }
0x4c: {  	_ =	shalt  }
0x4d: {  	_ =	shalt  }
0x4e: {  	_ =	shalt  }
0x4f: {  	_ =	shalt  }
0x50: {  	_ =	shalt  }
0x51: {  	_ =	shalt  }
0x52: {  	_ =	shalt  }
0x53: {  	_ =	shalt  }
0x54: {  	_ =	shalt  }
0x55: {  	_ =	shalt  }
0x56: {  	_ =	shalt  }
0x57: {  	_ =	shalt  }
0x58: {  	_ =	shalt  }
0x59: {  	_ =	shalt  }
0x5a: {  	_ =	shalt  }
0x5b: {  	_ =	shalt  }
0x5c: {  	_ =	shalt  }
0x5d: {  	_ =	shalt  }
0x5e: {  	_ =	shalt  }
0x5f: {  	_ =	shalt  }
0x60: {  	_ =	shalt  }
0x61: {  	_ =	shalt  }
0x62: {  	_ =	shalt  }
0x63: {  	_ =	shalt  }
0x64: {  	_ =	shalt  }
0x65: {  	_ =	shalt  }
0x66: {  	_ =	shalt  }
0x67: {  	_ =	shalt  }
0x68: {  	_ =	shalt  }
0x69: {  	_ =	shalt  }
0x6a: {  	_ =	shalt  }
0x6b: {  	_ =	shalt  }
0x6c: {  	_ =	shalt  }
0x6d: {  	_ =	shalt  }
0x6e: {  	_ =	shalt  }
0x6f: {  	_ =	shalt  }
0x70: {  	_ =	shalt  }
0x71: {  	_ =	shalt  }
0x72: {  	_ =	shalt  }
0x73: {  	_ =	shalt  }
0x74: {  	_ =	shalt  }
0x75: {  	_ =	shalt  }
0x76: {  	_ =	shalt  }
0x77: {  	_ =	shalt  }
0x78: {  	_ =	shalt  }
0x79: {  	_ =	shalt  }
0x7a: {  	_ =	shalt  }
0x7b: {  	_ =	shalt  }
0x7c: {  	_ =	shalt  }
0x7d: {  	_ =	shalt  }
0x7e: {  	_ =	shalt  }
0x7f: {  	_ =	shalt  }
0x80: {  	_ =	shalt  }
0x81: {  	_ =	shalt  }
0x82: {  	_ =	shalt  }
0x83: {  	_ =	shalt  }
0x84: {  	_ =	shalt  }
0x85: {  	_ =	shalt  }
0x86: {  	_ =	shalt  }
0x87: {  	_ =	shalt  }
.Lfunc_end0:
.L_simem_size_0:
called_computation.2_lowered:
.L_overlay_start_0:
0x88: {  	s2 =	sld [smem:$0x3FD9]  }
0x89: {  	s3 =	sld [smem:$0x3FFE];
	_ =	sdelay $0x1  }
0x8a: {  	s1 =	srdreg.scid  }
0x8b: {  	s0 =	sand.u32 $0x1, s1  }
0x8c: {  	s17 =	sshll.u32 s0, $0xA;
	s2 =	sadd.s32 s3, s2  }
0x8d: {  	s2 =	sadd.s32 s2, s17  }
0x8e: {  	[smem:$0x3F88] =	sst s2  }
0x8f: {  	_ = 	snop  }
0x90: {  	(tm) =	ssettm $0x1  }
0x91: {  	s18 =	sld [smem:$0x3FFB];
	_ =	sdelay $0x3  }
0x92: {  	_ =	strace s18  }
0x93: {  	s2 =	sld [smem:$0x3FFC];
	_ =	sdelay $0x3  }
0x94: {  	_ =	strace s2  }
0x95: {  	s2 =	sld [smem:$0x3FFD];
	_ =	sdelay $0x3  }
0x96: {  	_ =	strace s2  }
0x97: {  	_ =	strace $0x8FFFFFFF  }
0x98: {  	s19 =	sld [smem:$0x3FDB];
	_ =	sdelay $0x1  }
0x99: {  	s20 =	simm.s32 $_scs_section_size  }
0x9a: {  	s4 =	simm.s32 $_size__tile_overlayer_lowered;
	s5 =	simm.s32 $_tile_overlayer_lowered  }
0x9b: {  	s6 =	simm.s32 $0x1BFF;
	s21 =	sshll.u32 s5, $0x1;
	s3 =	sadd.s32 s20, s19  }
0x9c: {  	s22 =	simm.s32 $0x0;
	s4 =	sshll.u32 s4, $0x1;
	s5 =	sadd.s32 s21, s3  }
0x9d: {  	[timem:s22], [sflag:s6] =	dma.local [hbm:s5], s4  }
0x9e: {  	_ =	swait.ge [sflag:s6], s4  }
0x9f: {  	s4 =	ssub.s32 $0x0, s4;
	[sflag:s6] =	ssyncset.done $0x0  }
0xa0: {  	[sflag:s6] =	ssyncadd.s32 s4;
	_ =	sdelay $0x1  }
0xa1: {  	s23 =	simm.s32 $0x1B8B  }
0xa2: {  	_ =	swait.ge [sflag:s23], $0x1  }
0xa3: {  	[sflag:s23] =	ssyncset.done $0x0  }
0xa4: {  	[sflag:s23] =	ssyncadd.s32 $0xFFFFFFFF  }
0xa5: {  	s4 =	sld [smem:$0x0]  }
0xa6: {  	s5 =	sand.u32 $0xFFFFFFFE, s1  }
0xa7: {  	p0 =	sne.s32 s1, s5  }
0xa8: {  	s5 =	sshll.u32 @p0 s5, $0xE  }
0xa9: {  	s5 =	sadd.s32 @p0 $0x11B8D, s5;
	s6 =	sshll.u32 @p0 s4, $0x11  }
0xaa: {  	s5 =	sor.u32 @p0 s6, s5  }
0xab: {  	[sflag:s5] =	ssyncadd.remote.s32 @p0 $0x1;
	_ =	sdelay $0x1  }
0xac: {  	s5 =	simm.s32 @p0 $0x1B8D  }
0xad: {  	_ =	swait.eq @p0 [sflag:s5], $0x1  }
0xae: {  	[sflag:s5] =	ssyncadd.s32 @p0 $0xFFFFFFFF  }
0xaf: {  	s6 =	sshll.u32 @!p0 s1, $0xE  }
0xb0: {  	s6 =	sor.u32 @!p0 $0x4000, s6;
	s5 =	simm.s32 @!p0 $0x1B8D  }
0xb1: {  	s4 =	sshll.u32 @!p0 s4, $0x11;
	s6 =	sadd.s32 @!p0 $0x11B8D, s6;
	_ =	swait.eq @!p0 [sflag:s5], $0x1  }
0xb2: {  	s4 =	sor.u32 @!p0 s4, s6;
	[sflag:s5] =	ssyncadd.s32 @!p0 $0xFFFFFFFF  }
0xb3: {  	s25 =	simm.s32 $0x1B8E;
	s24 =	sld [smem:$0x3FFE];
	[sflag:s4] =	ssyncadd.remote.s32 @!p0 $0x1  }
0xb4: {  	s26 =	simm.s32 $execute0_lowered;
	[smem:$0x3FD2] =	sst s25  }
0xb5: {  	s5 =	sshll.u32 s26, $0x1;
	_ =	strace $0x8000004C;
	[dreg:$0x1] =	wrdreg $0xFFFFFFFF  }
0xb6: {  	s28 =	simm.s32 $_size_execute0_lowered;
	s3 =	sadd.s32 s3, s5;
	[dreg:$0x0] =	wrdreg $0x0  }
0xb7: {  	s5 =	sshll.u32 s28, $0x1;
	[dreg:$0x2] =	wrdreg s3  }
0xb8: {  	[dreg:$0x3] =	wrdreg s5  }
0xb9: {  	[dreg:$0x4] =	wrdreg $0xC0  }
0xba: {  	_ =	task [dreg:s22], $0x5FFFF  }
0xbb: {  	[dreg:$0x1] =	wrdreg $0xFFFFFFFF  }
0xbc: {  	[dreg:$0x0] =	wrdreg $0x60  }
0xbd: {  	[dreg:$0x2] =	wrdreg s24  }
0xbe: {  	[dreg:$0x3] =	wrdreg $0x40800  }
0xbf: {  	[dreg:$0x4] =	wrdreg $0xA  }
0xc0: {  	_ =	task.clear_ibuf [dreg:s22], $0x5FFFF;
	_ =	strace $0x9000004C  }
0xc1: {  	s29 =	simm.s32 $0xA;
	_ =	strace $0x8000004E  }
0xc2: {  	_ =	swait.ge [sflag:s29], $0x1  }
0xc3: {  	[sflag:s29] =	ssyncadd.s32 $0xFFFFFFFF  }
0xc4: {  	_ =	strace $0x9000004E  }
0xc5: {  	_ =	sfence  }
0xc6: {  	s30 =	sld [smem:$0x0];
	_ =	sdelay $0x2  }
0xc7: {  	s31 =	sshll.u32 s1, $0xD;
	s1 =	sshrl.u32 s1, $0x2  }
0xc8: {  	s4 =	sand.u32 $0x4000, s31;
	s1 =	sadd.s32 s1, s30  }
0xc9: {  	s0 =	sor.u32 s4, s0;
	s1 =	sshll.u32 s1, $0x11  }
0xca: {  	s0 =	sor.u32 s1, s0  }
0xcb: {  	s0 =	sadd.s32 $0x8F2B, s0  }
0xcc: {  	[sflag:s0] =	ssyncadd.remote.s32 $0x1  }
0xcd: {  	_ =	sfence.sel $0xFFFF  }
0xce: {  	[dreg:$0x0] =	wrdreg $0xFFFFFFFF;
	(pc) =	sbr.abs _section_cstart, $3  }
0xcf: {  	[dreg:$0x1] =	wrdreg $0xFFFFFFFF  }
0xd0: {  	_ =	task.clear_ibuf [dreg:s22], $0x2FFFF;
	_ =	strace $0x9FFFFFFF  }
0xd1: {  	(tm) =	ssettm $0x7FFFFFFF  }
tec
execute0_lowered:
.L_overlay_start_1:
0x0: {  	(tag) =	ssettag $0x1  }
0x1: {  	s4 =	rddreg [dreg:$0x0]  }
0x2: {  	s2 =	rddreg [dreg:$0x1]  }
0x3: {  	s1 =	stileid.u32;
	s0 =	rddreg [dreg:$0x2];
	s3 =	simm.s32 $0x0  }
0x4: {  	s8 =	srdreg.scid;
	s14 =	simm.s32 $0x400;
	s5 =	smul.u32 $0x50000, s1  }
0x5: {  	s15 =	simm.s32 $0x800;
	s16 =	simm.s32 $0x80;
	s6 =	smul.u32 $0x500, s1  }
0x6: {  	s17 =	simm.s32 $0x8;
	s18 =	simm.s32 $0x100;
	s7 =	smul.u32 $0x2800, s1  }
0x7: {  	s19 =	simm.s32 $0x0;
	[smem:$0x7FF] =	sst s3;
	s9 =	smul.u32 $0x5000, s1  }
0x8: {  	s12 =	sand.u32 $0x1, s8;
	s31 =	sshll.u32 s1, $0x6;
	_ =	strace $0x8000004D  }
0x9: {  	s25 =	ssub.s32 $0x2, s12;
	p0 =	sne.s32 s12, $0x0;
	s10 =	sadd.s32 s5, s4  }
0xa: {  	s11 =	sadd.s32 s6, s4;
	s7 =	sadd.s32 s7, s4;
	s26 =	sadd.s32 s9, s4  }
.Ltmp0:
0xb: {  	s28 =	sshrl.u32 s25, $0x1;
	s30 =	sshrl.u32 s5, $0x2;
	(pc) =	sbr.rel .LBB2_1-.Ltmp0, $4  }
0xc: {  	s5 =	sor.u32 $0x1C01, s31;
	s29 =	ssub.s32 s25, s28;
	s4 =	sadd.s32 $0x103F800, s7  }
0xd: {  	s13 =	sadd.s32 s30, s2;
	s6 =	sadd.s32 $0x10B8080, s26;
	s7 =	sadd.s32 $0x10B8000, s26  }
0xe: {  	s9 =	sadd.s32 $0x15A9000, s10;
	s10 =	sadd.s32 $0x15A9080, s10;
	s11 =	sadd.s32 $0xE800, s11  }
0xf: {  	s8 =	smax.u32 s29, $0x1;
	s12 =	sshrl.u32 s13, $0x3;
	s13 =	simm.s32 $0x1  }
.LBB2_7:
0x10: {  	s21 =	sadd.s32 s21, s11;
	[sflag:s13] =	ssyncadd.s32 $0xFFFFC000  }
0x11: {  	[tilespmem:s3], [sflag:$0x1] =	stream.linear.gather [hbm4b:s21+s3], $0x80, $0x38;
	[tilespmem:$0x18080] =	vst v63  }
0x12: {  	_ =	swait.ge [sflag:s13], $0x80  }
0x13: {  	[sflag:s13] =	ssyncset.done $0x0  }
0x14: {  	[sflag:s13] =	ssyncadd.s32 $0xFFFFFF80  }
0x15: {  	[tilespmem:s16], [sflag:$0x1] =	stream.strided.gather [hbm4b:s20+s14], $0x4000, s15, s14, $0x38;
	[tilespmem:$0x18080] =	vst v63  }
0x16: {  	_ =	swait.ge [sflag:s13], $0x4000  }
0x17: {  	[sflag:s13] =	ssyncset.done $0x0  }
0x18: {  	[sflag:s13] =	ssyncadd.s32 $0xFFFFC000  }
0x19: {  	[spmem:s2] =	stream.indirect.scatter.add.f32 [tilespmem:s16], [sflag:$0x1], $0x80, s3, s16, $0xb8;
	[tilespmem:$0x18080] =	vst v63  }
0x1a: {  	_ =	swait.ge [sflag:s13], $0x4000  }
0x1b: {  	[sflag:s13] =	ssyncset.done $0x0  }
0x1c: {  	s20 =	smov.u32 s6;
	[sflag:s13] =	ssyncadd.s32 $0xFFFFC000  }
.LBB2_8:
0x1d: {  	s19 =	sadd.s32 $0x1, s19  }
0x1e: {  	p1 =	sne.s32 s19, s8  }
.Ltmp1:
0x1f: {  	[bflag:$0x0] =	sbarrier.arrive $0xFFFF;
	(pc) =	sbr.rel @!p1 .LBB2_9-.Ltmp1, $4  }
0x20: {  	[hbm:s20@s18], [sflag:s5] =	dma.strided [spmem:s12@s16], $0x2800, s17, $0x10   }
0x21: {  	_ =	swait.ge [sflag:s13], $0x2800  }
0x22: {  	[sflag:s13] =	ssyncset.done $0x0  }
0x23: {  	[sflag:s13] =	ssyncadd.s32 $0xFFFFD800  }
.LBB2_1:
0x24: {  	[spmem:s12], [sflag:s5] =	dma.local [hbm:s4], $0x2800  }
.Ltmp2:
0x25: {  	_ =	swait.ge [sflag:s13], $0x2800;
	(pc) =	sbr.rel @p0 .LBB2_5-.Ltmp2, $4  }
0x26: {  	[sflag:s13] =	ssyncset.done $0x0  }
0x27: {  	[sflag:s13] =	ssyncadd.s32 $0xFFFFD800  }
0x28: {  	[bflag:$0x0] =	sbarrier.arrive $0xFFFF  }
0x29: {  	s20 =	sadd.s32 $0x0, s11  }
0x2a: {  	[tilespmem:s3], [sflag:$0x1] =	stream.linear.gather [hbm4b:s20+s3], $0x80, $0x38;
	[tilespmem:$0x18080] =	vst v63  }
0x2b: {  	_ =	swait.ge [sflag:s13], $0x80  }
0x2c: {  	[sflag:s13] =	ssyncset.done $0x0  }
0x2d: {  	[sflag:s13] =	ssyncadd.s32 $0xFFFFFF80  }
0x2e: {  	[tilespmem:s16], [sflag:$0x1] =	stream.strided.gather [hbm4b:s9+s14], $0x4000, s15, s14, $0x38;
	[tilespmem:$0x18080] =	vst v63  }
0x2f: {  	_ =	swait.ge [sflag:s13], $0x4000  }
0x30: {  	[sflag:s13] =	ssyncset.done $0x0  }
0x31: {  	[sflag:s13] =	ssyncadd.s32 $0xFFFFC000  }
0x32: {  	[spmem:s2] =	stream.indirect.scatter.add.f32 [tilespmem:s16], [sflag:$0x1], $0x80, s3, s16, $0xb8;
	[tilespmem:$0x18080] =	vst v63  }
0x33: {  	s21 =	simm.s32 $0x10;
	_ =	swait.ge [sflag:s13], $0x4000  }
0x34: {  	s22 =	simm.s32 $0x20;
	s20 =	sadd.s32 $0x1000, s9;
	[sflag:s13] =	ssyncset.done $0x0  }
.LBB2_3:
0x35: {  	s23 =	sadd.s32 s21, s11  }
0x36: {  	[sflag:s13] =	ssyncadd.s32 $0xFFFFC000;
	s21 =	smov.u32 s22;
	s24 =	sadd.s32 $0x10, s22  }
0x37: {  	[tilespmem:s3], [sflag:$0x1] =	stream.linear.gather [hbm4b:s23+s3], $0x80, $0x38;
	[tilespmem:$0x18080] =	vst v63  }
0x38: {  	p1 =	seq.s32 s22, $0x4F0;
	_ =	swait.ge [sflag:s13], $0x80  }
0x39: {  	[sflag:s13] =	ssyncset.done $0x0  }
0x3a: {  	[sflag:s13] =	ssyncadd.s32 $0xFFFFFF80  }
0x3b: {  	[tilespmem:s16], [sflag:$0x1] =	stream.strided.gather [hbm4b:s20+s14], $0x4000, s15, s14, $0x38;
	[tilespmem:$0x18080] =	vst v63  }
0x3c: {  	_ =	swait.ge [sflag:s13], $0x4000  }
.Ltmp3:
0x3d: {  	[sflag:s13] =	ssyncset.done $0x0;
	(pc) =	sbr.rel @!p1 .LBB2_3-.Ltmp3, $4  }
0x3e: {  	[sflag:s13] =	ssyncadd.s32 $0xFFFFC000  }
0x3f: {  	[spmem:s2] =	stream.indirect.scatter.add.f32 [tilespmem:s16], [sflag:$0x1], $0x80, s3, s16, $0xb8;
	[tilespmem:$0x18080] =	vst v63  }
0x40: {  	_ =	swait.ge [sflag:s13], $0x4000  }
0x41: {  	s22 =	smov.u32 s24;
	s20 =	sadd.s32 $0x1000, s20;
	[sflag:s13] =	ssyncset.done $0x0  }
0x42: {  	s21 =	sadd.s32 s21, s11;
	[sflag:s13] =	ssyncadd.s32 $0xFFFFC000  }
0x43: {  	[tilespmem:s3], [sflag:$0x1] =	stream.linear.gather [hbm4b:s21+s3], $0x80, $0x38;
	[tilespmem:$0x18080] =	vst v63  }
0x44: {  	_ =	swait.ge [sflag:s13], $0x80  }
0x45: {  	[sflag:s13] =	ssyncset.done $0x0  }
0x46: {  	[sflag:s13] =	ssyncadd.s32 $0xFFFFFF80  }
0x47: {  	[tilespmem:s16], [sflag:$0x1] =	stream.strided.gather [hbm4b:s20+s14], $0x4000, s15, s14, $0x38;
	[tilespmem:$0x18080] =	vst v63  }
0x48: {  	_ =	swait.ge [sflag:s13], $0x4000  }
0x49: {  	[sflag:s13] =	ssyncset.done $0x0  }
.Ltmp4:
0x4a: {  	[sflag:s13] =	ssyncadd.s32 $0xFFFFC000;
	(pc) =	sbr.rel .LBB2_8-.Ltmp4, $4  }
0x4b: {  	[spmem:s2] =	stream.indirect.scatter.add.f32 [tilespmem:s16], [sflag:$0x1], $0x80, s3, s16, $0xb8;
	[tilespmem:$0x18080] =	vst v63  }
0x4c: {  	_ =	swait.ge [sflag:s13], $0x4000  }
0x4d: {  	[sflag:s13] =	ssyncset.done $0x0  }
0x4e: {  	s20 =	smov.u32 s7;
	[sflag:s13] =	ssyncadd.s32 $0xFFFFC000  }
.LBB2_5:
0x4f: {  	[tilespmem:s3], [sflag:$0x1] =	stream.linear.gather [hbm4b:s20+s3], $0x80, $0x38;
	[tilespmem:$0x18080] =	vst v63  }
0x50: {  	_ =	swait.ge [sflag:s13], $0x80  }
0x51: {  	[sflag:s13] =	ssyncset.done $0x0  }
0x52: {  	[sflag:s13] =	ssyncadd.s32 $0xFFFFFF80  }
0x53: {  	[tilespmem:s16], [sflag:$0x1] =	stream.strided.gather [hbm4b:s10+s14], $0x4000, s15, s14, $0x38;
	[tilespmem:$0x18080] =	vst v63  }
0x54: {  	_ =	swait.ge [sflag:s13], $0x4000  }
0x55: {  	[sflag:s13] =	ssyncset.done $0x0  }
0x56: {  	[sflag:s13] =	ssyncadd.s32 $0xFFFFC000  }
0x57: {  	[spmem:s2] =	stream.indirect.scatter.add.f32 [tilespmem:s16], [sflag:$0x1], $0x80, s3, s16, $0xb8;
	[tilespmem:$0x18080] =	vst v63  }
0x58: {  	s21 =	simm.s32 $0x10;
	_ =	swait.ge [sflag:s13], $0x4000  }
0x59: {  	s22 =	simm.s32 $0x20;
	s20 =	sadd.s32 $0x1000, s10;
	[sflag:s13] =	ssyncset.done $0x0  }
.LBB2_6:
0x5a: {  	s23 =	sadd.s32 s21, s11  }
0x5b: {  	[sflag:s13] =	ssyncadd.s32 $0xFFFFC000;
	s21 =	smov.u32 s22;
	s24 =	sadd.s32 $0x10, s22  }
0x5c: {  	[tilespmem:s3], [sflag:$0x1] =	stream.linear.gather [hbm4b:s23+s3], $0x80, $0x38;
	[tilespmem:$0x18080] =	vst v63  }
0x5d: {  	p1 =	sne.s32 s22, $0x4F0;
	_ =	swait.ge [sflag:s13], $0x80  }
0x5e: {  	[sflag:s13] =	ssyncset.done $0x0  }
0x5f: {  	[sflag:s13] =	ssyncadd.s32 $0xFFFFFF80  }
0x60: {  	[tilespmem:s16], [sflag:$0x1] =	stream.strided.gather [hbm4b:s20+s14], $0x4000, s15, s14, $0x38;
	[tilespmem:$0x18080] =	vst v63  }
0x61: {  	_ =	swait.ge [sflag:s13], $0x4000  }
.Ltmp5:
0x62: {  	[sflag:s13] =	ssyncset.done $0x0;
	(pc) =	sbr.rel @p1 .LBB2_6-.Ltmp5, $4  }
0x63: {  	[sflag:s13] =	ssyncadd.s32 $0xFFFFC000  }
0x64: {  	[spmem:s2] =	stream.indirect.scatter.add.f32 [tilespmem:s16], [sflag:$0x1], $0x80, s3, s16, $0xb8;
	[tilespmem:$0x18080] =	vst v63  }
0x65: {  	_ =	swait.ge [sflag:s13], $0x4000  }
0x66: {  	s22 =	smov.u32 s24;
	s20 =	sadd.s32 $0x1000, s20;
	[sflag:s13] =	ssyncset.done $0x0  }
.Ltmp6:
0x67: {  	_ = 	snop;
	(pc) =	sbr.rel .LBB2_7-.Ltmp6, $1  }
0x68: {  	_ =	sdelay $0x3  }
.LBB2_9:
0x69: {  	_ =	sfence.sel $0x180000  }
0x6a: {  	[bflag:$0x0] =	sbarrier.arrive $0xFFFF  }
0x6b: {  	p0 =	sne.s32 s1, $0x0;
	_ =	strace $0x9000004D  }
0x6c: {  	s0 =	sadd.s32 @!p0 $0x100000, s0;
	[bflag:$0x2] =	sbarrier.arrive $0xFFFF  }
0x6d: {  	[sflag:s0] =	ssyncadd.tile.s32 @!p0 $0x1;
	_ =	shalt  }
.Lfunc_end2:
_tile_overlayer_lowered:
.L_overlay_start_2:
0x6e: {  	(tag) =	ssettag $0x2  }
0x6f: {  	s0 =	rddreg [dreg:$0x0];
	s2 =	stileid.u32  }
0x70: {  	s1 =	rddreg [dreg:$0x1];
	p0 =	sne.s32 s2, $0x0  }
0x71: {  	s3 =	rddreg [dreg:$0x2];
	[bflag:$0x3] =	sbarrier.arrive $0xFFFF;
	s2 =	simm.s32 @!p0 $0x1C01  }
0x72: {  	[timem:s3], [sflag:s2] =	dma.local @!p0 [hbm:s0], s1  }
0x73: {  	s0 =	simm.s32 @!p0 $0x1  }
0x74: {  	_ =	swait.ge @!p0 [sflag:s0], s1  }
0x75: {  	s1 =	ssub.s32 @!p0 $0x0, s1;
	[sflag:s0] =	ssyncset.done @!p0 $0x0  }
0x76: {  	[sflag:s0] =	ssyncadd.s32 @!p0 s1  }
0x77: {  	[bflag:$0x3] =	sbarrier.arrive $0xFFFF  }
0x78: {  	_ =	shalt  }

// kernel: kernel.29.cloned.1.call-start
scs
__scs_entry_jumppad:
0x0: {  	(pc) =	sbr.rel $0x88, $3  }
0x1: {  	(tag) =	ssettag $0x0;
	lr =	simm.s32 $0x1  }
0x2: {  	[smem:$0x3F61] =	sst lr;
	_ =	strace $0xD0000000  }
0x3: {  	_ = 	snop  }
0x4: {  	_ = 	snop  }
0x5: {  	_ = 	snop  }
0x6: {  	_ = 	snop  }
0x7: {  	_ = 	snop  }
__scs_overlays_trampoline_lowered:
0x8: {  	[smem:$0x3F70] =	sst s0  }
0x9: {  	[smem:$0x3F71] =	sst s1  }
0xa: {  	[smem:$0x3F72] =	sst s2  }
0xb: {  	[smem:$0x3F73] =	sst s3  }
0xc: {  	[smem:$0x3F74] =	sst s4  }
0xd: {  	[smem:$0x3F75] =	sst s5  }
0xe: {  	[smem:$0x3F76] =	sst s6  }
0xf: {  	[smem:$0x3F77] =	sst s7  }
0x10: {  	[smem:$0x3F78] =	sst s8  }
0x11: {  	[smem:$0x3F79] =	sst s9;
	s0 =	simm.s32 @!p0 $0x0  }
0x12: {  	s1 =	sld [smem:$0x3F5F];
	s0 =	simm.s32 @p0 $0x1  }
0x13: {  	[smem:$0x3F7A] =	sst s0;
	s0 =	simm.s32 @!p1 $0x0  }
0x14: {  	s2 =	sld [smem:$0x3F5E];
	s0 =	simm.s32 @p1 $0x1  }
0x15: {  	[smem:$0x3F7B] =	sst s0;
	s0 =	simm.s32 @!p2 $0x0  }
0x16: {  	s3 =	sld [smem:$0x3FDB];
	s0 =	simm.s32 @p2 $0x1  }
0x17: {  	s4 =	simm.s32 $0x1BF5;
	[smem:$0x3F7D] =	sst s0  }
0x18: {  	s0 =	sld [smem:$0x3F60];
	_ =	swait.ge [sflag:s4], $0x0  }
0x19: {  	s7 =	sld [smem:$0x3F61]  }
0x1a: {  	s8 =	sadd.s32 $0xFFFFE003, lr  }
0x1b: {  	s9 =	sadd.s32 $0xFFFFFEF7, lr;
	s5 =	simm.s32 $0xFFFFFFFF;
	p2 =	slt.u32 s8, $0xFFFFF086  }
0x1c: {  	p1 =	slt.u32 s9, $0xF7A;
	s5 =	simm.s32 @!p2 $0x0  }
0x1d: {  	s5 =	simm.s32 @p1 $0x1;
	p0 =	seq.s32 s7, s2  }
0x1e: {  	s7 =	smul.u32 @!p0 $0xF7A, s2;
	p2 =	seq.s32 @!p0 s5, $0x0  }
0x1f: {  	s9 =	smul.u32 $0xF7A, s1;
	s8 =	simm.s32 @!p0 $0x1BF5;
	p2 =	por !p2, p0  }
0x20: {  	[sflag:s8] =	ssyncset.s32 @!p0 $0xFFFFF086;
	s6 =	sadd.s32 @!p0 s3, s7;
	s7 =	simm.s32 @!p0 $0x108  }
0x21: {  	s3 =	sadd.s32 s3, s9;
	s6 =	sadd.s32 @!p0 $0x88, s6;
	s7 =	simm.s32 @p2 $0x1082  }
0x22: {  	[simem:s7], [sflag:s8] =	dma.local @!p0 [hbm:s6], $0xF7A  }
0x23: {  	s9 =	sor.u32 $0xD0000000, s2;
	s6 =	simm.s32 $0x108;
	_ =	swait.ge @!p0 [sflag:s8], $0x0  }
0x24: {  	s3 =	sadd.s32 $0x88, s3;
	s6 =	simm.s32 @!p1 $0x1082;
	[sflag:s4] =	ssyncset.s32 $0xFFFFF086  }
0x25: {  	[simem:s6], [sflag:s4] =	dma.local [hbm:s3], $0xF7A  }
0x26: {  	[smem:$0x3F61] =	sst s1;
	(tag) =	ssettag s2;
	_ =	strace s9  }
0x27: {  	s1 =	sld [smem:$0x3F71]  }
0x28: {  	s2 =	sld [smem:$0x3F72]  }
0x29: {  	s4 =	sld [smem:$0x3F74]  }
0x2a: {  	p0 =	seq.s32 s5, $0x0;
	s5 =	sld [smem:$0x3F75]  }
0x2b: {  	s6 =	sld [smem:$0x3F76]  }
0x2c: {  	s7 =	sld [smem:$0x3F77]  }
0x2d: {  	s3 =	simm.s32 $0x108;
	s8 =	sld [smem:$0x3F78]  }
0x2e: {  	s3 =	simm.s32 @!p0 $0x1082;
	s9 =	sld [smem:$0x3F79]  }
0x2f: {  	lr =	sadd.s32 s0, s3;
	s0 =	sld [smem:$0x3F70]  }
0x30: {  	s3 =	sld [smem:$0x3F73]  }
0x31: {  	[smem:$0x3F7C] =	sst s10  }
0x32: {  	s10 =	sld [smem:$0x3F7A];
	_ =	sdelay $0x3  }
0x33: {  	p0 =	seq.s32 s10, $0x1;
	s10 =	sld [smem:$0x3F7C];
	_ =	sdelay $0x3  }
0x34: {  	[smem:$0x3F7C] =	sst s10  }
0x35: {  	s10 =	sld [smem:$0x3F7B];
	_ =	sdelay $0x3  }
0x36: {  	p1 =	seq.s32 s10, $0x1;
	s10 =	sld [smem:$0x3F7C];
	_ =	sdelay $0x3  }
0x37: {  	[smem:$0x3F7C] =	sst s10  }
0x38: {  	s10 =	sld [smem:$0x3F7D]  }
0x39: {  	_ = 	snop;
	(pc) =	sbr.ind lr, $3  }
0x3a: {  	_ = 	snop  }
0x3b: {  	_ = 	snop  }
0x3c: {  	p2 =	seq.s32 s10, $0x1;
	s10 =	sld [smem:$0x3F7C]  }
0x3d: {  	_ =	shalt  }
0x3e: {  	_ =	shalt  }
0x3f: {  	_ =	shalt  }
0x40: {  	_ =	shalt  }
0x41: {  	_ =	shalt  }
0x42: {  	_ =	shalt  }
0x43: {  	_ =	shalt  }
0x44: {  	_ =	shalt  }
0x45: {  	_ =	shalt  }
0x46: {  	_ =	shalt  }
0x47: {  	_ =	shalt  }
0x48: {  	_ =	shalt  }
0x49: {  	_ =	shalt  }
0x4a: {  	_ =	shalt  }
0x4b: {  	_ =	shalt  }
0x4c: {  	_ =	shalt  }
0x4d: {  	_ =	shalt  }
0x4e: {  	_ =	shalt  }
0x4f: {  	_ =	shalt  }
0x50: {  	_ =	shalt  }
0x51: {  	_ =	shalt  }
0x52: {  	_ =	shalt  }
0x53: {  	_ =	shalt  }
0x54: {  	_ =	shalt  }
0x55: {  	_ =	shalt  }
0x56: {  	_ =	shalt  }
0x57: {  	_ =	shalt  }
0x58: {  	_ =	shalt  }
0x59: {  	_ =	shalt  }
0x5a: {  	_ =	shalt  }
0x5b: {  	_ =	shalt  }
0x5c: {  	_ =	shalt  }
0x5d: {  	_ =	shalt  }
0x5e: {  	_ =	shalt  }
0x5f: {  	_ =	shalt  }
0x60: {  	_ =	shalt  }
0x61: {  	_ =	shalt  }
0x62: {  	_ =	shalt  }
0x63: {  	_ =	shalt  }
0x64: {  	_ =	shalt  }
0x65: {  	_ =	shalt  }
0x66: {  	_ =	shalt  }
0x67: {  	_ =	shalt  }
0x68: {  	_ =	shalt  }
0x69: {  	_ =	shalt  }
0x6a: {  	_ =	shalt  }
0x6b: {  	_ =	shalt  }
0x6c: {  	_ =	shalt  }
0x6d: {  	_ =	shalt  }
0x6e: {  	_ =	shalt  }
0x6f: {  	_ =	shalt  }
0x70: {  	_ =	shalt  }
0x71: {  	_ =	shalt  }
0x72: {  	_ =	shalt  }
0x73: {  	_ =	shalt  }
0x74: {  	_ =	shalt  }
0x75: {  	_ =	shalt  }
0x76: {  	_ =	shalt  }
0x77: {  	_ =	shalt  }
0x78: {  	_ =	shalt  }
0x79: {  	_ =	shalt  }
0x7a: {  	_ =	shalt  }
0x7b: {  	_ =	shalt  }
0x7c: {  	_ =	shalt  }
0x7d: {  	_ =	shalt  }
0x7e: {  	_ =	shalt  }
0x7f: {  	_ =	shalt  }
0x80: {  	_ =	shalt  }
0x81: {  	_ =	shalt  }
0x82: {  	_ =	shalt  }
0x83: {  	_ =	shalt  }
0x84: {  	_ =	shalt  }
0x85: {  	_ =	shalt  }
0x86: {  	_ =	shalt  }
0x87: {  	_ =	shalt  }
.Lfunc_end0:
.L_simem_size_0:
called_computation.3_lowered:
.L_overlay_start_0:
0x88: {  	s2 =	sld [smem:$0x3FD9]  }
0x89: {  	s3 =	sld [smem:$0x3FFE];
	_ =	sdelay $0x1  }
0x8a: {  	s1 =	srdreg.scid  }
0x8b: {  	s0 =	sand.u32 $0x1, s1  }
0x8c: {  	s16 =	sshll.u32 s0, $0xA;
	s2 =	sadd.s32 s3, s2  }
0x8d: {  	s2 =	sadd.s32 s2, s16  }
0x8e: {  	[smem:$0x3F88] =	sst s2  }
0x8f: {  	_ = 	snop  }
0x90: {  	(tm) =	ssettm $0x1  }
0x91: {  	s17 =	sld [smem:$0x3FFB];
	_ =	sdelay $0x3  }
0x92: {  	_ =	strace s17  }
0x93: {  	s2 =	sld [smem:$0x3FFC];
	_ =	sdelay $0x3  }
0x94: {  	_ =	strace s2  }
0x95: {  	s2 =	sld [smem:$0x3FFD];
	_ =	sdelay $0x3  }
0x96: {  	_ =	strace s2  }
0x97: {  	_ =	strace $0x8FFFFFFF  }
0x98: {  	s18 =	sld [smem:$0x3FDB];
	_ =	sdelay $0x1  }
0x99: {  	s19 =	simm.s32 $_scs_section_size  }
0x9a: {  	s4 =	simm.s32 $_size__tile_overlayer_lowered;
	s5 =	simm.s32 $_tile_overlayer_lowered  }
0x9b: {  	s22 =	simm.s32 $0x1BFF;
	s21 =	sshll.u32 s5, $0x1;
	s2 =	sadd.s32 s19, s18  }
0x9c: {  	s6 =	simm.s32 $0x0;
	s20 =	sshll.u32 s4, $0x1;
	s4 =	sadd.s32 s21, s2  }
0x9d: {  	[timem:s6], [sflag:s22] =	dma.local [hbm:s4], s20  }
0x9e: {  	_ =	swait.ge [sflag:s22], s20  }
0x9f: {  	s3 =	ssub.s32 $0x0, s20;
	[sflag:s22] =	ssyncset.done $0x0  }
0xa0: {  	[sflag:s22] =	ssyncadd.s32 s3;
	_ =	sdelay $0x1  }
0xa1: {  	s23 =	simm.s32 $0x1B8B  }
0xa2: {  	_ =	swait.ge [sflag:s23], $0x1  }
0xa3: {  	[sflag:s23] =	ssyncset.done $0x0  }
0xa4: {  	s25 =	simm.s32 $0x1B8E;
	s24 =	sld [smem:$0x3FFE];
	[sflag:s23] =	ssyncadd.s32 $0xFFFFFFFF  }
0xa5: {  	s26 =	simm.s32 $execute0_lowered;
	[smem:$0x3FD2] =	sst s25  }
0xa6: {  	s4 =	sshll.u32 s26, $0x1;
	_ =	strace $0x8000004F;
	[dreg:$0x1] =	wrdreg $0xFFFFFFFF  }
0xa7: {  	s28 =	simm.s32 $_size_execute0_lowered;
	s2 =	sadd.s32 s2, s4;
	[dreg:$0x0] =	wrdreg $0x0  }
0xa8: {  	s4 =	sshll.u32 s28, $0x1;
	[dreg:$0x2] =	wrdreg s2  }
0xa9: {  	[dreg:$0x3] =	wrdreg s4  }
0xaa: {  	[dreg:$0x4] =	wrdreg $0xC0  }
0xab: {  	_ =	task [dreg:s6], $0x5FFFF  }
0xac: {  	[dreg:$0x1] =	wrdreg $0xFFFFFFFF  }
0xad: {  	[dreg:$0x0] =	wrdreg $0x60  }
0xae: {  	[dreg:$0x2] =	wrdreg s24  }
0xaf: {  	[dreg:$0x3] =	wrdreg $0x9  }
0xb0: {  	_ =	task.clear_ibuf [dreg:s6], $0x4FFFF;
	_ =	strace $0x9000004F  }
0xb1: {  	s29 =	simm.s32 $0x9;
	_ =	strace $0x80000051  }
0xb2: {  	_ =	swait.ge [sflag:s29], $0x1  }
0xb3: {  	[sflag:s29] =	ssyncadd.s32 $0xFFFFFFFF  }
0xb4: {  	_ =	strace $0x90000051  }
0xb5: {  	_ =	sfence  }
0xb6: {  	s30 =	sld [smem:$0x0];
	_ =	sdelay $0x2  }
0xb7: {  	s31 =	sshll.u32 s1, $0xD;
	s1 =	sshrl.u32 s1, $0x2  }
0xb8: {  	s3 =	sand.u32 $0x4000, s31;
	s1 =	sadd.s32 s1, s30  }
0xb9: {  	s0 =	sor.u32 s3, s0;
	s1 =	sshll.u32 s1, $0x11  }
0xba: {  	s0 =	sor.u32 s1, s0  }
0xbb: {  	s0 =	sadd.s32 $0x8F2B, s0  }
0xbc: {  	[sflag:s0] =	ssyncadd.remote.s32 $0x1  }
0xbd: {  	_ =	sfence.sel $0xFFFF  }
0xbe: {  	[dreg:$0x0] =	wrdreg $0xFFFFFFFF;
	(pc) =	sbr.abs _section_cstart, $3  }
0xbf: {  	[dreg:$0x1] =	wrdreg $0xFFFFFFFF  }
0xc0: {  	_ =	task.clear_ibuf [dreg:s6], $0x2FFFF;
	_ =	strace $0x9FFFFFFF  }
0xc1: {  	(tm) =	ssettm $0x7FFFFFFF  }
tec
execute0_lowered:
.L_overlay_start_1:
0x0: {  	(tag) =	ssettag $0x1  }
0x1: {  	s0 =	srdreg.scid;
	s13 =	stileid.u32  }
0x2: {  	s1 =	rddreg [dreg:$0x0];
	s2 =	simm.s32 $0x0;
	s15 =	simm.s32 $0x5000  }
0x3: {  	s28 =	simm.s32 $0x11800;
	s30 =	simm.s32 $0x18000;
	s31 =	simm.s32 $0x18800  }
0x4: {  	s14 =	simm.s32 $0x1A000;
	s16 =	simm.s32 $0x2;
	s8 =	smul.u32 $0x50000, s13  }
0x5: {  	s17 =	simm.s32 $0x3;
	s0 =	sand.u32 $0x1, s0;
	s11 =	smul.u32 $0x500, s13  }
0x6: {  	s3 =	sshll.u32 s13, $0x1;
	[smem:$0x7FF] =	sst s2;
	s21 =	smul.u32 $0xA0000, s13  }
0x7: {  	s4 =	sadd.s32 $0x1158000, s1;
	s6 =	sadd.s32 $0x11F8000, s1;
	s12 =	smul.u32 $0x280, s0  }
0x8: {  	s9 =	sadd.s32 $0x27800, s1;
	s3 =	sor.u32 s0, s3;
	s19 =	smul.u32 $0x28000, s0  }
0x9: {  	_ =	strace $0x80000050;
	s7 =	ssub.s32 $0x2, s0;
	s0 =	smul.u32 $0x50000, s0  }
0xa: {  	s13 =	simm.s32 $0x5;
	s5 =	smul.u32 $0x500, s3;
	s3 =	sadd.s32 $0x10B7800, s1  }
0xb: {  	s10 =	sshrl.u32 s7, $0x1;
	s8 =	sadd.s32 s8, s6;
	s23 =	sadd.s32 s21, s9  }
0xc: {  	s10 =	ssub.s32 s7, s10;
	s7 =	sadd.s32 $0x1158100, s1;
	s22 =	sadd.s32 s12, s11  }
0xd: {  	s0 =	sadd.s32 s0, s23;
	s23 =	simm.s32 $0x9000;
	s11 =	simm.s32 $0x11000  }
0xe: {  	s12 =	simm.s32 $0x1;
	s5 =	sadd.s32 s5, s1;
	s20 =	smax.u32 s10, $0x1  }
0xf: {  	s10 =	sor.u32 $0x8, s22;
	s1 =	sadd.s32 s19, s8;
	[dreg:$0x6] =	wrdreg s0  }
0x10: {  	s22 =	simm.s32 $0x15000;
	s8 =	simm.s32 $0x1B800;
	[dreg:$0x4] =	wrdreg s20  }
0x11: {  	s18 =	sadd.s32 $0x13800, s5;
	s5 =	sadd.s32 $0x1D800, s5;
	[dreg:$0x5] =	wrdreg s1  }
0x12: {  	s24 =	sshrl.u32 s10, $0x3;
	s1 =	simm.s32 $0x19000;
	s10 =	simm.s32 $0x1C800  }
.Ltmp0:
0x13: {  	s20 =	simm.s32 $0x0;
	[dreg:$0x2] =	wrdreg s18;
	(pc) =	sbr.rel .LBB2_1-.Ltmp0, $4  }
0x14: {  	[dreg:$0x3] =	wrdreg s5;
	s25 =	sshll.u32 s24, $0xB;
	s26 =	sshll.u32 s24, $0xC  }
0x15: {  	v2 =	vlaneseq.u32;
	s5 =	simm.s32 $0x1A800;
	s18 =	simm.s32 $0x4;
	s0 =	sadd.s32 s25, s6  }
0x16: {  	vm0 =	vmmov $0xffff;
	v1 =	vshrl.u32 v2, $0x3;
	s29 =	sadd.s32 s26, s9;
	s6 =	simm.s32 $0x1B000;
	[dreg:$0x7] =	wrdreg s0  }
0x17: {  	v0 =	vand.u32 $0x7, v2;
	v2 =	vor.u32 $0x8, v2;
	v1 =	vmul.u32 $0x8, v1;
	s9 =	simm.s32 $0x1C000;
	[dreg:$0x8] =	wrdreg s29;
	s0 =	simm.s32 $0x19800  }
.LBB2_5:
0x18: {  	s20 =	rddreg [dreg:$0x9]  }
0x19: {  	s19 =	rddreg [dreg:$0x4];
	s20 =	sadd.s32 $0x1, s20  }
0x1a: {  	p0 =	sne.s32 s20, s19  }
.Ltmp1:
0x1b: {  	_ = 	snop;
	(pc) =	sbr.rel @!p0 .LBB2_6-.Ltmp1, $1  }
0x1c: {  	_ =	sdelay $0x3  }
.LBB2_1:
0x1d: {  	[dreg:$0x9] =	wrdreg s20  }
0x1e: {  	s19 =	rddreg [dreg:$0x2]  }
0x1f: {  	[tilespmem:s2], [sflag:$0x5] =	stream.linear.gather [hbm4b:s19+s2], $0x2800, $0x38;
	[tilespmem:$0x1D000] =	vst v63  }
0x20: {  	_ =	swait.ge [sflag:s13], $0x2800  }
0x21: {  	[sflag:s13] =	ssyncset.done $0x0  }
0x22: {  	s21 =	simm.s32 $0x2800;
	s20 =	rddreg [dreg:$0x3];
	[sflag:s13] =	ssyncadd.s32 $0xFFFFD800  }
0x23: {  	[tilespmem:s21], [sflag:$0x5] =	stream.linear.gather [hbm4b:s20+s2], $0x2800, $0x38;
	[tilespmem:$0x1D000] =	vst v63  }
0x24: {  	_ =	swait.ge [sflag:s13], $0x2800  }
0x25: {  	[sflag:s13] =	ssyncset.done $0x0  }
0x26: {  	[sflag:s13] =	ssyncadd.s32 $0xFFFFD800  }
0x27: {  	v3 =	vld [tilespmem:$0x0];
	_ =	sdelay $0x4  }
0x28: {  	v4 =	vshll.u32 v3, $0x1  }
0x29: {  	v3 =	vand.u32 $0x7, v3;
	v4 =	vand.u32 $0xFFFFFFF0, v4  }
0x2a: {  	v3 =	vor.u32 v3, v4  }
0x2b: {  	v4 =	vperm.xlane v3, v0;
	_ =	sdelay $0x1  }
0x2c: {  	v3 =	vperm.xlane v3, v2;
	v4 =	vadd.s32 v1, v4;
	_ =	sdelay $0x1  }
0x2d: {  	v3 =	vadd.s32 v1, v3;
	_ =	sdelay $0x2  }
0x2e: {  	[tilespmem:s15], [sflag:$0x1] =	stream.indirect_vreg.gather [hbm4b:s3+s2], $0x80, v4, vm0, $0xb8;
	[tilespmem:$0x1D000] =	vst v63  }
0x2f: {  	s24 =	simm.s32 $0x5800  }
0x30: {  	[tilespmem:s24], [sflag:$0x1] =	stream.indirect_vreg.gather [hbm4b:s3+s2], $0x80, v3, vm0, $0xb8;
	[tilespmem:$0x1D000] =	vst v63  }
0x31: {  	v3 =	vld [tilespmem:$0x10];
	_ =	sdelay $0x4  }
0x32: {  	v57 =	vshll.u32 v3, $0x1  }
0x33: {  	v3 =	vand.u32 $0x7, v3;
	v4 =	vand.u32 $0xFFFFFFF0, v57  }
0x34: {  	v3 =	vor.u32 v3, v4  }
0x35: {  	v4 =	vperm.xlane v3, v0;
	_ =	sdelay $0x1  }
0x36: {  	v3 =	vperm.xlane v3, v2;
	v4 =	vadd.s32 v1, v4;
	_ =	sdelay $0x1  }
0x37: {  	v3 =	vadd.s32 v1, v3;
	_ =	sdelay $0x1  }
0x38: {  	s25 =	simm.s32 $0x6000  }
0x39: {  	[tilespmem:s25], [sflag:$0x1] =	stream.indirect_vreg.gather [hbm4b:s3+s2], $0x80, v4, vm0, $0xb8;
	[tilespmem:$0x1D000] =	vst v63  }
0x3a: {  	s26 =	simm.s32 $0x6800  }
0x3b: {  	[tilespmem:s26], [sflag:$0x1] =	stream.indirect_vreg.gather [hbm4b:s3+s2], $0x80, v3, vm0, $0xb8;
	[tilespmem:$0x1D000] =	vst v63  }
0x3c: {  	v3 =	vld [tilespmem:$0x20];
	_ =	sdelay $0x4  }
0x3d: {  	v58 =	vshll.u32 v3, $0x1  }
0x3e: {  	v3 =	vand.u32 $0x7, v3;
	v4 =	vand.u32 $0xFFFFFFF0, v58  }
0x3f: {  	v3 =	vor.u32 v3, v4  }
0x40: {  	v4 =	vperm.xlane v3, v0;
	_ =	sdelay $0x1  }
0x41: {  	v3 =	vperm.xlane v3, v2;
	v4 =	vadd.s32 v1, v4;
	_ =	sdelay $0x1  }
0x42: {  	v3 =	vadd.s32 v1, v3;
	_ =	sdelay $0x1  }
0x43: {  	s29 =	simm.s32 $0x7000  }
0x44: {  	[tilespmem:s29], [sflag:$0x1] =	stream.indirect_vreg.gather [hbm4b:s3+s2], $0x80, v4, vm0, $0xb8;
	[tilespmem:$0x1D000] =	vst v63  }
0x45: {  	s20 =	simm.s32 $0x7800  }
0x46: {  	[tilespmem:s20], [sflag:$0x1] =	stream.indirect_vreg.gather [hbm4b:s3+s2], $0x80, v3, vm0, $0xb8;
	[tilespmem:$0x1D000] =	vst v63  }
0x47: {  	v3 =	vld [tilespmem:$0x30];
	_ =	sdelay $0x4  }
0x48: {  	v59 =	vshll.u32 v3, $0x1  }
0x49: {  	v3 =	vand.u32 $0x7, v3;
	v4 =	vand.u32 $0xFFFFFFF0, v59  }
0x4a: {  	v3 =	vor.u32 v3, v4  }
0x4b: {  	v4 =	vperm.xlane v3, v0;
	_ =	sdelay $0x1  }
0x4c: {  	v3 =	vperm.xlane v3, v2;
	v4 =	vadd.s32 v1, v4;
	_ =	sdelay $0x1  }
0x4d: {  	v3 =	vadd.s32 v1, v3;
	_ =	sdelay $0x1  }
0x4e: {  	s21 =	simm.s32 $0x8000  }
0x4f: {  	[tilespmem:s21], [sflag:$0x1] =	stream.indirect_vreg.gather [hbm4b:s3+s2], $0x80, v4, vm0, $0xb8;
	[tilespmem:$0x1D000] =	vst v63  }
0x50: {  	s24 =	simm.s32 $0x8800  }
0x51: {  	[tilespmem:s24], [sflag:$0x1] =	stream.indirect_vreg.gather [hbm4b:s3+s2], $0x80, v3, vm0, $0xb8;
	[tilespmem:$0x1D000] =	vst v63  }
0x52: {  	v3 =	vld [tilespmem:$0x2800];
	_ =	sdelay $0x4  }
0x53: {  	v60 =	vshll.u32 v3, $0x2  }
0x54: {  	v3 =	vand.u32 $0x7, v3;
	v4 =	vand.u32 $0xFFFFFFE0, v60  }
0x55: {  	v3 =	vor.u32 v3, v4  }
0x56: {  	v4 =	vperm.xlane v3, v0;
	_ =	sdelay $0x1  }
0x57: {  	v4 =	vadd.s32 v1, v4;
	_ =	sdelay $0x1  }
0x58: {  	v3 =	vperm.xlane v3, v2;
	_ =	sdelay $0x1  }
0x59: {  	v3 =	vadd.s32 v1, v3  }
0x5a: {  	[tilespmem:s23], [sflag:$0x2] =	stream.indirect_vreg.gather [hbm4b:s4+s2], $0x80, v4, vm0, $0xb8;
	[tilespmem:$0x1D000] =	vst v63  }
0x5b: {  	s25 =	simm.s32 $0x9800  }
0x5c: {  	[tilespmem:s25], [sflag:$0x2] =	stream.indirect_vreg.gather [hbm4b:s7+s2], $0x80, v4, vm0, $0xb8;
	[tilespmem:$0x1D000] =	vst v63  }
0x5d: {  	s26 =	simm.s32 $0xA000  }
0x5e: {  	[tilespmem:s26], [sflag:$0x2] =	stream.indirect_vreg.gather [hbm4b:s4+s2], $0x80, v3, vm0, $0xb8;
	[tilespmem:$0x1D000] =	vst v63  }
0x5f: {  	s29 =	simm.s32 $0xA800  }
0x60: {  	[tilespmem:s29], [sflag:$0x2] =	stream.indirect_vreg.gather [hbm4b:s7+s2], $0x80, v3, vm0, $0xb8;
	[tilespmem:$0x1D000] =	vst v63  }
0x61: {  	v3 =	vld [tilespmem:$0x2810];
	_ =	sdelay $0x4  }
0x62: {  	v61 =	vshll.u32 v3, $0x2  }
0x63: {  	v3 =	vand.u32 $0x7, v3;
	v4 =	vand.u32 $0xFFFFFFE0, v61  }
0x64: {  	v3 =	vor.u32 v3, v4  }
0x65: {  	v4 =	vperm.xlane v3, v0;
	_ =	sdelay $0x1  }
0x66: {  	v4 =	vadd.s32 v1, v4;
	_ =	sdelay $0x1  }
0x67: {  	v3 =	vperm.xlane v3, v2;
	_ =	sdelay $0x1  }
0x68: {  	s20 =	simm.s32 $0xB000;
	v3 =	vadd.s32 v1, v3  }
0x69: {  	[tilespmem:s20], [sflag:$0x2] =	stream.indirect_vreg.gather [hbm4b:s4+s2], $0x80, v4, vm0, $0xb8;
	[tilespmem:$0x1D000] =	vst v63  }
0x6a: {  	s21 =	simm.s32 $0xB800  }
0x6b: {  	[tilespmem:s21], [sflag:$0x2] =	stream.indirect_vreg.gather [hbm4b:s7+s2], $0x80, v4, vm0, $0xb8;
	[tilespmem:$0x1D000] =	vst v63  }
0x6c: {  	s24 =	simm.s32 $0xC000  }
0x6d: {  	[tilespmem:s24], [sflag:$0x2] =	stream.indirect_vreg.gather [hbm4b:s4+s2], $0x80, v3, vm0, $0xb8;
	[tilespmem:$0x1D000] =	vst v63  }
0x6e: {  	s25 =	simm.s32 $0xC800  }
0x6f: {  	[tilespmem:s25], [sflag:$0x2] =	stream.indirect_vreg.gather [hbm4b:s7+s2], $0x80, v3, vm0, $0xb8;
	[tilespmem:$0x1D000] =	vst v63  }
0x70: {  	v3 =	vld [tilespmem:$0x2820];
	_ =	sdelay $0x4  }
0x71: {  	v62 =	vshll.u32 v3, $0x2  }
0x72: {  	v3 =	vand.u32 $0x7, v3;
	v4 =	vand.u32 $0xFFFFFFE0, v62  }
0x73: {  	v3 =	vor.u32 v3, v4  }
0x74: {  	v4 =	vperm.xlane v3, v0;
	_ =	sdelay $0x1  }
0x75: {  	v4 =	vadd.s32 v1, v4;
	_ =	sdelay $0x1  }
0x76: {  	v3 =	vperm.xlane v3, v2;
	_ =	sdelay $0x1  }
0x77: {  	s26 =	simm.s32 $0xD000;
	v3 =	vadd.s32 v1, v3  }
0x78: {  	[tilespmem:s26], [sflag:$0x2] =	stream.indirect_vreg.gather [hbm4b:s4+s2], $0x80, v4, vm0, $0xb8;
	[tilespmem:$0x1D000] =	vst v63  }
0x79: {  	s29 =	simm.s32 $0xD800  }
0x7a: {  	[tilespmem:s29], [sflag:$0x2] =	stream.indirect_vreg.gather [hbm4b:s7+s2], $0x80, v4, vm0, $0xb8;
	[tilespmem:$0x1D000] =	vst v63  }
0x7b: {  	s20 =	simm.s32 $0xE000  }
0x7c: {  	[tilespmem:s20], [sflag:$0x2] =	stream.indirect_vreg.gather [hbm4b:s4+s2], $0x80, v3, vm0, $0xb8;
	[tilespmem:$0x1D000] =	vst v63  }
0x7d: {  	s21 =	simm.s32 $0xE800  }
0x7e: {  	[tilespmem:s21], [sflag:$0x2] =	stream.indirect_vreg.gather [hbm4b:s7+s2], $0x80, v3, vm0, $0xb8;
	[tilespmem:$0x1D000] =	vst v63  }
0x7f: {  	v3 =	vld [tilespmem:$0x2830];
	_ =	sdelay $0x4  }
0x80: {  	v63 =	vshll.u32 v3, $0x2  }
0x81: {  	v3 =	vand.u32 $0x7, v3;
	v4 =	vand.u32 $0xFFFFFFE0, v63  }
0x82: {  	v3 =	vor.u32 v3, v4  }
0x83: {  	v4 =	vperm.xlane v3, v0;
	_ =	sdelay $0x1  }
0x84: {  	v4 =	vadd.s32 v1, v4;
	_ =	sdelay $0x2  }
0x85: {  	v3 =	vperm.xlane v3, v2  }
0x86: {  	s24 =	simm.s32 $0xF000  }
0x87: {  	v3 =	vadd.s32 v1, v3;
	[tilespmem:s24], [sflag:$0x2] =	stream.indirect_vreg.gather [hbm4b:s4+s2], $0x80, v4, vm0, $0xb8;
	[tilespmem:$0x1D000] =	vst v63  }
0x88: {  	s19 =	rddreg [dreg:$0x8];
	s25 =	simm.s32 $0xF800  }
0x89: {  	[tilespmem:s25], [sflag:$0x2] =	stream.indirect_vreg.gather [hbm4b:s7+s2], $0x80, v4, vm0, $0xb8;
	[tilespmem:$0x1D000] =	vst v63  }
.Ltmp2:
0x8a: {  	s20 =	rddreg [dreg:$0x7];
	(pc) =	sbr.rel .LBB2_2-.Ltmp2, $4  }
0x8b: {  	s26 =	simm.s32 $0x10000;
	s21 =	rddreg [dreg:$0x6]  }
0x8c: {  	[tilespmem:s26], [sflag:$0x2] =	stream.indirect_vreg.gather [hbm4b:s4+s2], $0x80, v3, vm0, $0xb8;
	[tilespmem:$0x1D000] =	vst v63  }
0x8d: {  	s29 =	simm.s32 $0x10800;
	s24 =	rddreg [dreg:$0x5];
	s25 =	simm.s32 $0x0  }
0x8e: {  	[tilespmem:s29], [sflag:$0x2] =	stream.indirect_vreg.gather [hbm4b:s7+s2], $0x80, v3, vm0, $0xb8;
	[tilespmem:$0x1D000] =	vst v63  }
.LBB2_4:
0x8f: {  	_ =	swait.ge [sflag:s17], $0x4000  }
0x90: {  	[sflag:s17] =	ssyncset.done $0x0  }
0x91: {  	[sflag:s17] =	ssyncadd.s32 $0xFFFFC000  }
0x92: {  	[hbm4b:s20+s2] =	stream.linear.scatter [tilespmem:s11], [sflag:$0x5], $0x4000, $0x38;
	[tilespmem:$0x1D000] =	vst v63  }
0x93: {  	_ =	swait.ge [sflag:s13], $0x4000  }
0x94: {  	[sflag:s13] =	ssyncset.done $0x0  }
0x95: {  	[sflag:s13] =	ssyncadd.s32 $0xFFFFC000  }
0x96: {  	s25 =	sadd.s32 $0x400, s25;
	_ =	swait.ge [sflag:s18], $0x8000  }
0x97: {  	p0 =	sne.s32 s25, $0xA000;
	[sflag:s18] =	ssyncset.done $0x0  }
.Ltmp3:
0x98: {  	[sflag:s18] =	ssyncadd.s32 $0xFFFF8000;
	(pc) =	sbr.rel @!p0 .LBB2_5-.Ltmp3, $4  }
0x99: {  	[hbm4b:s19+s2] =	stream.linear.scatter [tilespmem:s22], [sflag:$0x5], $0x8000, $0x38;
	[tilespmem:$0x1D000] =	vst v63  }
0x9a: {  	_ =	swait.ge [sflag:s13], $0x8000  }
0x9b: {  	s24 =	sadd.s32 $0x1000, s24;
	s21 =	sadd.s32 $0x2000, s21;
	[sflag:s13] =	ssyncset.done $0x0  }
0x9c: {  	s20 =	sadd.s32 $0x1000, s20;
	s19 =	sadd.s32 $0x2000, s19;
	[sflag:s13] =	ssyncadd.s32 $0xFFFF8000  }
.LBB2_2:
0x9d: {  	s26 =	sshra.s32 s25, $0x2  }
0x9e: {  	v3 =	vld [tilespmem:s26+$0x80];
	_ =	sdelay $0x4  }
0x9f: {  	v4 =	vshll.u32 v3, $0x1  }
0xa0: {  	v3 =	vand.u32 $0x7, v3;
	v4 =	vand.u32 $0xFFFFFFF0, v4  }
0xa1: {  	v3 =	vor.u32 v3, v4  }
0xa2: {  	v4 =	vperm.xlane v3, v0;
	_ =	sdelay $0x1  }
0xa3: {  	v3 =	vperm.xlane v3, v2;
	v4 =	vadd.s32 v1, v4;
	_ =	sdelay $0x1  }
0xa4: {  	v3 =	vadd.s32 v1, v3;
	_ =	sdelay $0x2  }
0xa5: {  	[tilespmem:s11], [sflag:$0x3] =	stream.indirect_vreg.gather [hbm4b:s3+s2], $0x80, v4, vm0, $0xb8;
	[tilespmem:$0x1D000] =	vst v63  }
0xa6: {  	_ = 	snop  }
0xa7: {  	[tilespmem:s28], [sflag:$0x3] =	stream.indirect_vreg.gather [hbm4b:s3+s2], $0x80, v3, vm0, $0xb8;
	[tilespmem:$0x1D000] =	vst v63  }
0xa8: {  	v3 =	vld [tilespmem:s26+$0x90];
	_ =	sdelay $0x4  }
0xa9: {  	v57 =	vshll.u32 v3, $0x1  }
0xaa: {  	v3 =	vand.u32 $0x7, v3;
	v4 =	vand.u32 $0xFFFFFFF0, v57  }
0xab: {  	v3 =	vor.u32 v3, v4  }
0xac: {  	v4 =	vperm.xlane v3, v0;
	_ =	sdelay $0x1  }
0xad: {  	v3 =	vperm.xlane v3, v2;
	v4 =	vadd.s32 v1, v4;
	_ =	sdelay $0x1  }
0xae: {  	v3 =	vadd.s32 v1, v3;
	_ =	sdelay $0x1  }
0xaf: {  	s29 =	simm.s32 $0x12000  }
0xb0: {  	[tilespmem:s29], [sflag:$0x3] =	stream.indirect_vreg.gather [hbm4b:s3+s2], $0x80, v4, vm0, $0xb8;
	[tilespmem:$0x1D000] =	vst v63  }
0xb1: {  	s29 =	simm.s32 $0x12800  }
0xb2: {  	[tilespmem:s29], [sflag:$0x3] =	stream.indirect_vreg.gather [hbm4b:s3+s2], $0x80, v3, vm0, $0xb8;
	[tilespmem:$0x1D000] =	vst v63  }
0xb3: {  	v3 =	vld [tilespmem:s26+$0xA0];
	_ =	sdelay $0x4  }
0xb4: {  	v58 =	vshll.u32 v3, $0x1  }
0xb5: {  	v3 =	vand.u32 $0x7, v3;
	v4 =	vand.u32 $0xFFFFFFF0, v58  }
0xb6: {  	v3 =	vor.u32 v3, v4  }
0xb7: {  	v4 =	vperm.xlane v3, v0;
	_ =	sdelay $0x1  }
0xb8: {  	v3 =	vperm.xlane v3, v2;
	v4 =	vadd.s32 v1, v4;
	_ =	sdelay $0x1  }
0xb9: {  	v3 =	vadd.s32 v1, v3;
	_ =	sdelay $0x1  }
0xba: {  	s29 =	simm.s32 $0x13000  }
0xbb: {  	[tilespmem:s29], [sflag:$0x3] =	stream.indirect_vreg.gather [hbm4b:s3+s2], $0x80, v4, vm0, $0xb8;
	[tilespmem:$0x1D000] =	vst v63  }
0xbc: {  	s29 =	simm.s32 $0x13800  }
0xbd: {  	[tilespmem:s29], [sflag:$0x3] =	stream.indirect_vreg.gather [hbm4b:s3+s2], $0x80, v3, vm0, $0xb8;
	[tilespmem:$0x1D000] =	vst v63  }
0xbe: {  	v3 =	vld [tilespmem:s26+$0xB0];
	_ =	sdelay $0x4  }
0xbf: {  	v59 =	vshll.u32 v3, $0x1  }
0xc0: {  	v3 =	vand.u32 $0x7, v3;
	v4 =	vand.u32 $0xFFFFFFF0, v59  }
0xc1: {  	v3 =	vor.u32 v3, v4  }
0xc2: {  	v4 =	vperm.xlane v3, v0;
	_ =	sdelay $0x1  }
0xc3: {  	v3 =	vperm.xlane v3, v2;
	v4 =	vadd.s32 v1, v4;
	_ =	sdelay $0x1  }
0xc4: {  	v3 =	vadd.s32 v1, v3;
	_ =	sdelay $0x1  }
0xc5: {  	s29 =	simm.s32 $0x14000  }
0xc6: {  	[tilespmem:s29], [sflag:$0x3] =	stream.indirect_vreg.gather [hbm4b:s3+s2], $0x80, v4, vm0, $0xb8;
	[tilespmem:$0x1D000] =	vst v63  }
0xc7: {  	s29 =	simm.s32 $0x14800  }
0xc8: {  	[tilespmem:s29], [sflag:$0x3] =	stream.indirect_vreg.gather [hbm4b:s3+s2], $0x80, v3, vm0, $0xb8;
	[tilespmem:$0x1D000] =	vst v63  }
0xc9: {  	v3 =	vld [tilespmem:s26+$0x2880];
	_ =	sdelay $0x4  }
0xca: {  	v60 =	vshll.u32 v3, $0x2  }
0xcb: {  	v3 =	vand.u32 $0x7, v3;
	v4 =	vand.u32 $0xFFFFFFE0, v60  }
0xcc: {  	v3 =	vor.u32 v3, v4  }
0xcd: {  	v4 =	vperm.xlane v3, v0;
	_ =	sdelay $0x1  }
0xce: {  	v4 =	vadd.s32 v1, v4;
	_ =	sdelay $0x1  }
0xcf: {  	v3 =	vperm.xlane v3, v2;
	_ =	sdelay $0x1  }
0xd0: {  	v3 =	vadd.s32 v1, v3  }
0xd1: {  	[tilespmem:s22], [sflag:$0x4] =	stream.indirect_vreg.gather [hbm4b:s4+s2], $0x80, v4, vm0, $0xb8;
	[tilespmem:$0x1D000] =	vst v63  }
0xd2: {  	s29 =	simm.s32 $0x15800  }
0xd3: {  	[tilespmem:s29], [sflag:$0x4] =	stream.indirect_vreg.gather [hbm4b:s7+s2], $0x80, v4, vm0, $0xb8;
	[tilespmem:$0x1D000] =	vst v63  }
0xd4: {  	s29 =	simm.s32 $0x16000  }
0xd5: {  	[tilespmem:s29], [sflag:$0x4] =	stream.indirect_vreg.gather [hbm4b:s4+s2], $0x80, v3, vm0, $0xb8;
	[tilespmem:$0x1D000] =	vst v63  }
0xd6: {  	s29 =	simm.s32 $0x16800  }
0xd7: {  	[tilespmem:s29], [sflag:$0x4] =	stream.indirect_vreg.gather [hbm4b:s7+s2], $0x80, v3, vm0, $0xb8;
	[tilespmem:$0x1D000] =	vst v63  }
0xd8: {  	v3 =	vld [tilespmem:s26+$0x2890];
	_ =	sdelay $0x4  }
0xd9: {  	v61 =	vshll.u32 v3, $0x2  }
0xda: {  	v3 =	vand.u32 $0x7, v3;
	v4 =	vand.u32 $0xFFFFFFE0, v61  }
0xdb: {  	v3 =	vor.u32 v3, v4  }
0xdc: {  	v4 =	vperm.xlane v3, v0;
	_ =	sdelay $0x1  }
0xdd: {  	v4 =	vadd.s32 v1, v4;
	_ =	sdelay $0x1  }
0xde: {  	v3 =	vperm.xlane v3, v2;
	_ =	sdelay $0x1  }
0xdf: {  	s29 =	simm.s32 $0x17000;
	v3 =	vadd.s32 v1, v3  }
0xe0: {  	[tilespmem:s29], [sflag:$0x4] =	stream.indirect_vreg.gather [hbm4b:s4+s2], $0x80, v4, vm0, $0xb8;
	[tilespmem:$0x1D000] =	vst v63  }
0xe1: {  	s29 =	simm.s32 $0x17800  }
0xe2: {  	[tilespmem:s29], [sflag:$0x4] =	stream.indirect_vreg.gather [hbm4b:s7+s2], $0x80, v4, vm0, $0xb8;
	[tilespmem:$0x1D000] =	vst v63  }
0xe3: {  	_ = 	snop  }
0xe4: {  	[tilespmem:s30], [sflag:$0x4] =	stream.indirect_vreg.gather [hbm4b:s4+s2], $0x80, v3, vm0, $0xb8;
	[tilespmem:$0x1D000] =	vst v63  }
0xe5: {  	_ = 	snop  }
0xe6: {  	[tilespmem:s31], [sflag:$0x4] =	stream.indirect_vreg.gather [hbm4b:s7+s2], $0x80, v3, vm0, $0xb8;
	[tilespmem:$0x1D000] =	vst v63  }
0xe7: {  	v3 =	vld [tilespmem:s26+$0x28A0];
	_ =	sdelay $0x4  }
0xe8: {  	v62 =	vshll.u32 v3, $0x2  }
0xe9: {  	v3 =	vand.u32 $0x7, v3;
	v4 =	vand.u32 $0xFFFFFFE0, v62  }
0xea: {  	v3 =	vor.u32 v3, v4  }
0xeb: {  	v4 =	vperm.xlane v3, v0;
	_ =	sdelay $0x1  }
0xec: {  	v4 =	vadd.s32 v1, v4;
	_ =	sdelay $0x1  }
0xed: {  	v3 =	vperm.xlane v3, v2;
	_ =	sdelay $0x1  }
0xee: {  	v3 =	vadd.s32 v1, v3  }
0xef: {  	[tilespmem:s1], [sflag:$0x4] =	stream.indirect_vreg.gather [hbm4b:s4+s2], $0x80, v4, vm0, $0xb8;
	[tilespmem:$0x1D000] =	vst v63  }
0xf0: {  	_ = 	snop  }
0xf1: {  	[tilespmem:s0], [sflag:$0x4] =	stream.indirect_vreg.gather [hbm4b:s7+s2], $0x80, v4, vm0, $0xb8;
	[tilespmem:$0x1D000] =	vst v63  }
0xf2: {  	_ = 	snop  }
0xf3: {  	[tilespmem:s14], [sflag:$0x4] =	stream.indirect_vreg.gather [hbm4b:s4+s2], $0x80, v3, vm0, $0xb8;
	[tilespmem:$0x1D000] =	vst v63  }
0xf4: {  	_ = 	snop  }
0xf5: {  	[tilespmem:s5], [sflag:$0x4] =	stream.indirect_vreg.gather [hbm4b:s7+s2], $0x80, v3, vm0, $0xb8;
	[tilespmem:$0x1D000] =	vst v63  }
0xf6: {  	v3 =	vld [tilespmem:s26+$0x28B0];
	_ =	sdelay $0x4  }
0xf7: {  	v63 =	vshll.u32 v3, $0x2  }
0xf8: {  	v3 =	vand.u32 $0x7, v3;
	v4 =	vand.u32 $0xFFFFFFE0, v63  }
0xf9: {  	v3 =	vor.u32 v3, v4  }
0xfa: {  	v4 =	vperm.xlane v3, v0;
	_ =	sdelay $0x1  }
0xfb: {  	v4 =	vadd.s32 v1, v4;
	_ =	sdelay $0x1  }
0xfc: {  	v3 =	vperm.xlane v3, v2;
	_ =	sdelay $0x1  }
0xfd: {  	v3 =	vadd.s32 v1, v3  }
0xfe: {  	[tilespmem:s6], [sflag:$0x4] =	stream.indirect_vreg.gather [hbm4b:s4+s2], $0x80, v4, vm0, $0xb8;
	[tilespmem:$0x1D000] =	vst v63  }
0xff: {  	_ = 	snop  }
0x100: {  	[tilespmem:s8], [sflag:$0x4] =	stream.indirect_vreg.gather [hbm4b:s7+s2], $0x80, v4, vm0, $0xb8;
	[tilespmem:$0x1D000] =	vst v63  }
0x101: {  	_ = 	snop  }
0x102: {  	[tilespmem:s9], [sflag:$0x4] =	stream.indirect_vreg.gather [hbm4b:s4+s2], $0x80, v3, vm0, $0xb8;
	[tilespmem:$0x1D000] =	vst v63  }
0x103: {  	_ = 	snop  }
0x104: {  	[tilespmem:s10], [sflag:$0x4] =	stream.indirect_vreg.gather [hbm4b:s7+s2], $0x80, v3, vm0, $0xb8;
	[tilespmem:$0x1D000] =	vst v63  }
0x105: {  	_ =	swait.ge [sflag:s12], $0x4000  }
0x106: {  	[sflag:s12] =	ssyncset.done $0x0  }
0x107: {  	[sflag:s12] =	ssyncadd.s32 $0xFFFFC000  }
0x108: {  	[hbm4b:s24+s2] =	stream.linear.scatter [tilespmem:s15], [sflag:$0x5], $0x4000, $0x38;
	[tilespmem:$0x1D000] =	vst v63  }
0x109: {  	_ =	swait.ge [sflag:s13], $0x4000  }
0x10a: {  	[sflag:s13] =	ssyncset.done $0x0  }
0x10b: {  	[sflag:s13] =	ssyncadd.s32 $0xFFFFC000  }
0x10c: {  	_ =	swait.ge [sflag:s16], $0x8000  }
0x10d: {  	p0 =	seq.s32 s25, $0x9C00;
	[sflag:s16] =	ssyncset.done $0x0  }
.Ltmp4:
0x10e: {  	[sflag:s16] =	ssyncadd.s32 $0xFFFF8000;
	(pc) =	sbr.rel @p0 .LBB2_4-.Ltmp4, $4  }
0x10f: {  	[hbm4b:s21+s2] =	stream.linear.scatter [tilespmem:s23], [sflag:$0x5], $0x8000, $0x38;
	[tilespmem:$0x1D000] =	vst v63  }
0x110: {  	_ =	swait.ge [sflag:s13], $0x8000  }
0x111: {  	[sflag:s13] =	ssyncset.done $0x0  }
0x112: {  	[sflag:s13] =	ssyncadd.s32 $0xFFFF8000  }
0x113: {  	v3 =	vld [tilespmem:s26+$0x100];
	_ =	sdelay $0x4  }
0x114: {  	v4 =	vshll.u32 v3, $0x1  }
0x115: {  	v3 =	vand.u32 $0x7, v3;
	v4 =	vand.u32 $0xFFFFFFF0, v4  }
0x116: {  	v3 =	vor.u32 v3, v4  }
0x117: {  	v4 =	vperm.xlane v3, v0;
	_ =	sdelay $0x1  }
0x118: {  	v3 =	vperm.xlane v3, v2;
	v4 =	vadd.s32 v1, v4;
	_ =	sdelay $0x1  }
0x119: {  	v3 =	vadd.s32 v1, v3;
	_ =	sdelay $0x2  }
0x11a: {  	[tilespmem:s15], [sflag:$0x1] =	stream.indirect_vreg.gather [hbm4b:s3+s2], $0x80, v4, vm0, $0xb8;
	[tilespmem:$0x1D000] =	vst v63  }
0x11b: {  	s28 =	simm.s32 $0x5800  }
0x11c: {  	[tilespmem:s28], [sflag:$0x1] =	stream.indirect_vreg.gather [hbm4b:s3+s2], $0x80, v3, vm0, $0xb8;
	[tilespmem:$0x1D000] =	vst v63  }
0x11d: {  	v3 =	vld [tilespmem:s26+$0x110];
	_ =	sdelay $0x4  }
0x11e: {  	v57 =	vshll.u32 v3, $0x1  }
0x11f: {  	v3 =	vand.u32 $0x7, v3;
	v4 =	vand.u32 $0xFFFFFFF0, v57  }
0x120: {  	v3 =	vor.u32 v3, v4  }
0x121: {  	v4 =	vperm.xlane v3, v0;
	_ =	sdelay $0x1  }
0x122: {  	v3 =	vperm.xlane v3, v2;
	v4 =	vadd.s32 v1, v4;
	_ =	sdelay $0x1  }
0x123: {  	v3 =	vadd.s32 v1, v3;
	_ =	sdelay $0x1  }
0x124: {  	s28 =	simm.s32 $0x6000  }
0x125: {  	[tilespmem:s28], [sflag:$0x1] =	stream.indirect_vreg.gather [hbm4b:s3+s2], $0x80, v4, vm0, $0xb8;
	[tilespmem:$0x1D000] =	vst v63  }
0x126: {  	s28 =	simm.s32 $0x6800  }
0x127: {  	[tilespmem:s28], [sflag:$0x1] =	stream.indirect_vreg.gather [hbm4b:s3+s2], $0x80, v3, vm0, $0xb8;
	[tilespmem:$0x1D000] =	vst v63  }
0x128: {  	v3 =	vld [tilespmem:s26+$0x120];
	_ =	sdelay $0x4  }
0x129: {  	v58 =	vshll.u32 v3, $0x1  }
0x12a: {  	v3 =	vand.u32 $0x7, v3;
	v4 =	vand.u32 $0xFFFFFFF0, v58  }
0x12b: {  	v3 =	vor.u32 v3, v4  }
0x12c: {  	v4 =	vperm.xlane v3, v0;
	_ =	sdelay $0x1  }
0x12d: {  	v3 =	vperm.xlane v3, v2;
	v4 =	vadd.s32 v1, v4;
	_ =	sdelay $0x1  }
0x12e: {  	v3 =	vadd.s32 v1, v3;
	_ =	sdelay $0x1  }
0x12f: {  	s28 =	simm.s32 $0x7000  }
0x130: {  	[tilespmem:s28], [sflag:$0x1] =	stream.indirect_vreg.gather [hbm4b:s3+s2], $0x80, v4, vm0, $0xb8;
	[tilespmem:$0x1D000] =	vst v63  }
0x131: {  	s28 =	simm.s32 $0x7800  }
0x132: {  	[tilespmem:s28], [sflag:$0x1] =	stream.indirect_vreg.gather [hbm4b:s3+s2], $0x80, v3, vm0, $0xb8;
	[tilespmem:$0x1D000] =	vst v63  }
0x133: {  	v3 =	vld [tilespmem:s26+$0x130];
	_ =	sdelay $0x4  }
0x134: {  	v59 =	vshll.u32 v3, $0x1  }
0x135: {  	v3 =	vand.u32 $0x7, v3;
	v4 =	vand.u32 $0xFFFFFFF0, v59  }
0x136: {  	v3 =	vor.u32 v3, v4  }
0x137: {  	v4 =	vperm.xlane v3, v0;
	_ =	sdelay $0x1  }
0x138: {  	v3 =	vperm.xlane v3, v2;
	v4 =	vadd.s32 v1, v4;
	_ =	sdelay $0x1  }
0x139: {  	v3 =	vadd.s32 v1, v3;
	_ =	sdelay $0x1  }
0x13a: {  	s28 =	simm.s32 $0x8000  }
0x13b: {  	[tilespmem:s28], [sflag:$0x1] =	stream.indirect_vreg.gather [hbm4b:s3+s2], $0x80, v4, vm0, $0xb8;
	[tilespmem:$0x1D000] =	vst v63  }
0x13c: {  	s28 =	simm.s32 $0x8800  }
0x13d: {  	[tilespmem:s28], [sflag:$0x1] =	stream.indirect_vreg.gather [hbm4b:s3+s2], $0x80, v3, vm0, $0xb8;
	[tilespmem:$0x1D000] =	vst v63  }
0x13e: {  	v3 =	vld [tilespmem:s26+$0x2900];
	_ =	sdelay $0x4  }
0x13f: {  	v60 =	vshll.u32 v3, $0x2  }
0x140: {  	v3 =	vand.u32 $0x7, v3;
	v4 =	vand.u32 $0xFFFFFFE0, v60  }
0x141: {  	v3 =	vor.u32 v3, v4  }
0x142: {  	v4 =	vperm.xlane v3, v0;
	_ =	sdelay $0x1  }
0x143: {  	v4 =	vadd.s32 v1, v4;
	_ =	sdelay $0x1  }
0x144: {  	v3 =	vperm.xlane v3, v2;
	_ =	sdelay $0x1  }
0x145: {  	v3 =	vadd.s32 v1, v3  }
0x146: {  	[tilespmem:s23], [sflag:$0x2] =	stream.indirect_vreg.gather [hbm4b:s4+s2], $0x80, v4, vm0, $0xb8;
	[tilespmem:$0x1D000] =	vst v63  }
0x147: {  	s28 =	simm.s32 $0x9800  }
0x148: {  	[tilespmem:s28], [sflag:$0x2] =	stream.indirect_vreg.gather [hbm4b:s7+s2], $0x80, v4, vm0, $0xb8;
	[tilespmem:$0x1D000] =	vst v63  }
0x149: {  	s28 =	simm.s32 $0xA000  }
0x14a: {  	[tilespmem:s28], [sflag:$0x2] =	stream.indirect_vreg.gather [hbm4b:s4+s2], $0x80, v3, vm0, $0xb8;
	[tilespmem:$0x1D000] =	vst v63  }
0x14b: {  	s28 =	simm.s32 $0xA800  }
0x14c: {  	[tilespmem:s28], [sflag:$0x2] =	stream.indirect_vreg.gather [hbm4b:s7+s2], $0x80, v3, vm0, $0xb8;
	[tilespmem:$0x1D000] =	vst v63  }
0x14d: {  	v3 =	vld [tilespmem:s26+$0x2910];
	_ =	sdelay $0x4  }
0x14e: {  	v61 =	vshll.u32 v3, $0x2  }
0x14f: {  	v3 =	vand.u32 $0x7, v3;
	v4 =	vand.u32 $0xFFFFFFE0, v61  }
0x150: {  	v3 =	vor.u32 v3, v4  }
0x151: {  	v4 =	vperm.xlane v3, v0;
	_ =	sdelay $0x1  }
0x152: {  	v4 =	vadd.s32 v1, v4;
	_ =	sdelay $0x1  }
0x153: {  	v3 =	vperm.xlane v3, v2;
	_ =	sdelay $0x1  }
0x154: {  	s28 =	simm.s32 $0xB000;
	v3 =	vadd.s32 v1, v3  }
0x155: {  	[tilespmem:s28], [sflag:$0x2] =	stream.indirect_vreg.gather [hbm4b:s4+s2], $0x80, v4, vm0, $0xb8;
	[tilespmem:$0x1D000] =	vst v63  }
0x156: {  	s28 =	simm.s32 $0xB800  }
0x157: {  	[tilespmem:s28], [sflag:$0x2] =	stream.indirect_vreg.gather [hbm4b:s7+s2], $0x80, v4, vm0, $0xb8;
	[tilespmem:$0x1D000] =	vst v63  }
0x158: {  	s28 =	simm.s32 $0xC000  }
0x159: {  	[tilespmem:s28], [sflag:$0x2] =	stream.indirect_vreg.gather [hbm4b:s4+s2], $0x80, v3, vm0, $0xb8;
	[tilespmem:$0x1D000] =	vst v63  }
0x15a: {  	s28 =	simm.s32 $0xC800  }
0x15b: {  	[tilespmem:s28], [sflag:$0x2] =	stream.indirect_vreg.gather [hbm4b:s7+s2], $0x80, v3, vm0, $0xb8;
	[tilespmem:$0x1D000] =	vst v63  }
0x15c: {  	v3 =	vld [tilespmem:s26+$0x2920];
	_ =	sdelay $0x4  }
0x15d: {  	v62 =	vshll.u32 v3, $0x2  }
0x15e: {  	v3 =	vand.u32 $0x7, v3;
	v4 =	vand.u32 $0xFFFFFFE0, v62  }
0x15f: {  	v3 =	vor.u32 v3, v4  }
0x160: {  	v4 =	vperm.xlane v3, v0;
	_ =	sdelay $0x1  }
0x161: {  	v4 =	vadd.s32 v1, v4;
	_ =	sdelay $0x1  }
0x162: {  	v3 =	vperm.xlane v3, v2;
	_ =	sdelay $0x1  }
0x163: {  	s28 =	simm.s32 $0xD000;
	v3 =	vadd.s32 v1, v3  }
0x164: {  	[tilespmem:s28], [sflag:$0x2] =	stream.indirect_vreg.gather [hbm4b:s4+s2], $0x80, v4, vm0, $0xb8;
	[tilespmem:$0x1D000] =	vst v63  }
0x165: {  	s28 =	simm.s32 $0xD800  }
0x166: {  	[tilespmem:s28], [sflag:$0x2] =	stream.indirect_vreg.gather [hbm4b:s7+s2], $0x80, v4, vm0, $0xb8;
	[tilespmem:$0x1D000] =	vst v63  }
0x167: {  	s28 =	simm.s32 $0xE000  }
0x168: {  	[tilespmem:s28], [sflag:$0x2] =	stream.indirect_vreg.gather [hbm4b:s4+s2], $0x80, v3, vm0, $0xb8;
	[tilespmem:$0x1D000] =	vst v63  }
0x169: {  	s28 =	simm.s32 $0xE800  }
0x16a: {  	[tilespmem:s28], [sflag:$0x2] =	stream.indirect_vreg.gather [hbm4b:s7+s2], $0x80, v3, vm0, $0xb8;
	[tilespmem:$0x1D000] =	vst v63  }
0x16b: {  	v3 =	vld [tilespmem:s26+$0x2930];
	_ =	sdelay $0x4  }
0x16c: {  	v63 =	vshll.u32 v3, $0x2  }
0x16d: {  	v3 =	vand.u32 $0x7, v3;
	v4 =	vand.u32 $0xFFFFFFE0, v63  }
0x16e: {  	v3 =	vor.u32 v3, v4  }
0x16f: {  	v4 =	vperm.xlane v3, v0;
	_ =	sdelay $0x1  }
0x170: {  	v4 =	vadd.s32 v1, v4;
	_ =	sdelay $0x2  }
0x171: {  	v3 =	vperm.xlane v3, v2  }
0x172: {  	s29 =	simm.s32 $0xF000  }
0x173: {  	v3 =	vadd.s32 v1, v3;
	[tilespmem:s29], [sflag:$0x2] =	stream.indirect_vreg.gather [hbm4b:s4+s2], $0x80, v4, vm0, $0xb8;
	[tilespmem:$0x1D000] =	vst v63  }
0x174: {  	s29 =	simm.s32 $0xF800  }
0x175: {  	[tilespmem:s29], [sflag:$0x2] =	stream.indirect_vreg.gather [hbm4b:s7+s2], $0x80, v4, vm0, $0xb8;
	[tilespmem:$0x1D000] =	vst v63  }
.Ltmp5:
0x176: {  	_ = 	snop;
	(pc) =	sbr.rel .LBB2_4-.Ltmp5, $4  }
0x177: {  	s29 =	simm.s32 $0x10000  }
0x178: {  	[tilespmem:s29], [sflag:$0x2] =	stream.indirect_vreg.gather [hbm4b:s4+s2], $0x80, v3, vm0, $0xb8;
	[tilespmem:$0x1D000] =	vst v63  }
0x179: {  	s28 =	simm.s32 $0x11800;
	s29 =	simm.s32 $0x10800  }
0x17a: {  	[tilespmem:s29], [sflag:$0x2] =	stream.indirect_vreg.gather [hbm4b:s7+s2], $0x80, v3, vm0, $0xb8;
	[tilespmem:$0x1D000] =	vst v63  }
.LBB2_6:
0x17b: {  	_ =	sfence.sel $0x180000  }
0x17c: {  	[bflag:$0x0] =	sbarrier.arrive $0xFFFF  }
0x17d: {  	_ =	strace $0x90000050  }
0x17e: {  	s0 =	stileid.u32;
	[bflag:$0x2] =	sbarrier.arrive $0xFFFF  }
0x17f: {  	p0 =	sne.s32 s0, $0x0;
	s0 =	rddreg [dreg:$0x1]  }
0x180: {  	s0 =	sadd.s32 @!p0 $0x100000, s0  }
0x181: {  	[sflag:s0] =	ssyncadd.tile.s32 @!p0 $0x1;
	_ =	shalt  }
.Lfunc_end2:
_tile_overlayer_lowered:
.L_overlay_start_2:
0x182: {  	(tag) =	ssettag $0x2  }
0x183: {  	s0 =	rddreg [dreg:$0x0];
	s2 =	stileid.u32  }
0x184: {  	s1 =	rddreg [dreg:$0x1];
	p0 =	sne.s32 s2, $0x0  }
0x185: {  	s3 =	rddreg [dreg:$0x2];
	[bflag:$0x3] =	sbarrier.arrive $0xFFFF;
	s2 =	simm.s32 @!p0 $0x1C05  }
0x186: {  	[timem:s3], [sflag:s2] =	dma.local @!p0 [hbm:s0], s1  }
0x187: {  	s0 =	simm.s32 @!p0 $0x5  }
0x188: {  	_ =	swait.ge @!p0 [sflag:s0], s1  }
0x189: {  	s1 =	ssub.s32 @!p0 $0x0, s1;
	[sflag:s0] =	ssyncset.done @!p0 $0x0  }
0x18a: {  	[sflag:s0] =	ssyncadd.s32 @!p0 s1  }
0x18b: {  	[bflag:$0x3] =	sbarrier.arrive $0xFFFF  }
0x18c: {  	_ =	shalt  }

// kernel: kernel.32.cloned.1.call-start
scs
__scs_entry_jumppad:
0x0: {  	(pc) =	sbr.rel $0x88, $3  }
0x1: {  	(tag) =	ssettag $0x0;
	lr =	simm.s32 $0x1  }
0x2: {  	[smem:$0x3F61] =	sst lr;
	_ =	strace $0xD0000000  }
0x3: {  	_ = 	snop  }
0x4: {  	_ = 	snop  }
0x5: {  	_ = 	snop  }
0x6: {  	_ = 	snop  }
0x7: {  	_ = 	snop  }
__scs_overlays_trampoline_lowered:
0x8: {  	[smem:$0x3F70] =	sst s0  }
0x9: {  	[smem:$0x3F71] =	sst s1  }
0xa: {  	[smem:$0x3F72] =	sst s2  }
0xb: {  	[smem:$0x3F73] =	sst s3  }
0xc: {  	[smem:$0x3F74] =	sst s4  }
0xd: {  	[smem:$0x3F75] =	sst s5  }
0xe: {  	[smem:$0x3F76] =	sst s6  }
0xf: {  	[smem:$0x3F77] =	sst s7  }
0x10: {  	[smem:$0x3F78] =	sst s8  }
0x11: {  	[smem:$0x3F79] =	sst s9;
	s0 =	simm.s32 @!p0 $0x0  }
0x12: {  	s1 =	sld [smem:$0x3F5F];
	s0 =	simm.s32 @p0 $0x1  }
0x13: {  	[smem:$0x3F7A] =	sst s0;
	s0 =	simm.s32 @!p1 $0x0  }
0x14: {  	s2 =	sld [smem:$0x3F5E];
	s0 =	simm.s32 @p1 $0x1  }
0x15: {  	[smem:$0x3F7B] =	sst s0;
	s0 =	simm.s32 @!p2 $0x0  }
0x16: {  	s3 =	sld [smem:$0x3FDB];
	s0 =	simm.s32 @p2 $0x1  }
0x17: {  	s4 =	simm.s32 $0x1BF5;
	[smem:$0x3F7D] =	sst s0  }
0x18: {  	s0 =	sld [smem:$0x3F60];
	_ =	swait.ge [sflag:s4], $0x0  }
0x19: {  	s7 =	sld [smem:$0x3F61]  }
0x1a: {  	s8 =	sadd.s32 $0xFFFFE003, lr  }
0x1b: {  	s9 =	sadd.s32 $0xFFFFFEF7, lr;
	s5 =	simm.s32 $0xFFFFFFFF;
	p2 =	slt.u32 s8, $0xFFFFF086  }
0x1c: {  	p1 =	slt.u32 s9, $0xF7A;
	s5 =	simm.s32 @!p2 $0x0  }
0x1d: {  	s5 =	simm.s32 @p1 $0x1;
	p0 =	seq.s32 s7, s2  }
0x1e: {  	s7 =	smul.u32 @!p0 $0xF7A, s2;
	p2 =	seq.s32 @!p0 s5, $0x0  }
0x1f: {  	s9 =	smul.u32 $0xF7A, s1;
	s8 =	simm.s32 @!p0 $0x1BF5;
	p2 =	por !p2, p0  }
0x20: {  	[sflag:s8] =	ssyncset.s32 @!p0 $0xFFFFF086;
	s6 =	sadd.s32 @!p0 s3, s7;
	s7 =	simm.s32 @!p0 $0x108  }
0x21: {  	s3 =	sadd.s32 s3, s9;
	s6 =	sadd.s32 @!p0 $0x88, s6;
	s7 =	simm.s32 @p2 $0x1082  }
0x22: {  	[simem:s7], [sflag:s8] =	dma.local @!p0 [hbm:s6], $0xF7A  }
0x23: {  	s9 =	sor.u32 $0xD0000000, s2;
	s6 =	simm.s32 $0x108;
	_ =	swait.ge @!p0 [sflag:s8], $0x0  }
0x24: {  	s3 =	sadd.s32 $0x88, s3;
	s6 =	simm.s32 @!p1 $0x1082;
	[sflag:s4] =	ssyncset.s32 $0xFFFFF086  }
0x25: {  	[simem:s6], [sflag:s4] =	dma.local [hbm:s3], $0xF7A  }
0x26: {  	[smem:$0x3F61] =	sst s1;
	(tag) =	ssettag s2;
	_ =	strace s9  }
0x27: {  	s1 =	sld [smem:$0x3F71]  }
0x28: {  	s2 =	sld [smem:$0x3F72]  }
0x29: {  	s4 =	sld [smem:$0x3F74]  }
0x2a: {  	p0 =	seq.s32 s5, $0x0;
	s5 =	sld [smem:$0x3F75]  }
0x2b: {  	s6 =	sld [smem:$0x3F76]  }
0x2c: {  	s7 =	sld [smem:$0x3F77]  }
0x2d: {  	s3 =	simm.s32 $0x108;
	s8 =	sld [smem:$0x3F78]  }
0x2e: {  	s3 =	simm.s32 @!p0 $0x1082;
	s9 =	sld [smem:$0x3F79]  }
0x2f: {  	lr =	sadd.s32 s0, s3;
	s0 =	sld [smem:$0x3F70]  }
0x30: {  	s3 =	sld [smem:$0x3F73]  }
0x31: {  	[smem:$0x3F7C] =	sst s10  }
0x32: {  	s10 =	sld [smem:$0x3F7A];
	_ =	sdelay $0x3  }
0x33: {  	p0 =	seq.s32 s10, $0x1;
	s10 =	sld [smem:$0x3F7C];
	_ =	sdelay $0x3  }
0x34: {  	[smem:$0x3F7C] =	sst s10  }
0x35: {  	s10 =	sld [smem:$0x3F7B];
	_ =	sdelay $0x3  }
0x36: {  	p1 =	seq.s32 s10, $0x1;
	s10 =	sld [smem:$0x3F7C];
	_ =	sdelay $0x3  }
0x37: {  	[smem:$0x3F7C] =	sst s10  }
0x38: {  	s10 =	sld [smem:$0x3F7D]  }
0x39: {  	_ = 	snop;
	(pc) =	sbr.ind lr, $3  }
0x3a: {  	_ = 	snop  }
0x3b: {  	_ = 	snop  }
0x3c: {  	p2 =	seq.s32 s10, $0x1;
	s10 =	sld [smem:$0x3F7C]  }
0x3d: {  	_ =	shalt  }
0x3e: {  	_ =	shalt  }
0x3f: {  	_ =	shalt  }
0x40: {  	_ =	shalt  }
0x41: {  	_ =	shalt  }
0x42: {  	_ =	shalt  }
0x43: {  	_ =	shalt  }
0x44: {  	_ =	shalt  }
0x45: {  	_ =	shalt  }
0x46: {  	_ =	shalt  }
0x47: {  	_ =	shalt  }
0x48: {  	_ =	shalt  }
0x49: {  	_ =	shalt  }
0x4a: {  	_ =	shalt  }
0x4b: {  	_ =	shalt  }
0x4c: {  	_ =	shalt  }
0x4d: {  	_ =	shalt  }
0x4e: {  	_ =	shalt  }
0x4f: {  	_ =	shalt  }
0x50: {  	_ =	shalt  }
0x51: {  	_ =	shalt  }
0x52: {  	_ =	shalt  }
0x53: {  	_ =	shalt  }
0x54: {  	_ =	shalt  }
0x55: {  	_ =	shalt  }
0x56: {  	_ =	shalt  }
0x57: {  	_ =	shalt  }
0x58: {  	_ =	shalt  }
0x59: {  	_ =	shalt  }
0x5a: {  	_ =	shalt  }
0x5b: {  	_ =	shalt  }
0x5c: {  	_ =	shalt  }
0x5d: {  	_ =	shalt  }
0x5e: {  	_ =	shalt  }
0x5f: {  	_ =	shalt  }
0x60: {  	_ =	shalt  }
0x61: {  	_ =	shalt  }
0x62: {  	_ =	shalt  }
0x63: {  	_ =	shalt  }
0x64: {  	_ =	shalt  }
0x65: {  	_ =	shalt  }
0x66: {  	_ =	shalt  }
0x67: {  	_ =	shalt  }
0x68: {  	_ =	shalt  }
0x69: {  	_ =	shalt  }
0x6a: {  	_ =	shalt  }
0x6b: {  	_ =	shalt  }
0x6c: {  	_ =	shalt  }
0x6d: {  	_ =	shalt  }
0x6e: {  	_ =	shalt  }
0x6f: {  	_ =	shalt  }
0x70: {  	_ =	shalt  }
0x71: {  	_ =	shalt  }
0x72: {  	_ =	shalt  }
0x73: {  	_ =	shalt  }
0x74: {  	_ =	shalt  }
0x75: {  	_ =	shalt  }
0x76: {  	_ =	shalt  }
0x77: {  	_ =	shalt  }
0x78: {  	_ =	shalt  }
0x79: {  	_ =	shalt  }
0x7a: {  	_ =	shalt  }
0x7b: {  	_ =	shalt  }
0x7c: {  	_ =	shalt  }
0x7d: {  	_ =	shalt  }
0x7e: {  	_ =	shalt  }
0x7f: {  	_ =	shalt  }
0x80: {  	_ =	shalt  }
0x81: {  	_ =	shalt  }
0x82: {  	_ =	shalt  }
0x83: {  	_ =	shalt  }
0x84: {  	_ =	shalt  }
0x85: {  	_ =	shalt  }
0x86: {  	_ =	shalt  }
0x87: {  	_ =	shalt  }
.Lfunc_end0:
.L_simem_size_0:
called_computation.4_lowered:
.L_overlay_start_0:
0x88: {  	s2 =	sld [smem:$0x3FD9]  }
0x89: {  	s3 =	sld [smem:$0x3FFE];
	_ =	sdelay $0x1  }
0x8a: {  	s1 =	srdreg.scid  }
0x8b: {  	s0 =	sand.u32 $0x1, s1  }
0x8c: {  	s16 =	sshll.u32 s0, $0xA;
	s2 =	sadd.s32 s3, s2  }
0x8d: {  	s2 =	sadd.s32 s2, s16  }
0x8e: {  	[smem:$0x3F88] =	sst s2  }
0x8f: {  	_ = 	snop  }
0x90: {  	(tm) =	ssettm $0x1  }
0x91: {  	s17 =	sld [smem:$0x3FFB];
	_ =	sdelay $0x3  }
0x92: {  	_ =	strace s17  }
0x93: {  	s2 =	sld [smem:$0x3FFC];
	_ =	sdelay $0x3  }
0x94: {  	_ =	strace s2  }
0x95: {  	s2 =	sld [smem:$0x3FFD];
	_ =	sdelay $0x3  }
0x96: {  	_ =	strace s2  }
0x97: {  	_ =	strace $0x8FFFFFFF  }
0x98: {  	s18 =	sld [smem:$0x3FDB];
	_ =	sdelay $0x1  }
0x99: {  	s19 =	simm.s32 $_scs_section_size  }
0x9a: {  	s4 =	simm.s32 $_size__tile_overlayer_lowered;
	s5 =	simm.s32 $_tile_overlayer_lowered  }
0x9b: {  	s22 =	simm.s32 $0x1BFF;
	s21 =	sshll.u32 s5, $0x1;
	s2 =	sadd.s32 s19, s18  }
0x9c: {  	s6 =	simm.s32 $0x0;
	s20 =	sshll.u32 s4, $0x1;
	s4 =	sadd.s32 s21, s2  }
0x9d: {  	[timem:s6], [sflag:s22] =	dma.local [hbm:s4], s20  }
0x9e: {  	_ =	swait.ge [sflag:s22], s20  }
0x9f: {  	s3 =	ssub.s32 $0x0, s20;
	[sflag:s22] =	ssyncset.done $0x0  }
0xa0: {  	[sflag:s22] =	ssyncadd.s32 s3;
	_ =	sdelay $0x1  }
0xa1: {  	s23 =	simm.s32 $0x1B8B  }
0xa2: {  	_ =	swait.ge [sflag:s23], $0x1  }
0xa3: {  	[sflag:s23] =	ssyncset.done $0x0  }
0xa4: {  	s25 =	simm.s32 $0x1B8E;
	s24 =	sld [smem:$0x3FFE];
	[sflag:s23] =	ssyncadd.s32 $0xFFFFFFFF  }
0xa5: {  	s26 =	simm.s32 $execute0_lowered;
	[smem:$0x3FD2] =	sst s25  }
0xa6: {  	s4 =	sshll.u32 s26, $0x1;
	_ =	strace $0x80000052;
	[dreg:$0x1] =	wrdreg $0xFFFFFFFF  }
0xa7: {  	s28 =	simm.s32 $_size_execute0_lowered;
	s2 =	sadd.s32 s2, s4;
	[dreg:$0x0] =	wrdreg $0x0  }
0xa8: {  	s4 =	sshll.u32 s28, $0x1;
	[dreg:$0x2] =	wrdreg s2  }
0xa9: {  	[dreg:$0x3] =	wrdreg s4  }
0xaa: {  	[dreg:$0x4] =	wrdreg $0xC0  }
0xab: {  	_ =	task [dreg:s6], $0x5FFFF  }
0xac: {  	[dreg:$0x1] =	wrdreg $0xFFFFFFFF  }
0xad: {  	[dreg:$0x0] =	wrdreg $0x60  }
0xae: {  	[dreg:$0x2] =	wrdreg s24  }
0xaf: {  	[dreg:$0x3] =	wrdreg $0x40800  }
0xb0: {  	[dreg:$0x4] =	wrdreg $0x9  }
0xb1: {  	_ =	task.clear_ibuf [dreg:s6], $0x5FFFF;
	_ =	strace $0x90000052  }
0xb2: {  	s29 =	simm.s32 $0x9;
	_ =	strace $0x80000054  }
0xb3: {  	_ =	swait.ge [sflag:s29], $0x1  }
0xb4: {  	[sflag:s29] =	ssyncadd.s32 $0xFFFFFFFF  }
0xb5: {  	_ =	strace $0x90000054  }
0xb6: {  	_ =	sfence  }
0xb7: {  	s30 =	sld [smem:$0x0];
	_ =	sdelay $0x2  }
0xb8: {  	s31 =	sshll.u32 s1, $0xD;
	s1 =	sshrl.u32 s1, $0x2  }
0xb9: {  	s3 =	sand.u32 $0x4000, s31;
	s1 =	sadd.s32 s1, s30  }
0xba: {  	s0 =	sor.u32 s3, s0;
	s1 =	sshll.u32 s1, $0x11  }
0xbb: {  	s0 =	sor.u32 s1, s0  }
0xbc: {  	s0 =	sadd.s32 $0x8F2B, s0  }
0xbd: {  	[sflag:s0] =	ssyncadd.remote.s32 $0x1  }
0xbe: {  	_ =	sfence.sel $0xFFFF  }
0xbf: {  	[dreg:$0x0] =	wrdreg $0xFFFFFFFF;
	(pc) =	sbr.abs _section_cstart, $3  }
0xc0: {  	[dreg:$0x1] =	wrdreg $0xFFFFFFFF  }
0xc1: {  	_ =	task.clear_ibuf [dreg:s6], $0x2FFFF;
	_ =	strace $0x9FFFFFFF  }
0xc2: {  	(tm) =	ssettm $0x7FFFFFFF  }
0xc3: {  	_ =	shalt  }
tec
execute0_lowered:
.L_overlay_start_1:
0x0: {  	(tag) =	ssettag $0x1  }
0x1: {  	s4 =	rddreg [dreg:$0x0]  }
0x2: {  	s2 =	rddreg [dreg:$0x1]  }
0x3: {  	s1 =	stileid.u32;
	s0 =	rddreg [dreg:$0x2];
	s3 =	simm.s32 $0x0  }
0x4: {  	s8 =	srdreg.scid;
	s14 =	simm.s32 $0x400;
	s5 =	smul.u32 $0x50000, s1  }
0x5: {  	s15 =	simm.s32 $0x800;
	s16 =	simm.s32 $0x80;
	s6 =	smul.u32 $0x500, s1  }
0x6: {  	s17 =	simm.s32 $0x8;
	s18 =	simm.s32 $0x100;
	s7 =	smul.u32 $0x2800, s1  }
0x7: {  	s19 =	simm.s32 $0x0;
	[smem:$0x7FF] =	sst s3;
	s9 =	smul.u32 $0x5000, s1  }
0x8: {  	s12 =	sand.u32 $0x1, s8;
	s30 =	sshll.u32 s1, $0x6;
	_ =	strace $0x80000053  }
0x9: {  	s25 =	ssub.s32 $0x2, s12;
	p0 =	sne.s32 s12, $0x0;
	s10 =	sadd.s32 s5, s4  }
0xa: {  	s11 =	sadd.s32 s6, s4;
	s7 =	sadd.s32 s7, s4;
	s26 =	sadd.s32 s9, s4  }
.Ltmp0:
0xb: {  	s31 =	sshrl.u32 s5, $0x2;
	s5 =	sor.u32 $0x1C01, s30;
	(pc) =	sbr.rel .LBB2_1-.Ltmp0, $4  }
0xc: {  	s28 =	sshrl.u32 s25, $0x1;
	s4 =	sadd.s32 $0x103F800, s7;
	s6 =	sadd.s32 $0x10B7880, s26  }
0xd: {  	s29 =	ssub.s32 s25, s28;
	s7 =	sadd.s32 $0x10B7800, s26;
	s8 =	sadd.s32 $0xA27800, s10  }
0xe: {  	s13 =	sadd.s32 s31, s2;
	s10 =	sadd.s32 $0xA27880, s10;
	s11 =	sadd.s32 $0xE800, s11  }
0xf: {  	s9 =	smax.u32 s29, $0x1;
	s12 =	sshrl.u32 s13, $0x3;
	s13 =	simm.s32 $0x1  }
.LBB2_7:
0x10: {  	s21 =	sadd.s32 s21, s11;
	[sflag:s13] =	ssyncadd.s32 $0xFFFFC000  }
0x11: {  	[tilespmem:s3], [sflag:$0x1] =	stream.linear.gather [hbm4b:s21+s3], $0x80, $0x38;
	[tilespmem:$0x18080] =	vst v63  }
0x12: {  	_ =	swait.ge [sflag:s13], $0x80  }
0x13: {  	[sflag:s13] =	ssyncset.done $0x0  }
0x14: {  	[sflag:s13] =	ssyncadd.s32 $0xFFFFFF80  }
0x15: {  	[tilespmem:s16], [sflag:$0x1] =	stream.strided.gather [hbm4b:s20+s14], $0x4000, s15, s14, $0x38;
	[tilespmem:$0x18080] =	vst v63  }
0x16: {  	_ =	swait.ge [sflag:s13], $0x4000  }
0x17: {  	[sflag:s13] =	ssyncset.done $0x0  }
0x18: {  	[sflag:s13] =	ssyncadd.s32 $0xFFFFC000  }
0x19: {  	[spmem:s2] =	stream.indirect.scatter.add.f32 [tilespmem:s16], [sflag:$0x1], $0x80, s3, s16, $0xb8;
	[tilespmem:$0x18080] =	vst v63  }
0x1a: {  	_ =	swait.ge [sflag:s13], $0x4000  }
0x1b: {  	[sflag:s13] =	ssyncset.done $0x0  }
0x1c: {  	s20 =	smov.u32 s6;
	[sflag:s13] =	ssyncadd.s32 $0xFFFFC000  }
.LBB2_8:
0x1d: {  	s19 =	sadd.s32 $0x1, s19  }
0x1e: {  	p1 =	sne.s32 s19, s9  }
.Ltmp1:
0x1f: {  	[bflag:$0x0] =	sbarrier.arrive $0xFFFF;
	(pc) =	sbr.rel @!p1 .LBB2_9-.Ltmp1, $4  }
0x20: {  	[hbm:s20@s18], [sflag:s5] =	dma.strided [spmem:s12@s16], $0x2800, s17, $0x10   }
0x21: {  	_ =	swait.ge [sflag:s13], $0x2800  }
0x22: {  	[sflag:s13] =	ssyncset.done $0x0  }
0x23: {  	[sflag:s13] =	ssyncadd.s32 $0xFFFFD800  }
.LBB2_1:
0x24: {  	[spmem:s12], [sflag:s5] =	dma.local [hbm:s4], $0x2800  }
.Ltmp2:
0x25: {  	_ =	swait.ge [sflag:s13], $0x2800;
	(pc) =	sbr.rel @p0 .LBB2_5-.Ltmp2, $4  }
0x26: {  	[sflag:s13] =	ssyncset.done $0x0  }
0x27: {  	[sflag:s13] =	ssyncadd.s32 $0xFFFFD800  }
0x28: {  	[bflag:$0x0] =	sbarrier.arrive $0xFFFF  }
0x29: {  	s20 =	sadd.s32 $0x0, s11  }
0x2a: {  	[tilespmem:s3], [sflag:$0x1] =	stream.linear.gather [hbm4b:s20+s3], $0x80, $0x38;
	[tilespmem:$0x18080] =	vst v63  }
0x2b: {  	_ =	swait.ge [sflag:s13], $0x80  }
0x2c: {  	[sflag:s13] =	ssyncset.done $0x0  }
0x2d: {  	[sflag:s13] =	ssyncadd.s32 $0xFFFFFF80  }
0x2e: {  	[tilespmem:s16], [sflag:$0x1] =	stream.strided.gather [hbm4b:s8+s14], $0x4000, s15, s14, $0x38;
	[tilespmem:$0x18080] =	vst v63  }
0x2f: {  	_ =	swait.ge [sflag:s13], $0x4000  }
0x30: {  	[sflag:s13] =	ssyncset.done $0x0  }
0x31: {  	[sflag:s13] =	ssyncadd.s32 $0xFFFFC000  }
0x32: {  	[spmem:s2] =	stream.indirect.scatter.add.f32 [tilespmem:s16], [sflag:$0x1], $0x80, s3, s16, $0xb8;
	[tilespmem:$0x18080] =	vst v63  }
0x33: {  	s21 =	simm.s32 $0x10;
	_ =	swait.ge [sflag:s13], $0x4000  }
0x34: {  	s22 =	simm.s32 $0x20;
	s20 =	sadd.s32 $0x1000, s8;
	[sflag:s13] =	ssyncset.done $0x0  }
.LBB2_3:
0x35: {  	s23 =	sadd.s32 s21, s11  }
0x36: {  	[sflag:s13] =	ssyncadd.s32 $0xFFFFC000;
	s21 =	smov.u32 s22;
	s24 =	sadd.s32 $0x10, s22  }
0x37: {  	[tilespmem:s3], [sflag:$0x1] =	stream.linear.gather [hbm4b:s23+s3], $0x80, $0x38;
	[tilespmem:$0x18080] =	vst v63  }
0x38: {  	p1 =	seq.s32 s22, $0x4F0;
	_ =	swait.ge [sflag:s13], $0x80  }
0x39: {  	[sflag:s13] =	ssyncset.done $0x0  }
0x3a: {  	[sflag:s13] =	ssyncadd.s32 $0xFFFFFF80  }
0x3b: {  	[tilespmem:s16], [sflag:$0x1] =	stream.strided.gather [hbm4b:s20+s14], $0x4000, s15, s14, $0x38;
	[tilespmem:$0x18080] =	vst v63  }
0x3c: {  	_ =	swait.ge [sflag:s13], $0x4000  }
.Ltmp3:
0x3d: {  	[sflag:s13] =	ssyncset.done $0x0;
	(pc) =	sbr.rel @!p1 .LBB2_3-.Ltmp3, $4  }
0x3e: {  	[sflag:s13] =	ssyncadd.s32 $0xFFFFC000  }
0x3f: {  	[spmem:s2] =	stream.indirect.scatter.add.f32 [tilespmem:s16], [sflag:$0x1], $0x80, s3, s16, $0xb8;
	[tilespmem:$0x18080] =	vst v63  }
0x40: {  	_ =	swait.ge [sflag:s13], $0x4000  }
0x41: {  	s22 =	smov.u32 s24;
	s20 =	sadd.s32 $0x1000, s20;
	[sflag:s13] =	ssyncset.done $0x0  }
0x42: {  	s21 =	sadd.s32 s21, s11;
	[sflag:s13] =	ssyncadd.s32 $0xFFFFC000  }
0x43: {  	[tilespmem:s3], [sflag:$0x1] =	stream.linear.gather [hbm4b:s21+s3], $0x80, $0x38;
	[tilespmem:$0x18080] =	vst v63  }
0x44: {  	_ =	swait.ge [sflag:s13], $0x80  }
0x45: {  	[sflag:s13] =	ssyncset.done $0x0  }
0x46: {  	[sflag:s13] =	ssyncadd.s32 $0xFFFFFF80  }
0x47: {  	[tilespmem:s16], [sflag:$0x1] =	stream.strided.gather [hbm4b:s20+s14], $0x4000, s15, s14, $0x38;
	[tilespmem:$0x18080] =	vst v63  }
0x48: {  	_ =	swait.ge [sflag:s13], $0x4000  }
0x49: {  	[sflag:s13] =	ssyncset.done $0x0  }
.Ltmp4:
0x4a: {  	[sflag:s13] =	ssyncadd.s32 $0xFFFFC000;
	(pc) =	sbr.rel .LBB2_8-.Ltmp4, $4  }
0x4b: {  	[spmem:s2] =	stream.indirect.scatter.add.f32 [tilespmem:s16], [sflag:$0x1], $0x80, s3, s16, $0xb8;
	[tilespmem:$0x18080] =	vst v63  }
0x4c: {  	_ =	swait.ge [sflag:s13], $0x4000  }
0x4d: {  	[sflag:s13] =	ssyncset.done $0x0  }
0x4e: {  	s20 =	smov.u32 s7;
	[sflag:s13] =	ssyncadd.s32 $0xFFFFC000  }
.LBB2_5:
0x4f: {  	[tilespmem:s3], [sflag:$0x1] =	stream.linear.gather [hbm4b:s20+s3], $0x80, $0x38;
	[tilespmem:$0x18080] =	vst v63  }
0x50: {  	_ =	swait.ge [sflag:s13], $0x80  }
0x51: {  	[sflag:s13] =	ssyncset.done $0x0  }
0x52: {  	[sflag:s13] =	ssyncadd.s32 $0xFFFFFF80  }
0x53: {  	[tilespmem:s16], [sflag:$0x1] =	stream.strided.gather [hbm4b:s10+s14], $0x4000, s15, s14, $0x38;
	[tilespmem:$0x18080] =	vst v63  }
0x54: {  	_ =	swait.ge [sflag:s13], $0x4000  }
0x55: {  	[sflag:s13] =	ssyncset.done $0x0  }
0x56: {  	[sflag:s13] =	ssyncadd.s32 $0xFFFFC000  }
0x57: {  	[spmem:s2] =	stream.indirect.scatter.add.f32 [tilespmem:s16], [sflag:$0x1], $0x80, s3, s16, $0xb8;
	[tilespmem:$0x18080] =	vst v63  }
0x58: {  	s21 =	simm.s32 $0x10;
	_ =	swait.ge [sflag:s13], $0x4000  }
0x59: {  	s22 =	simm.s32 $0x20;
	s20 =	sadd.s32 $0x1000, s10;
	[sflag:s13] =	ssyncset.done $0x0  }
.LBB2_6:
0x5a: {  	s23 =	sadd.s32 s21, s11  }
0x5b: {  	[sflag:s13] =	ssyncadd.s32 $0xFFFFC000;
	s21 =	smov.u32 s22;
	s24 =	sadd.s32 $0x10, s22  }
0x5c: {  	[tilespmem:s3], [sflag:$0x1] =	stream.linear.gather [hbm4b:s23+s3], $0x80, $0x38;
	[tilespmem:$0x18080] =	vst v63  }
0x5d: {  	p1 =	sne.s32 s22, $0x4F0;
	_ =	swait.ge [sflag:s13], $0x80  }
0x5e: {  	[sflag:s13] =	ssyncset.done $0x0  }
0x5f: {  	[sflag:s13] =	ssyncadd.s32 $0xFFFFFF80  }
0x60: {  	[tilespmem:s16], [sflag:$0x1] =	stream.strided.gather [hbm4b:s20+s14], $0x4000, s15, s14, $0x38;
	[tilespmem:$0x18080] =	vst v63  }
0x61: {  	_ =	swait.ge [sflag:s13], $0x4000  }
.Ltmp5:
0x62: {  	[sflag:s13] =	ssyncset.done $0x0;
	(pc) =	sbr.rel @p1 .LBB2_6-.Ltmp5, $4  }
0x63: {  	[sflag:s13] =	ssyncadd.s32 $0xFFFFC000  }
0x64: {  	[spmem:s2] =	stream.indirect.scatter.add.f32 [tilespmem:s16], [sflag:$0x1], $0x80, s3, s16, $0xb8;
	[tilespmem:$0x18080] =	vst v63  }
0x65: {  	_ =	swait.ge [sflag:s13], $0x4000  }
0x66: {  	s22 =	smov.u32 s24;
	s20 =	sadd.s32 $0x1000, s20;
	[sflag:s13] =	ssyncset.done $0x0  }
.Ltmp6:
0x67: {  	_ = 	snop;
	(pc) =	sbr.rel .LBB2_7-.Ltmp6, $1  }
0x68: {  	_ =	sdelay $0x3  }
.LBB2_9:
0x69: {  	_ =	sfence.sel $0x180000  }
0x6a: {  	[bflag:$0x0] =	sbarrier.arrive $0xFFFF  }
0x6b: {  	p0 =	sne.s32 s1, $0x0;
	_ =	strace $0x90000053  }
0x6c: {  	s0 =	sadd.s32 @!p0 $0x100000, s0;
	[bflag:$0x2] =	sbarrier.arrive $0xFFFF  }
0x6d: {  	[sflag:s0] =	ssyncadd.tile.s32 @!p0 $0x1;
	_ =	shalt  }
.Lfunc_end2:
_tile_overlayer_lowered:
.L_overlay_start_2:
0x6e: {  	(tag) =	ssettag $0x2  }
0x6f: {  	s0 =	rddreg [dreg:$0x0];
	s2 =	stileid.u32  }
0x70: {  	s1 =	rddreg [dreg:$0x1];
	p0 =	sne.s32 s2, $0x0  }
0x71: {  	s3 =	rddreg [dreg:$0x2];
	[bflag:$0x3] =	sbarrier.arrive $0xFFFF;
	s2 =	simm.s32 @!p0 $0x1C01  }
0x72: {  	[timem:s3], [sflag:s2] =	dma.local @!p0 [hbm:s0], s1  }
0x73: {  	s0 =	simm.s32 @!p0 $0x1  }
0x74: {  	_ =	swait.ge @!p0 [sflag:s0], s1  }
0x75: {  	s1 =	ssub.s32 @!p0 $0x0, s1;
	[sflag:s0] =	ssyncset.done @!p0 $0x0  }
0x76: {  	[sflag:s0] =	ssyncadd.s32 @!p0 s1  }
0x77: {  	[bflag:$0x3] =	sbarrier.arrive $0xFFFF  }
0x78: {  	_ =	shalt  }

// kernel: kernel.35.cloned.1.call-start
scs
__scs_entry_jumppad:
0x0: {  	(pc) =	sbr.rel $0x88, $3  }
0x1: {  	(tag) =	ssettag $0x0;
	lr =	simm.s32 $0x1  }
0x2: {  	[smem:$0x3F61] =	sst lr;
	_ =	strace $0xD0000000  }
0x3: {  	_ = 	snop  }
0x4: {  	_ = 	snop  }
0x5: {  	_ = 	snop  }
0x6: {  	_ = 	snop  }
0x7: {  	_ = 	snop  }
__scs_overlays_trampoline_lowered:
0x8: {  	[smem:$0x3F70] =	sst s0  }
0x9: {  	[smem:$0x3F71] =	sst s1  }
0xa: {  	[smem:$0x3F72] =	sst s2  }
0xb: {  	[smem:$0x3F73] =	sst s3  }
0xc: {  	[smem:$0x3F74] =	sst s4  }
0xd: {  	[smem:$0x3F75] =	sst s5  }
0xe: {  	[smem:$0x3F76] =	sst s6  }
0xf: {  	[smem:$0x3F77] =	sst s7  }
0x10: {  	[smem:$0x3F78] =	sst s8  }
0x11: {  	[smem:$0x3F79] =	sst s9;
	s0 =	simm.s32 @!p0 $0x0  }
0x12: {  	s1 =	sld [smem:$0x3F5F];
	s0 =	simm.s32 @p0 $0x1  }
0x13: {  	[smem:$0x3F7A] =	sst s0;
	s0 =	simm.s32 @!p1 $0x0  }
0x14: {  	s2 =	sld [smem:$0x3F5E];
	s0 =	simm.s32 @p1 $0x1  }
0x15: {  	[smem:$0x3F7B] =	sst s0;
	s0 =	simm.s32 @!p2 $0x0  }
0x16: {  	s3 =	sld [smem:$0x3FDB];
	s0 =	simm.s32 @p2 $0x1  }
0x17: {  	s4 =	simm.s32 $0x1BF5;
	[smem:$0x3F7D] =	sst s0  }
0x18: {  	s0 =	sld [smem:$0x3F60];
	_ =	swait.ge [sflag:s4], $0x0  }
0x19: {  	s7 =	sld [smem:$0x3F61]  }
0x1a: {  	s8 =	sadd.s32 $0xFFFFE003, lr  }
0x1b: {  	s9 =	sadd.s32 $0xFFFFFEF7, lr;
	s5 =	simm.s32 $0xFFFFFFFF;
	p2 =	slt.u32 s8, $0xFFFFF086  }
0x1c: {  	p1 =	slt.u32 s9, $0xF7A;
	s5 =	simm.s32 @!p2 $0x0  }
0x1d: {  	s5 =	simm.s32 @p1 $0x1;
	p0 =	seq.s32 s7, s2  }
0x1e: {  	s7 =	smul.u32 @!p0 $0xF7A, s2;
	p2 =	seq.s32 @!p0 s5, $0x0  }
0x1f: {  	s9 =	smul.u32 $0xF7A, s1;
	s8 =	simm.s32 @!p0 $0x1BF5;
	p2 =	por !p2, p0  }
0x20: {  	[sflag:s8] =	ssyncset.s32 @!p0 $0xFFFFF086;
	s6 =	sadd.s32 @!p0 s3, s7;
	s7 =	simm.s32 @!p0 $0x108  }
0x21: {  	s3 =	sadd.s32 s3, s9;
	s6 =	sadd.s32 @!p0 $0x88, s6;
	s7 =	simm.s32 @p2 $0x1082  }
0x22: {  	[simem:s7], [sflag:s8] =	dma.local @!p0 [hbm:s6], $0xF7A  }
0x23: {  	s9 =	sor.u32 $0xD0000000, s2;
	s6 =	simm.s32 $0x108;
	_ =	swait.ge @!p0 [sflag:s8], $0x0  }
0x24: {  	s3 =	sadd.s32 $0x88, s3;
	s6 =	simm.s32 @!p1 $0x1082;
	[sflag:s4] =	ssyncset.s32 $0xFFFFF086  }
0x25: {  	[simem:s6], [sflag:s4] =	dma.local [hbm:s3], $0xF7A  }
0x26: {  	[smem:$0x3F61] =	sst s1;
	(tag) =	ssettag s2;
	_ =	strace s9  }
0x27: {  	s1 =	sld [smem:$0x3F71]  }
0x28: {  	s2 =	sld [smem:$0x3F72]  }
0x29: {  	s4 =	sld [smem:$0x3F74]  }
0x2a: {  	p0 =	seq.s32 s5, $0x0;
	s5 =	sld [smem:$0x3F75]  }
0x2b: {  	s6 =	sld [smem:$0x3F76]  }
0x2c: {  	s7 =	sld [smem:$0x3F77]  }
0x2d: {  	s3 =	simm.s32 $0x108;
	s8 =	sld [smem:$0x3F78]  }
0x2e: {  	s3 =	simm.s32 @!p0 $0x1082;
	s9 =	sld [smem:$0x3F79]  }
0x2f: {  	lr =	sadd.s32 s0, s3;
	s0 =	sld [smem:$0x3F70]  }
0x30: {  	s3 =	sld [smem:$0x3F73]  }
0x31: {  	[smem:$0x3F7C] =	sst s10  }
0x32: {  	s10 =	sld [smem:$0x3F7A];
	_ =	sdelay $0x3  }
0x33: {  	p0 =	seq.s32 s10, $0x1;
	s10 =	sld [smem:$0x3F7C];
	_ =	sdelay $0x3  }
0x34: {  	[smem:$0x3F7C] =	sst s10  }
0x35: {  	s10 =	sld [smem:$0x3F7B];
	_ =	sdelay $0x3  }
0x36: {  	p1 =	seq.s32 s10, $0x1;
	s10 =	sld [smem:$0x3F7C];
	_ =	sdelay $0x3  }
0x37: {  	[smem:$0x3F7C] =	sst s10  }
0x38: {  	s10 =	sld [smem:$0x3F7D]  }
0x39: {  	_ = 	snop;
	(pc) =	sbr.ind lr, $3  }
0x3a: {  	_ = 	snop  }
0x3b: {  	_ = 	snop  }
0x3c: {  	p2 =	seq.s32 s10, $0x1;
	s10 =	sld [smem:$0x3F7C]  }
0x3d: {  	_ =	shalt  }
0x3e: {  	_ =	shalt  }
0x3f: {  	_ =	shalt  }
0x40: {  	_ =	shalt  }
0x41: {  	_ =	shalt  }
0x42: {  	_ =	shalt  }
0x43: {  	_ =	shalt  }
0x44: {  	_ =	shalt  }
0x45: {  	_ =	shalt  }
0x46: {  	_ =	shalt  }
0x47: {  	_ =	shalt  }
0x48: {  	_ =	shalt  }
0x49: {  	_ =	shalt  }
0x4a: {  	_ =	shalt  }
0x4b: {  	_ =	shalt  }
0x4c: {  	_ =	shalt  }
0x4d: {  	_ =	shalt  }
0x4e: {  	_ =	shalt  }
0x4f: {  	_ =	shalt  }
0x50: {  	_ =	shalt  }
0x51: {  	_ =	shalt  }
0x52: {  	_ =	shalt  }
0x53: {  	_ =	shalt  }
0x54: {  	_ =	shalt  }
0x55: {  	_ =	shalt  }
0x56: {  	_ =	shalt  }
0x57: {  	_ =	shalt  }
0x58: {  	_ =	shalt  }
0x59: {  	_ =	shalt  }
0x5a: {  	_ =	shalt  }
0x5b: {  	_ =	shalt  }
0x5c: {  	_ =	shalt  }
0x5d: {  	_ =	shalt  }
0x5e: {  	_ =	shalt  }
0x5f: {  	_ =	shalt  }
0x60: {  	_ =	shalt  }
0x61: {  	_ =	shalt  }
0x62: {  	_ =	shalt  }
0x63: {  	_ =	shalt  }
0x64: {  	_ =	shalt  }
0x65: {  	_ =	shalt  }
0x66: {  	_ =	shalt  }
0x67: {  	_ =	shalt  }
0x68: {  	_ =	shalt  }
0x69: {  	_ =	shalt  }
0x6a: {  	_ =	shalt  }
0x6b: {  	_ =	shalt  }
0x6c: {  	_ =	shalt  }
0x6d: {  	_ =	shalt  }
0x6e: {  	_ =	shalt  }
0x6f: {  	_ =	shalt  }
0x70: {  	_ =	shalt  }
0x71: {  	_ =	shalt  }
0x72: {  	_ =	shalt  }
0x73: {  	_ =	shalt  }
0x74: {  	_ =	shalt  }
0x75: {  	_ =	shalt  }
0x76: {  	_ =	shalt  }
0x77: {  	_ =	shalt  }
0x78: {  	_ =	shalt  }
0x79: {  	_ =	shalt  }
0x7a: {  	_ =	shalt  }
0x7b: {  	_ =	shalt  }
0x7c: {  	_ =	shalt  }
0x7d: {  	_ =	shalt  }
0x7e: {  	_ =	shalt  }
0x7f: {  	_ =	shalt  }
0x80: {  	_ =	shalt  }
0x81: {  	_ =	shalt  }
0x82: {  	_ =	shalt  }
0x83: {  	_ =	shalt  }
0x84: {  	_ =	shalt  }
0x85: {  	_ =	shalt  }
0x86: {  	_ =	shalt  }
0x87: {  	_ =	shalt  }
.Lfunc_end0:
.L_simem_size_0:
called_computation.5_lowered:
.L_overlay_start_0:
0x88: {  	s2 =	sld [smem:$0x3FD9]  }
0x89: {  	s3 =	sld [smem:$0x3FFE];
	_ =	sdelay $0x1  }
0x8a: {  	s1 =	srdreg.scid  }
0x8b: {  	s0 =	sand.u32 $0x1, s1  }
0x8c: {  	s16 =	sshll.u32 s0, $0xA;
	s2 =	sadd.s32 s3, s2  }
0x8d: {  	s2 =	sadd.s32 s2, s16  }
0x8e: {  	[smem:$0x3F88] =	sst s2  }
0x8f: {  	_ = 	snop  }
0x90: {  	(tm) =	ssettm $0x1  }
0x91: {  	s17 =	sld [smem:$0x3FFB];
	_ =	sdelay $0x3  }
0x92: {  	_ =	strace s17  }
0x93: {  	s2 =	sld [smem:$0x3FFC];
	_ =	sdelay $0x3  }
0x94: {  	_ =	strace s2  }
0x95: {  	s2 =	sld [smem:$0x3FFD];
	_ =	sdelay $0x3  }
0x96: {  	_ =	strace s2  }
0x97: {  	_ =	strace $0x8FFFFFFF  }
0x98: {  	s18 =	sld [smem:$0x3FDB];
	_ =	sdelay $0x1  }
0x99: {  	s19 =	simm.s32 $_scs_section_size  }
0x9a: {  	s4 =	simm.s32 $_size__tile_overlayer_lowered;
	s5 =	simm.s32 $_tile_overlayer_lowered  }
0x9b: {  	s22 =	simm.s32 $0x1BFF;
	s21 =	sshll.u32 s5, $0x1;
	s2 =	sadd.s32 s19, s18  }
0x9c: {  	s6 =	simm.s32 $0x0;
	s20 =	sshll.u32 s4, $0x1;
	s4 =	sadd.s32 s21, s2  }
0x9d: {  	[timem:s6], [sflag:s22] =	dma.local [hbm:s4], s20  }
0x9e: {  	_ =	swait.ge [sflag:s22], s20  }
0x9f: {  	s3 =	ssub.s32 $0x0, s20;
	[sflag:s22] =	ssyncset.done $0x0  }
0xa0: {  	[sflag:s22] =	ssyncadd.s32 s3;
	_ =	sdelay $0x1  }
0xa1: {  	s23 =	simm.s32 $0x1B8B  }
0xa2: {  	_ =	swait.ge [sflag:s23], $0x1  }
0xa3: {  	[sflag:s23] =	ssyncset.done $0x0  }
0xa4: {  	s25 =	simm.s32 $0x1B8E;
	s24 =	sld [smem:$0x3FFE];
	[sflag:s23] =	ssyncadd.s32 $0xFFFFFFFF  }
0xa5: {  	s26 =	simm.s32 $execute0_lowered;
	[smem:$0x3FD2] =	sst s25  }
0xa6: {  	s4 =	sshll.u32 s26, $0x1;
	_ =	strace $0x80000055;
	[dreg:$0x1] =	wrdreg $0xFFFFFFFF  }
0xa7: {  	s28 =	simm.s32 $_size_execute0_lowered;
	s2 =	sadd.s32 s2, s4;
	[dreg:$0x0] =	wrdreg $0x0  }
0xa8: {  	s4 =	sshll.u32 s28, $0x1;
	[dreg:$0x2] =	wrdreg s2  }
0xa9: {  	[dreg:$0x3] =	wrdreg s4  }
0xaa: {  	[dreg:$0x4] =	wrdreg $0xC0  }
0xab: {  	_ =	task [dreg:s6], $0x5FFFF  }
0xac: {  	[dreg:$0x1] =	wrdreg $0xFFFFFFFF  }
0xad: {  	[dreg:$0x0] =	wrdreg $0x60  }
0xae: {  	[dreg:$0x2] =	wrdreg s24  }
0xaf: {  	[dreg:$0x3] =	wrdreg $0x9  }
0xb0: {  	_ =	task.clear_ibuf [dreg:s6], $0x4FFFF;
	_ =	strace $0x90000055  }
0xb1: {  	s29 =	simm.s32 $0x9;
	_ =	strace $0x80000057  }
0xb2: {  	_ =	swait.ge [sflag:s29], $0x1  }
0xb3: {  	[sflag:s29] =	ssyncadd.s32 $0xFFFFFFFF  }
0xb4: {  	_ =	strace $0x90000057  }
0xb5: {  	_ =	sfence  }
0xb6: {  	s30 =	sld [smem:$0x0];
	_ =	sdelay $0x2  }
0xb7: {  	s31 =	sshll.u32 s1, $0xD;
	s1 =	sshrl.u32 s1, $0x2  }
0xb8: {  	s3 =	sand.u32 $0x4000, s31;
	s1 =	sadd.s32 s1, s30  }
0xb9: {  	s0 =	sor.u32 s3, s0;
	s1 =	sshll.u32 s1, $0x11  }
0xba: {  	s0 =	sor.u32 s1, s0  }
0xbb: {  	s0 =	sadd.s32 $0x8F2B, s0  }
0xbc: {  	[sflag:s0] =	ssyncadd.remote.s32 $0x1  }
0xbd: {  	_ =	sfence.sel $0xFFFF  }
0xbe: {  	[dreg:$0x0] =	wrdreg $0xFFFFFFFF;
	(pc) =	sbr.abs _section_cstart, $3  }
0xbf: {  	[dreg:$0x1] =	wrdreg $0xFFFFFFFF  }
0xc0: {  	_ =	task.clear_ibuf [dreg:s6], $0x2FFFF;
	_ =	strace $0x9FFFFFFF  }
0xc1: {  	(tm) =	ssettm $0x7FFFFFFF  }
tec
execute0_lowered:
.L_overlay_start_1:
0x0: {  	(tag) =	ssettag $0x1  }
0x1: {  	s0 =	srdreg.scid;
	s13 =	stileid.u32  }
0x2: {  	s1 =	rddreg [dreg:$0x0];
	s2 =	simm.s32 $0x0;
	s15 =	simm.s32 $0x5000  }
0x3: {  	s28 =	simm.s32 $0x11800;
	s30 =	simm.s32 $0x18000;
	s31 =	simm.s32 $0x18800  }
0x4: {  	s14 =	simm.s32 $0x1A000;
	s16 =	simm.s32 $0x2;
	s8 =	smul.u32 $0x50000, s13  }
0x5: {  	s17 =	simm.s32 $0x3;
	s0 =	sand.u32 $0x1, s0;
	s11 =	smul.u32 $0x500, s13  }
0x6: {  	s3 =	sshll.u32 s13, $0x1;
	s4 =	sadd.s32 $0x1107800, s1;
	s21 =	smul.u32 $0xA0000, s13  }
0x7: {  	[smem:$0x7FF] =	sst s2;
	s6 =	sadd.s32 $0x11F7800, s1;
	s12 =	smul.u32 $0x280, s0  }
0x8: {  	s9 =	sadd.s32 $0x27800, s1;
	s3 =	sor.u32 s0, s3;
	s19 =	smul.u32 $0x28000, s0  }
0x9: {  	_ =	strace $0x80000056;
	s7 =	ssub.s32 $0x2, s0;
	s0 =	smul.u32 $0x50000, s0  }
0xa: {  	s13 =	simm.s32 $0x5;
	s5 =	smul.u32 $0x500, s3;
	s3 =	sadd.s32 $0x11A7800, s1  }
0xb: {  	s10 =	sshrl.u32 s7, $0x1;
	s8 =	sadd.s32 s8, s6;
	s23 =	sadd.s32 s21, s9  }
0xc: {  	s10 =	ssub.s32 s7, s10;
	s7 =	sadd.s32 $0x1107900, s1;
	s22 =	sadd.s32 s12, s11  }
0xd: {  	s0 =	sadd.s32 s0, s23;
	s23 =	simm.s32 $0x9000;
	s11 =	simm.s32 $0x11000  }
0xe: {  	s12 =	simm.s32 $0x1;
	s5 =	sadd.s32 s5, s1;
	s20 =	smax.u32 s10, $0x1  }
0xf: {  	s10 =	sor.u32 $0x8, s22;
	s1 =	sadd.s32 s19, s8;
	[dreg:$0x6] =	wrdreg s0  }
0x10: {  	s22 =	simm.s32 $0x15000;
	s8 =	simm.s32 $0x1B800;
	[dreg:$0x4] =	wrdreg s20  }
0x11: {  	s18 =	sadd.s32 $0x13800, s5;
	s5 =	sadd.s32 $0x1D800, s5;
	[dreg:$0x5] =	wrdreg s1  }
0x12: {  	s24 =	sshrl.u32 s10, $0x3;
	s1 =	simm.s32 $0x19000;
	s10 =	simm.s32 $0x1C800  }
.Ltmp0:
0x13: {  	s20 =	simm.s32 $0x0;
	[dreg:$0x2] =	wrdreg s18;
	(pc) =	sbr.rel .LBB2_1-.Ltmp0, $4  }
0x14: {  	[dreg:$0x3] =	wrdreg s5;
	s25 =	sshll.u32 s24, $0xB;
	s26 =	sshll.u32 s24, $0xC  }
0x15: {  	v2 =	vlaneseq.u32;
	s5 =	simm.s32 $0x1A800;
	s18 =	simm.s32 $0x4;
	s0 =	sadd.s32 s25, s6  }
0x16: {  	vm0 =	vmmov $0xffff;
	v1 =	vshrl.u32 v2, $0x3;
	s29 =	sadd.s32 s26, s9;
	s6 =	simm.s32 $0x1B000;
	[dreg:$0x7] =	wrdreg s0  }
0x17: {  	v0 =	vand.u32 $0x7, v2;
	v2 =	vor.u32 $0x8, v2;
	v1 =	vmul.u32 $0x8, v1;
	s9 =	simm.s32 $0x1C000;
	[dreg:$0x8] =	wrdreg s29;
	s0 =	simm.s32 $0x19800  }
.LBB2_5:
0x18: {  	s20 =	rddreg [dreg:$0x9]  }
0x19: {  	s19 =	rddreg [dreg:$0x4];
	s20 =	sadd.s32 $0x1, s20  }
0x1a: {  	p0 =	sne.s32 s20, s19  }
.Ltmp1:
0x1b: {  	_ = 	snop;
	(pc) =	sbr.rel @!p0 .LBB2_6-.Ltmp1, $1  }
0x1c: {  	_ =	sdelay $0x3  }
.LBB2_1:
0x1d: {  	[dreg:$0x9] =	wrdreg s20  }
0x1e: {  	s19 =	rddreg [dreg:$0x2]  }
0x1f: {  	[tilespmem:s2], [sflag:$0x5] =	stream.linear.gather [hbm4b:s19+s2], $0x2800, $0x38;
	[tilespmem:$0x1D000] =	vst v63  }
0x20: {  	_ =	swait.ge [sflag:s13], $0x2800  }
0x21: {  	[sflag:s13] =	ssyncset.done $0x0  }
0x22: {  	s21 =	simm.s32 $0x2800;
	s20 =	rddreg [dreg:$0x3];
	[sflag:s13] =	ssyncadd.s32 $0xFFFFD800  }
0x23: {  	[tilespmem:s21], [sflag:$0x5] =	stream.linear.gather [hbm4b:s20+s2], $0x2800, $0x38;
	[tilespmem:$0x1D000] =	vst v63  }
0x24: {  	_ =	swait.ge [sflag:s13], $0x2800  }
0x25: {  	[sflag:s13] =	ssyncset.done $0x0  }
0x26: {  	[sflag:s13] =	ssyncadd.s32 $0xFFFFD800  }
0x27: {  	v3 =	vld [tilespmem:$0x0];
	_ =	sdelay $0x4  }
0x28: {  	v4 =	vshll.u32 v3, $0x1  }
0x29: {  	v3 =	vand.u32 $0x7, v3;
	v4 =	vand.u32 $0xFFFFFFF0, v4  }
0x2a: {  	v3 =	vor.u32 v3, v4  }
0x2b: {  	v4 =	vperm.xlane v3, v0;
	_ =	sdelay $0x1  }
0x2c: {  	v3 =	vperm.xlane v3, v2;
	v4 =	vadd.s32 v1, v4;
	_ =	sdelay $0x1  }
0x2d: {  	v3 =	vadd.s32 v1, v3;
	_ =	sdelay $0x2  }
0x2e: {  	[tilespmem:s15], [sflag:$0x1] =	stream.indirect_vreg.gather [hbm4b:s3+s2], $0x80, v4, vm0, $0xb8;
	[tilespmem:$0x1D000] =	vst v63  }
0x2f: {  	s24 =	simm.s32 $0x5800  }
0x30: {  	[tilespmem:s24], [sflag:$0x1] =	stream.indirect_vreg.gather [hbm4b:s3+s2], $0x80, v3, vm0, $0xb8;
	[tilespmem:$0x1D000] =	vst v63  }
0x31: {  	v3 =	vld [tilespmem:$0x10];
	_ =	sdelay $0x4  }
0x32: {  	v57 =	vshll.u32 v3, $0x1  }
0x33: {  	v3 =	vand.u32 $0x7, v3;
	v4 =	vand.u32 $0xFFFFFFF0, v57  }
0x34: {  	v3 =	vor.u32 v3, v4  }
0x35: {  	v4 =	vperm.xlane v3, v0;
	_ =	sdelay $0x1  }
0x36: {  	v3 =	vperm.xlane v3, v2;
	v4 =	vadd.s32 v1, v4;
	_ =	sdelay $0x1  }
0x37: {  	v3 =	vadd.s32 v1, v3;
	_ =	sdelay $0x1  }
0x38: {  	s25 =	simm.s32 $0x6000  }
0x39: {  	[tilespmem:s25], [sflag:$0x1] =	stream.indirect_vreg.gather [hbm4b:s3+s2], $0x80, v4, vm0, $0xb8;
	[tilespmem:$0x1D000] =	vst v63  }
0x3a: {  	s26 =	simm.s32 $0x6800  }
0x3b: {  	[tilespmem:s26], [sflag:$0x1] =	stream.indirect_vreg.gather [hbm4b:s3+s2], $0x80, v3, vm0, $0xb8;
	[tilespmem:$0x1D000] =	vst v63  }
0x3c: {  	v3 =	vld [tilespmem:$0x20];
	_ =	sdelay $0x4  }
0x3d: {  	v58 =	vshll.u32 v3, $0x1  }
0x3e: {  	v3 =	vand.u32 $0x7, v3;
	v4 =	vand.u32 $0xFFFFFFF0, v58  }
0x3f: {  	v3 =	vor.u32 v3, v4  }
0x40: {  	v4 =	vperm.xlane v3, v0;
	_ =	sdelay $0x1  }
0x41: {  	v3 =	vperm.xlane v3, v2;
	v4 =	vadd.s32 v1, v4;
	_ =	sdelay $0x1  }
0x42: {  	v3 =	vadd.s32 v1, v3;
	_ =	sdelay $0x1  }
0x43: {  	s29 =	simm.s32 $0x7000  }
0x44: {  	[tilespmem:s29], [sflag:$0x1] =	stream.indirect_vreg.gather [hbm4b:s3+s2], $0x80, v4, vm0, $0xb8;
	[tilespmem:$0x1D000] =	vst v63  }
0x45: {  	s20 =	simm.s32 $0x7800  }
0x46: {  	[tilespmem:s20], [sflag:$0x1] =	stream.indirect_vreg.gather [hbm4b:s3+s2], $0x80, v3, vm0, $0xb8;
	[tilespmem:$0x1D000] =	vst v63  }
0x47: {  	v3 =	vld [tilespmem:$0x30];
	_ =	sdelay $0x4  }
0x48: {  	v59 =	vshll.u32 v3, $0x1  }
0x49: {  	v3 =	vand.u32 $0x7, v3;
	v4 =	vand.u32 $0xFFFFFFF0, v59  }
0x4a: {  	v3 =	vor.u32 v3, v4  }
0x4b: {  	v4 =	vperm.xlane v3, v0;
	_ =	sdelay $0x1  }
0x4c: {  	v3 =	vperm.xlane v3, v2;
	v4 =	vadd.s32 v1, v4;
	_ =	sdelay $0x1  }
0x4d: {  	v3 =	vadd.s32 v1, v3;
	_ =	sdelay $0x1  }
0x4e: {  	s21 =	simm.s32 $0x8000  }
0x4f: {  	[tilespmem:s21], [sflag:$0x1] =	stream.indirect_vreg.gather [hbm4b:s3+s2], $0x80, v4, vm0, $0xb8;
	[tilespmem:$0x1D000] =	vst v63  }
0x50: {  	s24 =	simm.s32 $0x8800  }
0x51: {  	[tilespmem:s24], [sflag:$0x1] =	stream.indirect_vreg.gather [hbm4b:s3+s2], $0x80, v3, vm0, $0xb8;
	[tilespmem:$0x1D000] =	vst v63  }
0x52: {  	v3 =	vld [tilespmem:$0x2800];
	_ =	sdelay $0x4  }
0x53: {  	v60 =	vshll.u32 v3, $0x2  }
0x54: {  	v3 =	vand.u32 $0x7, v3;
	v4 =	vand.u32 $0xFFFFFFE0, v60  }
0x55: {  	v3 =	vor.u32 v3, v4  }
0x56: {  	v4 =	vperm.xlane v3, v0;
	_ =	sdelay $0x1  }
0x57: {  	v4 =	vadd.s32 v1, v4;
	_ =	sdelay $0x1  }
0x58: {  	v3 =	vperm.xlane v3, v2;
	_ =	sdelay $0x1  }
0x59: {  	v3 =	vadd.s32 v1, v3  }
0x5a: {  	[tilespmem:s23], [sflag:$0x2] =	stream.indirect_vreg.gather [hbm4b:s4+s2], $0x80, v4, vm0, $0xb8;
	[tilespmem:$0x1D000] =	vst v63  }
0x5b: {  	s25 =	simm.s32 $0x9800  }
0x5c: {  	[tilespmem:s25], [sflag:$0x2] =	stream.indirect_vreg.gather [hbm4b:s7+s2], $0x80, v4, vm0, $0xb8;
	[tilespmem:$0x1D000] =	vst v63  }
0x5d: {  	s26 =	simm.s32 $0xA000  }
0x5e: {  	[tilespmem:s26], [sflag:$0x2] =	stream.indirect_vreg.gather [hbm4b:s4+s2], $0x80, v3, vm0, $0xb8;
	[tilespmem:$0x1D000] =	vst v63  }
0x5f: {  	s29 =	simm.s32 $0xA800  }
0x60: {  	[tilespmem:s29], [sflag:$0x2] =	stream.indirect_vreg.gather [hbm4b:s7+s2], $0x80, v3, vm0, $0xb8;
	[tilespmem:$0x1D000] =	vst v63  }
0x61: {  	v3 =	vld [tilespmem:$0x2810];
	_ =	sdelay $0x4  }
0x62: {  	v61 =	vshll.u32 v3, $0x2  }
0x63: {  	v3 =	vand.u32 $0x7, v3;
	v4 =	vand.u32 $0xFFFFFFE0, v61  }
0x64: {  	v3 =	vor.u32 v3, v4  }
0x65: {  	v4 =	vperm.xlane v3, v0;
	_ =	sdelay $0x1  }
0x66: {  	v4 =	vadd.s32 v1, v4;
	_ =	sdelay $0x1  }
0x67: {  	v3 =	vperm.xlane v3, v2;
	_ =	sdelay $0x1  }
0x68: {  	s20 =	simm.s32 $0xB000;
	v3 =	vadd.s32 v1, v3  }
0x69: {  	[tilespmem:s20], [sflag:$0x2] =	stream.indirect_vreg.gather [hbm4b:s4+s2], $0x80, v4, vm0, $0xb8;
	[tilespmem:$0x1D000] =	vst v63  }
0x6a: {  	s21 =	simm.s32 $0xB800  }
0x6b: {  	[tilespmem:s21], [sflag:$0x2] =	stream.indirect_vreg.gather [hbm4b:s7+s2], $0x80, v4, vm0, $0xb8;
	[tilespmem:$0x1D000] =	vst v63  }
0x6c: {  	s24 =	simm.s32 $0xC000  }
0x6d: {  	[tilespmem:s24], [sflag:$0x2] =	stream.indirect_vreg.gather [hbm4b:s4+s2], $0x80, v3, vm0, $0xb8;
	[tilespmem:$0x1D000] =	vst v63  }
0x6e: {  	s25 =	simm.s32 $0xC800  }
0x6f: {  	[tilespmem:s25], [sflag:$0x2] =	stream.indirect_vreg.gather [hbm4b:s7+s2], $0x80, v3, vm0, $0xb8;
	[tilespmem:$0x1D000] =	vst v63  }
0x70: {  	v3 =	vld [tilespmem:$0x2820];
	_ =	sdelay $0x4  }
0x71: {  	v62 =	vshll.u32 v3, $0x2  }
0x72: {  	v3 =	vand.u32 $0x7, v3;
	v4 =	vand.u32 $0xFFFFFFE0, v62  }
0x73: {  	v3 =	vor.u32 v3, v4  }
0x74: {  	v4 =	vperm.xlane v3, v0;
	_ =	sdelay $0x1  }
0x75: {  	v4 =	vadd.s32 v1, v4;
	_ =	sdelay $0x1  }
0x76: {  	v3 =	vperm.xlane v3, v2;
	_ =	sdelay $0x1  }
0x77: {  	s26 =	simm.s32 $0xD000;
	v3 =	vadd.s32 v1, v3  }
0x78: {  	[tilespmem:s26], [sflag:$0x2] =	stream.indirect_vreg.gather [hbm4b:s4+s2], $0x80, v4, vm0, $0xb8;
	[tilespmem:$0x1D000] =	vst v63  }
0x79: {  	s29 =	simm.s32 $0xD800  }
0x7a: {  	[tilespmem:s29], [sflag:$0x2] =	stream.indirect_vreg.gather [hbm4b:s7+s2], $0x80, v4, vm0, $0xb8;
	[tilespmem:$0x1D000] =	vst v63  }
0x7b: {  	s20 =	simm.s32 $0xE000  }
0x7c: {  	[tilespmem:s20], [sflag:$0x2] =	stream.indirect_vreg.gather [hbm4b:s4+s2], $0x80, v3, vm0, $0xb8;
	[tilespmem:$0x1D000] =	vst v63  }
0x7d: {  	s21 =	simm.s32 $0xE800  }
0x7e: {  	[tilespmem:s21], [sflag:$0x2] =	stream.indirect_vreg.gather [hbm4b:s7+s2], $0x80, v3, vm0, $0xb8;
	[tilespmem:$0x1D000] =	vst v63  }
0x7f: {  	v3 =	vld [tilespmem:$0x2830];
	_ =	sdelay $0x4  }
0x80: {  	v63 =	vshll.u32 v3, $0x2  }
0x81: {  	v3 =	vand.u32 $0x7, v3;
	v4 =	vand.u32 $0xFFFFFFE0, v63  }
0x82: {  	v3 =	vor.u32 v3, v4  }
0x83: {  	v4 =	vperm.xlane v3, v0;
	_ =	sdelay $0x1  }
0x84: {  	v4 =	vadd.s32 v1, v4;
	_ =	sdelay $0x2  }
0x85: {  	v3 =	vperm.xlane v3, v2  }
0x86: {  	s24 =	simm.s32 $0xF000  }
0x87: {  	v3 =	vadd.s32 v1, v3;
	[tilespmem:s24], [sflag:$0x2] =	stream.indirect_vreg.gather [hbm4b:s4+s2], $0x80, v4, vm0, $0xb8;
	[tilespmem:$0x1D000] =	vst v63  }
0x88: {  	s19 =	rddreg [dreg:$0x8];
	s25 =	simm.s32 $0xF800  }
0x89: {  	[tilespmem:s25], [sflag:$0x2] =	stream.indirect_vreg.gather [hbm4b:s7+s2], $0x80, v4, vm0, $0xb8;
	[tilespmem:$0x1D000] =	vst v63  }
.Ltmp2:
0x8a: {  	s20 =	rddreg [dreg:$0x7];
	(pc) =	sbr.rel .LBB2_2-.Ltmp2, $4  }
0x8b: {  	s26 =	simm.s32 $0x10000;
	s21 =	rddreg [dreg:$0x6]  }
0x8c: {  	[tilespmem:s26], [sflag:$0x2] =	stream.indirect_vreg.gather [hbm4b:s4+s2], $0x80, v3, vm0, $0xb8;
	[tilespmem:$0x1D000] =	vst v63  }
0x8d: {  	s29 =	simm.s32 $0x10800;
	s24 =	rddreg [dreg:$0x5];
	s25 =	simm.s32 $0x0  }
0x8e: {  	[tilespmem:s29], [sflag:$0x2] =	stream.indirect_vreg.gather [hbm4b:s7+s2], $0x80, v3, vm0, $0xb8;
	[tilespmem:$0x1D000] =	vst v63  }
.LBB2_4:
0x8f: {  	_ =	swait.ge [sflag:s17], $0x4000  }
0x90: {  	[sflag:s17] =	ssyncset.done $0x0  }
0x91: {  	[sflag:s17] =	ssyncadd.s32 $0xFFFFC000  }
0x92: {  	[hbm4b:s20+s2] =	stream.linear.scatter [tilespmem:s11], [sflag:$0x5], $0x4000, $0x38;
	[tilespmem:$0x1D000] =	vst v63  }
0x93: {  	_ =	swait.ge [sflag:s13], $0x4000  }
0x94: {  	[sflag:s13] =	ssyncset.done $0x0  }
0x95: {  	[sflag:s13] =	ssyncadd.s32 $0xFFFFC000  }
0x96: {  	s25 =	sadd.s32 $0x400, s25;
	_ =	swait.ge [sflag:s18], $0x8000  }
0x97: {  	p0 =	sne.s32 s25, $0xA000;
	[sflag:s18] =	ssyncset.done $0x0  }
.Ltmp3:
0x98: {  	[sflag:s18] =	ssyncadd.s32 $0xFFFF8000;
	(pc) =	sbr.rel @!p0 .LBB2_5-.Ltmp3, $4  }
0x99: {  	[hbm4b:s19+s2] =	stream.linear.scatter [tilespmem:s22], [sflag:$0x5], $0x8000, $0x38;
	[tilespmem:$0x1D000] =	vst v63  }
0x9a: {  	_ =	swait.ge [sflag:s13], $0x8000  }
0x9b: {  	s24 =	sadd.s32 $0x1000, s24;
	s21 =	sadd.s32 $0x2000, s21;
	[sflag:s13] =	ssyncset.done $0x0  }
0x9c: {  	s20 =	sadd.s32 $0x1000, s20;
	s19 =	sadd.s32 $0x2000, s19;
	[sflag:s13] =	ssyncadd.s32 $0xFFFF8000  }
.LBB2_2:
0x9d: {  	s26 =	sshra.s32 s25, $0x2  }
0x9e: {  	v3 =	vld [tilespmem:s26+$0x80];
	_ =	sdelay $0x4  }
0x9f: {  	v4 =	vshll.u32 v3, $0x1  }
0xa0: {  	v3 =	vand.u32 $0x7, v3;
	v4 =	vand.u32 $0xFFFFFFF0, v4  }
0xa1: {  	v3 =	vor.u32 v3, v4  }
0xa2: {  	v4 =	vperm.xlane v3, v0;
	_ =	sdelay $0x1  }
0xa3: {  	v3 =	vperm.xlane v3, v2;
	v4 =	vadd.s32 v1, v4;
	_ =	sdelay $0x1  }
0xa4: {  	v3 =	vadd.s32 v1, v3;
	_ =	sdelay $0x2  }
0xa5: {  	[tilespmem:s11], [sflag:$0x3] =	stream.indirect_vreg.gather [hbm4b:s3+s2], $0x80, v4, vm0, $0xb8;
	[tilespmem:$0x1D000] =	vst v63  }
0xa6: {  	_ = 	snop  }
0xa7: {  	[tilespmem:s28], [sflag:$0x3] =	stream.indirect_vreg.gather [hbm4b:s3+s2], $0x80, v3, vm0, $0xb8;
	[tilespmem:$0x1D000] =	vst v63  }
0xa8: {  	v3 =	vld [tilespmem:s26+$0x90];
	_ =	sdelay $0x4  }
0xa9: {  	v57 =	vshll.u32 v3, $0x1  }
0xaa: {  	v3 =	vand.u32 $0x7, v3;
	v4 =	vand.u32 $0xFFFFFFF0, v57  }
0xab: {  	v3 =	vor.u32 v3, v4  }
0xac: {  	v4 =	vperm.xlane v3, v0;
	_ =	sdelay $0x1  }
0xad: {  	v3 =	vperm.xlane v3, v2;
	v4 =	vadd.s32 v1, v4;
	_ =	sdelay $0x1  }
0xae: {  	v3 =	vadd.s32 v1, v3;
	_ =	sdelay $0x1  }
0xaf: {  	s29 =	simm.s32 $0x12000  }
0xb0: {  	[tilespmem:s29], [sflag:$0x3] =	stream.indirect_vreg.gather [hbm4b:s3+s2], $0x80, v4, vm0, $0xb8;
	[tilespmem:$0x1D000] =	vst v63  }
0xb1: {  	s29 =	simm.s32 $0x12800  }
0xb2: {  	[tilespmem:s29], [sflag:$0x3] =	stream.indirect_vreg.gather [hbm4b:s3+s2], $0x80, v3, vm0, $0xb8;
	[tilespmem:$0x1D000] =	vst v63  }
0xb3: {  	v3 =	vld [tilespmem:s26+$0xA0];
	_ =	sdelay $0x4  }
0xb4: {  	v58 =	vshll.u32 v3, $0x1  }
0xb5: {  	v3 =	vand.u32 $0x7, v3;
	v4 =	vand.u32 $0xFFFFFFF0, v58  }
0xb6: {  	v3 =	vor.u32 v3, v4  }
0xb7: {  	v4 =	vperm.xlane v3, v0;
	_ =	sdelay $0x1  }
0xb8: {  	v3 =	vperm.xlane v3, v2;
	v4 =	vadd.s32 v1, v4;
	_ =	sdelay $0x1  }
0xb9: {  	v3 =	vadd.s32 v1, v3;
	_ =	sdelay $0x1  }
0xba: {  	s29 =	simm.s32 $0x13000  }
0xbb: {  	[tilespmem:s29], [sflag:$0x3] =	stream.indirect_vreg.gather [hbm4b:s3+s2], $0x80, v4, vm0, $0xb8;
	[tilespmem:$0x1D000] =	vst v63  }
0xbc: {  	s29 =	simm.s32 $0x13800  }
0xbd: {  	[tilespmem:s29], [sflag:$0x3] =	stream.indirect_vreg.gather [hbm4b:s3+s2], $0x80, v3, vm0, $0xb8;
	[tilespmem:$0x1D000] =	vst v63  }
0xbe: {  	v3 =	vld [tilespmem:s26+$0xB0];
	_ =	sdelay $0x4  }
0xbf: {  	v59 =	vshll.u32 v3, $0x1  }
0xc0: {  	v3 =	vand.u32 $0x7, v3;
	v4 =	vand.u32 $0xFFFFFFF0, v59  }
0xc1: {  	v3 =	vor.u32 v3, v4  }
0xc2: {  	v4 =	vperm.xlane v3, v0;
	_ =	sdelay $0x1  }
0xc3: {  	v3 =	vperm.xlane v3, v2;
	v4 =	vadd.s32 v1, v4;
	_ =	sdelay $0x1  }
0xc4: {  	v3 =	vadd.s32 v1, v3;
	_ =	sdelay $0x1  }
0xc5: {  	s29 =	simm.s32 $0x14000  }
0xc6: {  	[tilespmem:s29], [sflag:$0x3] =	stream.indirect_vreg.gather [hbm4b:s3+s2], $0x80, v4, vm0, $0xb8;
	[tilespmem:$0x1D000] =	vst v63  }
0xc7: {  	s29 =	simm.s32 $0x14800  }
0xc8: {  	[tilespmem:s29], [sflag:$0x3] =	stream.indirect_vreg.gather [hbm4b:s3+s2], $0x80, v3, vm0, $0xb8;
	[tilespmem:$0x1D000] =	vst v63  }
0xc9: {  	v3 =	vld [tilespmem:s26+$0x2880];
	_ =	sdelay $0x4  }
0xca: {  	v60 =	vshll.u32 v3, $0x2  }
0xcb: {  	v3 =	vand.u32 $0x7, v3;
	v4 =	vand.u32 $0xFFFFFFE0, v60  }
0xcc: {  	v3 =	vor.u32 v3, v4  }
0xcd: {  	v4 =	vperm.xlane v3, v0;
	_ =	sdelay $0x1  }
0xce: {  	v4 =	vadd.s32 v1, v4;
	_ =	sdelay $0x1  }
0xcf: {  	v3 =	vperm.xlane v3, v2;
	_ =	sdelay $0x1  }
0xd0: {  	v3 =	vadd.s32 v1, v3  }
0xd1: {  	[tilespmem:s22], [sflag:$0x4] =	stream.indirect_vreg.gather [hbm4b:s4+s2], $0x80, v4, vm0, $0xb8;
	[tilespmem:$0x1D000] =	vst v63  }
0xd2: {  	s29 =	simm.s32 $0x15800  }
0xd3: {  	[tilespmem:s29], [sflag:$0x4] =	stream.indirect_vreg.gather [hbm4b:s7+s2], $0x80, v4, vm0, $0xb8;
	[tilespmem:$0x1D000] =	vst v63  }
0xd4: {  	s29 =	simm.s32 $0x16000  }
0xd5: {  	[tilespmem:s29], [sflag:$0x4] =	stream.indirect_vreg.gather [hbm4b:s4+s2], $0x80, v3, vm0, $0xb8;
	[tilespmem:$0x1D000] =	vst v63  }
0xd6: {  	s29 =	simm.s32 $0x16800  }
0xd7: {  	[tilespmem:s29], [sflag:$0x4] =	stream.indirect_vreg.gather [hbm4b:s7+s2], $0x80, v3, vm0, $0xb8;
	[tilespmem:$0x1D000] =	vst v63  }
0xd8: {  	v3 =	vld [tilespmem:s26+$0x2890];
	_ =	sdelay $0x4  }
0xd9: {  	v61 =	vshll.u32 v3, $0x2  }
0xda: {  	v3 =	vand.u32 $0x7, v3;
	v4 =	vand.u32 $0xFFFFFFE0, v61  }
0xdb: {  	v3 =	vor.u32 v3, v4  }
0xdc: {  	v4 =	vperm.xlane v3, v0;
	_ =	sdelay $0x1  }
0xdd: {  	v4 =	vadd.s32 v1, v4;
	_ =	sdelay $0x1  }
0xde: {  	v3 =	vperm.xlane v3, v2;
	_ =	sdelay $0x1  }
0xdf: {  	s29 =	simm.s32 $0x17000;
	v3 =	vadd.s32 v1, v3  }
0xe0: {  	[tilespmem:s29], [sflag:$0x4] =	stream.indirect_vreg.gather [hbm4b:s4+s2], $0x80, v4, vm0, $0xb8;
	[tilespmem:$0x1D000] =	vst v63  }
0xe1: {  	s29 =	simm.s32 $0x17800  }
0xe2: {  	[tilespmem:s29], [sflag:$0x4] =	stream.indirect_vreg.gather [hbm4b:s7+s2], $0x80, v4, vm0, $0xb8;
	[tilespmem:$0x1D000] =	vst v63  }
0xe3: {  	_ = 	snop  }
0xe4: {  	[tilespmem:s30], [sflag:$0x4] =	stream.indirect_vreg.gather [hbm4b:s4+s2], $0x80, v3, vm0, $0xb8;
	[tilespmem:$0x1D000] =	vst v63  }
0xe5: {  	_ = 	snop  }
0xe6: {  	[tilespmem:s31], [sflag:$0x4] =	stream.indirect_vreg.gather [hbm4b:s7+s2], $0x80, v3, vm0, $0xb8;
	[tilespmem:$0x1D000] =	vst v63  }
0xe7: {  	v3 =	vld [tilespmem:s26+$0x28A0];
	_ =	sdelay $0x4  }
0xe8: {  	v62 =	vshll.u32 v3, $0x2  }
0xe9: {  	v3 =	vand.u32 $0x7, v3;
	v4 =	vand.u32 $0xFFFFFFE0, v62  }
0xea: {  	v3 =	vor.u32 v3, v4  }
0xeb: {  	v4 =	vperm.xlane v3, v0;
	_ =	sdelay $0x1  }
0xec: {  	v4 =	vadd.s32 v1, v4;
	_ =	sdelay $0x1  }
0xed: {  	v3 =	vperm.xlane v3, v2;
	_ =	sdelay $0x1  }
0xee: {  	v3 =	vadd.s32 v1, v3  }
0xef: {  	[tilespmem:s1], [sflag:$0x4] =	stream.indirect_vreg.gather [hbm4b:s4+s2], $0x80, v4, vm0, $0xb8;
	[tilespmem:$0x1D000] =	vst v63  }
0xf0: {  	_ = 	snop  }
0xf1: {  	[tilespmem:s0], [sflag:$0x4] =	stream.indirect_vreg.gather [hbm4b:s7+s2], $0x80, v4, vm0, $0xb8;
	[tilespmem:$0x1D000] =	vst v63  }
0xf2: {  	_ = 	snop  }
0xf3: {  	[tilespmem:s14], [sflag:$0x4] =	stream.indirect_vreg.gather [hbm4b:s4+s2], $0x80, v3, vm0, $0xb8;
	[tilespmem:$0x1D000] =	vst v63  }
0xf4: {  	_ = 	snop  }
0xf5: {  	[tilespmem:s5], [sflag:$0x4] =	stream.indirect_vreg.gather [hbm4b:s7+s2], $0x80, v3, vm0, $0xb8;
	[tilespmem:$0x1D000] =	vst v63  }
0xf6: {  	v3 =	vld [tilespmem:s26+$0x28B0];
	_ =	sdelay $0x4  }
0xf7: {  	v63 =	vshll.u32 v3, $0x2  }
0xf8: {  	v3 =	vand.u32 $0x7, v3;
	v4 =	vand.u32 $0xFFFFFFE0, v63  }
0xf9: {  	v3 =	vor.u32 v3, v4  }
0xfa: {  	v4 =	vperm.xlane v3, v0;
	_ =	sdelay $0x1  }
0xfb: {  	v4 =	vadd.s32 v1, v4;
	_ =	sdelay $0x1  }
0xfc: {  	v3 =	vperm.xlane v3, v2;
	_ =	sdelay $0x1  }
0xfd: {  	v3 =	vadd.s32 v1, v3  }
0xfe: {  	[tilespmem:s6], [sflag:$0x4] =	stream.indirect_vreg.gather [hbm4b:s4+s2], $0x80, v4, vm0, $0xb8;
	[tilespmem:$0x1D000] =	vst v63  }
0xff: {  	_ = 	snop  }
0x100: {  	[tilespmem:s8], [sflag:$0x4] =	stream.indirect_vreg.gather [hbm4b:s7+s2], $0x80, v4, vm0, $0xb8;
	[tilespmem:$0x1D000] =	vst v63  }
0x101: {  	_ = 	snop  }
0x102: {  	[tilespmem:s9], [sflag:$0x4] =	stream.indirect_vreg.gather [hbm4b:s4+s2], $0x80, v3, vm0, $0xb8;
	[tilespmem:$0x1D000] =	vst v63  }
0x103: {  	_ = 	snop  }
0x104: {  	[tilespmem:s10], [sflag:$0x4] =	stream.indirect_vreg.gather [hbm4b:s7+s2], $0x80, v3, vm0, $0xb8;
	[tilespmem:$0x1D000] =	vst v63  }
0x105: {  	_ =	swait.ge [sflag:s12], $0x4000  }
0x106: {  	[sflag:s12] =	ssyncset.done $0x0  }
0x107: {  	[sflag:s12] =	ssyncadd.s32 $0xFFFFC000  }
0x108: {  	[hbm4b:s24+s2] =	stream.linear.scatter [tilespmem:s15], [sflag:$0x5], $0x4000, $0x38;
	[tilespmem:$0x1D000] =	vst v63  }
0x109: {  	_ =	swait.ge [sflag:s13], $0x4000  }
0x10a: {  	[sflag:s13] =	ssyncset.done $0x0  }
0x10b: {  	[sflag:s13] =	ssyncadd.s32 $0xFFFFC000  }
0x10c: {  	_ =	swait.ge [sflag:s16], $0x8000  }
0x10d: {  	p0 =	seq.s32 s25, $0x9C00;
	[sflag:s16] =	ssyncset.done $0x0  }
.Ltmp4:
0x10e: {  	[sflag:s16] =	ssyncadd.s32 $0xFFFF8000;
	(pc) =	sbr.rel @p0 .LBB2_4-.Ltmp4, $4  }
0x10f: {  	[hbm4b:s21+s2] =	stream.linear.scatter [tilespmem:s23], [sflag:$0x5], $0x8000, $0x38;
	[tilespmem:$0x1D000] =	vst v63  }
0x110: {  	_ =	swait.ge [sflag:s13], $0x8000  }
0x111: {  	[sflag:s13] =	ssyncset.done $0x0  }
0x112: {  	[sflag:s13] =	ssyncadd.s32 $0xFFFF8000  }
0x113: {  	v3 =	vld [tilespmem:s26+$0x100];
	_ =	sdelay $0x4  }
0x114: {  	v4 =	vshll.u32 v3, $0x1  }
0x115: {  	v3 =	vand.u32 $0x7, v3;
	v4 =	vand.u32 $0xFFFFFFF0, v4  }
0x116: {  	v3 =	vor.u32 v3, v4  }
0x117: {  	v4 =	vperm.xlane v3, v0;
	_ =	sdelay $0x1  }
0x118: {  	v3 =	vperm.xlane v3, v2;
	v4 =	vadd.s32 v1, v4;
	_ =	sdelay $0x1  }
0x119: {  	v3 =	vadd.s32 v1, v3;
	_ =	sdelay $0x2  }
0x11a: {  	[tilespmem:s15], [sflag:$0x1] =	stream.indirect_vreg.gather [hbm4b:s3+s2], $0x80, v4, vm0, $0xb8;
	[tilespmem:$0x1D000] =	vst v63  }
0x11b: {  	s28 =	simm.s32 $0x5800  }
0x11c: {  	[tilespmem:s28], [sflag:$0x1] =	stream.indirect_vreg.gather [hbm4b:s3+s2], $0x80, v3, vm0, $0xb8;
	[tilespmem:$0x1D000] =	vst v63  }
0x11d: {  	v3 =	vld [tilespmem:s26+$0x110];
	_ =	sdelay $0x4  }
0x11e: {  	v57 =	vshll.u32 v3, $0x1  }
0x11f: {  	v3 =	vand.u32 $0x7, v3;
	v4 =	vand.u32 $0xFFFFFFF0, v57  }
0x120: {  	v3 =	vor.u32 v3, v4  }
0x121: {  	v4 =	vperm.xlane v3, v0;
	_ =	sdelay $0x1  }
0x122: {  	v3 =	vperm.xlane v3, v2;
	v4 =	vadd.s32 v1, v4;
	_ =	sdelay $0x1  }
0x123: {  	v3 =	vadd.s32 v1, v3;
	_ =	sdelay $0x1  }
0x124: {  	s28 =	simm.s32 $0x6000  }
0x125: {  	[tilespmem:s28], [sflag:$0x1] =	stream.indirect_vreg.gather [hbm4b:s3+s2], $0x80, v4, vm0, $0xb8;
	[tilespmem:$0x1D000] =	vst v63  }
0x126: {  	s28 =	simm.s32 $0x6800  }
0x127: {  	[tilespmem:s28], [sflag:$0x1] =	stream.indirect_vreg.gather [hbm4b:s3+s2], $0x80, v3, vm0, $0xb8;
	[tilespmem:$0x1D000] =	vst v63  }
0x128: {  	v3 =	vld [tilespmem:s26+$0x120];
	_ =	sdelay $0x4  }
0x129: {  	v58 =	vshll.u32 v3, $0x1  }
0x12a: {  	v3 =	vand.u32 $0x7, v3;
	v4 =	vand.u32 $0xFFFFFFF0, v58  }
0x12b: {  	v3 =	vor.u32 v3, v4  }
0x12c: {  	v4 =	vperm.xlane v3, v0;
	_ =	sdelay $0x1  }
0x12d: {  	v3 =	vperm.xlane v3, v2;
	v4 =	vadd.s32 v1, v4;
	_ =	sdelay $0x1  }
0x12e: {  	v3 =	vadd.s32 v1, v3;
	_ =	sdelay $0x1  }
0x12f: {  	s28 =	simm.s32 $0x7000  }
0x130: {  	[tilespmem:s28], [sflag:$0x1] =	stream.indirect_vreg.gather [hbm4b:s3+s2], $0x80, v4, vm0, $0xb8;
	[tilespmem:$0x1D000] =	vst v63  }
0x131: {  	s28 =	simm.s32 $0x7800  }
0x132: {  	[tilespmem:s28], [sflag:$0x1] =	stream.indirect_vreg.gather [hbm4b:s3+s2], $0x80, v3, vm0, $0xb8;
	[tilespmem:$0x1D000] =	vst v63  }
0x133: {  	v3 =	vld [tilespmem:s26+$0x130];
	_ =	sdelay $0x4  }
0x134: {  	v59 =	vshll.u32 v3, $0x1  }
0x135: {  	v3 =	vand.u32 $0x7, v3;
	v4 =	vand.u32 $0xFFFFFFF0, v59  }
0x136: {  	v3 =	vor.u32 v3, v4  }
0x137: {  	v4 =	vperm.xlane v3, v0;
	_ =	sdelay $0x1  }
0x138: {  	v3 =	vperm.xlane v3, v2;
	v4 =	vadd.s32 v1, v4;
	_ =	sdelay $0x1  }
0x139: {  	v3 =	vadd.s32 v1, v3;
	_ =	sdelay $0x1  }
0x13a: {  	s28 =	simm.s32 $0x8000  }
0x13b: {  	[tilespmem:s28], [sflag:$0x1] =	stream.indirect_vreg.gather [hbm4b:s3+s2], $0x80, v4, vm0, $0xb8;
	[tilespmem:$0x1D000] =	vst v63  }
0x13c: {  	s28 =	simm.s32 $0x8800  }
0x13d: {  	[tilespmem:s28], [sflag:$0x1] =	stream.indirect_vreg.gather [hbm4b:s3+s2], $0x80, v3, vm0, $0xb8;
	[tilespmem:$0x1D000] =	vst v63  }
0x13e: {  	v3 =	vld [tilespmem:s26+$0x2900];
	_ =	sdelay $0x4  }
0x13f: {  	v60 =	vshll.u32 v3, $0x2  }
0x140: {  	v3 =	vand.u32 $0x7, v3;
	v4 =	vand.u32 $0xFFFFFFE0, v60  }
0x141: {  	v3 =	vor.u32 v3, v4  }
0x142: {  	v4 =	vperm.xlane v3, v0;
	_ =	sdelay $0x1  }
0x143: {  	v4 =	vadd.s32 v1, v4;
	_ =	sdelay $0x1  }
0x144: {  	v3 =	vperm.xlane v3, v2;
	_ =	sdelay $0x1  }
0x145: {  	v3 =	vadd.s32 v1, v3  }
0x146: {  	[tilespmem:s23], [sflag:$0x2] =	stream.indirect_vreg.gather [hbm4b:s4+s2], $0x80, v4, vm0, $0xb8;
	[tilespmem:$0x1D000] =	vst v63  }
0x147: {  	s28 =	simm.s32 $0x9800  }
0x148: {  	[tilespmem:s28], [sflag:$0x2] =	stream.indirect_vreg.gather [hbm4b:s7+s2], $0x80, v4, vm0, $0xb8;
	[tilespmem:$0x1D000] =	vst v63  }
0x149: {  	s28 =	simm.s32 $0xA000  }
0x14a: {  	[tilespmem:s28], [sflag:$0x2] =	stream.indirect_vreg.gather [hbm4b:s4+s2], $0x80, v3, vm0, $0xb8;
	[tilespmem:$0x1D000] =	vst v63  }
0x14b: {  	s28 =	simm.s32 $0xA800  }
0x14c: {  	[tilespmem:s28], [sflag:$0x2] =	stream.indirect_vreg.gather [hbm4b:s7+s2], $0x80, v3, vm0, $0xb8;
	[tilespmem:$0x1D000] =	vst v63  }
0x14d: {  	v3 =	vld [tilespmem:s26+$0x2910];
	_ =	sdelay $0x4  }
0x14e: {  	v61 =	vshll.u32 v3, $0x2  }
0x14f: {  	v3 =	vand.u32 $0x7, v3;
	v4 =	vand.u32 $0xFFFFFFE0, v61  }
0x150: {  	v3 =	vor.u32 v3, v4  }
0x151: {  	v4 =	vperm.xlane v3, v0;
	_ =	sdelay $0x1  }
0x152: {  	v4 =	vadd.s32 v1, v4;
	_ =	sdelay $0x1  }
0x153: {  	v3 =	vperm.xlane v3, v2;
	_ =	sdelay $0x1  }
0x154: {  	s28 =	simm.s32 $0xB000;
	v3 =	vadd.s32 v1, v3  }
0x155: {  	[tilespmem:s28], [sflag:$0x2] =	stream.indirect_vreg.gather [hbm4b:s4+s2], $0x80, v4, vm0, $0xb8;
	[tilespmem:$0x1D000] =	vst v63  }
0x156: {  	s28 =	simm.s32 $0xB800  }
0x157: {  	[tilespmem:s28], [sflag:$0x2] =	stream.indirect_vreg.gather [hbm4b:s7+s2], $0x80, v4, vm0, $0xb8;
	[tilespmem:$0x1D000] =	vst v63  }
0x158: {  	s28 =	simm.s32 $0xC000  }
0x159: {  	[tilespmem:s28], [sflag:$0x2] =	stream.indirect_vreg.gather [hbm4b:s4+s2], $0x80, v3, vm0, $0xb8;
	[tilespmem:$0x1D000] =	vst v63  }
0x15a: {  	s28 =	simm.s32 $0xC800  }
0x15b: {  	[tilespmem:s28], [sflag:$0x2] =	stream.indirect_vreg.gather [hbm4b:s7+s2], $0x80, v3, vm0, $0xb8;
	[tilespmem:$0x1D000] =	vst v63  }
0x15c: {  	v3 =	vld [tilespmem:s26+$0x2920];
	_ =	sdelay $0x4  }
0x15d: {  	v62 =	vshll.u32 v3, $0x2  }
0x15e: {  	v3 =	vand.u32 $0x7, v3;
	v4 =	vand.u32 $0xFFFFFFE0, v62  }
0x15f: {  	v3 =	vor.u32 v3, v4  }
0x160: {  	v4 =	vperm.xlane v3, v0;
	_ =	sdelay $0x1  }
0x161: {  	v4 =	vadd.s32 v1, v4;
	_ =	sdelay $0x1  }
0x162: {  	v3 =	vperm.xlane v3, v2;
	_ =	sdelay $0x1  }
0x163: {  	s28 =	simm.s32 $0xD000;
	v3 =	vadd.s32 v1, v3  }
0x164: {  	[tilespmem:s28], [sflag:$0x2] =	stream.indirect_vreg.gather [hbm4b:s4+s2], $0x80, v4, vm0, $0xb8;
	[tilespmem:$0x1D000] =	vst v63  }
0x165: {  	s28 =	simm.s32 $0xD800  }
0x166: {  	[tilespmem:s28], [sflag:$0x2] =	stream.indirect_vreg.gather [hbm4b:s7+s2], $0x80, v4, vm0, $0xb8;
	[tilespmem:$0x1D000] =	vst v63  }
0x167: {  	s28 =	simm.s32 $0xE000  }
0x168: {  	[tilespmem:s28], [sflag:$0x2] =	stream.indirect_vreg.gather [hbm4b:s4+s2], $0x80, v3, vm0, $0xb8;
	[tilespmem:$0x1D000] =	vst v63  }
0x169: {  	s28 =	simm.s32 $0xE800  }
0x16a: {  	[tilespmem:s28], [sflag:$0x2] =	stream.indirect_vreg.gather [hbm4b:s7+s2], $0x80, v3, vm0, $0xb8;
	[tilespmem:$0x1D000] =	vst v63  }
0x16b: {  	v3 =	vld [tilespmem:s26+$0x2930];
	_ =	sdelay $0x4  }
0x16c: {  	v63 =	vshll.u32 v3, $0x2  }
0x16d: {  	v3 =	vand.u32 $0x7, v3;
	v4 =	vand.u32 $0xFFFFFFE0, v63  }
0x16e: {  	v3 =	vor.u32 v3, v4  }
0x16f: {  	v4 =	vperm.xlane v3, v0;
	_ =	sdelay $0x1  }
0x170: {  	v4 =	vadd.s32 v1, v4;
	_ =	sdelay $0x2  }
0x171: {  	v3 =	vperm.xlane v3, v2  }
0x172: {  	s29 =	simm.s32 $0xF000  }
0x173: {  	v3 =	vadd.s32 v1, v3;
	[tilespmem:s29], [sflag:$0x2] =	stream.indirect_vreg.gather [hbm4b:s4+s2], $0x80, v4, vm0, $0xb8;
	[tilespmem:$0x1D000] =	vst v63  }
0x174: {  	s29 =	simm.s32 $0xF800  }
0x175: {  	[tilespmem:s29], [sflag:$0x2] =	stream.indirect_vreg.gather [hbm4b:s7+s2], $0x80, v4, vm0, $0xb8;
	[tilespmem:$0x1D000] =	vst v63  }
.Ltmp5:
0x176: {  	_ = 	snop;
	(pc) =	sbr.rel .LBB2_4-.Ltmp5, $4  }
0x177: {  	s29 =	simm.s32 $0x10000  }
0x178: {  	[tilespmem:s29], [sflag:$0x2] =	stream.indirect_vreg.gather [hbm4b:s4+s2], $0x80, v3, vm0, $0xb8;
	[tilespmem:$0x1D000] =	vst v63  }
0x179: {  	s28 =	simm.s32 $0x11800;
	s29 =	simm.s32 $0x10800  }
0x17a: {  	[tilespmem:s29], [sflag:$0x2] =	stream.indirect_vreg.gather [hbm4b:s7+s2], $0x80, v3, vm0, $0xb8;
	[tilespmem:$0x1D000] =	vst v63  }
.LBB2_6:
0x17b: {  	_ =	sfence.sel $0x180000  }
0x17c: {  	[bflag:$0x0] =	sbarrier.arrive $0xFFFF  }
0x17d: {  	_ =	strace $0x90000056  }
0x17e: {  	s0 =	stileid.u32;
	[bflag:$0x2] =	sbarrier.arrive $0xFFFF  }
0x17f: {  	p0 =	sne.s32 s0, $0x0;
	s0 =	rddreg [dreg:$0x1]  }
0x180: {  	s0 =	sadd.s32 @!p0 $0x100000, s0  }
0x181: {  	[sflag:s0] =	ssyncadd.tile.s32 @!p0 $0x1;
	_ =	shalt  }
.Lfunc_end2:
_tile_overlayer_lowered:
.L_overlay_start_2:
0x182: {  	(tag) =	ssettag $0x2  }
0x183: {  	s0 =	rddreg [dreg:$0x0];
	s2 =	stileid.u32  }
0x184: {  	s1 =	rddreg [dreg:$0x1];
	p0 =	sne.s32 s2, $0x0  }
0x185: {  	s3 =	rddreg [dreg:$0x2];
	[bflag:$0x3] =	sbarrier.arrive $0xFFFF;
	s2 =	simm.s32 @!p0 $0x1C05  }
0x186: {  	[timem:s3], [sflag:s2] =	dma.local @!p0 [hbm:s0], s1  }
0x187: {  	s0 =	simm.s32 @!p0 $0x5  }
0x188: {  	_ =	swait.ge @!p0 [sflag:s0], s1  }
0x189: {  	s1 =	ssub.s32 @!p0 $0x0, s1;
	[sflag:s0] =	ssyncset.done @!p0 $0x0  }
0x18a: {  	[sflag:s0] =	ssyncadd.s32 @!p0 s1  }
0x18b: {  	[bflag:$0x3] =	sbarrier.arrive $0xFFFF  }
0x18c: {  	_ =	shalt  }

// kernel: kernel.38.cloned.1.call-start
scs
__scs_entry_jumppad:
0x0: {  	(pc) =	sbr.rel $0x88, $3  }
0x1: {  	(tag) =	ssettag $0x0;
	lr =	simm.s32 $0x1  }
0x2: {  	[smem:$0x3F61] =	sst lr;
	_ =	strace $0xD0000000  }
0x3: {  	_ = 	snop  }
0x4: {  	_ = 	snop  }
0x5: {  	_ = 	snop  }
0x6: {  	_ = 	snop  }
0x7: {  	_ = 	snop  }
__scs_overlays_trampoline_lowered:
0x8: {  	[smem:$0x3F70] =	sst s0  }
0x9: {  	[smem:$0x3F71] =	sst s1  }
0xa: {  	[smem:$0x3F72] =	sst s2  }
0xb: {  	[smem:$0x3F73] =	sst s3  }
0xc: {  	[smem:$0x3F74] =	sst s4  }
0xd: {  	[smem:$0x3F75] =	sst s5  }
0xe: {  	[smem:$0x3F76] =	sst s6  }
0xf: {  	[smem:$0x3F77] =	sst s7  }
0x10: {  	[smem:$0x3F78] =	sst s8  }
0x11: {  	[smem:$0x3F79] =	sst s9;
	s0 =	simm.s32 @!p0 $0x0  }
0x12: {  	s1 =	sld [smem:$0x3F5F];
	s0 =	simm.s32 @p0 $0x1  }
0x13: {  	[smem:$0x3F7A] =	sst s0;
	s0 =	simm.s32 @!p1 $0x0  }
0x14: {  	s2 =	sld [smem:$0x3F5E];
	s0 =	simm.s32 @p1 $0x1  }
0x15: {  	[smem:$0x3F7B] =	sst s0;
	s0 =	simm.s32 @!p2 $0x0  }
0x16: {  	s3 =	sld [smem:$0x3FDB];
	s0 =	simm.s32 @p2 $0x1  }
0x17: {  	s4 =	simm.s32 $0x1BF5;
	[smem:$0x3F7D] =	sst s0  }
0x18: {  	s0 =	sld [smem:$0x3F60];
	_ =	swait.ge [sflag:s4], $0x0  }
0x19: {  	s7 =	sld [smem:$0x3F61]  }
0x1a: {  	s8 =	sadd.s32 $0xFFFFE003, lr  }
0x1b: {  	s9 =	sadd.s32 $0xFFFFFEF7, lr;
	s5 =	simm.s32 $0xFFFFFFFF;
	p2 =	slt.u32 s8, $0xFFFFF086  }
0x1c: {  	p1 =	slt.u32 s9, $0xF7A;
	s5 =	simm.s32 @!p2 $0x0  }
0x1d: {  	s5 =	simm.s32 @p1 $0x1;
	p0 =	seq.s32 s7, s2  }
0x1e: {  	s7 =	smul.u32 @!p0 $0xF7A, s2;
	p2 =	seq.s32 @!p0 s5, $0x0  }
0x1f: {  	s9 =	smul.u32 $0xF7A, s1;
	s8 =	simm.s32 @!p0 $0x1BF5;
	p2 =	por !p2, p0  }
0x20: {  	[sflag:s8] =	ssyncset.s32 @!p0 $0xFFFFF086;
	s6 =	sadd.s32 @!p0 s3, s7;
	s7 =	simm.s32 @!p0 $0x108  }
0x21: {  	s3 =	sadd.s32 s3, s9;
	s6 =	sadd.s32 @!p0 $0x88, s6;
	s7 =	simm.s32 @p2 $0x1082  }
0x22: {  	[simem:s7], [sflag:s8] =	dma.local @!p0 [hbm:s6], $0xF7A  }
0x23: {  	s9 =	sor.u32 $0xD0000000, s2;
	s6 =	simm.s32 $0x108;
	_ =	swait.ge @!p0 [sflag:s8], $0x0  }
0x24: {  	s3 =	sadd.s32 $0x88, s3;
	s6 =	simm.s32 @!p1 $0x1082;
	[sflag:s4] =	ssyncset.s32 $0xFFFFF086  }
0x25: {  	[simem:s6], [sflag:s4] =	dma.local [hbm:s3], $0xF7A  }
0x26: {  	[smem:$0x3F61] =	sst s1;
	(tag) =	ssettag s2;
	_ =	strace s9  }
0x27: {  	s1 =	sld [smem:$0x3F71]  }
0x28: {  	s2 =	sld [smem:$0x3F72]  }
0x29: {  	s4 =	sld [smem:$0x3F74]  }
0x2a: {  	p0 =	seq.s32 s5, $0x0;
	s5 =	sld [smem:$0x3F75]  }
0x2b: {  	s6 =	sld [smem:$0x3F76]  }
0x2c: {  	s7 =	sld [smem:$0x3F77]  }
0x2d: {  	s3 =	simm.s32 $0x108;
	s8 =	sld [smem:$0x3F78]  }
0x2e: {  	s3 =	simm.s32 @!p0 $0x1082;
	s9 =	sld [smem:$0x3F79]  }
0x2f: {  	lr =	sadd.s32 s0, s3;
	s0 =	sld [smem:$0x3F70]  }
0x30: {  	s3 =	sld [smem:$0x3F73]  }
0x31: {  	[smem:$0x3F7C] =	sst s10  }
0x32: {  	s10 =	sld [smem:$0x3F7A];
	_ =	sdelay $0x3  }
0x33: {  	p0 =	seq.s32 s10, $0x1;
	s10 =	sld [smem:$0x3F7C];
	_ =	sdelay $0x3  }
0x34: {  	[smem:$0x3F7C] =	sst s10  }
0x35: {  	s10 =	sld [smem:$0x3F7B];
	_ =	sdelay $0x3  }
0x36: {  	p1 =	seq.s32 s10, $0x1;
	s10 =	sld [smem:$0x3F7C];
	_ =	sdelay $0x3  }
0x37: {  	[smem:$0x3F7C] =	sst s10  }
0x38: {  	s10 =	sld [smem:$0x3F7D]  }
0x39: {  	_ = 	snop;
	(pc) =	sbr.ind lr, $3  }
0x3a: {  	_ = 	snop  }
0x3b: {  	_ = 	snop  }
0x3c: {  	p2 =	seq.s32 s10, $0x1;
	s10 =	sld [smem:$0x3F7C]  }
0x3d: {  	_ =	shalt  }
0x3e: {  	_ =	shalt  }
0x3f: {  	_ =	shalt  }
0x40: {  	_ =	shalt  }
0x41: {  	_ =	shalt  }
0x42: {  	_ =	shalt  }
0x43: {  	_ =	shalt  }
0x44: {  	_ =	shalt  }
0x45: {  	_ =	shalt  }
0x46: {  	_ =	shalt  }
0x47: {  	_ =	shalt  }
0x48: {  	_ =	shalt  }
0x49: {  	_ =	shalt  }
0x4a: {  	_ =	shalt  }
0x4b: {  	_ =	shalt  }
0x4c: {  	_ =	shalt  }
0x4d: {  	_ =	shalt  }
0x4e: {  	_ =	shalt  }
0x4f: {  	_ =	shalt  }
0x50: {  	_ =	shalt  }
0x51: {  	_ =	shalt  }
0x52: {  	_ =	shalt  }
0x53: {  	_ =	shalt  }
0x54: {  	_ =	shalt  }
0x55: {  	_ =	shalt  }
0x56: {  	_ =	shalt  }
0x57: {  	_ =	shalt  }
0x58: {  	_ =	shalt  }
0x59: {  	_ =	shalt  }
0x5a: {  	_ =	shalt  }
0x5b: {  	_ =	shalt  }
0x5c: {  	_ =	shalt  }
0x5d: {  	_ =	shalt  }
0x5e: {  	_ =	shalt  }
0x5f: {  	_ =	shalt  }
0x60: {  	_ =	shalt  }
0x61: {  	_ =	shalt  }
0x62: {  	_ =	shalt  }
0x63: {  	_ =	shalt  }
0x64: {  	_ =	shalt  }
0x65: {  	_ =	shalt  }
0x66: {  	_ =	shalt  }
0x67: {  	_ =	shalt  }
0x68: {  	_ =	shalt  }
0x69: {  	_ =	shalt  }
0x6a: {  	_ =	shalt  }
0x6b: {  	_ =	shalt  }
0x6c: {  	_ =	shalt  }
0x6d: {  	_ =	shalt  }
0x6e: {  	_ =	shalt  }
0x6f: {  	_ =	shalt  }
0x70: {  	_ =	shalt  }
0x71: {  	_ =	shalt  }
0x72: {  	_ =	shalt  }
0x73: {  	_ =	shalt  }
0x74: {  	_ =	shalt  }
0x75: {  	_ =	shalt  }
0x76: {  	_ =	shalt  }
0x77: {  	_ =	shalt  }
0x78: {  	_ =	shalt  }
0x79: {  	_ =	shalt  }
0x7a: {  	_ =	shalt  }
0x7b: {  	_ =	shalt  }
0x7c: {  	_ =	shalt  }
0x7d: {  	_ =	shalt  }
0x7e: {  	_ =	shalt  }
0x7f: {  	_ =	shalt  }
0x80: {  	_ =	shalt  }
0x81: {  	_ =	shalt  }
0x82: {  	_ =	shalt  }
0x83: {  	_ =	shalt  }
0x84: {  	_ =	shalt  }
0x85: {  	_ =	shalt  }
0x86: {  	_ =	shalt  }
0x87: {  	_ =	shalt  }
.Lfunc_end0:
.L_simem_size_0:
called_computation.6_lowered:
.L_overlay_start_0:
0x88: {  	s2 =	sld [smem:$0x3FD9]  }
0x89: {  	s3 =	sld [smem:$0x3FFE];
	_ =	sdelay $0x1  }
0x8a: {  	s1 =	srdreg.scid  }
0x8b: {  	s0 =	sand.u32 $0x1, s1  }
0x8c: {  	s16 =	sshll.u32 s0, $0xA;
	s2 =	sadd.s32 s3, s2  }
0x8d: {  	s2 =	sadd.s32 s2, s16  }
0x8e: {  	[smem:$0x3F88] =	sst s2  }
0x8f: {  	_ = 	snop  }
0x90: {  	(tm) =	ssettm $0x1  }
0x91: {  	s17 =	sld [smem:$0x3FFB];
	_ =	sdelay $0x3  }
0x92: {  	_ =	strace s17  }
0x93: {  	s2 =	sld [smem:$0x3FFC];
	_ =	sdelay $0x3  }
0x94: {  	_ =	strace s2  }
0x95: {  	s2 =	sld [smem:$0x3FFD];
	_ =	sdelay $0x3  }
0x96: {  	_ =	strace s2  }
0x97: {  	_ =	strace $0x8FFFFFFF  }
0x98: {  	s18 =	sld [smem:$0x3FDB];
	_ =	sdelay $0x1  }
0x99: {  	s19 =	simm.s32 $_scs_section_size  }
0x9a: {  	s4 =	simm.s32 $_size__tile_overlayer_lowered;
	s5 =	simm.s32 $_tile_overlayer_lowered  }
0x9b: {  	s22 =	simm.s32 $0x1BFF;
	s21 =	sshll.u32 s5, $0x1;
	s2 =	sadd.s32 s19, s18  }
0x9c: {  	s6 =	simm.s32 $0x0;
	s20 =	sshll.u32 s4, $0x1;
	s4 =	sadd.s32 s21, s2  }
0x9d: {  	[timem:s6], [sflag:s22] =	dma.local [hbm:s4], s20  }
0x9e: {  	_ =	swait.ge [sflag:s22], s20  }
0x9f: {  	s3 =	ssub.s32 $0x0, s20;
	[sflag:s22] =	ssyncset.done $0x0  }
0xa0: {  	[sflag:s22] =	ssyncadd.s32 s3;
	_ =	sdelay $0x1  }
0xa1: {  	s23 =	simm.s32 $0x1B8B  }
0xa2: {  	_ =	swait.ge [sflag:s23], $0x1  }
0xa3: {  	[sflag:s23] =	ssyncset.done $0x0  }
0xa4: {  	s25 =	simm.s32 $0x1B8E;
	s24 =	sld [smem:$0x3FFE];
	[sflag:s23] =	ssyncadd.s32 $0xFFFFFFFF  }
0xa5: {  	s26 =	simm.s32 $execute0_lowered;
	[smem:$0x3FD2] =	sst s25  }
0xa6: {  	s4 =	sshll.u32 s26, $0x1;
	_ =	strace $0x80000058;
	[dreg:$0x1] =	wrdreg $0xFFFFFFFF  }
0xa7: {  	s28 =	simm.s32 $_size_execute0_lowered;
	s2 =	sadd.s32 s2, s4;
	[dreg:$0x0] =	wrdreg $0x0  }
0xa8: {  	s4 =	sshll.u32 s28, $0x1;
	[dreg:$0x2] =	wrdreg s2  }
0xa9: {  	[dreg:$0x3] =	wrdreg s4  }
0xaa: {  	[dreg:$0x4] =	wrdreg $0xC0  }
0xab: {  	_ =	task [dreg:s6], $0x5FFFF  }
0xac: {  	[dreg:$0x1] =	wrdreg $0xFFFFFFFF  }
0xad: {  	[dreg:$0x0] =	wrdreg $0x60  }
0xae: {  	[dreg:$0x2] =	wrdreg s24  }
0xaf: {  	[dreg:$0x3] =	wrdreg $0x40800  }
0xb0: {  	[dreg:$0x4] =	wrdreg $0x9  }
0xb1: {  	_ =	task.clear_ibuf [dreg:s6], $0x5FFFF;
	_ =	strace $0x90000058  }
0xb2: {  	s29 =	simm.s32 $0x9;
	_ =	strace $0x8000005A  }
0xb3: {  	_ =	swait.ge [sflag:s29], $0x1  }
0xb4: {  	[sflag:s29] =	ssyncadd.s32 $0xFFFFFFFF  }
0xb5: {  	_ =	strace $0x9000005A  }
0xb6: {  	_ =	sfence  }
0xb7: {  	s30 =	sld [smem:$0x0];
	_ =	sdelay $0x2  }
0xb8: {  	s31 =	sshll.u32 s1, $0xD;
	s1 =	sshrl.u32 s1, $0x2  }
0xb9: {  	s3 =	sand.u32 $0x4000, s31;
	s1 =	sadd.s32 s1, s30  }
0xba: {  	s0 =	sor.u32 s3, s0;
	s1 =	sshll.u32 s1, $0x11  }
0xbb: {  	s0 =	sor.u32 s1, s0  }
0xbc: {  	s0 =	sadd.s32 $0x8F2B, s0  }
0xbd: {  	[sflag:s0] =	ssyncadd.remote.s32 $0x1  }
0xbe: {  	_ =	sfence.sel $0xFFFF  }
0xbf: {  	[dreg:$0x0] =	wrdreg $0xFFFFFFFF;
	(pc) =	sbr.abs _section_cstart, $3  }
0xc0: {  	[dreg:$0x1] =	wrdreg $0xFFFFFFFF  }
0xc1: {  	_ =	task.clear_ibuf [dreg:s6], $0x2FFFF;
	_ =	strace $0x9FFFFFFF  }
0xc2: {  	(tm) =	ssettm $0x7FFFFFFF  }
0xc3: {  	_ =	shalt  }
tec
execute0_lowered:
.L_overlay_start_1:
0x0: {  	(tag) =	ssettag $0x1  }
0x1: {  	s4 =	rddreg [dreg:$0x0]  }
0x2: {  	s2 =	rddreg [dreg:$0x1]  }
0x3: {  	s1 =	stileid.u32;
	s0 =	rddreg [dreg:$0x2];
	s3 =	simm.s32 $0x0  }
0x4: {  	s8 =	srdreg.scid;
	s14 =	simm.s32 $0x400;
	s5 =	smul.u32 $0x50000, s1  }
0x5: {  	s15 =	simm.s32 $0x800;
	s16 =	simm.s32 $0x80;
	s6 =	smul.u32 $0x500, s1  }
0x6: {  	s17 =	simm.s32 $0x8;
	s18 =	simm.s32 $0x100;
	s7 =	smul.u32 $0x2800, s1  }
0x7: {  	s19 =	simm.s32 $0x0;
	[smem:$0x7FF] =	sst s3;
	s9 =	smul.u32 $0x5000, s1  }
0x8: {  	s12 =	sand.u32 $0x1, s8;
	s30 =	sshll.u32 s1, $0x6;
	_ =	strace $0x80000059  }
0x9: {  	s25 =	ssub.s32 $0x2, s12;
	p0 =	sne.s32 s12, $0x0;
	s10 =	sadd.s32 s5, s4  }
0xa: {  	s11 =	sadd.s32 s6, s4;
	s7 =	sadd.s32 s7, s4;
	s26 =	sadd.s32 s9, s4  }
.Ltmp0:
0xb: {  	s31 =	sshrl.u32 s5, $0x2;
	s5 =	sor.u32 $0x1C01, s30;
	(pc) =	sbr.rel .LBB2_1-.Ltmp0, $4  }
0xc: {  	s28 =	sshrl.u32 s25, $0x1;
	s4 =	sadd.s32 $0x103F800, s7;
	s6 =	sadd.s32 $0x1107880, s26  }
0xd: {  	s29 =	ssub.s32 s25, s28;
	s7 =	sadd.s32 $0x1107800, s26;
	s8 =	sadd.s32 $0x16F7800, s10  }
0xe: {  	s13 =	sadd.s32 s31, s2;
	s10 =	sadd.s32 $0x16F7880, s10;
	s11 =	sadd.s32 $0xE800, s11  }
0xf: {  	s9 =	smax.u32 s29, $0x1;
	s12 =	sshrl.u32 s13, $0x3;
	s13 =	simm.s32 $0x1  }
.LBB2_7:
0x10: {  	s21 =	sadd.s32 s21, s11;
	[sflag:s13] =	ssyncadd.s32 $0xFFFFC000  }
0x11: {  	[tilespmem:s3], [sflag:$0x1] =	stream.linear.gather [hbm4b:s21+s3], $0x80, $0x38;
	[tilespmem:$0x18080] =	vst v63  }
0x12: {  	_ =	swait.ge [sflag:s13], $0x80  }
0x13: {  	[sflag:s13] =	ssyncset.done $0x0  }
0x14: {  	[sflag:s13] =	ssyncadd.s32 $0xFFFFFF80  }
0x15: {  	[tilespmem:s16], [sflag:$0x1] =	stream.strided.gather [hbm4b:s20+s14], $0x4000, s15, s14, $0x38;
	[tilespmem:$0x18080] =	vst v63  }
0x16: {  	_ =	swait.ge [sflag:s13], $0x4000  }
0x17: {  	[sflag:s13] =	ssyncset.done $0x0  }
0x18: {  	[sflag:s13] =	ssyncadd.s32 $0xFFFFC000  }
0x19: {  	[spmem:s2] =	stream.indirect.scatter.add.f32 [tilespmem:s16], [sflag:$0x1], $0x80, s3, s16, $0xb8;
	[tilespmem:$0x18080] =	vst v63  }
0x1a: {  	_ =	swait.ge [sflag:s13], $0x4000  }
0x1b: {  	[sflag:s13] =	ssyncset.done $0x0  }
0x1c: {  	s20 =	smov.u32 s6;
	[sflag:s13] =	ssyncadd.s32 $0xFFFFC000  }
.LBB2_8:
0x1d: {  	s19 =	sadd.s32 $0x1, s19  }
0x1e: {  	p1 =	sne.s32 s19, s9  }
.Ltmp1:
0x1f: {  	[bflag:$0x0] =	sbarrier.arrive $0xFFFF;
	(pc) =	sbr.rel @!p1 .LBB2_9-.Ltmp1, $4  }
0x20: {  	[hbm:s20@s18], [sflag:s5] =	dma.strided [spmem:s12@s16], $0x2800, s17, $0x10   }
0x21: {  	_ =	swait.ge [sflag:s13], $0x2800  }
0x22: {  	[sflag:s13] =	ssyncset.done $0x0  }
0x23: {  	[sflag:s13] =	ssyncadd.s32 $0xFFFFD800  }
.LBB2_1:
0x24: {  	[spmem:s12], [sflag:s5] =	dma.local [hbm:s4], $0x2800  }
.Ltmp2:
0x25: {  	_ =	swait.ge [sflag:s13], $0x2800;
	(pc) =	sbr.rel @p0 .LBB2_5-.Ltmp2, $4  }
0x26: {  	[sflag:s13] =	ssyncset.done $0x0  }
0x27: {  	[sflag:s13] =	ssyncadd.s32 $0xFFFFD800  }
0x28: {  	[bflag:$0x0] =	sbarrier.arrive $0xFFFF  }
0x29: {  	s20 =	sadd.s32 $0x0, s11  }
0x2a: {  	[tilespmem:s3], [sflag:$0x1] =	stream.linear.gather [hbm4b:s20+s3], $0x80, $0x38;
	[tilespmem:$0x18080] =	vst v63  }
0x2b: {  	_ =	swait.ge [sflag:s13], $0x80  }
0x2c: {  	[sflag:s13] =	ssyncset.done $0x0  }
0x2d: {  	[sflag:s13] =	ssyncadd.s32 $0xFFFFFF80  }
0x2e: {  	[tilespmem:s16], [sflag:$0x1] =	stream.strided.gather [hbm4b:s8+s14], $0x4000, s15, s14, $0x38;
	[tilespmem:$0x18080] =	vst v63  }
0x2f: {  	_ =	swait.ge [sflag:s13], $0x4000  }
0x30: {  	[sflag:s13] =	ssyncset.done $0x0  }
0x31: {  	[sflag:s13] =	ssyncadd.s32 $0xFFFFC000  }
0x32: {  	[spmem:s2] =	stream.indirect.scatter.add.f32 [tilespmem:s16], [sflag:$0x1], $0x80, s3, s16, $0xb8;
	[tilespmem:$0x18080] =	vst v63  }
0x33: {  	s21 =	simm.s32 $0x10;
	_ =	swait.ge [sflag:s13], $0x4000  }
0x34: {  	s22 =	simm.s32 $0x20;
	s20 =	sadd.s32 $0x1000, s8;
	[sflag:s13] =	ssyncset.done $0x0  }
.LBB2_3:
0x35: {  	s23 =	sadd.s32 s21, s11  }
0x36: {  	[sflag:s13] =	ssyncadd.s32 $0xFFFFC000;
	s21 =	smov.u32 s22;
	s24 =	sadd.s32 $0x10, s22  }
0x37: {  	[tilespmem:s3], [sflag:$0x1] =	stream.linear.gather [hbm4b:s23+s3], $0x80, $0x38;
	[tilespmem:$0x18080] =	vst v63  }
0x38: {  	p1 =	seq.s32 s22, $0x4F0;
	_ =	swait.ge [sflag:s13], $0x80  }
0x39: {  	[sflag:s13] =	ssyncset.done $0x0  }
0x3a: {  	[sflag:s13] =	ssyncadd.s32 $0xFFFFFF80  }
0x3b: {  	[tilespmem:s16], [sflag:$0x1] =	stream.strided.gather [hbm4b:s20+s14], $0x4000, s15, s14, $0x38;
	[tilespmem:$0x18080] =	vst v63  }
0x3c: {  	_ =	swait.ge [sflag:s13], $0x4000  }
.Ltmp3:
0x3d: {  	[sflag:s13] =	ssyncset.done $0x0;
	(pc) =	sbr.rel @!p1 .LBB2_3-.Ltmp3, $4  }
0x3e: {  	[sflag:s13] =	ssyncadd.s32 $0xFFFFC000  }
0x3f: {  	[spmem:s2] =	stream.indirect.scatter.add.f32 [tilespmem:s16], [sflag:$0x1], $0x80, s3, s16, $0xb8;
	[tilespmem:$0x18080] =	vst v63  }
0x40: {  	_ =	swait.ge [sflag:s13], $0x4000  }
0x41: {  	s22 =	smov.u32 s24;
	s20 =	sadd.s32 $0x1000, s20;
	[sflag:s13] =	ssyncset.done $0x0  }
0x42: {  	s21 =	sadd.s32 s21, s11;
	[sflag:s13] =	ssyncadd.s32 $0xFFFFC000  }
0x43: {  	[tilespmem:s3], [sflag:$0x1] =	stream.linear.gather [hbm4b:s21+s3], $0x80, $0x38;
	[tilespmem:$0x18080] =	vst v63  }
0x44: {  	_ =	swait.ge [sflag:s13], $0x80  }
0x45: {  	[sflag:s13] =	ssyncset.done $0x0  }
0x46: {  	[sflag:s13] =	ssyncadd.s32 $0xFFFFFF80  }
0x47: {  	[tilespmem:s16], [sflag:$0x1] =	stream.strided.gather [hbm4b:s20+s14], $0x4000, s15, s14, $0x38;
	[tilespmem:$0x18080] =	vst v63  }
0x48: {  	_ =	swait.ge [sflag:s13], $0x4000  }
0x49: {  	[sflag:s13] =	ssyncset.done $0x0  }
.Ltmp4:
0x4a: {  	[sflag:s13] =	ssyncadd.s32 $0xFFFFC000;
	(pc) =	sbr.rel .LBB2_8-.Ltmp4, $4  }
0x4b: {  	[spmem:s2] =	stream.indirect.scatter.add.f32 [tilespmem:s16], [sflag:$0x1], $0x80, s3, s16, $0xb8;
	[tilespmem:$0x18080] =	vst v63  }
0x4c: {  	_ =	swait.ge [sflag:s13], $0x4000  }
0x4d: {  	[sflag:s13] =	ssyncset.done $0x0  }
0x4e: {  	s20 =	smov.u32 s7;
	[sflag:s13] =	ssyncadd.s32 $0xFFFFC000  }
.LBB2_5:
0x4f: {  	[tilespmem:s3], [sflag:$0x1] =	stream.linear.gather [hbm4b:s20+s3], $0x80, $0x38;
	[tilespmem:$0x18080] =	vst v63  }
0x50: {  	_ =	swait.ge [sflag:s13], $0x80  }
0x51: {  	[sflag:s13] =	ssyncset.done $0x0  }
0x52: {  	[sflag:s13] =	ssyncadd.s32 $0xFFFFFF80  }
0x53: {  	[tilespmem:s16], [sflag:$0x1] =	stream.strided.gather [hbm4b:s10+s14], $0x4000, s15, s14, $0x38;
	[tilespmem:$0x18080] =	vst v63  }
0x54: {  	_ =	swait.ge [sflag:s13], $0x4000  }
0x55: {  	[sflag:s13] =	ssyncset.done $0x0  }
0x56: {  	[sflag:s13] =	ssyncadd.s32 $0xFFFFC000  }
0x57: {  	[spmem:s2] =	stream.indirect.scatter.add.f32 [tilespmem:s16], [sflag:$0x1], $0x80, s3, s16, $0xb8;
	[tilespmem:$0x18080] =	vst v63  }
0x58: {  	s21 =	simm.s32 $0x10;
	_ =	swait.ge [sflag:s13], $0x4000  }
0x59: {  	s22 =	simm.s32 $0x20;
	s20 =	sadd.s32 $0x1000, s10;
	[sflag:s13] =	ssyncset.done $0x0  }
.LBB2_6:
0x5a: {  	s23 =	sadd.s32 s21, s11  }
0x5b: {  	[sflag:s13] =	ssyncadd.s32 $0xFFFFC000;
	s21 =	smov.u32 s22;
	s24 =	sadd.s32 $0x10, s22  }
0x5c: {  	[tilespmem:s3], [sflag:$0x1] =	stream.linear.gather [hbm4b:s23+s3], $0x80, $0x38;
	[tilespmem:$0x18080] =	vst v63  }
0x5d: {  	p1 =	sne.s32 s22, $0x4F0;
	_ =	swait.ge [sflag:s13], $0x80  }
0x5e: {  	[sflag:s13] =	ssyncset.done $0x0  }
0x5f: {  	[sflag:s13] =	ssyncadd.s32 $0xFFFFFF80  }
0x60: {  	[tilespmem:s16], [sflag:$0x1] =	stream.strided.gather [hbm4b:s20+s14], $0x4000, s15, s14, $0x38;
	[tilespmem:$0x18080] =	vst v63  }
0x61: {  	_ =	swait.ge [sflag:s13], $0x4000  }
.Ltmp5:
0x62: {  	[sflag:s13] =	ssyncset.done $0x0;
	(pc) =	sbr.rel @p1 .LBB2_6-.Ltmp5, $4  }
0x63: {  	[sflag:s13] =	ssyncadd.s32 $0xFFFFC000  }
0x64: {  	[spmem:s2] =	stream.indirect.scatter.add.f32 [tilespmem:s16], [sflag:$0x1], $0x80, s3, s16, $0xb8;
	[tilespmem:$0x18080] =	vst v63  }
0x65: {  	_ =	swait.ge [sflag:s13], $0x4000  }
0x66: {  	s22 =	smov.u32 s24;
	s20 =	sadd.s32 $0x1000, s20;
	[sflag:s13] =	ssyncset.done $0x0  }
.Ltmp6:
0x67: {  	_ = 	snop;
	(pc) =	sbr.rel .LBB2_7-.Ltmp6, $1  }
0x68: {  	_ =	sdelay $0x3  }
.LBB2_9:
0x69: {  	_ =	sfence.sel $0x180000  }
0x6a: {  	[bflag:$0x0] =	sbarrier.arrive $0xFFFF  }
0x6b: {  	p0 =	sne.s32 s1, $0x0;
	_ =	strace $0x90000059  }
0x6c: {  	s0 =	sadd.s32 @!p0 $0x100000, s0;
	[bflag:$0x2] =	sbarrier.arrive $0xFFFF  }
0x6d: {  	[sflag:s0] =	ssyncadd.tile.s32 @!p0 $0x1;
	_ =	shalt  }
.Lfunc_end2:
_tile_overlayer_lowered:
.L_overlay_start_2:
0x6e: {  	(tag) =	ssettag $0x2  }
0x6f: {  	s0 =	rddreg [dreg:$0x0];
	s2 =	stileid.u32  }
0x70: {  	s1 =	rddreg [dreg:$0x1];
	p0 =	sne.s32 s2, $0x0  }
0x71: {  	s3 =	rddreg [dreg:$0x2];
	[bflag:$0x3] =	sbarrier.arrive $0xFFFF;
	s2 =	simm.s32 @!p0 $0x1C01  }
0x72: {  	[timem:s3], [sflag:s2] =	dma.local @!p0 [hbm:s0], s1  }
0x73: {  	s0 =	simm.s32 @!p0 $0x1  }
0x74: {  	_ =	swait.ge @!p0 [sflag:s0], s1  }
0x75: {  	s1 =	ssub.s32 @!p0 $0x0, s1;
	[sflag:s0] =	ssyncset.done @!p0 $0x0  }
0x76: {  	[sflag:s0] =	ssyncadd.s32 @!p0 s1  }
0x77: {  	[bflag:$0x3] =	sbarrier.arrive $0xFFFF  }
0x78: {  	_ =	shalt  }

// kernel: kernel.41.cloned.1.call-start
scs
__scs_entry_jumppad:
0x0: {  	(pc) =	sbr.rel $0x88, $3  }
0x1: {  	(tag) =	ssettag $0x0;
	lr =	simm.s32 $0x1  }
0x2: {  	[smem:$0x3F61] =	sst lr;
	_ =	strace $0xD0000000  }
0x3: {  	_ = 	snop  }
0x4: {  	_ = 	snop  }
0x5: {  	_ = 	snop  }
0x6: {  	_ = 	snop  }
0x7: {  	_ = 	snop  }
__scs_overlays_trampoline_lowered:
0x8: {  	[smem:$0x3F70] =	sst s0  }
0x9: {  	[smem:$0x3F71] =	sst s1  }
0xa: {  	[smem:$0x3F72] =	sst s2  }
0xb: {  	[smem:$0x3F73] =	sst s3  }
0xc: {  	[smem:$0x3F74] =	sst s4  }
0xd: {  	[smem:$0x3F75] =	sst s5  }
0xe: {  	[smem:$0x3F76] =	sst s6  }
0xf: {  	[smem:$0x3F77] =	sst s7  }
0x10: {  	[smem:$0x3F78] =	sst s8  }
0x11: {  	[smem:$0x3F79] =	sst s9;
	s0 =	simm.s32 @!p0 $0x0  }
0x12: {  	s1 =	sld [smem:$0x3F5F];
	s0 =	simm.s32 @p0 $0x1  }
0x13: {  	[smem:$0x3F7A] =	sst s0;
	s0 =	simm.s32 @!p1 $0x0  }
0x14: {  	s2 =	sld [smem:$0x3F5E];
	s0 =	simm.s32 @p1 $0x1  }
0x15: {  	[smem:$0x3F7B] =	sst s0;
	s0 =	simm.s32 @!p2 $0x0  }
0x16: {  	s3 =	sld [smem:$0x3FDB];
	s0 =	simm.s32 @p2 $0x1  }
0x17: {  	s4 =	simm.s32 $0x1BF5;
	[smem:$0x3F7D] =	sst s0  }
0x18: {  	s0 =	sld [smem:$0x3F60];
	_ =	swait.ge [sflag:s4], $0x0  }
0x19: {  	s7 =	sld [smem:$0x3F61]  }
0x1a: {  	s8 =	sadd.s32 $0xFFFFE003, lr  }
0x1b: {  	s9 =	sadd.s32 $0xFFFFFEF7, lr;
	s5 =	simm.s32 $0xFFFFFFFF;
	p2 =	slt.u32 s8, $0xFFFFF086  }
0x1c: {  	p1 =	slt.u32 s9, $0xF7A;
	s5 =	simm.s32 @!p2 $0x0  }
0x1d: {  	s5 =	simm.s32 @p1 $0x1;
	p0 =	seq.s32 s7, s2  }
0x1e: {  	s7 =	smul.u32 @!p0 $0xF7A, s2;
	p2 =	seq.s32 @!p0 s5, $0x0  }
0x1f: {  	s9 =	smul.u32 $0xF7A, s1;
	s8 =	simm.s32 @!p0 $0x1BF5;
	p2 =	por !p2, p0  }
0x20: {  	[sflag:s8] =	ssyncset.s32 @!p0 $0xFFFFF086;
	s6 =	sadd.s32 @!p0 s3, s7;
	s7 =	simm.s32 @!p0 $0x108  }
0x21: {  	s3 =	sadd.s32 s3, s9;
	s6 =	sadd.s32 @!p0 $0x88, s6;
	s7 =	simm.s32 @p2 $0x1082  }
0x22: {  	[simem:s7], [sflag:s8] =	dma.local @!p0 [hbm:s6], $0xF7A  }
0x23: {  	s9 =	sor.u32 $0xD0000000, s2;
	s6 =	simm.s32 $0x108;
	_ =	swait.ge @!p0 [sflag:s8], $0x0  }
0x24: {  	s3 =	sadd.s32 $0x88, s3;
	s6 =	simm.s32 @!p1 $0x1082;
	[sflag:s4] =	ssyncset.s32 $0xFFFFF086  }
0x25: {  	[simem:s6], [sflag:s4] =	dma.local [hbm:s3], $0xF7A  }
0x26: {  	[smem:$0x3F61] =	sst s1;
	(tag) =	ssettag s2;
	_ =	strace s9  }
0x27: {  	s1 =	sld [smem:$0x3F71]  }
0x28: {  	s2 =	sld [smem:$0x3F72]  }
0x29: {  	s4 =	sld [smem:$0x3F74]  }
0x2a: {  	p0 =	seq.s32 s5, $0x0;
	s5 =	sld [smem:$0x3F75]  }
0x2b: {  	s6 =	sld [smem:$0x3F76]  }
0x2c: {  	s7 =	sld [smem:$0x3F77]  }
0x2d: {  	s3 =	simm.s32 $0x108;
	s8 =	sld [smem:$0x3F78]  }
0x2e: {  	s3 =	simm.s32 @!p0 $0x1082;
	s9 =	sld [smem:$0x3F79]  }
0x2f: {  	lr =	sadd.s32 s0, s3;
	s0 =	sld [smem:$0x3F70]  }
0x30: {  	s3 =	sld [smem:$0x3F73]  }
0x31: {  	[smem:$0x3F7C] =	sst s10  }
0x32: {  	s10 =	sld [smem:$0x3F7A];
	_ =	sdelay $0x3  }
0x33: {  	p0 =	seq.s32 s10, $0x1;
	s10 =	sld [smem:$0x3F7C];
	_ =	sdelay $0x3  }
0x34: {  	[smem:$0x3F7C] =	sst s10  }
0x35: {  	s10 =	sld [smem:$0x3F7B];
	_ =	sdelay $0x3  }
0x36: {  	p1 =	seq.s32 s10, $0x1;
	s10 =	sld [smem:$0x3F7C];
	_ =	sdelay $0x3  }
0x37: {  	[smem:$0x3F7C] =	sst s10  }
0x38: {  	s10 =	sld [smem:$0x3F7D]  }
0x39: {  	_ = 	snop;
	(pc) =	sbr.ind lr, $3  }
0x3a: {  	_ = 	snop  }
0x3b: {  	_ = 	snop  }
0x3c: {  	p2 =	seq.s32 s10, $0x1;
	s10 =	sld [smem:$0x3F7C]  }
0x3d: {  	_ =	shalt  }
0x3e: {  	_ =	shalt  }
0x3f: {  	_ =	shalt  }
0x40: {  	_ =	shalt  }
0x41: {  	_ =	shalt  }
0x42: {  	_ =	shalt  }
0x43: {  	_ =	shalt  }
0x44: {  	_ =	shalt  }
0x45: {  	_ =	shalt  }
0x46: {  	_ =	shalt  }
0x47: {  	_ =	shalt  }
0x48: {  	_ =	shalt  }
0x49: {  	_ =	shalt  }
0x4a: {  	_ =	shalt  }
0x4b: {  	_ =	shalt  }
0x4c: {  	_ =	shalt  }
0x4d: {  	_ =	shalt  }
0x4e: {  	_ =	shalt  }
0x4f: {  	_ =	shalt  }
0x50: {  	_ =	shalt  }
0x51: {  	_ =	shalt  }
0x52: {  	_ =	shalt  }
0x53: {  	_ =	shalt  }
0x54: {  	_ =	shalt  }
0x55: {  	_ =	shalt  }
0x56: {  	_ =	shalt  }
0x57: {  	_ =	shalt  }
0x58: {  	_ =	shalt  }
0x59: {  	_ =	shalt  }
0x5a: {  	_ =	shalt  }
0x5b: {  	_ =	shalt  }
0x5c: {  	_ =	shalt  }
0x5d: {  	_ =	shalt  }
0x5e: {  	_ =	shalt  }
0x5f: {  	_ =	shalt  }
0x60: {  	_ =	shalt  }
0x61: {  	_ =	shalt  }
0x62: {  	_ =	shalt  }
0x63: {  	_ =	shalt  }
0x64: {  	_ =	shalt  }
0x65: {  	_ =	shalt  }
0x66: {  	_ =	shalt  }
0x67: {  	_ =	shalt  }
0x68: {  	_ =	shalt  }
0x69: {  	_ =	shalt  }
0x6a: {  	_ =	shalt  }
0x6b: {  	_ =	shalt  }
0x6c: {  	_ =	shalt  }
0x6d: {  	_ =	shalt  }
0x6e: {  	_ =	shalt  }
0x6f: {  	_ =	shalt  }
0x70: {  	_ =	shalt  }
0x71: {  	_ =	shalt  }
0x72: {  	_ =	shalt  }
0x73: {  	_ =	shalt  }
0x74: {  	_ =	shalt  }
0x75: {  	_ =	shalt  }
0x76: {  	_ =	shalt  }
0x77: {  	_ =	shalt  }
0x78: {  	_ =	shalt  }
0x79: {  	_ =	shalt  }
0x7a: {  	_ =	shalt  }
0x7b: {  	_ =	shalt  }
0x7c: {  	_ =	shalt  }
0x7d: {  	_ =	shalt  }
0x7e: {  	_ =	shalt  }
0x7f: {  	_ =	shalt  }
0x80: {  	_ =	shalt  }
0x81: {  	_ =	shalt  }
0x82: {  	_ =	shalt  }
0x83: {  	_ =	shalt  }
0x84: {  	_ =	shalt  }
0x85: {  	_ =	shalt  }
0x86: {  	_ =	shalt  }
0x87: {  	_ =	shalt  }
.Lfunc_end0:
.L_simem_size_0:
called_computation.7_lowered:
.L_overlay_start_0:
0x88: {  	s2 =	sld [smem:$0x3FD9]  }
0x89: {  	s3 =	sld [smem:$0x3FFE];
	_ =	sdelay $0x1  }
0x8a: {  	s1 =	srdreg.scid  }
0x8b: {  	s0 =	sand.u32 $0x1, s1  }
0x8c: {  	s17 =	sshll.u32 s0, $0xA;
	s2 =	sadd.s32 s3, s2  }
0x8d: {  	s2 =	sadd.s32 s2, s17  }
0x8e: {  	[smem:$0x3F88] =	sst s2  }
0x8f: {  	_ = 	snop  }
0x90: {  	s2 =	sld [smem:$0x3FD0];
	(tm) =	ssettm $0x1  }
0x91: {  	s18 =	sld [smem:$0x3FFB];
	_ =	sdelay $0x3  }
0x92: {  	_ =	strace s18  }
0x93: {  	s3 =	sld [smem:$0x3FFC];
	_ =	sdelay $0x3  }
0x94: {  	_ =	strace s3  }
0x95: {  	s3 =	sld [smem:$0x3FFD];
	_ =	sdelay $0x3  }
0x96: {  	_ =	strace s3  }
0x97: {  	_ =	strace $0x8FFFFFFF  }
0x98: {  	s19 =	sld [smem:$0x3FDB];
	_ =	sdelay $0x1  }
0x99: {  	s4 =	simm.s32 $_scs_section_size  }
0x9a: {  	s5 =	simm.s32 $_size__tile_overlayer_lowered;
	s6 =	simm.s32 $_tile_overlayer_lowered  }
0x9b: {  	s22 =	simm.s32 $0x1BFF;
	s21 =	sshll.u32 s6, $0x1;
	s3 =	sadd.s32 s4, s19  }
0x9c: {  	s7 =	simm.s32 $0x0;
	s20 =	sshll.u32 s5, $0x1;
	s5 =	sadd.s32 s21, s3  }
0x9d: {  	[timem:s7], [sflag:s22] =	dma.local [hbm:s5], s20  }
0x9e: {  	_ =	swait.ge [sflag:s22], s20  }
0x9f: {  	s4 =	ssub.s32 $0x0, s20;
	[sflag:s22] =	ssyncset.done $0x0  }
0xa0: {  	[sflag:s22] =	ssyncadd.s32 s4;
	_ =	sdelay $0x1  }
0xa1: {  	s23 =	simm.s32 $0x1B8B  }
0xa2: {  	_ =	swait.ge [sflag:s23], $0x1  }
0xa3: {  	[sflag:s23] =	ssyncset.done $0x0  }
0xa4: {  	s25 =	simm.s32 $0x1B8E;
	s24 =	sld [smem:$0x3FFE];
	[sflag:s23] =	ssyncadd.s32 $0xFFFFFFFF  }
0xa5: {  	s26 =	simm.s32 $execute0_lowered;
	[smem:$0x3FD2] =	sst s25  }
0xa6: {  	s5 =	sshll.u32 s26, $0x1;
	_ =	strace $0x8000005B;
	[dreg:$0x1] =	wrdreg $0xFFFFFFFF  }
0xa7: {  	s28 =	simm.s32 $_size_execute0_lowered;
	s3 =	sadd.s32 s3, s5;
	[dreg:$0x0] =	wrdreg $0x0  }
0xa8: {  	s5 =	sshll.u32 s28, $0x1;
	[dreg:$0x2] =	wrdreg s3  }
0xa9: {  	[dreg:$0x3] =	wrdreg s5  }
0xaa: {  	[dreg:$0x4] =	wrdreg $0xC0  }
0xab: {  	_ =	task [dreg:s7], $0x5FFFF  }
0xac: {  	[dreg:$0x1] =	wrdreg $0xFFFFFFFF  }
0xad: {  	[dreg:$0x0] =	wrdreg $0x60  }
0xae: {  	[dreg:$0x2] =	wrdreg s24  }
0xaf: {  	[dreg:$0x3] =	wrdreg s2  }
0xb0: {  	[dreg:$0x4] =	wrdreg $0x9  }
0xb1: {  	_ =	task.clear_ibuf [dreg:s7], $0x5FFFF;
	_ =	strace $0x9000005B  }
0xb2: {  	s29 =	simm.s32 $0x9;
	_ =	strace $0x8000005D  }
0xb3: {  	_ =	swait.ge [sflag:s29], $0x1  }
0xb4: {  	[sflag:s29] =	ssyncadd.s32 $0xFFFFFFFF  }
0xb5: {  	_ =	strace $0x9000005D  }
0xb6: {  	_ =	sfence  }
0xb7: {  	s30 =	sld [smem:$0x0];
	_ =	sdelay $0x2  }
0xb8: {  	s31 =	sshll.u32 s1, $0xD;
	s1 =	sshrl.u32 s1, $0x2  }
0xb9: {  	s3 =	sand.u32 $0x4000, s31;
	s1 =	sadd.s32 s1, s30  }
0xba: {  	s0 =	sor.u32 s3, s0;
	s1 =	sshll.u32 s1, $0x11  }
0xbb: {  	s0 =	sor.u32 s1, s0  }
0xbc: {  	s0 =	sadd.s32 $0x8F2B, s0  }
0xbd: {  	[sflag:s0] =	ssyncadd.remote.s32 $0x1  }
0xbe: {  	_ =	sfence.sel $0xFFFF  }
0xbf: {  	[dreg:$0x0] =	wrdreg $0xFFFFFFFF;
	(pc) =	sbr.abs _section_cstart, $3  }
0xc0: {  	[dreg:$0x1] =	wrdreg $0xFFFFFFFF  }
0xc1: {  	_ =	task.clear_ibuf [dreg:s7], $0x2FFFF;
	_ =	strace $0x9FFFFFFF  }
0xc2: {  	(tm) =	ssettm $0x7FFFFFFF  }
0xc3: {  	_ =	shalt  }
tec
execute0_lowered:
.L_overlay_start_1:
0x0: {  	(tag) =	ssettag $0x1  }
0x1: {  	s0 =	srdreg.scid  }
0x2: {  	s10 =	sand.u32 $0x1, s0;
	s0 =	stileid.u32  }
0x3: {  	s3 =	sor.u32 s0, s10  }
0x4: {  	p0 =	sne.s32 s3, $0x0  }
.Ltmp0:
0x5: {  	_ = 	snop;
	(pc) =	sbr.rel @p0 .LBB2_4-.Ltmp0, $4  }
0x6: {  	_ = 	snop  }
0x7: {  	s9 =	rddreg [dreg:$0x0]  }
0x8: {  	s2 =	rddreg [dreg:$0x1]  }
0x9: {  	s1 =	rddreg [dreg:$0x2];
	_ =	strace $0x8000005C  }
0xa: {  	s4 =	simm.s32 $0x0;
	s3 =	simm.s32 $0x2  }
0xb: {  	[tilespmem:s4], [sflag:$0x2] =	stream.linear.gather [hbm4b:s2+s4], $0x80, $0x38;
	[tilespmem:$0x1080] =	vst v63  }
0xc: {  	_ =	swait.ge [sflag:s3], $0x80  }
0xd: {  	[sflag:s3] =	ssyncset.done $0x0  }
0xe: {  	[sflag:s3] =	ssyncadd.s32 $0xFFFFFF80  }
0xf: {  	v0 =	vld [tilespmem:$0x0];
	_ =	sdelay $0x4  }
0x10: {  	v1 =	vshll.u32 v0, $0x1  }
0x11: {  	v2 =	vlaneseq.u32;
	v3 =	vand.u32 $0x7, v0;
	v1 =	vand.u32 $0xFFFFFFF0, v1  }
0x12: {  	v4 =	vshrl.u32 v2, $0x3;
	v0 =	vand.u32 $0x7, v2;
	v3 =	vor.u32 v3, v1  }
0x13: {  	v1 =	vmul.u32 $0x8, v4;
	v63 =	vperm.xlane v3, v0  }
0x14: {  	v2 =	vor.u32 $0x8, v2  }
0x15: {  	v3 =	vperm.xlane v3, v2;
	v4 =	vadd.s32 v1, v63;
	_ =	sdelay $0x1  }
0x16: {  	v3 =	vadd.s32 v1, v3  }
0x17: {  	s10 =	ssub.s32 $0x2, s10  }
0x18: {  	s5 =	sadd.s32 $0xE800, s9;
	vm0 =	vmmov $0xffff;
	s6 =	simm.s32 $0x80;
	s11 =	sshrl.u32 s10, $0x1  }
0x19: {  	[tilespmem:s6], [sflag:$0x1] =	stream.indirect_vreg.gather [hbm4b:s5+s4], $0x80, v4, vm0, $0xb8;
	[tilespmem:$0x1080] =	vst v63  }
0x1a: {  	s7 =	simm.s32 $0x880;
	s8 =	simm.s32 $0x1;
	s10 =	ssub.s32 s10, s11  }
0x1b: {  	[tilespmem:s7], [sflag:$0x1] =	stream.indirect_vreg.gather [hbm4b:s5+s4], $0x80, v3, vm0, $0xb8;
	[tilespmem:$0x1080] =	vst v63  }
0x1c: {  	p0 =	sne.s32 s10, $0x1;
	_ =	swait.ge [sflag:s8], $0x1000  }
.Ltmp1:
0x1d: {  	[sflag:s8] =	ssyncset.done $0x0;
	(pc) =	sbr.rel @!p0 .LBB2_3-.Ltmp1, $4  }
0x1e: {  	s9 =	sadd.s32 $0x5E800, s9;
	[sflag:s8] =	ssyncadd.s32 $0xFFFFF000  }
0x1f: {  	[hbm4b:s9+s4] =	stream.linear.scatter [tilespmem:s6], [sflag:$0x2], $0x1000, $0x38;
	[tilespmem:$0x1080] =	vst v63  }
0x20: {  	_ =	swait.ge [sflag:s3], $0x1000  }
0x21: {  	s10 =	sadd.s32 $0xFFFFFFFF, s10;
	[sflag:s3] =	ssyncset.done $0x0  }
.LBB2_2:
0x22: {  	p0 =	sne.s32 s10, $0x1;
	s10 =	sadd.s32 $0xFFFFFFFF, s10;
	[sflag:s3] =	ssyncadd.s32 $0xFFFFF000  }
0x23: {  	[tilespmem:s4], [sflag:$0x2] =	stream.linear.gather [hbm4b:s2+s4], $0x80, $0x38;
	[tilespmem:$0x1080] =	vst v63  }
0x24: {  	_ =	swait.ge [sflag:s3], $0x80  }
0x25: {  	[sflag:s3] =	ssyncset.done $0x0  }
0x26: {  	[sflag:s3] =	ssyncadd.s32 $0xFFFFFF80  }
0x27: {  	v3 =	vld [tilespmem:$0x0];
	_ =	sdelay $0x4  }
0x28: {  	v4 =	vshll.u32 v3, $0x1  }
0x29: {  	v3 =	vand.u32 $0x7, v3;
	v4 =	vand.u32 $0xFFFFFFF0, v4  }
0x2a: {  	v3 =	vor.u32 v3, v4  }
0x2b: {  	v4 =	vperm.xlane v3, v0;
	v3 =	vperm.xlane v3, v2;
	_ =	sdelay $0x1  }
0x2c: {  	v4 =	vadd.s32 v1, v4;
	_ =	sdelay $0x1  }
0x2d: {  	v3 =	vadd.s32 v1, v3;
	_ =	sdelay $0x2  }
0x2e: {  	[tilespmem:s6], [sflag:$0x1] =	stream.indirect_vreg.gather [hbm4b:s5+s4], $0x80, v4, vm0, $0xb8;
	[tilespmem:$0x1080] =	vst v63  }
0x2f: {  	_ = 	snop  }
0x30: {  	[tilespmem:s7], [sflag:$0x1] =	stream.indirect_vreg.gather [hbm4b:s5+s4], $0x80, v3, vm0, $0xb8;
	[tilespmem:$0x1080] =	vst v63  }
0x31: {  	_ =	swait.ge [sflag:s8], $0x1000  }
.Ltmp2:
0x32: {  	[sflag:s8] =	ssyncset.done $0x0;
	(pc) =	sbr.rel @p0 .LBB2_2-.Ltmp2, $4  }
0x33: {  	[sflag:s8] =	ssyncadd.s32 $0xFFFFF000  }
0x34: {  	[hbm4b:s9+s4] =	stream.linear.scatter [tilespmem:s6], [sflag:$0x2], $0x1000, $0x38;
	[tilespmem:$0x1080] =	vst v63  }
0x35: {  	_ =	swait.ge [sflag:s3], $0x1000  }
0x36: {  	[sflag:s3] =	ssyncset.done $0x0  }
.LBB2_3:
0x37: {  	[sflag:s3] =	ssyncadd.s32 $0xFFFFF000  }
.LBB2_4:
0x38: {  	_ =	sfence.sel $0x180000  }
0x39: {  	[bflag:$0x0] =	sbarrier.arrive $0xFFFF  }
0x3a: {  	p0 =	sne.s32 s0, $0x0;
	_ =	strace $0x9000005C  }
0x3b: {  	s0 =	sadd.s32 @!p0 $0x100000, s1;
	[bflag:$0x2] =	sbarrier.arrive $0xFFFF  }
0x3c: {  	[sflag:s0] =	ssyncadd.tile.s32 @!p0 $0x1;
	_ =	shalt  }
.Lfunc_end2:
_tile_overlayer_lowered:
.L_overlay_start_2:
0x3d: {  	(tag) =	ssettag $0x2  }
0x3e: {  	s0 =	rddreg [dreg:$0x0];
	s2 =	stileid.u32  }
0x3f: {  	s1 =	rddreg [dreg:$0x1];
	p0 =	sne.s32 s2, $0x0  }
0x40: {  	s3 =	rddreg [dreg:$0x2];
	[bflag:$0x3] =	sbarrier.arrive $0xFFFF;
	s2 =	simm.s32 @!p0 $0x1C02  }
0x41: {  	[timem:s3], [sflag:s2] =	dma.local @!p0 [hbm:s0], s1  }
0x42: {  	s0 =	simm.s32 @!p0 $0x2  }
0x43: {  	_ =	swait.ge @!p0 [sflag:s0], s1  }
0x44: {  	s1 =	ssub.s32 @!p0 $0x0, s1;
	[sflag:s0] =	ssyncset.done @!p0 $0x0  }
0x45: {  	[sflag:s0] =	ssyncadd.s32 @!p0 s1  }
0x46: {  	[bflag:$0x3] =	sbarrier.arrive $0xFFFF  }
0x47: {  	_ =	shalt  }

</sc_bundles>
